<compile_context>
chip_gen: v7x
topology: tpu7x:2x2x1
jax: 0.10.2.dev20260603
libtpu: 0.0.44.dev20260713+nightly
codegen_flags: <defaults>
</compile_context>

<pallas_src>
import functools

import jax
import jax.numpy as jnp
from jax import lax
from jax.experimental import pallas as pl
from jax.experimental.pallas import tpu as pltpu
from jax.experimental.pallas import tpu_sc as plsc

B = 16384
D = 32
L = 16
LANES = 128
NC = 2
NS = 16
NW = NC * NS
BPW = B // NW
EPG = 2
NBUF = 4
G = BPW // EPG

_mesh = plsc.VectorSubcoreMesh(core_axis_name="c", subcore_axis_name="s")


@functools.partial(
    pl.kernel,
    mesh=_mesh,
    compiler_params=pltpu.CompilerParams(
        needs_layout_passes=False, use_tc_tiling_on_sc=True),
    out_type=jax.ShapeDtypeStruct((B,), jnp.float32),
    scratch_types=[
        pltpu.VMEM((BPW + L,), jnp.int32),
        pltpu.VMEM((BPW + L,), jnp.int32),
        pltpu.VMEM((NBUF, EPG, D, LANES), jnp.float32),
        pltpu.VMEM((NBUF, EPG, D, LANES), jnp.float32),
        pltpu.VMEM((BPW,), jnp.float32),
        pltpu.SemaphoreType.DMA,
        pltpu.SemaphoreType.DMA,
        pltpu.SemaphoreType.DMA,
        pltpu.SemaphoreType.DMA,
        pltpu.SemaphoreType.DMA,
        pltpu.SemaphoreType.DMA,
        pltpu.SemaphoreType.DMA,
        pltpu.SemaphoreType.DMA,
    ],
)
def _mf_kernel(user_hbm, item_hbm, utab_hbm, itab_hbm, out_hbm,
               uidx, iidx, ublk, iblk, acc_out,
               usem0, isem0, usem1, isem1,
               usem2, isem2, usem3, isem3):
  wid = lax.axis_index("s") * NC + lax.axis_index("c")
  base = wid * BPW

  pltpu.sync_copy(user_hbm.at[pl.ds(base, BPW)], uidx.at[pl.ds(0, BPW)])
  pltpu.sync_copy(item_hbm.at[pl.ds(base, BPW)], iidx.at[pl.ds(0, BPW)])

  iota = lax.broadcasted_iota(jnp.int32, (L,), 0)
  usems = (usem0, usem1, usem2, usem3)
  isems = (isem0, isem1, isem2, isem3)

  def fire_group(g, buf):
    sl = pl.ds(g * EPG, L)
    uvec = (uidx[sl] // LANES) * LANES
    ivec = (iidx[sl] // LANES) * LANES
    for e in range(EPG):
      uk = pl.multiple_of(uvec[e], LANES)
      ik = pl.multiple_of(ivec[e], LANES)
      pltpu.async_copy(
          utab_hbm.at[pl.ds(0, D), pl.ds(uk, LANES)], ublk.at[buf, e],
          usems[buf])
      pltpu.async_copy(
          itab_hbm.at[pl.ds(0, D), pl.ds(ik, LANES)], iblk.at[buf, e],
          isems[buf])

  def drain_group(buf):
    for e in range(EPG):
      pltpu.make_async_copy(
          utab_hbm.at[pl.ds(0, D), pl.ds(0, LANES)], ublk.at[buf, e],
          usems[buf]).wait()
      pltpu.make_async_copy(
          itab_hbm.at[pl.ds(0, D), pl.ds(0, LANES)], iblk.at[buf, e],
          isems[buf]).wait()

  def compute_group(g, buf, lane_base, acc):
    sl = pl.ds(g * EPG, L)
    ul = lax.rem(uidx[sl], jnp.int32(LANES))
    il = lax.rem(iidx[sl], jnp.int32(LANES))
    jlo = iota
    jhi = iota + L
    for e in range(EPG):
      se = jnp.full((L,), e, jnp.int32)
      ue = jnp.full((L,), 1, jnp.int32) * ul[e]
      ie = jnp.full((L,), 1, jnp.int32) * il[e]
      uu = (plsc.load_gather(ublk.at[buf], [se, jlo, ue])
            * plsc.load_gather(iblk.at[buf], [se, jlo, ie])
            + plsc.load_gather(ublk.at[buf], [se, jhi, ue])
            * plsc.load_gather(iblk.at[buf], [se, jhi, ie]))
      acc = jnp.where(iota == lane_base + e, jnp.sum(uu), acc)
    return acc

  for p in range(NBUF - 1):
    fire_group(p, p)

  def loop_body(t, carry):
    acc = jnp.zeros((L,), jnp.float32)
    for q in range(8):
      g = 8 * t + q
      buf = q % NBUF
      fbuf = (q + NBUF - 1) % NBUF

      @pl.when(g + NBUF - 1 < G)
      def _():
        fire_group(g + NBUF - 1, fbuf)

      drain_group(buf)
      acc = compute_group(g, buf, EPG * q, acc)
    acc_out[pl.ds(t * L, L)] = acc
    return carry

  lax.fori_loop(0, G // 8, loop_body, 0)

  pltpu.sync_copy(acc_out, out_hbm.at[pl.ds(base, BPW)])


def kernel(user, item, user_table, item_table):
  return _mf_kernel(user.astype(jnp.int32), item.astype(jnp.int32),
                    user_table.T, item_table.T)

# --- scband reference (transcript-rebuilt; emitter-appended) ---
"""Pipeline reference for scband-matrix-factorization-40527311405333 (READ-ONLY COPY).

The authoritative reference and input builder live on the scoring server;
editing this copy changes nothing except your own understanding.
"""

import jax, jax.numpy as jnp
import numpy as np

N_USERS = 1000000
N_ITEMS = 1000000
EMBED_DIM = 32
BATCH = 16384


def setup_inputs(seed: int = 0) -> dict:
    key = jax.random.key(seed)
    k_user, k_item, k_ut, k_it = jax.random.split(key, 4)
    user = jax.random.randint(k_user, (BATCH,), 0, N_USERS, dtype=jnp.int64 if jax.config.jax_enable_x64 else jnp.int32)
    item = jax.random.randint(k_item, (BATCH,), 0, N_ITEMS, dtype=jnp.int64 if jax.config.jax_enable_x64 else jnp.int32)
    user_table = jax.random.normal(k_ut, (N_USERS, EMBED_DIM), dtype=jnp.float32)
    item_table = jax.random.normal(k_it, (N_ITEMS, EMBED_DIM), dtype=jnp.float32)
    return {"user": user, "item": item, "user_table": user_table, "item_table": item_table}


def reference(user, item, user_table, item_table):
    # embedding lookups (gather)
    u = jnp.take(user_table, user, axis=0)  # [B, D]
    v = jnp.take(item_table, item, axis=0)  # [B, D]
    # elementwise product + row-sum (dot product per example)
    return (u * v).sum(axis=1)  # [B]

if __name__ == "__main__":
    import jax
    _d = setup_inputs()
    print(jax.jit(kernel)(*tuple(_d.values())))

</pallas_src>

<mosaic_0001>
#map = affine_map<(d0, d1) -> (0)>
#map1 = affine_map<(d0, d1) -> (0, 0)>
module attributes {stable_mosaic.version = 14 : i64} {
  func.func @_mf_kernel(%arg0: i32, %arg1: i32, %arg2: memref<16384xi32, #tpu.memory_space<hbm>>, %arg3: memref<16384xi32, #tpu.memory_space<hbm>>, %arg4: memref<32x1000000xf32, #tpu.memory_space<hbm>>, %arg5: memref<32x1000000xf32, #tpu.memory_space<hbm>>, %arg6: memref<16384xf32, #tpu.memory_space<hbm>>, %arg7: memref<528xi32, #tpu.memory_space<vmem>>, %arg8: memref<528xi32, #tpu.memory_space<vmem>>, %arg9: memref<4x2x32x128xf32, #tpu.memory_space<vmem>>, %arg10: memref<4x2x32x128xf32, #tpu.memory_space<vmem>>, %arg11: memref<512xf32, #tpu.memory_space<vmem>>, %arg12: memref<!tpu.dma_semaphore, #tpu.memory_space<semaphore_mem>>, %arg13: memref<!tpu.dma_semaphore, #tpu.memory_space<semaphore_mem>>, %arg14: memref<!tpu.dma_semaphore, #tpu.memory_space<semaphore_mem>>, %arg15: memref<!tpu.dma_semaphore, #tpu.memory_space<semaphore_mem>>, %arg16: memref<!tpu.dma_semaphore, #tpu.memory_space<semaphore_mem>>, %arg17: memref<!tpu.dma_semaphore, #tpu.memory_space<semaphore_mem>>, %arg18: memref<!tpu.dma_semaphore, #tpu.memory_space<semaphore_mem>>, %arg19: memref<!tpu.dma_semaphore, #tpu.memory_space<semaphore_mem>>) attributes {dimension_semantics = [#tpu.dimension_semantics<core_parallel>, #tpu.dimension_semantics<subcore_parallel>], iteration_bounds = array<i64: 2, 16>, scalar_prefetch = 0 : i64, scratch_operands = 13 : i64, tpu.core_type = #tpu.core_type<sc_vector_subcore>, window_params = [{transform_indices = #map}, {transform_indices = #map}, {transform_indices = #map1}, {transform_indices = #map1}, {transform_indices = #map}]} {
    %mul3A = arith.constant 2 : i32
    %mul3A_0 = arith.muli %arg1, %mul3A : i32
    %add3A = arith.addi %mul3A_0, %arg0 : i32
    %mul3A_1 = arith.constant 512 : i32
    %mul3A_2 = arith.muli %add3A, %mul3A_1 : i32
    "tpu.region"() ({
      %run_scoped3A = tpu.sem_alloc : memref<!tpu.dma_semaphore, #tpu.memory_space<semaphore_mem>>
      %dma_start3A_415 = arith.constant 0 : i32
      %dma_start3A_416 = tpu.memref_slice %arg7[%dma_start3A_415] : memref<528xi32, #tpu.memory_space<vmem>> -> memref<512xi32, #tpu.memory_space<vmem>>
      %dma_start3A_417 = tpu.memref_slice %arg2[%mul3A_2] : memref<16384xi32, #tpu.memory_space<hbm>> -> memref<512xi32, #tpu.memory_space<hbm>>
      %dma_start3A_418 = arith.constant 0 : i32
      %dma_start3A_419 = tpu.memref_slice %arg7[%dma_start3A_418] : memref<528xi32, #tpu.memory_space<vmem>> -> memref<512xi32, #tpu.memory_space<vmem>>
      %dma_start3A_420 = tpu.memref_slice %arg2[%mul3A_2] : memref<16384xi32, #tpu.memory_space<hbm>> -> memref<512xi32, #tpu.memory_space<hbm>>
      tpu.enqueue_dma source(%dma_start3A_420 : memref<512xi32, #tpu.memory_space<hbm>>) target(%dma_start3A_419 : memref<512xi32, #tpu.memory_space<vmem>>) target_semaphore(%run_scoped3A : memref<!tpu.dma_semaphore, #tpu.memory_space<semaphore_mem>>)
      %dma_wait3A = arith.constant 0 : i32
      %dma_wait3A_421 = tpu.memref_slice %arg7[%dma_wait3A] : memref<528xi32, #tpu.memory_space<vmem>> -> memref<512xi32, #tpu.memory_space<vmem>>
      %dma_wait3A_422 = tpu.memref_slice %arg2[%mul3A_2] : memref<16384xi32, #tpu.memory_space<hbm>> -> memref<512xi32, #tpu.memory_space<hbm>>
      %dma_wait3A_423 = arith.constant 0 : i32
      %dma_wait3A_424 = tpu.memref_slice %arg7[%dma_wait3A_423] : memref<528xi32, #tpu.memory_space<vmem>> -> memref<512xi32, #tpu.memory_space<vmem>>
      %dma_wait3A_425 = tpu.memref_slice %arg2[%mul3A_2] : memref<16384xi32, #tpu.memory_space<hbm>> -> memref<512xi32, #tpu.memory_space<hbm>>
      tpu.wait_dma2 semaphore(%run_scoped3A : memref<!tpu.dma_semaphore, #tpu.memory_space<semaphore_mem>>) src(%dma_wait3A_425 : memref<512xi32, #tpu.memory_space<hbm>>) dst(%dma_wait3A_424 : memref<512xi32, #tpu.memory_space<vmem>>)
      tpu.yield
    }) : () -> ()
    "tpu.region"() ({
      %run_scoped3A = tpu.sem_alloc : memref<!tpu.dma_semaphore, #tpu.memory_space<semaphore_mem>>
      %dma_start3A_415 = arith.constant 0 : i32
      %dma_start3A_416 = tpu.memref_slice %arg8[%dma_start3A_415] : memref<528xi32, #tpu.memory_space<vmem>> -> memref<512xi32, #tpu.memory_space<vmem>>
      %dma_start3A_417 = tpu.memref_slice %arg3[%mul3A_2] : memref<16384xi32, #tpu.memory_space<hbm>> -> memref<512xi32, #tpu.memory_space<hbm>>
      %dma_start3A_418 = arith.constant 0 : i32
      %dma_start3A_419 = tpu.memref_slice %arg8[%dma_start3A_418] : memref<528xi32, #tpu.memory_space<vmem>> -> memref<512xi32, #tpu.memory_space<vmem>>
      %dma_start3A_420 = tpu.memref_slice %arg3[%mul3A_2] : memref<16384xi32, #tpu.memory_space<hbm>> -> memref<512xi32, #tpu.memory_space<hbm>>
      tpu.enqueue_dma source(%dma_start3A_420 : memref<512xi32, #tpu.memory_space<hbm>>) target(%dma_start3A_419 : memref<512xi32, #tpu.memory_space<vmem>>) target_semaphore(%run_scoped3A : memref<!tpu.dma_semaphore, #tpu.memory_space<semaphore_mem>>)
      %dma_wait3A = arith.constant 0 : i32
      %dma_wait3A_421 = tpu.memref_slice %arg8[%dma_wait3A] : memref<528xi32, #tpu.memory_space<vmem>> -> memref<512xi32, #tpu.memory_space<vmem>>
      %dma_wait3A_422 = tpu.memref_slice %arg3[%mul3A_2] : memref<16384xi32, #tpu.memory_space<hbm>> -> memref<512xi32, #tpu.memory_space<hbm>>
      %dma_wait3A_423 = arith.constant 0 : i32
      %dma_wait3A_424 = tpu.memref_slice %arg8[%dma_wait3A_423] : memref<528xi32, #tpu.memory_space<vmem>> -> memref<512xi32, #tpu.memory_space<vmem>>
      %dma_wait3A_425 = tpu.memref_slice %arg3[%mul3A_2] : memref<16384xi32, #tpu.memory_space<hbm>> -> memref<512xi32, #tpu.memory_space<hbm>>
      tpu.wait_dma2 semaphore(%run_scoped3A : memref<!tpu.dma_semaphore, #tpu.memory_space<semaphore_mem>>) src(%dma_wait3A_425 : memref<512xi32, #tpu.memory_space<hbm>>) dst(%dma_wait3A_424 : memref<512xi32, #tpu.memory_space<vmem>>)
      tpu.yield
    }) : () -> ()
    %iota3A = tpu.iota {dimensions = array<i32: 0>} : vector<16xi32>
    %get3A = arith.constant 0 : index
    %get3A_3 = tpu.vector_load %arg7[%get3A] {strides = array<i32>} : memref<528xi32, #tpu.memory_space<vmem>>, vector<16xi32>,
    %jit3A = arith.constant 128 : i32
    %div3A = vector.broadcast %jit3A : i32 to vector<16xi32>
    %div3A_4 = arith.divsi %get3A_3, %div3A : vector<16xi32>
    %sign3A = arith.constant 0 : i32
    %sign3A_5 = vector.broadcast %sign3A : i32 to vector<16xi32>
    %sign3A_6 = arith.cmpi sgt, %get3A_3, %sign3A_5 : vector<16xi32>
    %sign3A_7 = arith.extui %sign3A_6 : vector<16xi1> to vector<16xi32>
    %sign3A_8 = arith.constant 0 : i32
    %sign3A_9 = vector.broadcast %sign3A_8 : i32 to vector<16xi32>
    %sign3A_10 = arith.cmpi slt, %get3A_3, %sign3A_9 : vector<16xi32>
    %sign3A_11 = arith.extui %sign3A_10 : vector<16xi1> to vector<16xi32>
    %sign3A_12 = arith.subi %sign3A_7, %sign3A_11 : vector<16xi32>
    %sign3A_13 = arith.constant 0 : i32
    %sign3A_14 = arith.cmpi sgt, %jit3A, %sign3A_13 : i32
    %sign3A_15 = arith.extui %sign3A_14 : i1 to i32
    %sign3A_16 = arith.constant 0 : i32
    %sign3A_17 = arith.cmpi slt, %jit3A, %sign3A_16 : i32
    %sign3A_18 = arith.extui %sign3A_17 : i1 to i32
    %sign3A_19 = arith.subi %sign3A_15, %sign3A_18 : i32
    %ne3A = vector.broadcast %sign3A_19 : i32 to vector<16xi32>
    %ne3A_20 = arith.cmpi ne, %sign3A_12, %ne3A : vector<16xi32>
    %rem3A = vector.broadcast %jit3A : i32 to vector<16xi32>
    %rem3A_21 = arith.remsi %get3A_3, %rem3A : vector<16xi32>
    %ne3A_22 = arith.constant 0 : i32
    %ne3A_23 = vector.broadcast %ne3A_22 : i32 to vector<16xi32>
    %ne3A_24 = arith.cmpi ne, %rem3A_21, %ne3A_23 : vector<16xi32>
    %and3A = arith.andi %ne3A_20, %ne3A_24 : vector<16xi1>
    %sub3A = arith.constant 1 : i32
    %sub3A_25 = vector.broadcast %sub3A : i32 to vector<16xi32>
    %sub3A_26 = arith.subi %div3A_4, %sub3A_25 : vector<16xi32>
    %select_n3A = arith.select %and3A, %sub3A_26, %div3A_4 : vector<16xi1>, vector<16xi32>
    %mul3A_27 = arith.constant 128 : i32
    %mul3A_28 = vector.broadcast %mul3A_27 : i32 to vector<16xi32>
    %mul3A_29 = arith.muli %select_n3A, %mul3A_28 : vector<16xi32>
    %get3A_30 = arith.constant 0 : index
    %get3A_31 = tpu.vector_load %arg8[%get3A_30] {strides = array<i32>} : memref<528xi32, #tpu.memory_space<vmem>>, vector<16xi32>,
    %jit3A_32 = arith.constant 128 : i32
    %div3A_33 = vector.broadcast %jit3A_32 : i32 to vector<16xi32>
    %div3A_34 = arith.divsi %get3A_31, %div3A_33 : vector<16xi32>
    %sign3A_35 = arith.constant 0 : i32
    %sign3A_36 = vector.broadcast %sign3A_35 : i32 to vector<16xi32>
    %sign3A_37 = arith.cmpi sgt, %get3A_31, %sign3A_36 : vector<16xi32>
    %sign3A_38 = arith.extui %sign3A_37 : vector<16xi1> to vector<16xi32>
    %sign3A_39 = arith.constant 0 : i32
    %sign3A_40 = vector.broadcast %sign3A_39 : i32 to vector<16xi32>
    %sign3A_41 = arith.cmpi slt, %get3A_31, %sign3A_40 : vector<16xi32>
    %sign3A_42 = arith.extui %sign3A_41 : vector<16xi1> to vector<16xi32>
    %sign3A_43 = arith.subi %sign3A_38, %sign3A_42 : vector<16xi32>
    %sign3A_44 = arith.constant 0 : i32
    %sign3A_45 = arith.cmpi sgt, %jit3A_32, %sign3A_44 : i32
    %sign3A_46 = arith.extui %sign3A_45 : i1 to i32
    %sign3A_47 = arith.constant 0 : i32
    %sign3A_48 = arith.cmpi slt, %jit3A_32, %sign3A_47 : i32
    %sign3A_49 = arith.extui %sign3A_48 : i1 to i32
    %sign3A_50 = arith.subi %sign3A_46, %sign3A_49 : i32
    %ne3A_51 = vector.broadcast %sign3A_50 : i32 to vector<16xi32>
    %ne3A_52 = arith.cmpi ne, %sign3A_43, %ne3A_51 : vector<16xi32>
    %rem3A_53 = vector.broadcast %jit3A_32 : i32 to vector<16xi32>
    %rem3A_54 = arith.remsi %get3A_31, %rem3A_53 : vector<16xi32>
    %ne3A_55 = arith.constant 0 : i32
    %ne3A_56 = vector.broadcast %ne3A_55 : i32 to vector<16xi32>
    %ne3A_57 = arith.cmpi ne, %rem3A_54, %ne3A_56 : vector<16xi32>
    %and3A_58 = arith.andi %ne3A_52, %ne3A_57 : vector<16xi1>
    %sub3A_59 = arith.constant 1 : i32
    %sub3A_60 = vector.broadcast %sub3A_59 : i32 to vector<16xi32>
    %sub3A_61 = arith.subi %div3A_34, %sub3A_60 : vector<16xi32>
    %select_n3A_62 = arith.select %and3A_58, %sub3A_61, %div3A_34 : vector<16xi1>, vector<16xi32>
    %mul3A_63 = arith.constant 128 : i32
    %mul3A_64 = vector.broadcast %mul3A_63 : i32 to vector<16xi32>
    %mul3A_65 = arith.muli %select_n3A_62, %mul3A_64 : vector<16xi32>
    %slice3A = vector.extract_strided_slice %mul3A_29 {offsets = [0], sizes = [1], strides = [1]} : vector<16xi32> to vector<1xi32>
    %squeeze3A = vector.extract %slice3A[0] : i32 from vector<1xi32>
    %multiple_of3A = tpu.assume_multiple %squeeze3A, 128 : i32
    %slice3A_66 = vector.extract_strided_slice %mul3A_65 {offsets = [0], sizes = [1], strides = [1]} : vector<16xi32> to vector<1xi32>
    %squeeze3A_67 = vector.extract %slice3A_66[0] : i32 from vector<1xi32>
    %multiple_of3A_68 = tpu.assume_multiple %squeeze3A_67, 128 : i32
    %dma_start3A = arith.constant 0 : i32
    %dma_start3A_69 = arith.constant 0 : i32
    %dma_start3A_70 = arith.constant 0 : i32
    %dma_start3A_71 = arith.constant 0 : i32
    %dma_start3A_72 = tpu.memref_slice %arg9[%dma_start3A, %dma_start3A_69, %dma_start3A_70, %dma_start3A_71] : memref<4x2x32x128xf32, #tpu.memory_space<vmem>> -> memref<1x1x32x128xf32, #tpu.memory_space<vmem>>
    %dma_start3A_73 = tpu.memref_squeeze %dma_start3A_72 : memref<1x1x32x128xf32, #tpu.memory_space<vmem>> -> memref<32x128xf32, #tpu.memory_space<vmem>>
    %dma_start3A_74 = arith.constant 0 : i32
    %dma_start3A_75 = tpu.memref_slice %arg4[%dma_start3A_74, %multiple_of3A] : memref<32x1000000xf32, #tpu.memory_space<hbm>> -> memref<32x128xf32, #tpu.memory_space<hbm>>
    %dma_start3A_76 = arith.constant 0 : i32
    %dma_start3A_77 = arith.constant 0 : i32
    %dma_start3A_78 = tpu.memref_slice %arg9[%dma_start3A, %dma_start3A_69, %dma_start3A_76, %dma_start3A_77] : memref<4x2x32x128xf32, #tpu.memory_space<vmem>> -> memref<1x1x32x128xf32, #tpu.memory_space<vmem>>
    %dma_start3A_79 = tpu.memref_squeeze %dma_start3A_78 : memref<1x1x32x128xf32, #tpu.memory_space<vmem>> -> memref<32x128xf32, #tpu.memory_space<vmem>>
    %dma_start3A_80 = arith.constant 0 : i32
    %dma_start3A_81 = tpu.memref_slice %arg4[%dma_start3A_80, %multiple_of3A] : memref<32x1000000xf32, #tpu.memory_space<hbm>> -> memref<32x128xf32, #tpu.memory_space<hbm>>
    tpu.enqueue_dma source(%dma_start3A_81 : memref<32x128xf32, #tpu.memory_space<hbm>>) target(%dma_start3A_79 : memref<32x128xf32, #tpu.memory_space<vmem>>) target_semaphore(%arg12 : memref<!tpu.dma_semaphore, #tpu.memory_space<semaphore_mem>>)
    %dma_start3A_82 = arith.constant 0 : i32
    %dma_start3A_83 = arith.constant 0 : i32
    %dma_start3A_84 = arith.constant 0 : i32
    %dma_start3A_85 = arith.constant 0 : i32
    %dma_start3A_86 = tpu.memref_slice %arg10[%dma_start3A_82, %dma_start3A_83, %dma_start3A_84, %dma_start3A_85] : memref<4x2x32x128xf32, #tpu.memory_space<vmem>> -> memref<1x1x32x128xf32, #tpu.memory_space<vmem>>
    %dma_start3A_87 = tpu.memref_squeeze %dma_start3A_86 : memref<1x1x32x128xf32, #tpu.memory_space<vmem>> -> memref<32x128xf32, #tpu.memory_space<vmem>>
    %dma_start3A_88 = arith.constant 0 : i32
    %dma_start3A_89 = tpu.memref_slice %arg5[%dma_start3A_88, %multiple_of3A_68] : memref<32x1000000xf32, #tpu.memory_space<hbm>> -> memref<32x128xf32, #tpu.memory_space<hbm>>
    %dma_start3A_90 = arith.constant 0 : i32
    %dma_start3A_91 = arith.constant 0 : i32
    %dma_start3A_92 = tpu.memref_slice %arg10[%dma_start3A_82, %dma_start3A_83, %dma_start3A_90, %dma_start3A_91] : memref<4x2x32x128xf32, #tpu.memory_space<vmem>> -> memref<1x1x32x128xf32, #tpu.memory_space<vmem>>
    %dma_start3A_93 = tpu.memref_squeeze %dma_start3A_92 : memref<1x1x32x128xf32, #tpu.memory_space<vmem>> -> memref<32x128xf32, #tpu.memory_space<vmem>>
    %dma_start3A_94 = arith.constant 0 : i32
    %dma_start3A_95 = tpu.memref_slice %arg5[%dma_start3A_94, %multiple_of3A_68] : memref<32x1000000xf32, #tpu.memory_space<hbm>> -> memref<32x128xf32, #tpu.memory_space<hbm>>
    tpu.enqueue_dma source(%dma_start3A_95 : memref<32x128xf32, #tpu.memory_space<hbm>>) target(%dma_start3A_93 : memref<32x128xf32, #tpu.memory_space<vmem>>) target_semaphore(%arg13 : memref<!tpu.dma_semaphore, #tpu.memory_space<semaphore_mem>>)
    %slice3A_96 = vector.extract_strided_slice %mul3A_29 {offsets = [1], sizes = [1], strides = [1]} : vector<16xi32> to vector<1xi32>
    %squeeze3A_97 = vector.extract %slice3A_96[0] : i32 from vector<1xi32>
    %multiple_of3A_98 = tpu.assume_multiple %squeeze3A_97, 128 : i32
    %slice3A_99 = vector.extract_strided_slice %mul3A_65 {offsets = [1], sizes = [1], strides = [1]} : vector<16xi32> to vector<1xi32>
    %squeeze3A_100 = vector.extract %slice3A_99[0] : i32 from vector<1xi32>
    %multiple_of3A_101 = tpu.assume_multiple %squeeze3A_100, 128 : i32
    %dma_start3A_102 = arith.constant 0 : i32
    %dma_start3A_103 = arith.constant 1 : i32
    %dma_start3A_104 = arith.constant 0 : i32
    %dma_start3A_105 = arith.constant 0 : i32
    %dma_start3A_106 = tpu.memref_slice %arg9[%dma_start3A_102, %dma_start3A_103, %dma_start3A_104, %dma_start3A_105] : memref<4x2x32x128xf32, #tpu.memory_space<vmem>> -> memref<1x1x32x128xf32, #tpu.memory_space<vmem>>
    %dma_start3A_107 = tpu.memref_squeeze %dma_start3A_106 : memref<1x1x32x128xf32, #tpu.memory_space<vmem>> -> memref<32x128xf32, #tpu.memory_space<vmem>>
    %dma_start3A_108 = arith.constant 0 : i32
    %dma_start3A_109 = tpu.memref_slice %arg4[%dma_start3A_108, %multiple_of3A_98] : memref<32x1000000xf32, #tpu.memory_space<hbm>> -> memref<32x128xf32, #tpu.memory_space<hbm>>
    %dma_start3A_110 = arith.constant 0 : i32
    %dma_start3A_111 = arith.constant 0 : i32
    %dma_start3A_112 = tpu.memref_slice %arg9[%dma_start3A_102, %dma_start3A_103, %dma_start3A_110, %dma_start3A_111] : memref<4x2x32x128xf32, #tpu.memory_space<vmem>> -> memref<1x1x32x128xf32, #tpu.memory_space<vmem>>
    %dma_start3A_113 = tpu.memref_squeeze %dma_start3A_112 : memref<1x1x32x128xf32, #tpu.memory_space<vmem>> -> memref<32x128xf32, #tpu.memory_space<vmem>>
    %dma_start3A_114 = arith.constant 0 : i32
    %dma_start3A_115 = tpu.memref_slice %arg4[%dma_start3A_114, %multiple_of3A_98] : memref<32x1000000xf32, #tpu.memory_space<hbm>> -> memref<32x128xf32, #tpu.memory_space<hbm>>
    tpu.enqueue_dma source(%dma_start3A_115 : memref<32x128xf32, #tpu.memory_space<hbm>>) target(%dma_start3A_113 : memref<32x128xf32, #tpu.memory_space<vmem>>) target_semaphore(%arg12 : memref<!tpu.dma_semaphore, #tpu.memory_space<semaphore_mem>>)
    %dma_start3A_116 = arith.constant 0 : i32
    %dma_start3A_117 = arith.constant 1 : i32
    %dma_start3A_118 = arith.constant 0 : i32
    %dma_start3A_119 = arith.constant 0 : i32
    %dma_start3A_120 = tpu.memref_slice %arg10[%dma_start3A_116, %dma_start3A_117, %dma_start3A_118, %dma_start3A_119] : memref<4x2x32x128xf32, #tpu.memory_space<vmem>> -> memref<1x1x32x128xf32, #tpu.memory_space<vmem>>
    %dma_start3A_121 = tpu.memref_squeeze %dma_start3A_120 : memref<1x1x32x128xf32, #tpu.memory_space<vmem>> -> memref<32x128xf32, #tpu.memory_space<vmem>>
    %dma_start3A_122 = arith.constant 0 : i32
    %dma_start3A_123 = tpu.memref_slice %arg5[%dma_start3A_122, %multiple_of3A_101] : memref<32x1000000xf32, #tpu.memory_space<hbm>> -> memref<32x128xf32, #tpu.memory_space<hbm>>
    %dma_start3A_124 = arith.constant 0 : i32
    %dma_start3A_125 = arith.constant 0 : i32
    %dma_start3A_126 = tpu.memref_slice %arg10[%dma_start3A_116, %dma_start3A_117, %dma_start3A_124, %dma_start3A_125] : memref<4x2x32x128xf32, #tpu.memory_space<vmem>> -> memref<1x1x32x128xf32, #tpu.memory_space<vmem>>
    %dma_start3A_127 = tpu.memref_squeeze %dma_start3A_126 : memref<1x1x32x128xf32, #tpu.memory_space<vmem>> -> memref<32x128xf32, #tpu.memory_space<vmem>>
    %dma_start3A_128 = arith.constant 0 : i32
    %dma_start3A_129 = tpu.memref_slice %arg5[%dma_start3A_128, %multiple_of3A_101] : memref<32x1000000xf32, #tpu.memory_space<hbm>> -> memref<32x128xf32, #tpu.memory_space<hbm>>
    tpu.enqueue_dma source(%dma_start3A_129 : memref<32x128xf32, #tpu.memory_space<hbm>>) target(%dma_start3A_127 : memref<32x128xf32, #tpu.memory_space<vmem>>) target_semaphore(%arg13 : memref<!tpu.dma_semaphore, #tpu.memory_space<semaphore_mem>>)
    %get3A_130 = arith.constant 2 : index
    %get3A_131 = tpu.vector_load %arg7[%get3A_130] {strides = array<i32>} : memref<528xi32, #tpu.memory_space<vmem>>, vector<16xi32>,
    %jit3A_132 = arith.constant 128 : i32
    %div3A_133 = vector.broadcast %jit3A_132 : i32 to vector<16xi32>
    %div3A_134 = arith.divsi %get3A_131, %div3A_133 : vector<16xi32>
    %sign3A_135 = arith.constant 0 : i32
    %sign3A_136 = vector.broadcast %sign3A_135 : i32 to vector<16xi32>
    %sign3A_137 = arith.cmpi sgt, %get3A_131, %sign3A_136 : vector<16xi32>
    %sign3A_138 = arith.extui %sign3A_137 : vector<16xi1> to vector<16xi32>
    %sign3A_139 = arith.constant 0 : i32
    %sign3A_140 = vector.broadcast %sign3A_139 : i32 to vector<16xi32>
    %sign3A_141 = arith.cmpi slt, %get3A_131, %sign3A_140 : vector<16xi32>
    %sign3A_142 = arith.extui %sign3A_141 : vector<16xi1> to vector<16xi32>
    %sign3A_143 = arith.subi %sign3A_138, %sign3A_142 : vector<16xi32>
    %sign3A_144 = arith.constant 0 : i32
    %sign3A_145 = arith.cmpi sgt, %jit3A_132, %sign3A_144 : i32
    %sign3A_146 = arith.extui %sign3A_145 : i1 to i32
    %sign3A_147 = arith.constant 0 : i32
    %sign3A_148 = arith.cmpi slt, %jit3A_132, %sign3A_147 : i32
    %sign3A_149 = arith.extui %sign3A_148 : i1 to i32
    %sign3A_150 = arith.subi %sign3A_146, %sign3A_149 : i32
    %ne3A_151 = vector.broadcast %sign3A_150 : i32 to vector<16xi32>
    %ne3A_152 = arith.cmpi ne, %sign3A_143, %ne3A_151 : vector<16xi32>
    %rem3A_153 = vector.broadcast %jit3A_132 : i32 to vector<16xi32>
    %rem3A_154 = arith.remsi %get3A_131, %rem3A_153 : vector<16xi32>
    %ne3A_155 = arith.constant 0 : i32
    %ne3A_156 = vector.broadcast %ne3A_155 : i32 to vector<16xi32>
    %ne3A_157 = arith.cmpi ne, %rem3A_154, %ne3A_156 : vector<16xi32>
    %and3A_158 = arith.andi %ne3A_152, %ne3A_157 : vector<16xi1>
    %sub3A_159 = arith.constant 1 : i32
    %sub3A_160 = vector.broadcast %sub3A_159 : i32 to vector<16xi32>
    %sub3A_161 = arith.subi %div3A_134, %sub3A_160 : vector<16xi32>
    %select_n3A_162 = arith.select %and3A_158, %sub3A_161, %div3A_134 : vector<16xi1>, vector<16xi32>
    %mul3A_163 = arith.constant 128 : i32
    %mul3A_164 = vector.broadcast %mul3A_163 : i32 to vector<16xi32>
    %mul3A_165 = arith.muli %select_n3A_162, %mul3A_164 : vector<16xi32>
    %get3A_166 = arith.constant 2 : index
    %get3A_167 = tpu.vector_load %arg8[%get3A_166] {strides = array<i32>} : memref<528xi32, #tpu.memory_space<vmem>>, vector<16xi32>,
    %jit3A_168 = arith.constant 128 : i32
    %div3A_169 = vector.broadcast %jit3A_168 : i32 to vector<16xi32>
    %div3A_170 = arith.divsi %get3A_167, %div3A_169 : vector<16xi32>
    %sign3A_171 = arith.constant 0 : i32
    %sign3A_172 = vector.broadcast %sign3A_171 : i32 to vector<16xi32>
    %sign3A_173 = arith.cmpi sgt, %get3A_167, %sign3A_172 : vector<16xi32>
    %sign3A_174 = arith.extui %sign3A_173 : vector<16xi1> to vector<16xi32>
    %sign3A_175 = arith.constant 0 : i32
    %sign3A_176 = vector.broadcast %sign3A_175 : i32 to vector<16xi32>
    %sign3A_177 = arith.cmpi slt, %get3A_167, %sign3A_176 : vector<16xi32>
    %sign3A_178 = arith.extui %sign3A_177 : vector<16xi1> to vector<16xi32>
    %sign3A_179 = arith.subi %sign3A_174, %sign3A_178 : vector<16xi32>
    %sign3A_180 = arith.constant 0 : i32
    %sign3A_181 = arith.cmpi sgt, %jit3A_168, %sign3A_180 : i32
    %sign3A_182 = arith.extui %sign3A_181 : i1 to i32
    %sign3A_183 = arith.constant 0 : i32
    %sign3A_184 = arith.cmpi slt, %jit3A_168, %sign3A_183 : i32
    %sign3A_185 = arith.extui %sign3A_184 : i1 to i32
    %sign3A_186 = arith.subi %sign3A_182, %sign3A_185 : i32
    %ne3A_187 = vector.broadcast %sign3A_186 : i32 to vector<16xi32>
    %ne3A_188 = arith.cmpi ne, %sign3A_179, %ne3A_187 : vector<16xi32>
    %rem3A_189 = vector.broadcast %jit3A_168 : i32 to vector<16xi32>
    %rem3A_190 = arith.remsi %get3A_167, %rem3A_189 : vector<16xi32>
    %ne3A_191 = arith.constant 0 : i32
    %ne3A_192 = vector.broadcast %ne3A_191 : i32 to vector<16xi32>
    %ne3A_193 = arith.cmpi ne, %rem3A_190, %ne3A_192 : vector<16xi32>
    %and3A_194 = arith.andi %ne3A_188, %ne3A_193 : vector<16xi1>
    %sub3A_195 = arith.constant 1 : i32
    %sub3A_196 = vector.broadcast %sub3A_195 : i32 to vector<16xi32>
    %sub3A_197 = arith.subi %div3A_170, %sub3A_196 : vector<16xi32>
    %select_n3A_198 = arith.select %and3A_194, %sub3A_197, %div3A_170 : vector<16xi1>, vector<16xi32>
    %mul3A_199 = arith.constant 128 : i32
    %mul3A_200 = vector.broadcast %mul3A_199 : i32 to vector<16xi32>
    %mul3A_201 = arith.muli %select_n3A_198, %mul3A_200 : vector<16xi32>
    %slice3A_202 = vector.extract_strided_slice %mul3A_165 {offsets = [0], sizes = [1], strides = [1]} : vector<16xi32> to vector<1xi32>
    %squeeze3A_203 = vector.extract %slice3A_202[0] : i32 from vector<1xi32>
    %multiple_of3A_204 = tpu.assume_multiple %squeeze3A_203, 128 : i32
    %slice3A_205 = vector.extract_strided_slice %mul3A_201 {offsets = [0], sizes = [1], strides = [1]} : vector<16xi32> to vector<1xi32>
    %squeeze3A_206 = vector.extract %slice3A_205[0] : i32 from vector<1xi32>
    %multiple_of3A_207 = tpu.assume_multiple %squeeze3A_206, 128 : i32
    %dma_start3A_208 = arith.constant 1 : i32
    %dma_start3A_209 = arith.constant 0 : i32
    %dma_start3A_210 = arith.constant 0 : i32
    %dma_start3A_211 = arith.constant 0 : i32
    %dma_start3A_212 = tpu.memref_slice %arg9[%dma_start3A_208, %dma_start3A_209, %dma_start3A_210, %dma_start3A_211] : memref<4x2x32x128xf32, #tpu.memory_space<vmem>> -> memref<1x1x32x128xf32, #tpu.memory_space<vmem>>
    %dma_start3A_213 = tpu.memref_squeeze %dma_start3A_212 : memref<1x1x32x128xf32, #tpu.memory_space<vmem>> -> memref<32x128xf32, #tpu.memory_space<vmem>>
    %dma_start3A_214 = arith.constant 0 : i32
    %dma_start3A_215 = tpu.memref_slice %arg4[%dma_start3A_214, %multiple_of3A_204] : memref<32x1000000xf32, #tpu.memory_space<hbm>> -> memref<32x128xf32, #tpu.memory_space<hbm>>
    %dma_start3A_216 = arith.constant 0 : i32
    %dma_start3A_217 = arith.constant 0 : i32
    %dma_start3A_218 = tpu.memref_slice %arg9[%dma_start3A_208, %dma_start3A_209, %dma_start3A_216, %dma_start3A_217] : memref<4x2x32x128xf32, #tpu.memory_space<vmem>> -> memref<1x1x32x128xf32, #tpu.memory_space<vmem>>
    %dma_start3A_219 = tpu.memref_squeeze %dma_start3A_218 : memref<1x1x32x128xf32, #tpu.memory_space<vmem>> -> memref<32x128xf32, #tpu.memory_space<vmem>>
    %dma_start3A_220 = arith.constant 0 : i32
    %dma_start3A_221 = tpu.memref_slice %arg4[%dma_start3A_220, %multiple_of3A_204] : memref<32x1000000xf32, #tpu.memory_space<hbm>> -> memref<32x128xf32, #tpu.memory_space<hbm>>
    tpu.enqueue_dma source(%dma_start3A_221 : memref<32x128xf32, #tpu.memory_space<hbm>>) target(%dma_start3A_219 : memref<32x128xf32, #tpu.memory_space<vmem>>) target_semaphore(%arg14 : memref<!tpu.dma_semaphore, #tpu.memory_space<semaphore_mem>>)
    %dma_start3A_222 = arith.constant 1 : i32
    %dma_start3A_223 = arith.constant 0 : i32
    %dma_start3A_224 = arith.constant 0 : i32
    %dma_start3A_225 = arith.constant 0 : i32
    %dma_start3A_226 = tpu.memref_slice %arg10[%dma_start3A_222, %dma_start3A_223, %dma_start3A_224, %dma_start3A_225] : memref<4x2x32x128xf32, #tpu.memory_space<vmem>> -> memref<1x1x32x128xf32, #tpu.memory_space<vmem>>
    %dma_start3A_227 = tpu.memref_squeeze %dma_start3A_226 : memref<1x1x32x128xf32, #tpu.memory_space<vmem>> -> memref<32x128xf32, #tpu.memory_space<vmem>>
    %dma_start3A_228 = arith.constant 0 : i32
    %dma_start3A_229 = tpu.memref_slice %arg5[%dma_start3A_228, %multiple_of3A_207] : memref<32x1000000xf32, #tpu.memory_space<hbm>> -> memref<32x128xf32, #tpu.memory_space<hbm>>
    %dma_start3A_230 = arith.constant 0 : i32
    %dma_start3A_231 = arith.constant 0 : i32
    %dma_start3A_232 = tpu.memref_slice %arg10[%dma_start3A_222, %dma_start3A_223, %dma_start3A_230, %dma_start3A_231] : memref<4x2x32x128xf32, #tpu.memory_space<vmem>> -> memref<1x1x32x128xf32, #tpu.memory_space<vmem>>
    %dma_start3A_233 = tpu.memref_squeeze %dma_start3A_232 : memref<1x1x32x128xf32, #tpu.memory_space<vmem>> -> memref<32x128xf32, #tpu.memory_space<vmem>>
    %dma_start3A_234 = arith.constant 0 : i32
    %dma_start3A_235 = tpu.memref_slice %arg5[%dma_start3A_234, %multiple_of3A_207] : memref<32x1000000xf32, #tpu.memory_space<hbm>> -> memref<32x128xf32, #tpu.memory_space<hbm>>
    tpu.enqueue_dma source(%dma_start3A_235 : memref<32x128xf32, #tpu.memory_space<hbm>>) target(%dma_start3A_233 : memref<32x128xf32, #tpu.memory_space<vmem>>) target_semaphore(%arg15 : memref<!tpu.dma_semaphore, #tpu.memory_space<semaphore_mem>>)
    %slice3A_236 = vector.extract_strided_slice %mul3A_165 {offsets = [1], sizes = [1], strides = [1]} : vector<16xi32> to vector<1xi32>
    %squeeze3A_237 = vector.extract %slice3A_236[0] : i32 from vector<1xi32>
    %multiple_of3A_238 = tpu.assume_multiple %squeeze3A_237, 128 : i32
    %slice3A_239 = vector.extract_strided_slice %mul3A_201 {offsets = [1], sizes = [1], strides = [1]} : vector<16xi32> to vector<1xi32>
    %squeeze3A_240 = vector.extract %slice3A_239[0] : i32 from vector<1xi32>
    %multiple_of3A_241 = tpu.assume_multiple %squeeze3A_240, 128 : i32
    %dma_start3A_242 = arith.constant 1 : i32
    %dma_start3A_243 = arith.constant 1 : i32
    %dma_start3A_244 = arith.constant 0 : i32
    %dma_start3A_245 = arith.constant 0 : i32
    %dma_start3A_246 = tpu.memref_slice %arg9[%dma_start3A_242, %dma_start3A_243, %dma_start3A_244, %dma_start3A_245] : memref<4x2x32x128xf32, #tpu.memory_space<vmem>> -> memref<1x1x32x128xf32, #tpu.memory_space<vmem>>
    %dma_start3A_247 = tpu.memref_squeeze %dma_start3A_246 : memref<1x1x32x128xf32, #tpu.memory_space<vmem>> -> memref<32x128xf32, #tpu.memory_space<vmem>>
    %dma_start3A_248 = arith.constant 0 : i32
    %dma_start3A_249 = tpu.memref_slice %arg4[%dma_start3A_248, %multiple_of3A_238] : memref<32x1000000xf32, #tpu.memory_space<hbm>> -> memref<32x128xf32, #tpu.memory_space<hbm>>
    %dma_start3A_250 = arith.constant 0 : i32
    %dma_start3A_251 = arith.constant 0 : i32
    %dma_start3A_252 = tpu.memref_slice %arg9[%dma_start3A_242, %dma_start3A_243, %dma_start3A_250, %dma_start3A_251] : memref<4x2x32x128xf32, #tpu.memory_space<vmem>> -> memref<1x1x32x128xf32, #tpu.memory_space<vmem>>
    %dma_start3A_253 = tpu.memref_squeeze %dma_start3A_252 : memref<1x1x32x128xf32, #tpu.memory_space<vmem>> -> memref<32x128xf32, #tpu.memory_space<vmem>>
    %dma_start3A_254 = arith.constant 0 : i32
    %dma_start3A_255 = tpu.memref_slice %arg4[%dma_start3A_254, %multiple_of3A_238] : memref<32x1000000xf32, #tpu.memory_space<hbm>> -> memref<32x128xf32, #tpu.memory_space<hbm>>
    tpu.enqueue_dma source(%dma_start3A_255 : memref<32x128xf32, #tpu.memory_space<hbm>>) target(%dma_start3A_253 : memref<32x128xf32, #tpu.memory_space<vmem>>) target_semaphore(%arg14 : memref<!tpu.dma_semaphore, #tpu.memory_space<semaphore_mem>>)
    %dma_start3A_256 = arith.constant 1 : i32
    %dma_start3A_257 = arith.constant 1 : i32
    %dma_start3A_258 = arith.constant 0 : i32
    %dma_start3A_259 = arith.constant 0 : i32
    %dma_start3A_260 = tpu.memref_slice %arg10[%dma_start3A_256, %dma_start3A_257, %dma_start3A_258, %dma_start3A_259] : memref<4x2x32x128xf32, #tpu.memory_space<vmem>> -> memref<1x1x32x128xf32, #tpu.memory_space<vmem>>
    %dma_start3A_261 = tpu.memref_squeeze %dma_start3A_260 : memref<1x1x32x128xf32, #tpu.memory_space<vmem>> -> memref<32x128xf32, #tpu.memory_space<vmem>>
    %dma_start3A_262 = arith.constant 0 : i32
    %dma_start3A_263 = tpu.memref_slice %arg5[%dma_start3A_262, %multiple_of3A_241] : memref<32x1000000xf32, #tpu.memory_space<hbm>> -> memref<32x128xf32, #tpu.memory_space<hbm>>
    %dma_start3A_264 = arith.constant 0 : i32
    %dma_start3A_265 = arith.constant 0 : i32
    %dma_start3A_266 = tpu.memref_slice %arg10[%dma_start3A_256, %dma_start3A_257, %dma_start3A_264, %dma_start3A_265] : memref<4x2x32x128xf32, #tpu.memory_space<vmem>> -> memref<1x1x32x128xf32, #tpu.memory_space<vmem>>
    %dma_start3A_267 = tpu.memref_squeeze %dma_start3A_266 : memref<1x1x32x128xf32, #tpu.memory_space<vmem>> -> memref<32x128xf32, #tpu.memory_space<vmem>>
    %dma_start3A_268 = arith.constant 0 : i32
    %dma_start3A_269 = tpu.memref_slice %arg5[%dma_start3A_268, %multiple_of3A_241] : memref<32x1000000xf32, #tpu.memory_space<hbm>> -> memref<32x128xf32, #tpu.memory_space<hbm>>
    tpu.enqueue_dma source(%dma_start3A_269 : memref<32x128xf32, #tpu.memory_space<hbm>>) target(%dma_start3A_267 : memref<32x128xf32, #tpu.memory_space<vmem>>) target_semaphore(%arg15 : memref<!tpu.dma_semaphore, #tpu.memory_space<semaphore_mem>>)
    %get3A_270 = arith.constant 4 : index
    %get3A_271 = tpu.vector_load %arg7[%get3A_270] {strides = array<i32>} : memref<528xi32, #tpu.memory_space<vmem>>, vector<16xi32>,
    %jit3A_272 = arith.constant 128 : i32
    %div3A_273 = vector.broadcast %jit3A_272 : i32 to vector<16xi32>
    %div3A_274 = arith.divsi %get3A_271, %div3A_273 : vector<16xi32>
    %sign3A_275 = arith.constant 0 : i32
    %sign3A_276 = vector.broadcast %sign3A_275 : i32 to vector<16xi32>
    %sign3A_277 = arith.cmpi sgt, %get3A_271, %sign3A_276 : vector<16xi32>
    %sign3A_278 = arith.extui %sign3A_277 : vector<16xi1> to vector<16xi32>
    %sign3A_279 = arith.constant 0 : i32
    %sign3A_280 = vector.broadcast %sign3A_279 : i32 to vector<16xi32>
    %sign3A_281 = arith.cmpi slt, %get3A_271, %sign3A_280 : vector<16xi32>
    %sign3A_282 = arith.extui %sign3A_281 : vector<16xi1> to vector<16xi32>
    %sign3A_283 = arith.subi %sign3A_278, %sign3A_282 : vector<16xi32>
    %sign3A_284 = arith.constant 0 : i32
    %sign3A_285 = arith.cmpi sgt, %jit3A_272, %sign3A_284 : i32
    %sign3A_286 = arith.extui %sign3A_285 : i1 to i32
    %sign3A_287 = arith.constant 0 : i32
    %sign3A_288 = arith.cmpi slt, %jit3A_272, %sign3A_287 : i32
    %sign3A_289 = arith.extui %sign3A_288 : i1 to i32
    %sign3A_290 = arith.subi %sign3A_286, %sign3A_289 : i32
    %ne3A_291 = vector.broadcast %sign3A_290 : i32 to vector<16xi32>
    %ne3A_292 = arith.cmpi ne, %sign3A_283, %ne3A_291 : vector<16xi32>
    %rem3A_293 = vector.broadcast %jit3A_272 : i32 to vector<16xi32>
    %rem3A_294 = arith.remsi %get3A_271, %rem3A_293 : vector<16xi32>
    %ne3A_295 = arith.constant 0 : i32
    %ne3A_296 = vector.broadcast %ne3A_295 : i32 to vector<16xi32>
    %ne3A_297 = arith.cmpi ne, %rem3A_294, %ne3A_296 : vector<16xi32>
    %and3A_298 = arith.andi %ne3A_292, %ne3A_297 : vector<16xi1>
    %sub3A_299 = arith.constant 1 : i32
    %sub3A_300 = vector.broadcast %sub3A_299 : i32 to vector<16xi32>
    %sub3A_301 = arith.subi %div3A_274, %sub3A_300 : vector<16xi32>
    %select_n3A_302 = arith.select %and3A_298, %sub3A_301, %div3A_274 : vector<16xi1>, vector<16xi32>
    %mul3A_303 = arith.constant 128 : i32
    %mul3A_304 = vector.broadcast %mul3A_303 : i32 to vector<16xi32>
    %mul3A_305 = arith.muli %select_n3A_302, %mul3A_304 : vector<16xi32>
    %get3A_306 = arith.constant 4 : index
    %get3A_307 = tpu.vector_load %arg8[%get3A_306] {strides = array<i32>} : memref<528xi32, #tpu.memory_space<vmem>>, vector<16xi32>,
    %jit3A_308 = arith.constant 128 : i32
    %div3A_309 = vector.broadcast %jit3A_308 : i32 to vector<16xi32>
    %div3A_310 = arith.divsi %get3A_307, %div3A_309 : vector<16xi32>
    %sign3A_311 = arith.constant 0 : i32
    %sign3A_312 = vector.broadcast %sign3A_311 : i32 to vector<16xi32>
    %sign3A_313 = arith.cmpi sgt, %get3A_307, %sign3A_312 : vector<16xi32>
    %sign3A_314 = arith.extui %sign3A_313 : vector<16xi1> to vector<16xi32>
    %sign3A_315 = arith.constant 0 : i32
    %sign3A_316 = vector.broadcast %sign3A_315 : i32 to vector<16xi32>
    %sign3A_317 = arith.cmpi slt, %get3A_307, %sign3A_316 : vector<16xi32>
    %sign3A_318 = arith.extui %sign3A_317 : vector<16xi1> to vector<16xi32>
    %sign3A_319 = arith.subi %sign3A_314, %sign3A_318 : vector<16xi32>
    %sign3A_320 = arith.constant 0 : i32
    %sign3A_321 = arith.cmpi sgt, %jit3A_308, %sign3A_320 : i32
    %sign3A_322 = arith.extui %sign3A_321 : i1 to i32
    %sign3A_323 = arith.constant 0 : i32
    %sign3A_324 = arith.cmpi slt, %jit3A_308, %sign3A_323 : i32
    %sign3A_325 = arith.extui %sign3A_324 : i1 to i32
    %sign3A_326 = arith.subi %sign3A_322, %sign3A_325 : i32
    %ne3A_327 = vector.broadcast %sign3A_326 : i32 to vector<16xi32>
    %ne3A_328 = arith.cmpi ne, %sign3A_319, %ne3A_327 : vector<16xi32>
    %rem3A_329 = vector.broadcast %jit3A_308 : i32 to vector<16xi32>
    %rem3A_330 = arith.remsi %get3A_307, %rem3A_329 : vector<16xi32>
    %ne3A_331 = arith.constant 0 : i32
    %ne3A_332 = vector.broadcast %ne3A_331 : i32 to vector<16xi32>
    %ne3A_333 = arith.cmpi ne, %rem3A_330, %ne3A_332 : vector<16xi32>
    %and3A_334 = arith.andi %ne3A_328, %ne3A_333 : vector<16xi1>
    %sub3A_335 = arith.constant 1 : i32
    %sub3A_336 = vector.broadcast %sub3A_335 : i32 to vector<16xi32>
    %sub3A_337 = arith.subi %div3A_310, %sub3A_336 : vector<16xi32>
    %select_n3A_338 = arith.select %and3A_334, %sub3A_337, %div3A_310 : vector<16xi1>, vector<16xi32>
    %mul3A_339 = arith.constant 128 : i32
    %mul3A_340 = vector.broadcast %mul3A_339 : i32 to vector<16xi32>
    %mul3A_341 = arith.muli %select_n3A_338, %mul3A_340 : vector<16xi32>
    %slice3A_342 = vector.extract_strided_slice %mul3A_305 {offsets = [0], sizes = [1], strides = [1]} : vector<16xi32> to vector<1xi32>
    %squeeze3A_343 = vector.extract %slice3A_342[0] : i32 from vector<1xi32>
    %multiple_of3A_344 = tpu.assume_multiple %squeeze3A_343, 128 : i32
    %slice3A_345 = vector.extract_strided_slice %mul3A_341 {offsets = [0], sizes = [1], strides = [1]} : vector<16xi32> to vector<1xi32>
    %squeeze3A_346 = vector.extract %slice3A_345[0] : i32 from vector<1xi32>
    %multiple_of3A_347 = tpu.assume_multiple %squeeze3A_346, 128 : i32
    %dma_start3A_348 = arith.constant 2 : i32
    %dma_start3A_349 = arith.constant 0 : i32
    %dma_start3A_350 = arith.constant 0 : i32
    %dma_start3A_351 = arith.constant 0 : i32
    %dma_start3A_352 = tpu.memref_slice %arg9[%dma_start3A_348, %dma_start3A_349, %dma_start3A_350, %dma_start3A_351] : memref<4x2x32x128xf32, #tpu.memory_space<vmem>> -> memref<1x1x32x128xf32, #tpu.memory_space<vmem>>
    %dma_start3A_353 = tpu.memref_squeeze %dma_start3A_352 : memref<1x1x32x128xf32, #tpu.memory_space<vmem>> -> memref<32x128xf32, #tpu.memory_space<vmem>>
    %dma_start3A_354 = arith.constant 0 : i32
    %dma_start3A_355 = tpu.memref_slice %arg4[%dma_start3A_354, %multiple_of3A_344] : memref<32x1000000xf32, #tpu.memory_space<hbm>> -> memref<32x128xf32, #tpu.memory_space<hbm>>
    %dma_start3A_356 = arith.constant 0 : i32
    %dma_start3A_357 = arith.constant 0 : i32
    %dma_start3A_358 = tpu.memref_slice %arg9[%dma_start3A_348, %dma_start3A_349, %dma_start3A_356, %dma_start3A_357] : memref<4x2x32x128xf32, #tpu.memory_space<vmem>> -> memref<1x1x32x128xf32, #tpu.memory_space<vmem>>
    %dma_start3A_359 = tpu.memref_squeeze %dma_start3A_358 : memref<1x1x32x128xf32, #tpu.memory_space<vmem>> -> memref<32x128xf32, #tpu.memory_space<vmem>>
    %dma_start3A_360 = arith.constant 0 : i32
    %dma_start3A_361 = tpu.memref_slice %arg4[%dma_start3A_360, %multiple_of3A_344] : memref<32x1000000xf32, #tpu.memory_space<hbm>> -> memref<32x128xf32, #tpu.memory_space<hbm>>
    tpu.enqueue_dma source(%dma_start3A_361 : memref<32x128xf32, #tpu.memory_space<hbm>>) target(%dma_start3A_359 : memref<32x128xf32, #tpu.memory_space<vmem>>) target_semaphore(%arg16 : memref<!tpu.dma_semaphore, #tpu.memory_space<semaphore_mem>>)
    %dma_start3A_362 = arith.constant 2 : i32
    %dma_start3A_363 = arith.constant 0 : i32
    %dma_start3A_364 = arith.constant 0 : i32
    %dma_start3A_365 = arith.constant 0 : i32
    %dma_start3A_366 = tpu.memref_slice %arg10[%dma_start3A_362, %dma_start3A_363, %dma_start3A_364, %dma_start3A_365] : memref<4x2x32x128xf32, #tpu.memory_space<vmem>> -> memref<1x1x32x128xf32, #tpu.memory_space<vmem>>
    %dma_start3A_367 = tpu.memref_squeeze %dma_start3A_366 : memref<1x1x32x128xf32, #tpu.memory_space<vmem>> -> memref<32x128xf32, #tpu.memory_space<vmem>>
    %dma_start3A_368 = arith.constant 0 : i32
    %dma_start3A_369 = tpu.memref_slice %arg5[%dma_start3A_368, %multiple_of3A_347] : memref<32x1000000xf32, #tpu.memory_space<hbm>> -> memref<32x128xf32, #tpu.memory_space<hbm>>
    %dma_start3A_370 = arith.constant 0 : i32
    %dma_start3A_371 = arith.constant 0 : i32
    %dma_start3A_372 = tpu.memref_slice %arg10[%dma_start3A_362, %dma_start3A_363, %dma_start3A_370, %dma_start3A_371] : memref<4x2x32x128xf32, #tpu.memory_space<vmem>> -> memref<1x1x32x128xf32, #tpu.memory_space<vmem>>
    %dma_start3A_373 = tpu.memref_squeeze %dma_start3A_372 : memref<1x1x32x128xf32, #tpu.memory_space<vmem>> -> memref<32x128xf32, #tpu.memory_space<vmem>>
    %dma_start3A_374 = arith.constant 0 : i32
    %dma_start3A_375 = tpu.memref_slice %arg5[%dma_start3A_374, %multiple_of3A_347] : memref<32x1000000xf32, #tpu.memory_space<hbm>> -> memref<32x128xf32, #tpu.memory_space<hbm>>
    tpu.enqueue_dma source(%dma_start3A_375 : memref<32x128xf32, #tpu.memory_space<hbm>>) target(%dma_start3A_373 : memref<32x128xf32, #tpu.memory_space<vmem>>) target_semaphore(%arg17 : memref<!tpu.dma_semaphore, #tpu.memory_space<semaphore_mem>>)
    %slice3A_376 = vector.extract_strided_slice %mul3A_305 {offsets = [1], sizes = [1], strides = [1]} : vector<16xi32> to vector<1xi32>
    %squeeze3A_377 = vector.extract %slice3A_376[0] : i32 from vector<1xi32>
    %multiple_of3A_378 = tpu.assume_multiple %squeeze3A_377, 128 : i32
    %slice3A_379 = vector.extract_strided_slice %mul3A_341 {offsets = [1], sizes = [1], strides = [1]} : vector<16xi32> to vector<1xi32>
    %squeeze3A_380 = vector.extract %slice3A_379[0] : i32 from vector<1xi32>
    %multiple_of3A_381 = tpu.assume_multiple %squeeze3A_380, 128 : i32
    %dma_start3A_382 = arith.constant 2 : i32
    %dma_start3A_383 = arith.constant 1 : i32
    %dma_start3A_384 = arith.constant 0 : i32
    %dma_start3A_385 = arith.constant 0 : i32
    %dma_start3A_386 = tpu.memref_slice %arg9[%dma_start3A_382, %dma_start3A_383, %dma_start3A_384, %dma_start3A_385] : memref<4x2x32x128xf32, #tpu.memory_space<vmem>> -> memref<1x1x32x128xf32, #tpu.memory_space<vmem>>
    %dma_start3A_387 = tpu.memref_squeeze %dma_start3A_386 : memref<1x1x32x128xf32, #tpu.memory_space<vmem>> -> memref<32x128xf32, #tpu.memory_space<vmem>>
    %dma_start3A_388 = arith.constant 0 : i32
    %dma_start3A_389 = tpu.memref_slice %arg4[%dma_start3A_388, %multiple_of3A_378] : memref<32x1000000xf32, #tpu.memory_space<hbm>> -> memref<32x128xf32, #tpu.memory_space<hbm>>
    %dma_start3A_390 = arith.constant 0 : i32
    %dma_start3A_391 = arith.constant 0 : i32
    %dma_start3A_392 = tpu.memref_slice %arg9[%dma_start3A_382, %dma_start3A_383, %dma_start3A_390, %dma_start3A_391] : memref<4x2x32x128xf32, #tpu.memory_space<vmem>> -> memref<1x1x32x128xf32, #tpu.memory_space<vmem>>
    %dma_start3A_393 = tpu.memref_squeeze %dma_start3A_392 : memref<1x1x32x128xf32, #tpu.memory_space<vmem>> -> memref<32x128xf32, #tpu.memory_space<vmem>>
    %dma_start3A_394 = arith.constant 0 : i32
    %dma_start3A_395 = tpu.memref_slice %arg4[%dma_start3A_394, %multiple_of3A_378] : memref<32x1000000xf32, #tpu.memory_space<hbm>> -> memref<32x128xf32, #tpu.memory_space<hbm>>
    tpu.enqueue_dma source(%dma_start3A_395 : memref<32x128xf32, #tpu.memory_space<hbm>>) target(%dma_start3A_393 : memref<32x128xf32, #tpu.memory_space<vmem>>) target_semaphore(%arg16 : memref<!tpu.dma_semaphore, #tpu.memory_space<semaphore_mem>>)
    %dma_start3A_396 = arith.constant 2 : i32
    %dma_start3A_397 = arith.constant 1 : i32
    %dma_start3A_398 = arith.constant 0 : i32
    %dma_start3A_399 = arith.constant 0 : i32
    %dma_start3A_400 = tpu.memref_slice %arg10[%dma_start3A_396, %dma_start3A_397, %dma_start3A_398, %dma_start3A_399] : memref<4x2x32x128xf32, #tpu.memory_space<vmem>> -> memref<1x1x32x128xf32, #tpu.memory_space<vmem>>
    %dma_start3A_401 = tpu.memref_squeeze %dma_start3A_400 : memref<1x1x32x128xf32, #tpu.memory_space<vmem>> -> memref<32x128xf32, #tpu.memory_space<vmem>>
    %dma_start3A_402 = arith.constant 0 : i32
    %dma_start3A_403 = tpu.memref_slice %arg5[%dma_start3A_402, %multiple_of3A_381] : memref<32x1000000xf32, #tpu.memory_space<hbm>> -> memref<32x128xf32, #tpu.memory_space<hbm>>
    %dma_start3A_404 = arith.constant 0 : i32
    %dma_start3A_405 = arith.constant 0 : i32
    %dma_start3A_406 = tpu.memref_slice %arg10[%dma_start3A_396, %dma_start3A_397, %dma_start3A_404, %dma_start3A_405] : memref<4x2x32x128xf32, #tpu.memory_space<vmem>> -> memref<1x1x32x128xf32, #tpu.memory_space<vmem>>
    %dma_start3A_407 = tpu.memref_squeeze %dma_start3A_406 : memref<1x1x32x128xf32, #tpu.memory_space<vmem>> -> memref<32x128xf32, #tpu.memory_space<vmem>>
    %dma_start3A_408 = arith.constant 0 : i32
    %dma_start3A_409 = tpu.memref_slice %arg5[%dma_start3A_408, %multiple_of3A_381] : memref<32x1000000xf32, #tpu.memory_space<hbm>> -> memref<32x128xf32, #tpu.memory_space<hbm>>
    tpu.enqueue_dma source(%dma_start3A_409 : memref<32x128xf32, #tpu.memory_space<hbm>>) target(%dma_start3A_407 : memref<32x128xf32, #tpu.memory_space<vmem>>) target_semaphore(%arg17 : memref<!tpu.dma_semaphore, #tpu.memory_space<semaphore_mem>>)
    %scan3A = arith.constant 0 : i32
    %scan3A_410 = arith.constant 0 : i32
    %scan3A_411 = arith.constant 32 : i32
    %scan3A_412 = arith.addi %scan3A_410, %scan3A_411 : i32
    %scan3A_413 = arith.constant 1 : i32
    scf.for %scan3A_415 = %scan3A_410 to %scan3A_412 step %scan3A_413  : i32 {
      %broadcast_in_dim3A = arith.constant 0.000000e+00 : f32
      %broadcast_in_dim3A_416 = vector.broadcast %broadcast_in_dim3A : f32 to vector<16xf32>
      %mul3A_417 = arith.constant 8 : i32
      %mul3A_418 = arith.muli %mul3A_417, %scan3A_415 : i32
      %add3A_419 = arith.constant 0 : i32
      %add3A_420 = arith.addi %mul3A_418, %add3A_419 : i32
      %add3A_421 = arith.constant 4 : i32
      %add3A_422 = arith.addi %add3A_420, %add3A_421 : i32
      %sub3A_423 = arith.constant 1 : i32
      %sub3A_424 = arith.subi %add3A_422, %sub3A_423 : i32
      %lt3A = arith.constant 256 : i32
      %lt3A_425 = arith.cmpi slt, %sub3A_424, %lt3A : i32
      %convert_element_type3A = arith.extui %lt3A_425 : i1 to i32
      %cond3A = arith.constant 0 : i32
      %cond3A_426 = arith.cmpi ne, %convert_element_type3A, %cond3A : i32
      scf.if %cond3A_426 {
        %add3A_2013 = arith.constant 4 : i32
        %add3A_2014 = arith.addi %add3A_420, %add3A_2013 : i32
        %sub3A_2015 = arith.constant 1 : i32
        %sub3A_2016 = arith.subi %add3A_2014, %sub3A_2015 : i32
        %mul3A_2017 = arith.constant 2 : i32
        %mul3A_2018 = arith.muli %sub3A_2016, %mul3A_2017 : i32
        %get3A_2019 = arith.index_cast %mul3A_2018 : i32 to index
        %get3A_2020 = tpu.vector_load %arg7[%get3A_2019] {strides = array<i32>} : memref<528xi32, #tpu.memory_space<vmem>>, vector<16xi32>,
        %jit3A_2021 = arith.constant 128 : i32
        %div3A_2022 = vector.broadcast %jit3A_2021 : i32 to vector<16xi32>
        %div3A_2023 = arith.divsi %get3A_2020, %div3A_2022 : vector<16xi32>
        %sign3A_2024 = arith.constant 0 : i32
        %sign3A_2025 = vector.broadcast %sign3A_2024 : i32 to vector<16xi32>
        %sign3A_2026 = arith.cmpi sgt, %get3A_2020, %sign3A_2025 : vector<16xi32>
        %sign3A_2027 = arith.extui %sign3A_2026 : vector<16xi1> to vector<16xi32>
        %sign3A_2028 = arith.constant 0 : i32
        %sign3A_2029 = vector.broadcast %sign3A_2028 : i32 to vector<16xi32>
        %sign3A_2030 = arith.cmpi slt, %get3A_2020, %sign3A_2029 : vector<16xi32>
        %sign3A_2031 = arith.extui %sign3A_2030 : vector<16xi1> to vector<16xi32>
        %sign3A_2032 = arith.subi %sign3A_2027, %sign3A_2031 : vector<16xi32>
        %sign3A_2033 = arith.constant 0 : i32
        %sign3A_2034 = arith.cmpi sgt, %jit3A_2021, %sign3A_2033 : i32
        %sign3A_2035 = arith.extui %sign3A_2034 : i1 to i32
        %sign3A_2036 = arith.constant 0 : i32
        %sign3A_2037 = arith.cmpi slt, %jit3A_2021, %sign3A_2036 : i32
        %sign3A_2038 = arith.extui %sign3A_2037 : i1 to i32
        %sign3A_2039 = arith.subi %sign3A_2035, %sign3A_2038 : i32
        %ne3A_2040 = vector.broadcast %sign3A_2039 : i32 to vector<16xi32>
        %ne3A_2041 = arith.cmpi ne, %sign3A_2032, %ne3A_2040 : vector<16xi32>
        %rem3A_2042 = vector.broadcast %jit3A_2021 : i32 to vector<16xi32>
        %rem3A_2043 = arith.remsi %get3A_2020, %rem3A_2042 : vector<16xi32>
        %ne3A_2044 = arith.constant 0 : i32
        %ne3A_2045 = vector.broadcast %ne3A_2044 : i32 to vector<16xi32>
        %ne3A_2046 = arith.cmpi ne, %rem3A_2043, %ne3A_2045 : vector<16xi32>
        %and3A_2047 = arith.andi %ne3A_2041, %ne3A_2046 : vector<16xi1>
        %sub3A_2048 = arith.constant 1 : i32
        %sub3A_2049 = vector.broadcast %sub3A_2048 : i32 to vector<16xi32>
        %sub3A_2050 = arith.subi %div3A_2023, %sub3A_2049 : vector<16xi32>
        %select_n3A_2051 = arith.select %and3A_2047, %sub3A_2050, %div3A_2023 : vector<16xi1>, vector<16xi32>
        %mul3A_2052 = arith.constant 128 : i32
        %mul3A_2053 = vector.broadcast %mul3A_2052 : i32 to vector<16xi32>
        %mul3A_2054 = arith.muli %select_n3A_2051, %mul3A_2053 : vector<16xi32>
        %get3A_2055 = arith.index_cast %mul3A_2018 : i32 to index
        %get3A_2056 = tpu.vector_load %arg8[%get3A_2055] {strides = array<i32>} : memref<528xi32, #tpu.memory_space<vmem>>, vector<16xi32>,
        %jit3A_2057 = arith.constant 128 : i32
        %div3A_2058 = vector.broadcast %jit3A_2057 : i32 to vector<16xi32>
        %div3A_2059 = arith.divsi %get3A_2056, %div3A_2058 : vector<16xi32>
        %sign3A_2060 = arith.constant 0 : i32
        %sign3A_2061 = vector.broadcast %sign3A_2060 : i32 to vector<16xi32>
        %sign3A_2062 = arith.cmpi sgt, %get3A_2056, %sign3A_2061 : vector<16xi32>
        %sign3A_2063 = arith.extui %sign3A_2062 : vector<16xi1> to vector<16xi32>
        %sign3A_2064 = arith.constant 0 : i32
        %sign3A_2065 = vector.broadcast %sign3A_2064 : i32 to vector<16xi32>
        %sign3A_2066 = arith.cmpi slt, %get3A_2056, %sign3A_2065 : vector<16xi32>
        %sign3A_2067 = arith.extui %sign3A_2066 : vector<16xi1> to vector<16xi32>
        %sign3A_2068 = arith.subi %sign3A_2063, %sign3A_2067 : vector<16xi32>
        %sign3A_2069 = arith.constant 0 : i32
        %sign3A_2070 = arith.cmpi sgt, %jit3A_2057, %sign3A_2069 : i32
        %sign3A_2071 = arith.extui %sign3A_2070 : i1 to i32
        %sign3A_2072 = arith.constant 0 : i32
        %sign3A_2073 = arith.cmpi slt, %jit3A_2057, %sign3A_2072 : i32
        %sign3A_2074 = arith.extui %sign3A_2073 : i1 to i32
        %sign3A_2075 = arith.subi %sign3A_2071, %sign3A_2074 : i32
        %ne3A_2076 = vector.broadcast %sign3A_2075 : i32 to vector<16xi32>
        %ne3A_2077 = arith.cmpi ne, %sign3A_2068, %ne3A_2076 : vector<16xi32>
        %rem3A_2078 = vector.broadcast %jit3A_2057 : i32 to vector<16xi32>
        %rem3A_2079 = arith.remsi %get3A_2056, %rem3A_2078 : vector<16xi32>
        %ne3A_2080 = arith.constant 0 : i32
        %ne3A_2081 = vector.broadcast %ne3A_2080 : i32 to vector<16xi32>
        %ne3A_2082 = arith.cmpi ne, %rem3A_2079, %ne3A_2081 : vector<16xi32>
        %and3A_2083 = arith.andi %ne3A_2077, %ne3A_2082 : vector<16xi1>
        %sub3A_2084 = arith.constant 1 : i32
        %sub3A_2085 = vector.broadcast %sub3A_2084 : i32 to vector<16xi32>
        %sub3A_2086 = arith.subi %div3A_2059, %sub3A_2085 : vector<16xi32>
        %select_n3A_2087 = arith.select %and3A_2083, %sub3A_2086, %div3A_2059 : vector<16xi1>, vector<16xi32>
        %mul3A_2088 = arith.constant 128 : i32
        %mul3A_2089 = vector.broadcast %mul3A_2088 : i32 to vector<16xi32>
        %mul3A_2090 = arith.muli %select_n3A_2087, %mul3A_2089 : vector<16xi32>
        %slice3A_2091 = vector.extract_strided_slice %mul3A_2054 {offsets = [0], sizes = [1], strides = [1]} : vector<16xi32> to vector<1xi32>
        %squeeze3A_2092 = vector.extract %slice3A_2091[0] : i32 from vector<1xi32>
        %multiple_of3A_2093 = tpu.assume_multiple %squeeze3A_2092, 128 : i32
        %slice3A_2094 = vector.extract_strided_slice %mul3A_2090 {offsets = [0], sizes = [1], strides = [1]} : vector<16xi32> to vector<1xi32>
        %squeeze3A_2095 = vector.extract %slice3A_2094[0] : i32 from vector<1xi32>
        %multiple_of3A_2096 = tpu.assume_multiple %squeeze3A_2095, 128 : i32
        %dma_start3A_2097 = arith.constant 3 : i32
        %dma_start3A_2098 = arith.constant 0 : i32
        %dma_start3A_2099 = arith.constant 0 : i32
        %dma_start3A_2100 = arith.constant 0 : i32
        %dma_start3A_2101 = tpu.memref_slice %arg9[%dma_start3A_2097, %dma_start3A_2098, %dma_start3A_2099, %dma_start3A_2100] : memref<4x2x32x128xf32, #tpu.memory_space<vmem>> -> memref<1x1x32x128xf32, #tpu.memory_space<vmem>>
        %dma_start3A_2102 = tpu.memref_squeeze %dma_start3A_2101 : memref<1x1x32x128xf32, #tpu.memory_space<vmem>> -> memref<32x128xf32, #tpu.memory_space<vmem>>
        %dma_start3A_2103 = arith.constant 0 : i32
        %dma_start3A_2104 = tpu.memref_slice %arg4[%dma_start3A_2103, %multiple_of3A_2093] : memref<32x1000000xf32, #tpu.memory_space<hbm>> -> memref<32x128xf32, #tpu.memory_space<hbm>>
        %dma_start3A_2105 = arith.constant 0 : i32
        %dma_start3A_2106 = arith.constant 0 : i32
        %dma_start3A_2107 = tpu.memref_slice %arg9[%dma_start3A_2097, %dma_start3A_2098, %dma_start3A_2105, %dma_start3A_2106] : memref<4x2x32x128xf32, #tpu.memory_space<vmem>> -> memref<1x1x32x128xf32, #tpu.memory_space<vmem>>
        %dma_start3A_2108 = tpu.memref_squeeze %dma_start3A_2107 : memref<1x1x32x128xf32, #tpu.memory_space<vmem>> -> memref<32x128xf32, #tpu.memory_space<vmem>>
        %dma_start3A_2109 = arith.constant 0 : i32
        %dma_start3A_2110 = tpu.memref_slice %arg4[%dma_start3A_2109, %multiple_of3A_2093] : memref<32x1000000xf32, #tpu.memory_space<hbm>> -> memref<32x128xf32, #tpu.memory_space<hbm>>
        tpu.enqueue_dma source(%dma_start3A_2110 : memref<32x128xf32, #tpu.memory_space<hbm>>) target(%dma_start3A_2108 : memref<32x128xf32, #tpu.memory_space<vmem>>) target_semaphore(%arg18 : memref<!tpu.dma_semaphore, #tpu.memory_space<semaphore_mem>>)
        %dma_start3A_2111 = arith.constant 3 : i32
        %dma_start3A_2112 = arith.constant 0 : i32
        %dma_start3A_2113 = arith.constant 0 : i32
        %dma_start3A_2114 = arith.constant 0 : i32
        %dma_start3A_2115 = tpu.memref_slice %arg10[%dma_start3A_2111, %dma_start3A_2112, %dma_start3A_2113, %dma_start3A_2114] : memref<4x2x32x128xf32, #tpu.memory_space<vmem>> -> memref<1x1x32x128xf32, #tpu.memory_space<vmem>>
        %dma_start3A_2116 = tpu.memref_squeeze %dma_start3A_2115 : memref<1x1x32x128xf32, #tpu.memory_space<vmem>> -> memref<32x128xf32, #tpu.memory_space<vmem>>
        %dma_start3A_2117 = arith.constant 0 : i32
        %dma_start3A_2118 = tpu.memref_slice %arg5[%dma_start3A_2117, %multiple_of3A_2096] : memref<32x1000000xf32, #tpu.memory_space<hbm>> -> memref<32x128xf32, #tpu.memory_space<hbm>>
        %dma_start3A_2119 = arith.constant 0 : i32
        %dma_start3A_2120 = arith.constant 0 : i32
        %dma_start3A_2121 = tpu.memref_slice %arg10[%dma_start3A_2111, %dma_start3A_2112, %dma_start3A_2119, %dma_start3A_2120] : memref<4x2x32x128xf32, #tpu.memory_space<vmem>> -> memref<1x1x32x128xf32, #tpu.memory_space<vmem>>
        %dma_start3A_2122 = tpu.memref_squeeze %dma_start3A_2121 : memref<1x1x32x128xf32, #tpu.memory_space<vmem>> -> memref<32x128xf32, #tpu.memory_space<vmem>>
        %dma_start3A_2123 = arith.constant 0 : i32
        %dma_start3A_2124 = tpu.memref_slice %arg5[%dma_start3A_2123, %multiple_of3A_2096] : memref<32x1000000xf32, #tpu.memory_space<hbm>> -> memref<32x128xf32, #tpu.memory_space<hbm>>
        tpu.enqueue_dma source(%dma_start3A_2124 : memref<32x128xf32, #tpu.memory_space<hbm>>) target(%dma_start3A_2122 : memref<32x128xf32, #tpu.memory_space<vmem>>) target_semaphore(%arg19 : memref<!tpu.dma_semaphore, #tpu.memory_space<semaphore_mem>>)
        %slice3A_2125 = vector.extract_strided_slice %mul3A_2054 {offsets = [1], sizes = [1], strides = [1]} : vector<16xi32> to vector<1xi32>
        %squeeze3A_2126 = vector.extract %slice3A_2125[0] : i32 from vector<1xi32>
        %multiple_of3A_2127 = tpu.assume_multiple %squeeze3A_2126, 128 : i32
        %slice3A_2128 = vector.extract_strided_slice %mul3A_2090 {offsets = [1], sizes = [1], strides = [1]} : vector<16xi32> to vector<1xi32>
        %squeeze3A_2129 = vector.extract %slice3A_2128[0] : i32 from vector<1xi32>
        %multiple_of3A_2130 = tpu.assume_multiple %squeeze3A_2129, 128 : i32
        %dma_start3A_2131 = arith.constant 3 : i32
        %dma_start3A_2132 = arith.constant 1 : i32
        %dma_start3A_2133 = arith.constant 0 : i32
        %dma_start3A_2134 = arith.constant 0 : i32
        %dma_start3A_2135 = tpu.memref_slice %arg9[%dma_start3A_2131, %dma_start3A_2132, %dma_start3A_2133, %dma_start3A_2134] : memref<4x2x32x128xf32, #tpu.memory_space<vmem>> -> memref<1x1x32x128xf32, #tpu.memory_space<vmem>>
        %dma_start3A_2136 = tpu.memref_squeeze %dma_start3A_2135 : memref<1x1x32x128xf32, #tpu.memory_space<vmem>> -> memref<32x128xf32, #tpu.memory_space<vmem>>
        %dma_start3A_2137 = arith.constant 0 : i32
        %dma_start3A_2138 = tpu.memref_slice %arg4[%dma_start3A_2137, %multiple_of3A_2127] : memref<32x1000000xf32, #tpu.memory_space<hbm>> -> memref<32x128xf32, #tpu.memory_space<hbm>>
        %dma_start3A_2139 = arith.constant 0 : i32
        %dma_start3A_2140 = arith.constant 0 : i32
        %dma_start3A_2141 = tpu.memref_slice %arg9[%dma_start3A_2131, %dma_start3A_2132, %dma_start3A_2139, %dma_start3A_2140] : memref<4x2x32x128xf32, #tpu.memory_space<vmem>> -> memref<1x1x32x128xf32, #tpu.memory_space<vmem>>
        %dma_start3A_2142 = tpu.memref_squeeze %dma_start3A_2141 : memref<1x1x32x128xf32, #tpu.memory_space<vmem>> -> memref<32x128xf32, #tpu.memory_space<vmem>>
        %dma_start3A_2143 = arith.constant 0 : i32
        %dma_start3A_2144 = tpu.memref_slice %arg4[%dma_start3A_2143, %multiple_of3A_2127] : memref<32x1000000xf32, #tpu.memory_space<hbm>> -> memref<32x128xf32, #tpu.memory_space<hbm>>
        tpu.enqueue_dma source(%dma_start3A_2144 : memref<32x128xf32, #tpu.memory_space<hbm>>) target(%dma_start3A_2142 : memref<32x128xf32, #tpu.memory_space<vmem>>) target_semaphore(%arg18 : memref<!tpu.dma_semaphore, #tpu.memory_space<semaphore_mem>>)
        %dma_start3A_2145 = arith.constant 3 : i32
        %dma_start3A_2146 = arith.constant 1 : i32
        %dma_start3A_2147 = arith.constant 0 : i32
        %dma_start3A_2148 = arith.constant 0 : i32
        %dma_start3A_2149 = tpu.memref_slice %arg10[%dma_start3A_2145, %dma_start3A_2146, %dma_start3A_2147, %dma_start3A_2148] : memref<4x2x32x128xf32, #tpu.memory_space<vmem>> -> memref<1x1x32x128xf32, #tpu.memory_space<vmem>>
        %dma_start3A_2150 = tpu.memref_squeeze %dma_start3A_2149 : memref<1x1x32x128xf32, #tpu.memory_space<vmem>> -> memref<32x128xf32, #tpu.memory_space<vmem>>
        %dma_start3A_2151 = arith.constant 0 : i32
        %dma_start3A_2152 = tpu.memref_slice %arg5[%dma_start3A_2151, %multiple_of3A_2130] : memref<32x1000000xf32, #tpu.memory_space<hbm>> -> memref<32x128xf32, #tpu.memory_space<hbm>>
        %dma_start3A_2153 = arith.constant 0 : i32
        %dma_start3A_2154 = arith.constant 0 : i32
        %dma_start3A_2155 = tpu.memref_slice %arg10[%dma_start3A_2145, %dma_start3A_2146, %dma_start3A_2153, %dma_start3A_2154] : memref<4x2x32x128xf32, #tpu.memory_space<vmem>> -> memref<1x1x32x128xf32, #tpu.memory_space<vmem>>
        %dma_start3A_2156 = tpu.memref_squeeze %dma_start3A_2155 : memref<1x1x32x128xf32, #tpu.memory_space<vmem>> -> memref<32x128xf32, #tpu.memory_space<vmem>>
        %dma_start3A_2157 = arith.constant 0 : i32
        %dma_start3A_2158 = tpu.memref_slice %arg5[%dma_start3A_2157, %multiple_of3A_2130] : memref<32x1000000xf32, #tpu.memory_space<hbm>> -> memref<32x128xf32, #tpu.memory_space<hbm>>
        tpu.enqueue_dma source(%dma_start3A_2158 : memref<32x128xf32, #tpu.memory_space<hbm>>) target(%dma_start3A_2156 : memref<32x128xf32, #tpu.memory_space<vmem>>) target_semaphore(%arg19 : memref<!tpu.dma_semaphore, #tpu.memory_space<semaphore_mem>>)
      } else {
      }
      %dma_wait3A = arith.constant 0 : i32
      %dma_wait3A_427 = arith.constant 0 : i32
      %dma_wait3A_428 = arith.constant 0 : i32
      %dma_wait3A_429 = arith.constant 0 : i32
      %dma_wait3A_430 = tpu.memref_slice %arg9[%dma_wait3A, %dma_wait3A_427, %dma_wait3A_428, %dma_wait3A_429] : memref<4x2x32x128xf32, #tpu.memory_space<vmem>> -> memref<1x1x32x128xf32, #tpu.memory_space<vmem>>
      %dma_wait3A_431 = tpu.memref_squeeze %dma_wait3A_430 : memref<1x1x32x128xf32, #tpu.memory_space<vmem>> -> memref<32x128xf32, #tpu.memory_space<vmem>>
      %dma_wait3A_432 = arith.constant 0 : i32
      %dma_wait3A_433 = arith.constant 0 : i32
      %dma_wait3A_434 = tpu.memref_slice %arg4[%dma_wait3A_432, %dma_wait3A_433] : memref<32x1000000xf32, #tpu.memory_space<hbm>> -> memref<32x128xf32, #tpu.memory_space<hbm>>
      %dma_wait3A_435 = arith.constant 0 : i32
      %dma_wait3A_436 = arith.constant 0 : i32
      %dma_wait3A_437 = tpu.memref_slice %arg9[%dma_wait3A, %dma_wait3A_427, %dma_wait3A_435, %dma_wait3A_436] : memref<4x2x32x128xf32, #tpu.memory_space<vmem>> -> memref<1x1x32x128xf32, #tpu.memory_space<vmem>>
      %dma_wait3A_438 = tpu.memref_squeeze %dma_wait3A_437 : memref<1x1x32x128xf32, #tpu.memory_space<vmem>> -> memref<32x128xf32, #tpu.memory_space<vmem>>
      %dma_wait3A_439 = arith.constant 0 : i32
      %dma_wait3A_440 = arith.constant 0 : i32
      %dma_wait3A_441 = tpu.memref_slice %arg4[%dma_wait3A_439, %dma_wait3A_440] : memref<32x1000000xf32, #tpu.memory_space<hbm>> -> memref<32x128xf32, #tpu.memory_space<hbm>>
      tpu.wait_dma2 semaphore(%arg12 : memref<!tpu.dma_semaphore, #tpu.memory_space<semaphore_mem>>) src(%dma_wait3A_441 : memref<32x128xf32, #tpu.memory_space<hbm>>) dst(%dma_wait3A_438 : memref<32x128xf32, #tpu.memory_space<vmem>>)
      %dma_wait3A_442 = arith.constant 0 : i32
      %dma_wait3A_443 = arith.constant 0 : i32
      %dma_wait3A_444 = arith.constant 0 : i32
      %dma_wait3A_445 = arith.constant 0 : i32
      %dma_wait3A_446 = tpu.memref_slice %arg10[%dma_wait3A_442, %dma_wait3A_443, %dma_wait3A_444, %dma_wait3A_445] : memref<4x2x32x128xf32, #tpu.memory_space<vmem>> -> memref<1x1x32x128xf32, #tpu.memory_space<vmem>>
      %dma_wait3A_447 = tpu.memref_squeeze %dma_wait3A_446 : memref<1x1x32x128xf32, #tpu.memory_space<vmem>> -> memref<32x128xf32, #tpu.memory_space<vmem>>
      %dma_wait3A_448 = arith.constant 0 : i32
      %dma_wait3A_449 = arith.constant 0 : i32
      %dma_wait3A_450 = tpu.memref_slice %arg5[%dma_wait3A_448, %dma_wait3A_449] : memref<32x1000000xf32, #tpu.memory_space<hbm>> -> memref<32x128xf32, #tpu.memory_space<hbm>>
      %dma_wait3A_451 = arith.constant 0 : i32
      %dma_wait3A_452 = arith.constant 0 : i32
      %dma_wait3A_453 = tpu.memref_slice %arg10[%dma_wait3A_442, %dma_wait3A_443, %dma_wait3A_451, %dma_wait3A_452] : memref<4x2x32x128xf32, #tpu.memory_space<vmem>> -> memref<1x1x32x128xf32, #tpu.memory_space<vmem>>
      %dma_wait3A_454 = tpu.memref_squeeze %dma_wait3A_453 : memref<1x1x32x128xf32, #tpu.memory_space<vmem>> -> memref<32x128xf32, #tpu.memory_space<vmem>>
      %dma_wait3A_455 = arith.constant 0 : i32
      %dma_wait3A_456 = arith.constant 0 : i32
      %dma_wait3A_457 = tpu.memref_slice %arg5[%dma_wait3A_455, %dma_wait3A_456] : memref<32x1000000xf32, #tpu.memory_space<hbm>> -> memref<32x128xf32, #tpu.memory_space<hbm>>
      tpu.wait_dma2 semaphore(%arg13 : memref<!tpu.dma_semaphore, #tpu.memory_space<semaphore_mem>>) src(%dma_wait3A_457 : memref<32x128xf32, #tpu.memory_space<hbm>>) dst(%dma_wait3A_454 : memref<32x128xf32, #tpu.memory_space<vmem>>)
      %dma_wait3A_458 = arith.constant 0 : i32
      %dma_wait3A_459 = arith.constant 1 : i32
      %dma_wait3A_460 = arith.constant 0 : i32
      %dma_wait3A_461 = arith.constant 0 : i32
      %dma_wait3A_462 = tpu.memref_slice %arg9[%dma_wait3A_458, %dma_wait3A_459, %dma_wait3A_460, %dma_wait3A_461] : memref<4x2x32x128xf32, #tpu.memory_space<vmem>> -> memref<1x1x32x128xf32, #tpu.memory_space<vmem>>
      %dma_wait3A_463 = tpu.memref_squeeze %dma_wait3A_462 : memref<1x1x32x128xf32, #tpu.memory_space<vmem>> -> memref<32x128xf32, #tpu.memory_space<vmem>>
      %dma_wait3A_464 = arith.constant 0 : i32
      %dma_wait3A_465 = arith.constant 0 : i32
      %dma_wait3A_466 = tpu.memref_slice %arg4[%dma_wait3A_464, %dma_wait3A_465] : memref<32x1000000xf32, #tpu.memory_space<hbm>> -> memref<32x128xf32, #tpu.memory_space<hbm>>
      %dma_wait3A_467 = arith.constant 0 : i32
      %dma_wait3A_468 = arith.constant 0 : i32
      %dma_wait3A_469 = tpu.memref_slice %arg9[%dma_wait3A_458, %dma_wait3A_459, %dma_wait3A_467, %dma_wait3A_468] : memref<4x2x32x128xf32, #tpu.memory_space<vmem>> -> memref<1x1x32x128xf32, #tpu.memory_space<vmem>>
      %dma_wait3A_470 = tpu.memref_squeeze %dma_wait3A_469 : memref<1x1x32x128xf32, #tpu.memory_space<vmem>> -> memref<32x128xf32, #tpu.memory_space<vmem>>
      %dma_wait3A_471 = arith.constant 0 : i32
      %dma_wait3A_472 = arith.constant 0 : i32
      %dma_wait3A_473 = tpu.memref_slice %arg4[%dma_wait3A_471, %dma_wait3A_472] : memref<32x1000000xf32, #tpu.memory_space<hbm>> -> memref<32x128xf32, #tpu.memory_space<hbm>>
      tpu.wait_dma2 semaphore(%arg12 : memref<!tpu.dma_semaphore, #tpu.memory_space<semaphore_mem>>) src(%dma_wait3A_473 : memref<32x128xf32, #tpu.memory_space<hbm>>) dst(%dma_wait3A_470 : memref<32x128xf32, #tpu.memory_space<vmem>>)
      %dma_wait3A_474 = arith.constant 0 : i32
      %dma_wait3A_475 = arith.constant 1 : i32
      %dma_wait3A_476 = arith.constant 0 : i32
      %dma_wait3A_477 = arith.constant 0 : i32
      %dma_wait3A_478 = tpu.memref_slice %arg10[%dma_wait3A_474, %dma_wait3A_475, %dma_wait3A_476, %dma_wait3A_477] : memref<4x2x32x128xf32, #tpu.memory_space<vmem>> -> memref<1x1x32x128xf32, #tpu.memory_space<vmem>>
      %dma_wait3A_479 = tpu.memref_squeeze %dma_wait3A_478 : memref<1x1x32x128xf32, #tpu.memory_space<vmem>> -> memref<32x128xf32, #tpu.memory_space<vmem>>
      %dma_wait3A_480 = arith.constant 0 : i32
      %dma_wait3A_481 = arith.constant 0 : i32
      %dma_wait3A_482 = tpu.memref_slice %arg5[%dma_wait3A_480, %dma_wait3A_481] : memref<32x1000000xf32, #tpu.memory_space<hbm>> -> memref<32x128xf32, #tpu.memory_space<hbm>>
      %dma_wait3A_483 = arith.constant 0 : i32
      %dma_wait3A_484 = arith.constant 0 : i32
      %dma_wait3A_485 = tpu.memref_slice %arg10[%dma_wait3A_474, %dma_wait3A_475, %dma_wait3A_483, %dma_wait3A_484] : memref<4x2x32x128xf32, #tpu.memory_space<vmem>> -> memref<1x1x32x128xf32, #tpu.memory_space<vmem>>
      %dma_wait3A_486 = tpu.memref_squeeze %dma_wait3A_485 : memref<1x1x32x128xf32, #tpu.memory_space<vmem>> -> memref<32x128xf32, #tpu.memory_space<vmem>>
      %dma_wait3A_487 = arith.constant 0 : i32
      %dma_wait3A_488 = arith.constant 0 : i32
      %dma_wait3A_489 = tpu.memref_slice %arg5[%dma_wait3A_487, %dma_wait3A_488] : memref<32x1000000xf32, #tpu.memory_space<hbm>> -> memref<32x128xf32, #tpu.memory_space<hbm>>
      tpu.wait_dma2 semaphore(%arg13 : memref<!tpu.dma_semaphore, #tpu.memory_space<semaphore_mem>>) src(%dma_wait3A_489 : memref<32x128xf32, #tpu.memory_space<hbm>>) dst(%dma_wait3A_486 : memref<32x128xf32, #tpu.memory_space<vmem>>)
      %mul3A_490 = arith.constant 2 : i32
      %mul3A_491 = arith.muli %add3A_420, %mul3A_490 : i32
      %get3A_492 = arith.index_cast %mul3A_491 : i32 to index
      %get3A_493 = tpu.vector_load %arg7[%get3A_492] {strides = array<i32>} : memref<528xi32, #tpu.memory_space<vmem>>, vector<16xi32>,
      %rem3A_494 = arith.constant 128 : i32
      %rem3A_495 = vector.broadcast %rem3A_494 : i32 to vector<16xi32>
      %rem3A_496 = arith.remsi %get3A_493, %rem3A_495 : vector<16xi32>
      %get3A_497 = arith.index_cast %mul3A_491 : i32 to index
      %get3A_498 = tpu.vector_load %arg8[%get3A_497] {strides = array<i32>} : memref<528xi32, #tpu.memory_space<vmem>>, vector<16xi32>,
      %rem3A_499 = arith.constant 128 : i32
      %rem3A_500 = vector.broadcast %rem3A_499 : i32 to vector<16xi32>
      %rem3A_501 = arith.remsi %get3A_498, %rem3A_500 : vector<16xi32>
      %add3A_502 = arith.constant 16 : i32
      %add3A_503 = vector.broadcast %add3A_502 : i32 to vector<16xi32>
      %add3A_504 = arith.addi %iota3A, %add3A_503 : vector<16xi32>
      %broadcast_in_dim3A_505 = arith.constant 0 : i32
      %broadcast_in_dim3A_506 = vector.broadcast %broadcast_in_dim3A_505 : i32 to vector<16xi32>
      %broadcast_in_dim3A_507 = arith.constant 1 : i32
      %broadcast_in_dim3A_508 = vector.broadcast %broadcast_in_dim3A_507 : i32 to vector<16xi32>
      %slice3A_509 = vector.extract_strided_slice %rem3A_496 {offsets = [0], sizes = [1], strides = [1]} : vector<16xi32> to vector<1xi32>
      %squeeze3A_510 = vector.extract %slice3A_509[0] : i32 from vector<1xi32>
      %mul3A_511 = vector.broadcast %squeeze3A_510 : i32 to vector<16xi32>
      %mul3A_512 = arith.muli %broadcast_in_dim3A_508, %mul3A_511 : vector<16xi32>
      %broadcast_in_dim3A_513 = arith.constant 1 : i32
      %broadcast_in_dim3A_514 = vector.broadcast %broadcast_in_dim3A_513 : i32 to vector<16xi32>
      %slice3A_515 = vector.extract_strided_slice %rem3A_501 {offsets = [0], sizes = [1], strides = [1]} : vector<16xi32> to vector<1xi32>
      %squeeze3A_516 = vector.extract %slice3A_515[0] : i32 from vector<1xi32>
      %mul3A_517 = vector.broadcast %squeeze3A_516 : i32 to vector<16xi32>
      %mul3A_518 = arith.muli %broadcast_in_dim3A_514, %mul3A_517 : vector<16xi32>
      %gather3A = arith.constant 0 : i32
      %gather3A_519 = arith.constant 0 : i32
      %gather3A_520 = arith.constant 0 : i32
      %gather3A_521 = arith.constant 0 : i32
      %gather3A_522 = tpu.memref_slice %arg9[%gather3A, %gather3A_519, %gather3A_520, %gather3A_521] : memref<4x2x32x128xf32, #tpu.memory_space<vmem>> -> memref<1x2x32x128xf32, #tpu.memory_space<vmem>>
      %gather3A_523 = tpu.memref_squeeze %gather3A_522 : memref<1x2x32x128xf32, #tpu.memory_space<vmem>> -> memref<2x32x128xf32, #tpu.memory_space<vmem>>
      %gather3A_524 = tpu.vector_load_idx %gather3A_523[%broadcast_in_dim3A_506, %iota3A, %mul3A_512] : memref<2x32x128xf32, #tpu.memory_space<vmem>>[vector<16xi32>, vector<16xi32>, vector<16xi32>], vector<16xf32>,
      %gather3A_525 = arith.constant 0 : i32
      %gather3A_526 = arith.constant 0 : i32
      %gather3A_527 = arith.constant 0 : i32
      %gather3A_528 = arith.constant 0 : i32
      %gather3A_529 = tpu.memref_slice %arg10[%gather3A_525, %gather3A_526, %gather3A_527, %gather3A_528] : memref<4x2x32x128xf32, #tpu.memory_space<vmem>> -> memref<1x2x32x128xf32, #tpu.memory_space<vmem>>
      %gather3A_530 = tpu.memref_squeeze %gather3A_529 : memref<1x2x32x128xf32, #tpu.memory_space<vmem>> -> memref<2x32x128xf32, #tpu.memory_space<vmem>>
      %gather3A_531 = tpu.vector_load_idx %gather3A_530[%broadcast_in_dim3A_506, %iota3A, %mul3A_518] : memref<2x32x128xf32, #tpu.memory_space<vmem>>[vector<16xi32>, vector<16xi32>, vector<16xi32>], vector<16xf32>,
      %mul3A_532 = arith.mulf %gather3A_524, %gather3A_531 : vector<16xf32>
      %gather3A_533 = arith.constant 0 : i32
      %gather3A_534 = arith.constant 0 : i32
      %gather3A_535 = arith.constant 0 : i32
      %gather3A_536 = arith.constant 0 : i32
      %gather3A_537 = tpu.memref_slice %arg9[%gather3A_533, %gather3A_534, %gather3A_535, %gather3A_536] : memref<4x2x32x128xf32, #tpu.memory_space<vmem>> -> memref<1x2x32x128xf32, #tpu.memory_space<vmem>>
      %gather3A_538 = tpu.memref_squeeze %gather3A_537 : memref<1x2x32x128xf32, #tpu.memory_space<vmem>> -> memref<2x32x128xf32, #tpu.memory_space<vmem>>
      %gather3A_539 = tpu.vector_load_idx %gather3A_538[%broadcast_in_dim3A_506, %add3A_504, %mul3A_512] : memref<2x32x128xf32, #tpu.memory_space<vmem>>[vector<16xi32>, vector<16xi32>, vector<16xi32>], vector<16xf32>,
      %gather3A_540 = arith.constant 0 : i32
      %gather3A_541 = arith.constant 0 : i32
      %gather3A_542 = arith.constant 0 : i32
      %gather3A_543 = arith.constant 0 : i32
      %gather3A_544 = tpu.memref_slice %arg10[%gather3A_540, %gather3A_541, %gather3A_542, %gather3A_543] : memref<4x2x32x128xf32, #tpu.memory_space<vmem>> -> memref<1x2x32x128xf32, #tpu.memory_space<vmem>>
      %gather3A_545 = tpu.memref_squeeze %gather3A_544 : memref<1x2x32x128xf32, #tpu.memory_space<vmem>> -> memref<2x32x128xf32, #tpu.memory_space<vmem>>
      %gather3A_546 = tpu.vector_load_idx %gather3A_545[%broadcast_in_dim3A_506, %add3A_504, %mul3A_518] : memref<2x32x128xf32, #tpu.memory_space<vmem>>[vector<16xi32>, vector<16xi32>, vector<16xi32>], vector<16xf32>,
      %mul3A_547 = arith.mulf %gather3A_539, %gather3A_546 : vector<16xf32>
      %add3A_548 = arith.addf %mul3A_532, %mul3A_547 : vector<16xf32>
      %eq3A = arith.constant 0 : i32
      %eq3A_549 = vector.broadcast %eq3A : i32 to vector<16xi32>
      %eq3A_550 = arith.cmpi eq, %iota3A, %eq3A_549 : vector<16xi32>
      %reduce_sum3A = arith.constant true
      %reduce_sum3A_551 = vector.broadcast %reduce_sum3A : i1 to vector<16xi1>
      %reduce_sum3A_552 = tpu.scan <sum>, %add3A_548 masked %reduce_sum3A_551 : vector<16xf32>, vector<16xi1> -> vector<16xf32>
      %reduce_sum3A_553 = vector.extract %reduce_sum3A_552[15] : f32 from vector<16xf32>
      %broadcast_in_dim3A_554 = vector.broadcast %reduce_sum3A_553 : f32 to vector<16xf32>
      %select_n3A_555 = arith.select %eq3A_550, %broadcast_in_dim3A_554, %broadcast_in_dim3A_416 : vector<16xi1>, vector<16xf32>
      %broadcast_in_dim3A_556 = arith.constant 1 : i32
      %broadcast_in_dim3A_557 = vector.broadcast %broadcast_in_dim3A_556 : i32 to vector<16xi32>
      %broadcast_in_dim3A_558 = arith.constant 1 : i32
      %broadcast_in_dim3A_559 = vector.broadcast %broadcast_in_dim3A_558 : i32 to vector<16xi32>
      %slice3A_560 = vector.extract_strided_slice %rem3A_496 {offsets = [1], sizes = [1], strides = [1]} : vector<16xi32> to vector<1xi32>
      %squeeze3A_561 = vector.extract %slice3A_560[0] : i32 from vector<1xi32>
      %mul3A_562 = vector.broadcast %squeeze3A_561 : i32 to vector<16xi32>
      %mul3A_563 = arith.muli %broadcast_in_dim3A_559, %mul3A_562 : vector<16xi32>
      %broadcast_in_dim3A_564 = arith.constant 1 : i32
      %broadcast_in_dim3A_565 = vector.broadcast %broadcast_in_dim3A_564 : i32 to vector<16xi32>
      %slice3A_566 = vector.extract_strided_slice %rem3A_501 {offsets = [1], sizes = [1], strides = [1]} : vector<16xi32> to vector<1xi32>
      %squeeze3A_567 = vector.extract %slice3A_566[0] : i32 from vector<1xi32>
      %mul3A_568 = vector.broadcast %squeeze3A_567 : i32 to vector<16xi32>
      %mul3A_569 = arith.muli %broadcast_in_dim3A_565, %mul3A_568 : vector<16xi32>
      %gather3A_570 = arith.constant 0 : i32
      %gather3A_571 = arith.constant 0 : i32
      %gather3A_572 = arith.constant 0 : i32
      %gather3A_573 = arith.constant 0 : i32
      %gather3A_574 = tpu.memref_slice %arg9[%gather3A_570, %gather3A_571, %gather3A_572, %gather3A_573] : memref<4x2x32x128xf32, #tpu.memory_space<vmem>> -> memref<1x2x32x128xf32, #tpu.memory_space<vmem>>
      %gather3A_575 = tpu.memref_squeeze %gather3A_574 : memref<1x2x32x128xf32, #tpu.memory_space<vmem>> -> memref<2x32x128xf32, #tpu.memory_space<vmem>>
      %gather3A_576 = tpu.vector_load_idx %gather3A_575[%broadcast_in_dim3A_557, %iota3A, %mul3A_563] : memref<2x32x128xf32, #tpu.memory_space<vmem>>[vector<16xi32>, vector<16xi32>, vector<16xi32>], vector<16xf32>,
      %gather3A_577 = arith.constant 0 : i32
      %gather3A_578 = arith.constant 0 : i32
      %gather3A_579 = arith.constant 0 : i32
      %gather3A_580 = arith.constant 0 : i32
      %gather3A_581 = tpu.memref_slice %arg10[%gather3A_577, %gather3A_578, %gather3A_579, %gather3A_580] : memref<4x2x32x128xf32, #tpu.memory_space<vmem>> -> memref<1x2x32x128xf32, #tpu.memory_space<vmem>>
      %gather3A_582 = tpu.memref_squeeze %gather3A_581 : memref<1x2x32x128xf32, #tpu.memory_space<vmem>> -> memref<2x32x128xf32, #tpu.memory_space<vmem>>
      %gather3A_583 = tpu.vector_load_idx %gather3A_582[%broadcast_in_dim3A_557, %iota3A, %mul3A_569] : memref<2x32x128xf32, #tpu.memory_space<vmem>>[vector<16xi32>, vector<16xi32>, vector<16xi32>], vector<16xf32>,
      %mul3A_584 = arith.mulf %gather3A_576, %gather3A_583 : vector<16xf32>
      %gather3A_585 = arith.constant 0 : i32
      %gather3A_586 = arith.constant 0 : i32
      %gather3A_587 = arith.constant 0 : i32
      %gather3A_588 = arith.constant 0 : i32
      %gather3A_589 = tpu.memref_slice %arg9[%gather3A_585, %gather3A_586, %gather3A_587, %gather3A_588] : memref<4x2x32x128xf32, #tpu.memory_space<vmem>> -> memref<1x2x32x128xf32, #tpu.memory_space<vmem>>
      %gather3A_590 = tpu.memref_squeeze %gather3A_589 : memref<1x2x32x128xf32, #tpu.memory_space<vmem>> -> memref<2x32x128xf32, #tpu.memory_space<vmem>>
      %gather3A_591 = tpu.vector_load_idx %gather3A_590[%broadcast_in_dim3A_557, %add3A_504, %mul3A_563] : memref<2x32x128xf32, #tpu.memory_space<vmem>>[vector<16xi32>, vector<16xi32>, vector<16xi32>], vector<16xf32>,
      %gather3A_592 = arith.constant 0 : i32
      %gather3A_593 = arith.constant 0 : i32
      %gather3A_594 = arith.constant 0 : i32
      %gather3A_595 = arith.constant 0 : i32
      %gather3A_596 = tpu.memref_slice %arg10[%gather3A_592, %gather3A_593, %gather3A_594, %gather3A_595] : memref<4x2x32x128xf32, #tpu.memory_space<vmem>> -> memref<1x2x32x128xf32, #tpu.memory_space<vmem>>
      %gather3A_597 = tpu.memref_squeeze %gather3A_596 : memref<1x2x32x128xf32, #tpu.memory_space<vmem>> -> memref<2x32x128xf32, #tpu.memory_space<vmem>>
      %gather3A_598 = tpu.vector_load_idx %gather3A_597[%broadcast_in_dim3A_557, %add3A_504, %mul3A_569] : memref<2x32x128xf32, #tpu.memory_space<vmem>>[vector<16xi32>, vector<16xi32>, vector<16xi32>], vector<16xf32>,
      %mul3A_599 = arith.mulf %gather3A_591, %gather3A_598 : vector<16xf32>
      %add3A_600 = arith.addf %mul3A_584, %mul3A_599 : vector<16xf32>
      %eq3A_601 = arith.constant 1 : i32
      %eq3A_602 = vector.broadcast %eq3A_601 : i32 to vector<16xi32>
      %eq3A_603 = arith.cmpi eq, %iota3A, %eq3A_602 : vector<16xi32>
      %reduce_sum3A_604 = arith.constant true
      %reduce_sum3A_605 = vector.broadcast %reduce_sum3A_604 : i1 to vector<16xi1>
      %reduce_sum3A_606 = tpu.scan <sum>, %add3A_600 masked %reduce_sum3A_605 : vector<16xf32>, vector<16xi1> -> vector<16xf32>
      %reduce_sum3A_607 = vector.extract %reduce_sum3A_606[15] : f32 from vector<16xf32>
      %broadcast_in_dim3A_608 = vector.broadcast %reduce_sum3A_607 : f32 to vector<16xf32>
      %select_n3A_609 = arith.select %eq3A_603, %broadcast_in_dim3A_608, %select_n3A_555 : vector<16xi1>, vector<16xf32>
      %mul3A_610 = arith.constant 8 : i32
      %mul3A_611 = arith.muli %mul3A_610, %scan3A_415 : i32
      %add3A_612 = arith.constant 1 : i32
      %add3A_613 = arith.addi %mul3A_611, %add3A_612 : i32
      %add3A_614 = arith.constant 4 : i32
      %add3A_615 = arith.addi %add3A_613, %add3A_614 : i32
      %sub3A_616 = arith.constant 1 : i32
      %sub3A_617 = arith.subi %add3A_615, %sub3A_616 : i32
      %lt3A_618 = arith.constant 256 : i32
      %lt3A_619 = arith.cmpi slt, %sub3A_617, %lt3A_618 : i32
      %convert_element_type3A_620 = arith.extui %lt3A_619 : i1 to i32
      %cond3A_621 = arith.constant 0 : i32
      %cond3A_622 = arith.cmpi ne, %convert_element_type3A_620, %cond3A_621 : i32
      scf.if %cond3A_622 {
        %add3A_2013 = arith.constant 4 : i32
        %add3A_2014 = arith.addi %add3A_613, %add3A_2013 : i32
        %sub3A_2015 = arith.constant 1 : i32
        %sub3A_2016 = arith.subi %add3A_2014, %sub3A_2015 : i32
        %mul3A_2017 = arith.constant 2 : i32
        %mul3A_2018 = arith.muli %sub3A_2016, %mul3A_2017 : i32
        %get3A_2019 = arith.index_cast %mul3A_2018 : i32 to index
        %get3A_2020 = tpu.vector_load %arg7[%get3A_2019] {strides = array<i32>} : memref<528xi32, #tpu.memory_space<vmem>>, vector<16xi32>,
        %jit3A_2021 = arith.constant 128 : i32
        %div3A_2022 = vector.broadcast %jit3A_2021 : i32 to vector<16xi32>
        %div3A_2023 = arith.divsi %get3A_2020, %div3A_2022 : vector<16xi32>
        %sign3A_2024 = arith.constant 0 : i32
        %sign3A_2025 = vector.broadcast %sign3A_2024 : i32 to vector<16xi32>
        %sign3A_2026 = arith.cmpi sgt, %get3A_2020, %sign3A_2025 : vector<16xi32>
        %sign3A_2027 = arith.extui %sign3A_2026 : vector<16xi1> to vector<16xi32>
        %sign3A_2028 = arith.constant 0 : i32
        %sign3A_2029 = vector.broadcast %sign3A_2028 : i32 to vector<16xi32>
        %sign3A_2030 = arith.cmpi slt, %get3A_2020, %sign3A_2029 : vector<16xi32>
        %sign3A_2031 = arith.extui %sign3A_2030 : vector<16xi1> to vector<16xi32>
        %sign3A_2032 = arith.subi %sign3A_2027, %sign3A_2031 : vector<16xi32>
        %sign3A_2033 = arith.constant 0 : i32
        %sign3A_2034 = arith.cmpi sgt, %jit3A_2021, %sign3A_2033 : i32
        %sign3A_2035 = arith.extui %sign3A_2034 : i1 to i32
        %sign3A_2036 = arith.constant 0 : i32
        %sign3A_2037 = arith.cmpi slt, %jit3A_2021, %sign3A_2036 : i32
        %sign3A_2038 = arith.extui %sign3A_2037 : i1 to i32
        %sign3A_2039 = arith.subi %sign3A_2035, %sign3A_2038 : i32
        %ne3A_2040 = vector.broadcast %sign3A_2039 : i32 to vector<16xi32>
        %ne3A_2041 = arith.cmpi ne, %sign3A_2032, %ne3A_2040 : vector<16xi32>
        %rem3A_2042 = vector.broadcast %jit3A_2021 : i32 to vector<16xi32>
        %rem3A_2043 = arith.remsi %get3A_2020, %rem3A_2042 : vector<16xi32>
        %ne3A_2044 = arith.constant 0 : i32
        %ne3A_2045 = vector.broadcast %ne3A_2044 : i32 to vector<16xi32>
        %ne3A_2046 = arith.cmpi ne, %rem3A_2043, %ne3A_2045 : vector<16xi32>
        %and3A_2047 = arith.andi %ne3A_2041, %ne3A_2046 : vector<16xi1>
        %sub3A_2048 = arith.constant 1 : i32
        %sub3A_2049 = vector.broadcast %sub3A_2048 : i32 to vector<16xi32>
        %sub3A_2050 = arith.subi %div3A_2023, %sub3A_2049 : vector<16xi32>
        %select_n3A_2051 = arith.select %and3A_2047, %sub3A_2050, %div3A_2023 : vector<16xi1>, vector<16xi32>
        %mul3A_2052 = arith.constant 128 : i32
        %mul3A_2053 = vector.broadcast %mul3A_2052 : i32 to vector<16xi32>
        %mul3A_2054 = arith.muli %select_n3A_2051, %mul3A_2053 : vector<16xi32>
        %get3A_2055 = arith.index_cast %mul3A_2018 : i32 to index
        %get3A_2056 = tpu.vector_load %arg8[%get3A_2055] {strides = array<i32>} : memref<528xi32, #tpu.memory_space<vmem>>, vector<16xi32>,
        %jit3A_2057 = arith.constant 128 : i32
        %div3A_2058 = vector.broadcast %jit3A_2057 : i32 to vector<16xi32>
        %div3A_2059 = arith.divsi %get3A_2056, %div3A_2058 : vector<16xi32>
        %sign3A_2060 = arith.constant 0 : i32
        %sign3A_2061 = vector.broadcast %sign3A_2060 : i32 to vector<16xi32>
        %sign3A_2062 = arith.cmpi sgt, %get3A_2056, %sign3A_2061 : vector<16xi32>
        %sign3A_2063 = arith.extui %sign3A_2062 : vector<16xi1> to vector<16xi32>
        %sign3A_2064 = arith.constant 0 : i32
        %sign3A_2065 = vector.broadcast %sign3A_2064 : i32 to vector<16xi32>
        %sign3A_2066 = arith.cmpi slt, %get3A_2056, %sign3A_2065 : vector<16xi32>
        %sign3A_2067 = arith.extui %sign3A_2066 : vector<16xi1> to vector<16xi32>
        %sign3A_2068 = arith.subi %sign3A_2063, %sign3A_2067 : vector<16xi32>
        %sign3A_2069 = arith.constant 0 : i32
        %sign3A_2070 = arith.cmpi sgt, %jit3A_2057, %sign3A_2069 : i32
        %sign3A_2071 = arith.extui %sign3A_2070 : i1 to i32
        %sign3A_2072 = arith.constant 0 : i32
        %sign3A_2073 = arith.cmpi slt, %jit3A_2057, %sign3A_2072 : i32
        %sign3A_2074 = arith.extui %sign3A_2073 : i1 to i32
        %sign3A_2075 = arith.subi %sign3A_2071, %sign3A_2074 : i32
        %ne3A_2076 = vector.broadcast %sign3A_2075 : i32 to vector<16xi32>
        %ne3A_2077 = arith.cmpi ne, %sign3A_2068, %ne3A_2076 : vector<16xi32>
        %rem3A_2078 = vector.broadcast %jit3A_2057 : i32 to vector<16xi32>
        %rem3A_2079 = arith.remsi %get3A_2056, %rem3A_2078 : vector<16xi32>
        %ne3A_2080 = arith.constant 0 : i32
        %ne3A_2081 = vector.broadcast %ne3A_2080 : i32 to vector<16xi32>
        %ne3A_2082 = arith.cmpi ne, %rem3A_2079, %ne3A_2081 : vector<16xi32>
        %and3A_2083 = arith.andi %ne3A_2077, %ne3A_2082 : vector<16xi1>
        %sub3A_2084 = arith.constant 1 : i32
        %sub3A_2085 = vector.broadcast %sub3A_2084 : i32 to vector<16xi32>
        %sub3A_2086 = arith.subi %div3A_2059, %sub3A_2085 : vector<16xi32>
        %select_n3A_2087 = arith.select %and3A_2083, %sub3A_2086, %div3A_2059 : vector<16xi1>, vector<16xi32>
        %mul3A_2088 = arith.constant 128 : i32
        %mul3A_2089 = vector.broadcast %mul3A_2088 : i32 to vector<16xi32>
        %mul3A_2090 = arith.muli %select_n3A_2087, %mul3A_2089 : vector<16xi32>
        %slice3A_2091 = vector.extract_strided_slice %mul3A_2054 {offsets = [0], sizes = [1], strides = [1]} : vector<16xi32> to vector<1xi32>
        %squeeze3A_2092 = vector.extract %slice3A_2091[0] : i32 from vector<1xi32>
        %multiple_of3A_2093 = tpu.assume_multiple %squeeze3A_2092, 128 : i32
        %slice3A_2094 = vector.extract_strided_slice %mul3A_2090 {offsets = [0], sizes = [1], strides = [1]} : vector<16xi32> to vector<1xi32>
        %squeeze3A_2095 = vector.extract %slice3A_2094[0] : i32 from vector<1xi32>
        %multiple_of3A_2096 = tpu.assume_multiple %squeeze3A_2095, 128 : i32
        %dma_start3A_2097 = arith.constant 0 : i32
        %dma_start3A_2098 = arith.constant 0 : i32
        %dma_start3A_2099 = arith.constant 0 : i32
        %dma_start3A_2100 = arith.constant 0 : i32
        %dma_start3A_2101 = tpu.memref_slice %arg9[%dma_start3A_2097, %dma_start3A_2098, %dma_start3A_2099, %dma_start3A_2100] : memref<4x2x32x128xf32, #tpu.memory_space<vmem>> -> memref<1x1x32x128xf32, #tpu.memory_space<vmem>>
        %dma_start3A_2102 = tpu.memref_squeeze %dma_start3A_2101 : memref<1x1x32x128xf32, #tpu.memory_space<vmem>> -> memref<32x128xf32, #tpu.memory_space<vmem>>
        %dma_start3A_2103 = arith.constant 0 : i32
        %dma_start3A_2104 = tpu.memref_slice %arg4[%dma_start3A_2103, %multiple_of3A_2093] : memref<32x1000000xf32, #tpu.memory_space<hbm>> -> memref<32x128xf32, #tpu.memory_space<hbm>>
        %dma_start3A_2105 = arith.constant 0 : i32
        %dma_start3A_2106 = arith.constant 0 : i32
        %dma_start3A_2107 = tpu.memref_slice %arg9[%dma_start3A_2097, %dma_start3A_2098, %dma_start3A_2105, %dma_start3A_2106] : memref<4x2x32x128xf32, #tpu.memory_space<vmem>> -> memref<1x1x32x128xf32, #tpu.memory_space<vmem>>
        %dma_start3A_2108 = tpu.memref_squeeze %dma_start3A_2107 : memref<1x1x32x128xf32, #tpu.memory_space<vmem>> -> memref<32x128xf32, #tpu.memory_space<vmem>>
        %dma_start3A_2109 = arith.constant 0 : i32
        %dma_start3A_2110 = tpu.memref_slice %arg4[%dma_start3A_2109, %multiple_of3A_2093] : memref<32x1000000xf32, #tpu.memory_space<hbm>> -> memref<32x128xf32, #tpu.memory_space<hbm>>
        tpu.enqueue_dma source(%dma_start3A_2110 : memref<32x128xf32, #tpu.memory_space<hbm>>) target(%dma_start3A_2108 : memref<32x128xf32, #tpu.memory_space<vmem>>) target_semaphore(%arg12 : memref<!tpu.dma_semaphore, #tpu.memory_space<semaphore_mem>>)
        %dma_start3A_2111 = arith.constant 0 : i32
        %dma_start3A_2112 = arith.constant 0 : i32
        %dma_start3A_2113 = arith.constant 0 : i32
        %dma_start3A_2114 = arith.constant 0 : i32
        %dma_start3A_2115 = tpu.memref_slice %arg10[%dma_start3A_2111, %dma_start3A_2112, %dma_start3A_2113, %dma_start3A_2114] : memref<4x2x32x128xf32, #tpu.memory_space<vmem>> -> memref<1x1x32x128xf32, #tpu.memory_space<vmem>>
        %dma_start3A_2116 = tpu.memref_squeeze %dma_start3A_2115 : memref<1x1x32x128xf32, #tpu.memory_space<vmem>> -> memref<32x128xf32, #tpu.memory_space<vmem>>
        %dma_start3A_2117 = arith.constant 0 : i32
        %dma_start3A_2118 = tpu.memref_slice %arg5[%dma_start3A_2117, %multiple_of3A_2096] : memref<32x1000000xf32, #tpu.memory_space<hbm>> -> memref<32x128xf32, #tpu.memory_space<hbm>>
        %dma_start3A_2119 = arith.constant 0 : i32
        %dma_start3A_2120 = arith.constant 0 : i32
        %dma_start3A_2121 = tpu.memref_slice %arg10[%dma_start3A_2111, %dma_start3A_2112, %dma_start3A_2119, %dma_start3A_2120] : memref<4x2x32x128xf32, #tpu.memory_space<vmem>> -> memref<1x1x32x128xf32, #tpu.memory_space<vmem>>
        %dma_start3A_2122 = tpu.memref_squeeze %dma_start3A_2121 : memref<1x1x32x128xf32, #tpu.memory_space<vmem>> -> memref<32x128xf32, #tpu.memory_space<vmem>>
        %dma_start3A_2123 = arith.constant 0 : i32
        %dma_start3A_2124 = tpu.memref_slice %arg5[%dma_start3A_2123, %multiple_of3A_2096] : memref<32x1000000xf32, #tpu.memory_space<hbm>> -> memref<32x128xf32, #tpu.memory_space<hbm>>
        tpu.enqueue_dma source(%dma_start3A_2124 : memref<32x128xf32, #tpu.memory_space<hbm>>) target(%dma_start3A_2122 : memref<32x128xf32, #tpu.memory_space<vmem>>) target_semaphore(%arg13 : memref<!tpu.dma_semaphore, #tpu.memory_space<semaphore_mem>>)
        %slice3A_2125 = vector.extract_strided_slice %mul3A_2054 {offsets = [1], sizes = [1], strides = [1]} : vector<16xi32> to vector<1xi32>
        %squeeze3A_2126 = vector.extract %slice3A_2125[0] : i32 from vector<1xi32>
        %multiple_of3A_2127 = tpu.assume_multiple %squeeze3A_2126, 128 : i32
        %slice3A_2128 = vector.extract_strided_slice %mul3A_2090 {offsets = [1], sizes = [1], strides = [1]} : vector<16xi32> to vector<1xi32>
        %squeeze3A_2129 = vector.extract %slice3A_2128[0] : i32 from vector<1xi32>
        %multiple_of3A_2130 = tpu.assume_multiple %squeeze3A_2129, 128 : i32
        %dma_start3A_2131 = arith.constant 0 : i32
        %dma_start3A_2132 = arith.constant 1 : i32
        %dma_start3A_2133 = arith.constant 0 : i32
        %dma_start3A_2134 = arith.constant 0 : i32
        %dma_start3A_2135 = tpu.memref_slice %arg9[%dma_start3A_2131, %dma_start3A_2132, %dma_start3A_2133, %dma_start3A_2134] : memref<4x2x32x128xf32, #tpu.memory_space<vmem>> -> memref<1x1x32x128xf32, #tpu.memory_space<vmem>>
        %dma_start3A_2136 = tpu.memref_squeeze %dma_start3A_2135 : memref<1x1x32x128xf32, #tpu.memory_space<vmem>> -> memref<32x128xf32, #tpu.memory_space<vmem>>
        %dma_start3A_2137 = arith.constant 0 : i32
        %dma_start3A_2138 = tpu.memref_slice %arg4[%dma_start3A_2137, %multiple_of3A_2127] : memref<32x1000000xf32, #tpu.memory_space<hbm>> -> memref<32x128xf32, #tpu.memory_space<hbm>>
        %dma_start3A_2139 = arith.constant 0 : i32
        %dma_start3A_2140 = arith.constant 0 : i32
        %dma_start3A_2141 = tpu.memref_slice %arg9[%dma_start3A_2131, %dma_start3A_2132, %dma_start3A_2139, %dma_start3A_2140] : memref<4x2x32x128xf32, #tpu.memory_space<vmem>> -> memref<1x1x32x128xf32, #tpu.memory_space<vmem>>
        %dma_start3A_2142 = tpu.memref_squeeze %dma_start3A_2141 : memref<1x1x32x128xf32, #tpu.memory_space<vmem>> -> memref<32x128xf32, #tpu.memory_space<vmem>>
        %dma_start3A_2143 = arith.constant 0 : i32
        %dma_start3A_2144 = tpu.memref_slice %arg4[%dma_start3A_2143, %multiple_of3A_2127] : memref<32x1000000xf32, #tpu.memory_space<hbm>> -> memref<32x128xf32, #tpu.memory_space<hbm>>
        tpu.enqueue_dma source(%dma_start3A_2144 : memref<32x128xf32, #tpu.memory_space<hbm>>) target(%dma_start3A_2142 : memref<32x128xf32, #tpu.memory_space<vmem>>) target_semaphore(%arg12 : memref<!tpu.dma_semaphore, #tpu.memory_space<semaphore_mem>>)
        %dma_start3A_2145 = arith.constant 0 : i32
        %dma_start3A_2146 = arith.constant 1 : i32
        %dma_start3A_2147 = arith.constant 0 : i32
        %dma_start3A_2148 = arith.constant 0 : i32
        %dma_start3A_2149 = tpu.memref_slice %arg10[%dma_start3A_2145, %dma_start3A_2146, %dma_start3A_2147, %dma_start3A_2148] : memref<4x2x32x128xf32, #tpu.memory_space<vmem>> -> memref<1x1x32x128xf32, #tpu.memory_space<vmem>>
        %dma_start3A_2150 = tpu.memref_squeeze %dma_start3A_2149 : memref<1x1x32x128xf32, #tpu.memory_space<vmem>> -> memref<32x128xf32, #tpu.memory_space<vmem>>
        %dma_start3A_2151 = arith.constant 0 : i32
        %dma_start3A_2152 = tpu.memref_slice %arg5[%dma_start3A_2151, %multiple_of3A_2130] : memref<32x1000000xf32, #tpu.memory_space<hbm>> -> memref<32x128xf32, #tpu.memory_space<hbm>>
        %dma_start3A_2153 = arith.constant 0 : i32
        %dma_start3A_2154 = arith.constant 0 : i32
        %dma_start3A_2155 = tpu.memref_slice %arg10[%dma_start3A_2145, %dma_start3A_2146, %dma_start3A_2153, %dma_start3A_2154] : memref<4x2x32x128xf32, #tpu.memory_space<vmem>> -> memref<1x1x32x128xf32, #tpu.memory_space<vmem>>
        %dma_start3A_2156 = tpu.memref_squeeze %dma_start3A_2155 : memref<1x1x32x128xf32, #tpu.memory_space<vmem>> -> memref<32x128xf32, #tpu.memory_space<vmem>>
        %dma_start3A_2157 = arith.constant 0 : i32
        %dma_start3A_2158 = tpu.memref_slice %arg5[%dma_start3A_2157, %multiple_of3A_2130] : memref<32x1000000xf32, #tpu.memory_space<hbm>> -> memref<32x128xf32, #tpu.memory_space<hbm>>
        tpu.enqueue_dma source(%dma_start3A_2158 : memref<32x128xf32, #tpu.memory_space<hbm>>) target(%dma_start3A_2156 : memref<32x128xf32, #tpu.memory_space<vmem>>) target_semaphore(%arg13 : memref<!tpu.dma_semaphore, #tpu.memory_space<semaphore_mem>>)
      } else {
      }
      %dma_wait3A_623 = arith.constant 1 : i32
      %dma_wait3A_624 = arith.constant 0 : i32
      %dma_wait3A_625 = arith.constant 0 : i32
      %dma_wait3A_626 = arith.constant 0 : i32
      %dma_wait3A_627 = tpu.memref_slice %arg9[%dma_wait3A_623, %dma_wait3A_624, %dma_wait3A_625, %dma_wait3A_626] : memref<4x2x32x128xf32, #tpu.memory_space<vmem>> -> memref<1x1x32x128xf32, #tpu.memory_space<vmem>>
      %dma_wait3A_628 = tpu.memref_squeeze %dma_wait3A_627 : memref<1x1x32x128xf32, #tpu.memory_space<vmem>> -> memref<32x128xf32, #tpu.memory_space<vmem>>
      %dma_wait3A_629 = arith.constant 0 : i32
      %dma_wait3A_630 = arith.constant 0 : i32
      %dma_wait3A_631 = tpu.memref_slice %arg4[%dma_wait3A_629, %dma_wait3A_630] : memref<32x1000000xf32, #tpu.memory_space<hbm>> -> memref<32x128xf32, #tpu.memory_space<hbm>>
      %dma_wait3A_632 = arith.constant 0 : i32
      %dma_wait3A_633 = arith.constant 0 : i32
      %dma_wait3A_634 = tpu.memref_slice %arg9[%dma_wait3A_623, %dma_wait3A_624, %dma_wait3A_632, %dma_wait3A_633] : memref<4x2x32x128xf32, #tpu.memory_space<vmem>> -> memref<1x1x32x128xf32, #tpu.memory_space<vmem>>
      %dma_wait3A_635 = tpu.memref_squeeze %dma_wait3A_634 : memref<1x1x32x128xf32, #tpu.memory_space<vmem>> -> memref<32x128xf32, #tpu.memory_space<vmem>>
      %dma_wait3A_636 = arith.constant 0 : i32
      %dma_wait3A_637 = arith.constant 0 : i32
      %dma_wait3A_638 = tpu.memref_slice %arg4[%dma_wait3A_636, %dma_wait3A_637] : memref<32x1000000xf32, #tpu.memory_space<hbm>> -> memref<32x128xf32, #tpu.memory_space<hbm>>
      tpu.wait_dma2 semaphore(%arg14 : memref<!tpu.dma_semaphore, #tpu.memory_space<semaphore_mem>>) src(%dma_wait3A_638 : memref<32x128xf32, #tpu.memory_space<hbm>>) dst(%dma_wait3A_635 : memref<32x128xf32, #tpu.memory_space<vmem>>)
      %dma_wait3A_639 = arith.constant 1 : i32
      %dma_wait3A_640 = arith.constant 0 : i32
      %dma_wait3A_641 = arith.constant 0 : i32
      %dma_wait3A_642 = arith.constant 0 : i32
      %dma_wait3A_643 = tpu.memref_slice %arg10[%dma_wait3A_639, %dma_wait3A_640, %dma_wait3A_641, %dma_wait3A_642] : memref<4x2x32x128xf32, #tpu.memory_space<vmem>> -> memref<1x1x32x128xf32, #tpu.memory_space<vmem>>
      %dma_wait3A_644 = tpu.memref_squeeze %dma_wait3A_643 : memref<1x1x32x128xf32, #tpu.memory_space<vmem>> -> memref<32x128xf32, #tpu.memory_space<vmem>>
      %dma_wait3A_645 = arith.constant 0 : i32
      %dma_wait3A_646 = arith.constant 0 : i32
      %dma_wait3A_647 = tpu.memref_slice %arg5[%dma_wait3A_645, %dma_wait3A_646] : memref<32x1000000xf32, #tpu.memory_space<hbm>> -> memref<32x128xf32, #tpu.memory_space<hbm>>
      %dma_wait3A_648 = arith.constant 0 : i32
      %dma_wait3A_649 = arith.constant 0 : i32
      %dma_wait3A_650 = tpu.memref_slice %arg10[%dma_wait3A_639, %dma_wait3A_640, %dma_wait3A_648, %dma_wait3A_649] : memref<4x2x32x128xf32, #tpu.memory_space<vmem>> -> memref<1x1x32x128xf32, #tpu.memory_space<vmem>>
      %dma_wait3A_651 = tpu.memref_squeeze %dma_wait3A_650 : memref<1x1x32x128xf32, #tpu.memory_space<vmem>> -> memref<32x128xf32, #tpu.memory_space<vmem>>
      %dma_wait3A_652 = arith.constant 0 : i32
      %dma_wait3A_653 = arith.constant 0 : i32
      %dma_wait3A_654 = tpu.memref_slice %arg5[%dma_wait3A_652, %dma_wait3A_653] : memref<32x1000000xf32, #tpu.memory_space<hbm>> -> memref<32x128xf32, #tpu.memory_space<hbm>>
      tpu.wait_dma2 semaphore(%arg15 : memref<!tpu.dma_semaphore, #tpu.memory_space<semaphore_mem>>) src(%dma_wait3A_654 : memref<32x128xf32, #tpu.memory_space<hbm>>) dst(%dma_wait3A_651 : memref<32x128xf32, #tpu.memory_space<vmem>>)
      %dma_wait3A_655 = arith.constant 1 : i32
      %dma_wait3A_656 = arith.constant 1 : i32
      %dma_wait3A_657 = arith.constant 0 : i32
      %dma_wait3A_658 = arith.constant 0 : i32
      %dma_wait3A_659 = tpu.memref_slice %arg9[%dma_wait3A_655, %dma_wait3A_656, %dma_wait3A_657, %dma_wait3A_658] : memref<4x2x32x128xf32, #tpu.memory_space<vmem>> -> memref<1x1x32x128xf32, #tpu.memory_space<vmem>>
      %dma_wait3A_660 = tpu.memref_squeeze %dma_wait3A_659 : memref<1x1x32x128xf32, #tpu.memory_space<vmem>> -> memref<32x128xf32, #tpu.memory_space<vmem>>
      %dma_wait3A_661 = arith.constant 0 : i32
      %dma_wait3A_662 = arith.constant 0 : i32
      %dma_wait3A_663 = tpu.memref_slice %arg4[%dma_wait3A_661, %dma_wait3A_662] : memref<32x1000000xf32, #tpu.memory_space<hbm>> -> memref<32x128xf32, #tpu.memory_space<hbm>>
      %dma_wait3A_664 = arith.constant 0 : i32
      %dma_wait3A_665 = arith.constant 0 : i32
      %dma_wait3A_666 = tpu.memref_slice %arg9[%dma_wait3A_655, %dma_wait3A_656, %dma_wait3A_664, %dma_wait3A_665] : memref<4x2x32x128xf32, #tpu.memory_space<vmem>> -> memref<1x1x32x128xf32, #tpu.memory_space<vmem>>
      %dma_wait3A_667 = tpu.memref_squeeze %dma_wait3A_666 : memref<1x1x32x128xf32, #tpu.memory_space<vmem>> -> memref<32x128xf32, #tpu.memory_space<vmem>>
      %dma_wait3A_668 = arith.constant 0 : i32
      %dma_wait3A_669 = arith.constant 0 : i32
      %dma_wait3A_670 = tpu.memref_slice %arg4[%dma_wait3A_668, %dma_wait3A_669] : memref<32x1000000xf32, #tpu.memory_space<hbm>> -> memref<32x128xf32, #tpu.memory_space<hbm>>
      tpu.wait_dma2 semaphore(%arg14 : memref<!tpu.dma_semaphore, #tpu.memory_space<semaphore_mem>>) src(%dma_wait3A_670 : memref<32x128xf32, #tpu.memory_space<hbm>>) dst(%dma_wait3A_667 : memref<32x128xf32, #tpu.memory_space<vmem>>)
      %dma_wait3A_671 = arith.constant 1 : i32
      %dma_wait3A_672 = arith.constant 1 : i32
      %dma_wait3A_673 = arith.constant 0 : i32
      %dma_wait3A_674 = arith.constant 0 : i32
      %dma_wait3A_675 = tpu.memref_slice %arg10[%dma_wait3A_671, %dma_wait3A_672, %dma_wait3A_673, %dma_wait3A_674] : memref<4x2x32x128xf32, #tpu.memory_space<vmem>> -> memref<1x1x32x128xf32, #tpu.memory_space<vmem>>
      %dma_wait3A_676 = tpu.memref_squeeze %dma_wait3A_675 : memref<1x1x32x128xf32, #tpu.memory_space<vmem>> -> memref<32x128xf32, #tpu.memory_space<vmem>>
      %dma_wait3A_677 = arith.constant 0 : i32
      %dma_wait3A_678 = arith.constant 0 : i32
      %dma_wait3A_679 = tpu.memref_slice %arg5[%dma_wait3A_677, %dma_wait3A_678] : memref<32x1000000xf32, #tpu.memory_space<hbm>> -> memref<32x128xf32, #tpu.memory_space<hbm>>
      %dma_wait3A_680 = arith.constant 0 : i32
      %dma_wait3A_681 = arith.constant 0 : i32
      %dma_wait3A_682 = tpu.memref_slice %arg10[%dma_wait3A_671, %dma_wait3A_672, %dma_wait3A_680, %dma_wait3A_681] : memref<4x2x32x128xf32, #tpu.memory_space<vmem>> -> memref<1x1x32x128xf32, #tpu.memory_space<vmem>>
      %dma_wait3A_683 = tpu.memref_squeeze %dma_wait3A_682 : memref<1x1x32x128xf32, #tpu.memory_space<vmem>> -> memref<32x128xf32, #tpu.memory_space<vmem>>
      %dma_wait3A_684 = arith.constant 0 : i32
      %dma_wait3A_685 = arith.constant 0 : i32
      %dma_wait3A_686 = tpu.memref_slice %arg5[%dma_wait3A_684, %dma_wait3A_685] : memref<32x1000000xf32, #tpu.memory_space<hbm>> -> memref<32x128xf32, #tpu.memory_space<hbm>>
      tpu.wait_dma2 semaphore(%arg15 : memref<!tpu.dma_semaphore, #tpu.memory_space<semaphore_mem>>) src(%dma_wait3A_686 : memref<32x128xf32, #tpu.memory_space<hbm>>) dst(%dma_wait3A_683 : memref<32x128xf32, #tpu.memory_space<vmem>>)
      %mul3A_687 = arith.constant 2 : i32
      %mul3A_688 = arith.muli %add3A_613, %mul3A_687 : i32
      %get3A_689 = arith.index_cast %mul3A_688 : i32 to index
      %get3A_690 = tpu.vector_load %arg7[%get3A_689] {strides = array<i32>} : memref<528xi32, #tpu.memory_space<vmem>>, vector<16xi32>,
      %rem3A_691 = arith.constant 128 : i32
      %rem3A_692 = vector.broadcast %rem3A_691 : i32 to vector<16xi32>
      %rem3A_693 = arith.remsi %get3A_690, %rem3A_692 : vector<16xi32>
      %get3A_694 = arith.index_cast %mul3A_688 : i32 to index
      %get3A_695 = tpu.vector_load %arg8[%get3A_694] {strides = array<i32>} : memref<528xi32, #tpu.memory_space<vmem>>, vector<16xi32>,
      %rem3A_696 = arith.constant 128 : i32
      %rem3A_697 = vector.broadcast %rem3A_696 : i32 to vector<16xi32>
      %rem3A_698 = arith.remsi %get3A_695, %rem3A_697 : vector<16xi32>
      %add3A_699 = arith.constant 16 : i32
      %add3A_700 = vector.broadcast %add3A_699 : i32 to vector<16xi32>
      %add3A_701 = arith.addi %iota3A, %add3A_700 : vector<16xi32>
      %broadcast_in_dim3A_702 = arith.constant 0 : i32
      %broadcast_in_dim3A_703 = vector.broadcast %broadcast_in_dim3A_702 : i32 to vector<16xi32>
      %broadcast_in_dim3A_704 = arith.constant 1 : i32
      %broadcast_in_dim3A_705 = vector.broadcast %broadcast_in_dim3A_704 : i32 to vector<16xi32>
      %slice3A_706 = vector.extract_strided_slice %rem3A_693 {offsets = [0], sizes = [1], strides = [1]} : vector<16xi32> to vector<1xi32>
      %squeeze3A_707 = vector.extract %slice3A_706[0] : i32 from vector<1xi32>
      %mul3A_708 = vector.broadcast %squeeze3A_707 : i32 to vector<16xi32>
      %mul3A_709 = arith.muli %broadcast_in_dim3A_705, %mul3A_708 : vector<16xi32>
      %broadcast_in_dim3A_710 = arith.constant 1 : i32
      %broadcast_in_dim3A_711 = vector.broadcast %broadcast_in_dim3A_710 : i32 to vector<16xi32>
      %slice3A_712 = vector.extract_strided_slice %rem3A_698 {offsets = [0], sizes = [1], strides = [1]} : vector<16xi32> to vector<1xi32>
      %squeeze3A_713 = vector.extract %slice3A_712[0] : i32 from vector<1xi32>
      %mul3A_714 = vector.broadcast %squeeze3A_713 : i32 to vector<16xi32>
      %mul3A_715 = arith.muli %broadcast_in_dim3A_711, %mul3A_714 : vector<16xi32>
      %gather3A_716 = arith.constant 1 : i32
      %gather3A_717 = arith.constant 0 : i32
      %gather3A_718 = arith.constant 0 : i32
      %gather3A_719 = arith.constant 0 : i32
      %gather3A_720 = tpu.memref_slice %arg9[%gather3A_716, %gather3A_717, %gather3A_718, %gather3A_719] : memref<4x2x32x128xf32, #tpu.memory_space<vmem>> -> memref<1x2x32x128xf32, #tpu.memory_space<vmem>>
      %gather3A_721 = tpu.memref_squeeze %gather3A_720 : memref<1x2x32x128xf32, #tpu.memory_space<vmem>> -> memref<2x32x128xf32, #tpu.memory_space<vmem>>
      %gather3A_722 = tpu.vector_load_idx %gather3A_721[%broadcast_in_dim3A_703, %iota3A, %mul3A_709] : memref<2x32x128xf32, #tpu.memory_space<vmem>>[vector<16xi32>, vector<16xi32>, vector<16xi32>], vector<16xf32>,
      %gather3A_723 = arith.constant 1 : i32
      %gather3A_724 = arith.constant 0 : i32
      %gather3A_725 = arith.constant 0 : i32
      %gather3A_726 = arith.constant 0 : i32
      %gather3A_727 = tpu.memref_slice %arg10[%gather3A_723, %gather3A_724, %gather3A_725, %gather3A_726] : memref<4x2x32x128xf32, #tpu.memory_space<vmem>> -> memref<1x2x32x128xf32, #tpu.memory_space<vmem>>
      %gather3A_728 = tpu.memref_squeeze %gather3A_727 : memref<1x2x32x128xf32, #tpu.memory_space<vmem>> -> memref<2x32x128xf32, #tpu.memory_space<vmem>>
      %gather3A_729 = tpu.vector_load_idx %gather3A_728[%broadcast_in_dim3A_703, %iota3A, %mul3A_715] : memref<2x32x128xf32, #tpu.memory_space<vmem>>[vector<16xi32>, vector<16xi32>, vector<16xi32>], vector<16xf32>,
      %mul3A_730 = arith.mulf %gather3A_722, %gather3A_729 : vector<16xf32>
      %gather3A_731 = arith.constant 1 : i32
      %gather3A_732 = arith.constant 0 : i32
      %gather3A_733 = arith.constant 0 : i32
      %gather3A_734 = arith.constant 0 : i32
      %gather3A_735 = tpu.memref_slice %arg9[%gather3A_731, %gather3A_732, %gather3A_733, %gather3A_734] : memref<4x2x32x128xf32, #tpu.memory_space<vmem>> -> memref<1x2x32x128xf32, #tpu.memory_space<vmem>>
      %gather3A_736 = tpu.memref_squeeze %gather3A_735 : memref<1x2x32x128xf32, #tpu.memory_space<vmem>> -> memref<2x32x128xf32, #tpu.memory_space<vmem>>
      %gather3A_737 = tpu.vector_load_idx %gather3A_736[%broadcast_in_dim3A_703, %add3A_701, %mul3A_709] : memref<2x32x128xf32, #tpu.memory_space<vmem>>[vector<16xi32>, vector<16xi32>, vector<16xi32>], vector<16xf32>,
      %gather3A_738 = arith.constant 1 : i32
      %gather3A_739 = arith.constant 0 : i32
      %gather3A_740 = arith.constant 0 : i32
      %gather3A_741 = arith.constant 0 : i32
      %gather3A_742 = tpu.memref_slice %arg10[%gather3A_738, %gather3A_739, %gather3A_740, %gather3A_741] : memref<4x2x32x128xf32, #tpu.memory_space<vmem>> -> memref<1x2x32x128xf32, #tpu.memory_space<vmem>>
      %gather3A_743 = tpu.memref_squeeze %gather3A_742 : memref<1x2x32x128xf32, #tpu.memory_space<vmem>> -> memref<2x32x128xf32, #tpu.memory_space<vmem>>
      %gather3A_744 = tpu.vector_load_idx %gather3A_743[%broadcast_in_dim3A_703, %add3A_701, %mul3A_715] : memref<2x32x128xf32, #tpu.memory_space<vmem>>[vector<16xi32>, vector<16xi32>, vector<16xi32>], vector<16xf32>,
      %mul3A_745 = arith.mulf %gather3A_737, %gather3A_744 : vector<16xf32>
      %add3A_746 = arith.addf %mul3A_730, %mul3A_745 : vector<16xf32>
      %eq3A_747 = arith.constant 2 : i32
      %eq3A_748 = vector.broadcast %eq3A_747 : i32 to vector<16xi32>
      %eq3A_749 = arith.cmpi eq, %iota3A, %eq3A_748 : vector<16xi32>
      %reduce_sum3A_750 = arith.constant true
      %reduce_sum3A_751 = vector.broadcast %reduce_sum3A_750 : i1 to vector<16xi1>
      %reduce_sum3A_752 = tpu.scan <sum>, %add3A_746 masked %reduce_sum3A_751 : vector<16xf32>, vector<16xi1> -> vector<16xf32>
      %reduce_sum3A_753 = vector.extract %reduce_sum3A_752[15] : f32 from vector<16xf32>
      %broadcast_in_dim3A_754 = vector.broadcast %reduce_sum3A_753 : f32 to vector<16xf32>
      %select_n3A_755 = arith.select %eq3A_749, %broadcast_in_dim3A_754, %select_n3A_609 : vector<16xi1>, vector<16xf32>
      %broadcast_in_dim3A_756 = arith.constant 1 : i32
      %broadcast_in_dim3A_757 = vector.broadcast %broadcast_in_dim3A_756 : i32 to vector<16xi32>
      %broadcast_in_dim3A_758 = arith.constant 1 : i32
      %broadcast_in_dim3A_759 = vector.broadcast %broadcast_in_dim3A_758 : i32 to vector<16xi32>
      %slice3A_760 = vector.extract_strided_slice %rem3A_693 {offsets = [1], sizes = [1], strides = [1]} : vector<16xi32> to vector<1xi32>
      %squeeze3A_761 = vector.extract %slice3A_760[0] : i32 from vector<1xi32>
      %mul3A_762 = vector.broadcast %squeeze3A_761 : i32 to vector<16xi32>
      %mul3A_763 = arith.muli %broadcast_in_dim3A_759, %mul3A_762 : vector<16xi32>
      %broadcast_in_dim3A_764 = arith.constant 1 : i32
      %broadcast_in_dim3A_765 = vector.broadcast %broadcast_in_dim3A_764 : i32 to vector<16xi32>
      %slice3A_766 = vector.extract_strided_slice %rem3A_698 {offsets = [1], sizes = [1], strides = [1]} : vector<16xi32> to vector<1xi32>
      %squeeze3A_767 = vector.extract %slice3A_766[0] : i32 from vector<1xi32>
      %mul3A_768 = vector.broadcast %squeeze3A_767 : i32 to vector<16xi32>
      %mul3A_769 = arith.muli %broadcast_in_dim3A_765, %mul3A_768 : vector<16xi32>
      %gather3A_770 = arith.constant 1 : i32
      %gather3A_771 = arith.constant 0 : i32
      %gather3A_772 = arith.constant 0 : i32
      %gather3A_773 = arith.constant 0 : i32
      %gather3A_774 = tpu.memref_slice %arg9[%gather3A_770, %gather3A_771, %gather3A_772, %gather3A_773] : memref<4x2x32x128xf32, #tpu.memory_space<vmem>> -> memref<1x2x32x128xf32, #tpu.memory_space<vmem>>
      %gather3A_775 = tpu.memref_squeeze %gather3A_774 : memref<1x2x32x128xf32, #tpu.memory_space<vmem>> -> memref<2x32x128xf32, #tpu.memory_space<vmem>>
      %gather3A_776 = tpu.vector_load_idx %gather3A_775[%broadcast_in_dim3A_757, %iota3A, %mul3A_763] : memref<2x32x128xf32, #tpu.memory_space<vmem>>[vector<16xi32>, vector<16xi32>, vector<16xi32>], vector<16xf32>,
      %gather3A_777 = arith.constant 1 : i32
      %gather3A_778 = arith.constant 0 : i32
      %gather3A_779 = arith.constant 0 : i32
      %gather3A_780 = arith.constant 0 : i32
      %gather3A_781 = tpu.memref_slice %arg10[%gather3A_777, %gather3A_778, %gather3A_779, %gather3A_780] : memref<4x2x32x128xf32, #tpu.memory_space<vmem>> -> memref<1x2x32x128xf32, #tpu.memory_space<vmem>>
      %gather3A_782 = tpu.memref_squeeze %gather3A_781 : memref<1x2x32x128xf32, #tpu.memory_space<vmem>> -> memref<2x32x128xf32, #tpu.memory_space<vmem>>
      %gather3A_783 = tpu.vector_load_idx %gather3A_782[%broadcast_in_dim3A_757, %iota3A, %mul3A_769] : memref<2x32x128xf32, #tpu.memory_space<vmem>>[vector<16xi32>, vector<16xi32>, vector<16xi32>], vector<16xf32>,
      %mul3A_784 = arith.mulf %gather3A_776, %gather3A_783 : vector<16xf32>
      %gather3A_785 = arith.constant 1 : i32
      %gather3A_786 = arith.constant 0 : i32
      %gather3A_787 = arith.constant 0 : i32
      %gather3A_788 = arith.constant 0 : i32
      %gather3A_789 = tpu.memref_slice %arg9[%gather3A_785, %gather3A_786, %gather3A_787, %gather3A_788] : memref<4x2x32x128xf32, #tpu.memory_space<vmem>> -> memref<1x2x32x128xf32, #tpu.memory_space<vmem>>
      %gather3A_790 = tpu.memref_squeeze %gather3A_789 : memref<1x2x32x128xf32, #tpu.memory_space<vmem>> -> memref<2x32x128xf32, #tpu.memory_space<vmem>>
      %gather3A_791 = tpu.vector_load_idx %gather3A_790[%broadcast_in_dim3A_757, %add3A_701, %mul3A_763] : memref<2x32x128xf32, #tpu.memory_space<vmem>>[vector<16xi32>, vector<16xi32>, vector<16xi32>], vector<16xf32>,
      %gather3A_792 = arith.constant 1 : i32
      %gather3A_793 = arith.constant 0 : i32
      %gather3A_794 = arith.constant 0 : i32
      %gather3A_795 = arith.constant 0 : i32
      %gather3A_796 = tpu.memref_slice %arg10[%gather3A_792, %gather3A_793, %gather3A_794, %gather3A_795] : memref<4x2x32x128xf32, #tpu.memory_space<vmem>> -> memref<1x2x32x128xf32, #tpu.memory_space<vmem>>
      %gather3A_797 = tpu.memref_squeeze %gather3A_796 : memref<1x2x32x128xf32, #tpu.memory_space<vmem>> -> memref<2x32x128xf32, #tpu.memory_space<vmem>>
      %gather3A_798 = tpu.vector_load_idx %gather3A_797[%broadcast_in_dim3A_757, %add3A_701, %mul3A_769] : memref<2x32x128xf32, #tpu.memory_space<vmem>>[vector<16xi32>, vector<16xi32>, vector<16xi32>], vector<16xf32>,
      %mul3A_799 = arith.mulf %gather3A_791, %gather3A_798 : vector<16xf32>
      %add3A_800 = arith.addf %mul3A_784, %mul3A_799 : vector<16xf32>
      %eq3A_801 = arith.constant 3 : i32
      %eq3A_802 = vector.broadcast %eq3A_801 : i32 to vector<16xi32>
      %eq3A_803 = arith.cmpi eq, %iota3A, %eq3A_802 : vector<16xi32>
      %reduce_sum3A_804 = arith.constant true
      %reduce_sum3A_805 = vector.broadcast %reduce_sum3A_804 : i1 to vector<16xi1>
      %reduce_sum3A_806 = tpu.scan <sum>, %add3A_800 masked %reduce_sum3A_805 : vector<16xf32>, vector<16xi1> -> vector<16xf32>
      %reduce_sum3A_807 = vector.extract %reduce_sum3A_806[15] : f32 from vector<16xf32>
      %broadcast_in_dim3A_808 = vector.broadcast %reduce_sum3A_807 : f32 to vector<16xf32>
      %select_n3A_809 = arith.select %eq3A_803, %broadcast_in_dim3A_808, %select_n3A_755 : vector<16xi1>, vector<16xf32>
      %mul3A_810 = arith.constant 8 : i32
      %mul3A_811 = arith.muli %mul3A_810, %scan3A_415 : i32
      %add3A_812 = arith.constant 2 : i32
      %add3A_813 = arith.addi %mul3A_811, %add3A_812 : i32
      %add3A_814 = arith.constant 4 : i32
      %add3A_815 = arith.addi %add3A_813, %add3A_814 : i32
      %sub3A_816 = arith.constant 1 : i32
      %sub3A_817 = arith.subi %add3A_815, %sub3A_816 : i32
      %lt3A_818 = arith.constant 256 : i32
      %lt3A_819 = arith.cmpi slt, %sub3A_817, %lt3A_818 : i32
      %convert_element_type3A_820 = arith.extui %lt3A_819 : i1 to i32
      %cond3A_821 = arith.constant 0 : i32
      %cond3A_822 = arith.cmpi ne, %convert_element_type3A_820, %cond3A_821 : i32
      scf.if %cond3A_822 {
        %add3A_2013 = arith.constant 4 : i32
        %add3A_2014 = arith.addi %add3A_813, %add3A_2013 : i32
        %sub3A_2015 = arith.constant 1 : i32
        %sub3A_2016 = arith.subi %add3A_2014, %sub3A_2015 : i32
        %mul3A_2017 = arith.constant 2 : i32
        %mul3A_2018 = arith.muli %sub3A_2016, %mul3A_2017 : i32
        %get3A_2019 = arith.index_cast %mul3A_2018 : i32 to index
        %get3A_2020 = tpu.vector_load %arg7[%get3A_2019] {strides = array<i32>} : memref<528xi32, #tpu.memory_space<vmem>>, vector<16xi32>,
        %jit3A_2021 = arith.constant 128 : i32
        %div3A_2022 = vector.broadcast %jit3A_2021 : i32 to vector<16xi32>
        %div3A_2023 = arith.divsi %get3A_2020, %div3A_2022 : vector<16xi32>
        %sign3A_2024 = arith.constant 0 : i32
        %sign3A_2025 = vector.broadcast %sign3A_2024 : i32 to vector<16xi32>
        %sign3A_2026 = arith.cmpi sgt, %get3A_2020, %sign3A_2025 : vector<16xi32>
        %sign3A_2027 = arith.extui %sign3A_2026 : vector<16xi1> to vector<16xi32>
        %sign3A_2028 = arith.constant 0 : i32
        %sign3A_2029 = vector.broadcast %sign3A_2028 : i32 to vector<16xi32>
        %sign3A_2030 = arith.cmpi slt, %get3A_2020, %sign3A_2029 : vector<16xi32>
        %sign3A_2031 = arith.extui %sign3A_2030 : vector<16xi1> to vector<16xi32>
        %sign3A_2032 = arith.subi %sign3A_2027, %sign3A_2031 : vector<16xi32>
        %sign3A_2033 = arith.constant 0 : i32
        %sign3A_2034 = arith.cmpi sgt, %jit3A_2021, %sign3A_2033 : i32
        %sign3A_2035 = arith.extui %sign3A_2034 : i1 to i32
        %sign3A_2036 = arith.constant 0 : i32
        %sign3A_2037 = arith.cmpi slt, %jit3A_2021, %sign3A_2036 : i32
        %sign3A_2038 = arith.extui %sign3A_2037 : i1 to i32
        %sign3A_2039 = arith.subi %sign3A_2035, %sign3A_2038 : i32
        %ne3A_2040 = vector.broadcast %sign3A_2039 : i32 to vector<16xi32>
        %ne3A_2041 = arith.cmpi ne, %sign3A_2032, %ne3A_2040 : vector<16xi32>
        %rem3A_2042 = vector.broadcast %jit3A_2021 : i32 to vector<16xi32>
        %rem3A_2043 = arith.remsi %get3A_2020, %rem3A_2042 : vector<16xi32>
        %ne3A_2044 = arith.constant 0 : i32
        %ne3A_2045 = vector.broadcast %ne3A_2044 : i32 to vector<16xi32>
        %ne3A_2046 = arith.cmpi ne, %rem3A_2043, %ne3A_2045 : vector<16xi32>
        %and3A_2047 = arith.andi %ne3A_2041, %ne3A_2046 : vector<16xi1>
        %sub3A_2048 = arith.constant 1 : i32
        %sub3A_2049 = vector.broadcast %sub3A_2048 : i32 to vector<16xi32>
        %sub3A_2050 = arith.subi %div3A_2023, %sub3A_2049 : vector<16xi32>
        %select_n3A_2051 = arith.select %and3A_2047, %sub3A_2050, %div3A_2023 : vector<16xi1>, vector<16xi32>
        %mul3A_2052 = arith.constant 128 : i32
        %mul3A_2053 = vector.broadcast %mul3A_2052 : i32 to vector<16xi32>
        %mul3A_2054 = arith.muli %select_n3A_2051, %mul3A_2053 : vector<16xi32>
        %get3A_2055 = arith.index_cast %mul3A_2018 : i32 to index
        %get3A_2056 = tpu.vector_load %arg8[%get3A_2055] {strides = array<i32>} : memref<528xi32, #tpu.memory_space<vmem>>, vector<16xi32>,
        %jit3A_2057 = arith.constant 128 : i32
        %div3A_2058 = vector.broadcast %jit3A_2057 : i32 to vector<16xi32>
        %div3A_2059 = arith.divsi %get3A_2056, %div3A_2058 : vector<16xi32>
        %sign3A_2060 = arith.constant 0 : i32
        %sign3A_2061 = vector.broadcast %sign3A_2060 : i32 to vector<16xi32>
        %sign3A_2062 = arith.cmpi sgt, %get3A_2056, %sign3A_2061 : vector<16xi32>
        %sign3A_2063 = arith.extui %sign3A_2062 : vector<16xi1> to vector<16xi32>
        %sign3A_2064 = arith.constant 0 : i32
        %sign3A_2065 = vector.broadcast %sign3A_2064 : i32 to vector<16xi32>
        %sign3A_2066 = arith.cmpi slt, %get3A_2056, %sign3A_2065 : vector<16xi32>
        %sign3A_2067 = arith.extui %sign3A_2066 : vector<16xi1> to vector<16xi32>
        %sign3A_2068 = arith.subi %sign3A_2063, %sign3A_2067 : vector<16xi32>
        %sign3A_2069 = arith.constant 0 : i32
        %sign3A_2070 = arith.cmpi sgt, %jit3A_2057, %sign3A_2069 : i32
        %sign3A_2071 = arith.extui %sign3A_2070 : i1 to i32
        %sign3A_2072 = arith.constant 0 : i32
        %sign3A_2073 = arith.cmpi slt, %jit3A_2057, %sign3A_2072 : i32
        %sign3A_2074 = arith.extui %sign3A_2073 : i1 to i32
        %sign3A_2075 = arith.subi %sign3A_2071, %sign3A_2074 : i32
        %ne3A_2076 = vector.broadcast %sign3A_2075 : i32 to vector<16xi32>
        %ne3A_2077 = arith.cmpi ne, %sign3A_2068, %ne3A_2076 : vector<16xi32>
        %rem3A_2078 = vector.broadcast %jit3A_2057 : i32 to vector<16xi32>
        %rem3A_2079 = arith.remsi %get3A_2056, %rem3A_2078 : vector<16xi32>
        %ne3A_2080 = arith.constant 0 : i32
        %ne3A_2081 = vector.broadcast %ne3A_2080 : i32 to vector<16xi32>
        %ne3A_2082 = arith.cmpi ne, %rem3A_2079, %ne3A_2081 : vector<16xi32>
        %and3A_2083 = arith.andi %ne3A_2077, %ne3A_2082 : vector<16xi1>
        %sub3A_2084 = arith.constant 1 : i32
        %sub3A_2085 = vector.broadcast %sub3A_2084 : i32 to vector<16xi32>
        %sub3A_2086 = arith.subi %div3A_2059, %sub3A_2085 : vector<16xi32>
        %select_n3A_2087 = arith.select %and3A_2083, %sub3A_2086, %div3A_2059 : vector<16xi1>, vector<16xi32>
        %mul3A_2088 = arith.constant 128 : i32
        %mul3A_2089 = vector.broadcast %mul3A_2088 : i32 to vector<16xi32>
        %mul3A_2090 = arith.muli %select_n3A_2087, %mul3A_2089 : vector<16xi32>
        %slice3A_2091 = vector.extract_strided_slice %mul3A_2054 {offsets = [0], sizes = [1], strides = [1]} : vector<16xi32> to vector<1xi32>
        %squeeze3A_2092 = vector.extract %slice3A_2091[0] : i32 from vector<1xi32>
        %multiple_of3A_2093 = tpu.assume_multiple %squeeze3A_2092, 128 : i32
        %slice3A_2094 = vector.extract_strided_slice %mul3A_2090 {offsets = [0], sizes = [1], strides = [1]} : vector<16xi32> to vector<1xi32>
        %squeeze3A_2095 = vector.extract %slice3A_2094[0] : i32 from vector<1xi32>
        %multiple_of3A_2096 = tpu.assume_multiple %squeeze3A_2095, 128 : i32
        %dma_start3A_2097 = arith.constant 1 : i32
        %dma_start3A_2098 = arith.constant 0 : i32
        %dma_start3A_2099 = arith.constant 0 : i32
        %dma_start3A_2100 = arith.constant 0 : i32
        %dma_start3A_2101 = tpu.memref_slice %arg9[%dma_start3A_2097, %dma_start3A_2098, %dma_start3A_2099, %dma_start3A_2100] : memref<4x2x32x128xf32, #tpu.memory_space<vmem>> -> memref<1x1x32x128xf32, #tpu.memory_space<vmem>>
        %dma_start3A_2102 = tpu.memref_squeeze %dma_start3A_2101 : memref<1x1x32x128xf32, #tpu.memory_space<vmem>> -> memref<32x128xf32, #tpu.memory_space<vmem>>
        %dma_start3A_2103 = arith.constant 0 : i32
        %dma_start3A_2104 = tpu.memref_slice %arg4[%dma_start3A_2103, %multiple_of3A_2093] : memref<32x1000000xf32, #tpu.memory_space<hbm>> -> memref<32x128xf32, #tpu.memory_space<hbm>>
        %dma_start3A_2105 = arith.constant 0 : i32
        %dma_start3A_2106 = arith.constant 0 : i32
        %dma_start3A_2107 = tpu.memref_slice %arg9[%dma_start3A_2097, %dma_start3A_2098, %dma_start3A_2105, %dma_start3A_2106] : memref<4x2x32x128xf32, #tpu.memory_space<vmem>> -> memref<1x1x32x128xf32, #tpu.memory_space<vmem>>
        %dma_start3A_2108 = tpu.memref_squeeze %dma_start3A_2107 : memref<1x1x32x128xf32, #tpu.memory_space<vmem>> -> memref<32x128xf32, #tpu.memory_space<vmem>>
        %dma_start3A_2109 = arith.constant 0 : i32
        %dma_start3A_2110 = tpu.memref_slice %arg4[%dma_start3A_2109, %multiple_of3A_2093] : memref<32x1000000xf32, #tpu.memory_space<hbm>> -> memref<32x128xf32, #tpu.memory_space<hbm>>
        tpu.enqueue_dma source(%dma_start3A_2110 : memref<32x128xf32, #tpu.memory_space<hbm>>) target(%dma_start3A_2108 : memref<32x128xf32, #tpu.memory_space<vmem>>) target_semaphore(%arg14 : memref<!tpu.dma_semaphore, #tpu.memory_space<semaphore_mem>>)
        %dma_start3A_2111 = arith.constant 1 : i32
        %dma_start3A_2112 = arith.constant 0 : i32
        %dma_start3A_2113 = arith.constant 0 : i32
        %dma_start3A_2114 = arith.constant 0 : i32
        %dma_start3A_2115 = tpu.memref_slice %arg10[%dma_start3A_2111, %dma_start3A_2112, %dma_start3A_2113, %dma_start3A_2114] : memref<4x2x32x128xf32, #tpu.memory_space<vmem>> -> memref<1x1x32x128xf32, #tpu.memory_space<vmem>>
        %dma_start3A_2116 = tpu.memref_squeeze %dma_start3A_2115 : memref<1x1x32x128xf32, #tpu.memory_space<vmem>> -> memref<32x128xf32, #tpu.memory_space<vmem>>
        %dma_start3A_2117 = arith.constant 0 : i32
        %dma_start3A_2118 = tpu.memref_slice %arg5[%dma_start3A_2117, %multiple_of3A_2096] : memref<32x1000000xf32, #tpu.memory_space<hbm>> -> memref<32x128xf32, #tpu.memory_space<hbm>>
        %dma_start3A_2119 = arith.constant 0 : i32
        %dma_start3A_2120 = arith.constant 0 : i32
        %dma_start3A_2121 = tpu.memref_slice %arg10[%dma_start3A_2111, %dma_start3A_2112, %dma_start3A_2119, %dma_start3A_2120] : memref<4x2x32x128xf32, #tpu.memory_space<vmem>> -> memref<1x1x32x128xf32, #tpu.memory_space<vmem>>
        %dma_start3A_2122 = tpu.memref_squeeze %dma_start3A_2121 : memref<1x1x32x128xf32, #tpu.memory_space<vmem>> -> memref<32x128xf32, #tpu.memory_space<vmem>>
        %dma_start3A_2123 = arith.constant 0 : i32
        %dma_start3A_2124 = tpu.memref_slice %arg5[%dma_start3A_2123, %multiple_of3A_2096] : memref<32x1000000xf32, #tpu.memory_space<hbm>> -> memref<32x128xf32, #tpu.memory_space<hbm>>
        tpu.enqueue_dma source(%dma_start3A_2124 : memref<32x128xf32, #tpu.memory_space<hbm>>) target(%dma_start3A_2122 : memref<32x128xf32, #tpu.memory_space<vmem>>) target_semaphore(%arg15 : memref<!tpu.dma_semaphore, #tpu.memory_space<semaphore_mem>>)
        %slice3A_2125 = vector.extract_strided_slice %mul3A_2054 {offsets = [1], sizes = [1], strides = [1]} : vector<16xi32> to vector<1xi32>
        %squeeze3A_2126 = vector.extract %slice3A_2125[0] : i32 from vector<1xi32>
        %multiple_of3A_2127 = tpu.assume_multiple %squeeze3A_2126, 128 : i32
        %slice3A_2128 = vector.extract_strided_slice %mul3A_2090 {offsets = [1], sizes = [1], strides = [1]} : vector<16xi32> to vector<1xi32>
        %squeeze3A_2129 = vector.extract %slice3A_2128[0] : i32 from vector<1xi32>
        %multiple_of3A_2130 = tpu.assume_multiple %squeeze3A_2129, 128 : i32
        %dma_start3A_2131 = arith.constant 1 : i32
        %dma_start3A_2132 = arith.constant 1 : i32
        %dma_start3A_2133 = arith.constant 0 : i32
        %dma_start3A_2134 = arith.constant 0 : i32
        %dma_start3A_2135 = tpu.memref_slice %arg9[%dma_start3A_2131, %dma_start3A_2132, %dma_start3A_2133, %dma_start3A_2134] : memref<4x2x32x128xf32, #tpu.memory_space<vmem>> -> memref<1x1x32x128xf32, #tpu.memory_space<vmem>>
        %dma_start3A_2136 = tpu.memref_squeeze %dma_start3A_2135 : memref<1x1x32x128xf32, #tpu.memory_space<vmem>> -> memref<32x128xf32, #tpu.memory_space<vmem>>
        %dma_start3A_2137 = arith.constant 0 : i32
        %dma_start3A_2138 = tpu.memref_slice %arg4[%dma_start3A_2137, %multiple_of3A_2127] : memref<32x1000000xf32, #tpu.memory_space<hbm>> -> memref<32x128xf32, #tpu.memory_space<hbm>>
        %dma_start3A_2139 = arith.constant 0 : i32
        %dma_start3A_2140 = arith.constant 0 : i32
        %dma_start3A_2141 = tpu.memref_slice %arg9[%dma_start3A_2131, %dma_start3A_2132, %dma_start3A_2139, %dma_start3A_2140] : memref<4x2x32x128xf32, #tpu.memory_space<vmem>> -> memref<1x1x32x128xf32, #tpu.memory_space<vmem>>
        %dma_start3A_2142 = tpu.memref_squeeze %dma_start3A_2141 : memref<1x1x32x128xf32, #tpu.memory_space<vmem>> -> memref<32x128xf32, #tpu.memory_space<vmem>>
        %dma_start3A_2143 = arith.constant 0 : i32
        %dma_start3A_2144 = tpu.memref_slice %arg4[%dma_start3A_2143, %multiple_of3A_2127] : memref<32x1000000xf32, #tpu.memory_space<hbm>> -> memref<32x128xf32, #tpu.memory_space<hbm>>
        tpu.enqueue_dma source(%dma_start3A_2144 : memref<32x128xf32, #tpu.memory_space<hbm>>) target(%dma_start3A_2142 : memref<32x128xf32, #tpu.memory_space<vmem>>) target_semaphore(%arg14 : memref<!tpu.dma_semaphore, #tpu.memory_space<semaphore_mem>>)
        %dma_start3A_2145 = arith.constant 1 : i32
        %dma_start3A_2146 = arith.constant 1 : i32
        %dma_start3A_2147 = arith.constant 0 : i32
        %dma_start3A_2148 = arith.constant 0 : i32
        %dma_start3A_2149 = tpu.memref_slice %arg10[%dma_start3A_2145, %dma_start3A_2146, %dma_start3A_2147, %dma_start3A_2148] : memref<4x2x32x128xf32, #tpu.memory_space<vmem>> -> memref<1x1x32x128xf32, #tpu.memory_space<vmem>>
        %dma_start3A_2150 = tpu.memref_squeeze %dma_start3A_2149 : memref<1x1x32x128xf32, #tpu.memory_space<vmem>> -> memref<32x128xf32, #tpu.memory_space<vmem>>
        %dma_start3A_2151 = arith.constant 0 : i32
        %dma_start3A_2152 = tpu.memref_slice %arg5[%dma_start3A_2151, %multiple_of3A_2130] : memref<32x1000000xf32, #tpu.memory_space<hbm>> -> memref<32x128xf32, #tpu.memory_space<hbm>>
        %dma_start3A_2153 = arith.constant 0 : i32
        %dma_start3A_2154 = arith.constant 0 : i32
        %dma_start3A_2155 = tpu.memref_slice %arg10[%dma_start3A_2145, %dma_start3A_2146, %dma_start3A_2153, %dma_start3A_2154] : memref<4x2x32x128xf32, #tpu.memory_space<vmem>> -> memref<1x1x32x128xf32, #tpu.memory_space<vmem>>
        %dma_start3A_2156 = tpu.memref_squeeze %dma_start3A_2155 : memref<1x1x32x128xf32, #tpu.memory_space<vmem>> -> memref<32x128xf32, #tpu.memory_space<vmem>>
        %dma_start3A_2157 = arith.constant 0 : i32
        %dma_start3A_2158 = tpu.memref_slice %arg5[%dma_start3A_2157, %multiple_of3A_2130] : memref<32x1000000xf32, #tpu.memory_space<hbm>> -> memref<32x128xf32, #tpu.memory_space<hbm>>
        tpu.enqueue_dma source(%dma_start3A_2158 : memref<32x128xf32, #tpu.memory_space<hbm>>) target(%dma_start3A_2156 : memref<32x128xf32, #tpu.memory_space<vmem>>) target_semaphore(%arg15 : memref<!tpu.dma_semaphore, #tpu.memory_space<semaphore_mem>>)
      } else {
      }
      %dma_wait3A_823 = arith.constant 2 : i32
      %dma_wait3A_824 = arith.constant 0 : i32
      %dma_wait3A_825 = arith.constant 0 : i32
      %dma_wait3A_826 = arith.constant 0 : i32
      %dma_wait3A_827 = tpu.memref_slice %arg9[%dma_wait3A_823, %dma_wait3A_824, %dma_wait3A_825, %dma_wait3A_826] : memref<4x2x32x128xf32, #tpu.memory_space<vmem>> -> memref<1x1x32x128xf32, #tpu.memory_space<vmem>>
      %dma_wait3A_828 = tpu.memref_squeeze %dma_wait3A_827 : memref<1x1x32x128xf32, #tpu.memory_space<vmem>> -> memref<32x128xf32, #tpu.memory_space<vmem>>
      %dma_wait3A_829 = arith.constant 0 : i32
      %dma_wait3A_830 = arith.constant 0 : i32
      %dma_wait3A_831 = tpu.memref_slice %arg4[%dma_wait3A_829, %dma_wait3A_830] : memref<32x1000000xf32, #tpu.memory_space<hbm>> -> memref<32x128xf32, #tpu.memory_space<hbm>>
      %dma_wait3A_832 = arith.constant 0 : i32
      %dma_wait3A_833 = arith.constant 0 : i32
      %dma_wait3A_834 = tpu.memref_slice %arg9[%dma_wait3A_823, %dma_wait3A_824, %dma_wait3A_832, %dma_wait3A_833] : memref<4x2x32x128xf32, #tpu.memory_space<vmem>> -> memref<1x1x32x128xf32, #tpu.memory_space<vmem>>
      %dma_wait3A_835 = tpu.memref_squeeze %dma_wait3A_834 : memref<1x1x32x128xf32, #tpu.memory_space<vmem>> -> memref<32x128xf32, #tpu.memory_space<vmem>>
      %dma_wait3A_836 = arith.constant 0 : i32
      %dma_wait3A_837 = arith.constant 0 : i32
      %dma_wait3A_838 = tpu.memref_slice %arg4[%dma_wait3A_836, %dma_wait3A_837] : memref<32x1000000xf32, #tpu.memory_space<hbm>> -> memref<32x128xf32, #tpu.memory_space<hbm>>
      tpu.wait_dma2 semaphore(%arg16 : memref<!tpu.dma_semaphore, #tpu.memory_space<semaphore_mem>>) src(%dma_wait3A_838 : memref<32x128xf32, #tpu.memory_space<hbm>>) dst(%dma_wait3A_835 : memref<32x128xf32, #tpu.memory_space<vmem>>)
      %dma_wait3A_839 = arith.constant 2 : i32
      %dma_wait3A_840 = arith.constant 0 : i32
      %dma_wait3A_841 = arith.constant 0 : i32
      %dma_wait3A_842 = arith.constant 0 : i32
      %dma_wait3A_843 = tpu.memref_slice %arg10[%dma_wait3A_839, %dma_wait3A_840, %dma_wait3A_841, %dma_wait3A_842] : memref<4x2x32x128xf32, #tpu.memory_space<vmem>> -> memref<1x1x32x128xf32, #tpu.memory_space<vmem>>
      %dma_wait3A_844 = tpu.memref_squeeze %dma_wait3A_843 : memref<1x1x32x128xf32, #tpu.memory_space<vmem>> -> memref<32x128xf32, #tpu.memory_space<vmem>>
      %dma_wait3A_845 = arith.constant 0 : i32
      %dma_wait3A_846 = arith.constant 0 : i32
      %dma_wait3A_847 = tpu.memref_slice %arg5[%dma_wait3A_845, %dma_wait3A_846] : memref<32x1000000xf32, #tpu.memory_space<hbm>> -> memref<32x128xf32, #tpu.memory_space<hbm>>
      %dma_wait3A_848 = arith.constant 0 : i32
      %dma_wait3A_849 = arith.constant 0 : i32
      %dma_wait3A_850 = tpu.memref_slice %arg10[%dma_wait3A_839, %dma_wait3A_840, %dma_wait3A_848, %dma_wait3A_849] : memref<4x2x32x128xf32, #tpu.memory_space<vmem>> -> memref<1x1x32x128xf32, #tpu.memory_space<vmem>>
      %dma_wait3A_851 = tpu.memref_squeeze %dma_wait3A_850 : memref<1x1x32x128xf32, #tpu.memory_space<vmem>> -> memref<32x128xf32, #tpu.memory_space<vmem>>
      %dma_wait3A_852 = arith.constant 0 : i32
      %dma_wait3A_853 = arith.constant 0 : i32
      %dma_wait3A_854 = tpu.memref_slice %arg5[%dma_wait3A_852, %dma_wait3A_853] : memref<32x1000000xf32, #tpu.memory_space<hbm>> -> memref<32x128xf32, #tpu.memory_space<hbm>>
      tpu.wait_dma2 semaphore(%arg17 : memref<!tpu.dma_semaphore, #tpu.memory_space<semaphore_mem>>) src(%dma_wait3A_854 : memref<32x128xf32, #tpu.memory_space<hbm>>) dst(%dma_wait3A_851 : memref<32x128xf32, #tpu.memory_space<vmem>>)
      %dma_wait3A_855 = arith.constant 2 : i32
      %dma_wait3A_856 = arith.constant 1 : i32
      %dma_wait3A_857 = arith.constant 0 : i32
      %dma_wait3A_858 = arith.constant 0 : i32
      %dma_wait3A_859 = tpu.memref_slice %arg9[%dma_wait3A_855, %dma_wait3A_856, %dma_wait3A_857, %dma_wait3A_858] : memref<4x2x32x128xf32, #tpu.memory_space<vmem>> -> memref<1x1x32x128xf32, #tpu.memory_space<vmem>>
      %dma_wait3A_860 = tpu.memref_squeeze %dma_wait3A_859 : memref<1x1x32x128xf32, #tpu.memory_space<vmem>> -> memref<32x128xf32, #tpu.memory_space<vmem>>
      %dma_wait3A_861 = arith.constant 0 : i32
      %dma_wait3A_862 = arith.constant 0 : i32
      %dma_wait3A_863 = tpu.memref_slice %arg4[%dma_wait3A_861, %dma_wait3A_862] : memref<32x1000000xf32, #tpu.memory_space<hbm>> -> memref<32x128xf32, #tpu.memory_space<hbm>>
      %dma_wait3A_864 = arith.constant 0 : i32
      %dma_wait3A_865 = arith.constant 0 : i32
      %dma_wait3A_866 = tpu.memref_slice %arg9[%dma_wait3A_855, %dma_wait3A_856, %dma_wait3A_864, %dma_wait3A_865] : memref<4x2x32x128xf32, #tpu.memory_space<vmem>> -> memref<1x1x32x128xf32, #tpu.memory_space<vmem>>
      %dma_wait3A_867 = tpu.memref_squeeze %dma_wait3A_866 : memref<1x1x32x128xf32, #tpu.memory_space<vmem>> -> memref<32x128xf32, #tpu.memory_space<vmem>>
      %dma_wait3A_868 = arith.constant 0 : i32
      %dma_wait3A_869 = arith.constant 0 : i32
      %dma_wait3A_870 = tpu.memref_slice %arg4[%dma_wait3A_868, %dma_wait3A_869] : memref<32x1000000xf32, #tpu.memory_space<hbm>> -> memref<32x128xf32, #tpu.memory_space<hbm>>
      tpu.wait_dma2 semaphore(%arg16 : memref<!tpu.dma_semaphore, #tpu.memory_space<semaphore_mem>>) src(%dma_wait3A_870 : memref<32x128xf32, #tpu.memory_space<hbm>>) dst(%dma_wait3A_867 : memref<32x128xf32, #tpu.memory_space<vmem>>)
      %dma_wait3A_871 = arith.constant 2 : i32
      %dma_wait3A_872 = arith.constant 1 : i32
      %dma_wait3A_873 = arith.constant 0 : i32
      %dma_wait3A_874 = arith.constant 0 : i32
      %dma_wait3A_875 = tpu.memref_slice %arg10[%dma_wait3A_871, %dma_wait3A_872, %dma_wait3A_873, %dma_wait3A_874] : memref<4x2x32x128xf32, #tpu.memory_space<vmem>> -> memref<1x1x32x128xf32, #tpu.memory_space<vmem>>
      %dma_wait3A_876 = tpu.memref_squeeze %dma_wait3A_875 : memref<1x1x32x128xf32, #tpu.memory_space<vmem>> -> memref<32x128xf32, #tpu.memory_space<vmem>>
      %dma_wait3A_877 = arith.constant 0 : i32
      %dma_wait3A_878 = arith.constant 0 : i32
      %dma_wait3A_879 = tpu.memref_slice %arg5[%dma_wait3A_877, %dma_wait3A_878] : memref<32x1000000xf32, #tpu.memory_space<hbm>> -> memref<32x128xf32, #tpu.memory_space<hbm>>
      %dma_wait3A_880 = arith.constant 0 : i32
      %dma_wait3A_881 = arith.constant 0 : i32
      %dma_wait3A_882 = tpu.memref_slice %arg10[%dma_wait3A_871, %dma_wait3A_872, %dma_wait3A_880, %dma_wait3A_881] : memref<4x2x32x128xf32, #tpu.memory_space<vmem>> -> memref<1x1x32x128xf32, #tpu.memory_space<vmem>>
      %dma_wait3A_883 = tpu.memref_squeeze %dma_wait3A_882 : memref<1x1x32x128xf32, #tpu.memory_space<vmem>> -> memref<32x128xf32, #tpu.memory_space<vmem>>
      %dma_wait3A_884 = arith.constant 0 : i32
      %dma_wait3A_885 = arith.constant 0 : i32
      %dma_wait3A_886 = tpu.memref_slice %arg5[%dma_wait3A_884, %dma_wait3A_885] : memref<32x1000000xf32, #tpu.memory_space<hbm>> -> memref<32x128xf32, #tpu.memory_space<hbm>>
      tpu.wait_dma2 semaphore(%arg17 : memref<!tpu.dma_semaphore, #tpu.memory_space<semaphore_mem>>) src(%dma_wait3A_886 : memref<32x128xf32, #tpu.memory_space<hbm>>) dst(%dma_wait3A_883 : memref<32x128xf32, #tpu.memory_space<vmem>>)
      %mul3A_887 = arith.constant 2 : i32
      %mul3A_888 = arith.muli %add3A_813, %mul3A_887 : i32
      %get3A_889 = arith.index_cast %mul3A_888 : i32 to index
      %get3A_890 = tpu.vector_load %arg7[%get3A_889] {strides = array<i32>} : memref<528xi32, #tpu.memory_space<vmem>>, vector<16xi32>,
      %rem3A_891 = arith.constant 128 : i32
      %rem3A_892 = vector.broadcast %rem3A_891 : i32 to vector<16xi32>
      %rem3A_893 = arith.remsi %get3A_890, %rem3A_892 : vector<16xi32>
      %get3A_894 = arith.index_cast %mul3A_888 : i32 to index
      %get3A_895 = tpu.vector_load %arg8[%get3A_894] {strides = array<i32>} : memref<528xi32, #tpu.memory_space<vmem>>, vector<16xi32>,
      %rem3A_896 = arith.constant 128 : i32
      %rem3A_897 = vector.broadcast %rem3A_896 : i32 to vector<16xi32>
      %rem3A_898 = arith.remsi %get3A_895, %rem3A_897 : vector<16xi32>
      %add3A_899 = arith.constant 16 : i32
      %add3A_900 = vector.broadcast %add3A_899 : i32 to vector<16xi32>
      %add3A_901 = arith.addi %iota3A, %add3A_900 : vector<16xi32>
      %broadcast_in_dim3A_902 = arith.constant 0 : i32
      %broadcast_in_dim3A_903 = vector.broadcast %broadcast_in_dim3A_902 : i32 to vector<16xi32>
      %broadcast_in_dim3A_904 = arith.constant 1 : i32
      %broadcast_in_dim3A_905 = vector.broadcast %broadcast_in_dim3A_904 : i32 to vector<16xi32>
      %slice3A_906 = vector.extract_strided_slice %rem3A_893 {offsets = [0], sizes = [1], strides = [1]} : vector<16xi32> to vector<1xi32>
      %squeeze3A_907 = vector.extract %slice3A_906[0] : i32 from vector<1xi32>
      %mul3A_908 = vector.broadcast %squeeze3A_907 : i32 to vector<16xi32>
      %mul3A_909 = arith.muli %broadcast_in_dim3A_905, %mul3A_908 : vector<16xi32>
      %broadcast_in_dim3A_910 = arith.constant 1 : i32
      %broadcast_in_dim3A_911 = vector.broadcast %broadcast_in_dim3A_910 : i32 to vector<16xi32>
      %slice3A_912 = vector.extract_strided_slice %rem3A_898 {offsets = [0], sizes = [1], strides = [1]} : vector<16xi32> to vector<1xi32>
      %squeeze3A_913 = vector.extract %slice3A_912[0] : i32 from vector<1xi32>
      %mul3A_914 = vector.broadcast %squeeze3A_913 : i32 to vector<16xi32>
      %mul3A_915 = arith.muli %broadcast_in_dim3A_911, %mul3A_914 : vector<16xi32>
      %gather3A_916 = arith.constant 2 : i32
      %gather3A_917 = arith.constant 0 : i32
      %gather3A_918 = arith.constant 0 : i32
      %gather3A_919 = arith.constant 0 : i32
      %gather3A_920 = tpu.memref_slice %arg9[%gather3A_916, %gather3A_917, %gather3A_918, %gather3A_919] : memref<4x2x32x128xf32, #tpu.memory_space<vmem>> -> memref<1x2x32x128xf32, #tpu.memory_space<vmem>>
      %gather3A_921 = tpu.memref_squeeze %gather3A_920 : memref<1x2x32x128xf32, #tpu.memory_space<vmem>> -> memref<2x32x128xf32, #tpu.memory_space<vmem>>
      %gather3A_922 = tpu.vector_load_idx %gather3A_921[%broadcast_in_dim3A_903, %iota3A, %mul3A_909] : memref<2x32x128xf32, #tpu.memory_space<vmem>>[vector<16xi32>, vector<16xi32>, vector<16xi32>], vector<16xf32>,
      %gather3A_923 = arith.constant 2 : i32
      %gather3A_924 = arith.constant 0 : i32
      %gather3A_925 = arith.constant 0 : i32
      %gather3A_926 = arith.constant 0 : i32
      %gather3A_927 = tpu.memref_slice %arg10[%gather3A_923, %gather3A_924, %gather3A_925, %gather3A_926] : memref<4x2x32x128xf32, #tpu.memory_space<vmem>> -> memref<1x2x32x128xf32, #tpu.memory_space<vmem>>
      %gather3A_928 = tpu.memref_squeeze %gather3A_927 : memref<1x2x32x128xf32, #tpu.memory_space<vmem>> -> memref<2x32x128xf32, #tpu.memory_space<vmem>>
      %gather3A_929 = tpu.vector_load_idx %gather3A_928[%broadcast_in_dim3A_903, %iota3A, %mul3A_915] : memref<2x32x128xf32, #tpu.memory_space<vmem>>[vector<16xi32>, vector<16xi32>, vector<16xi32>], vector<16xf32>,
      %mul3A_930 = arith.mulf %gather3A_922, %gather3A_929 : vector<16xf32>
      %gather3A_931 = arith.constant 2 : i32
      %gather3A_932 = arith.constant 0 : i32
      %gather3A_933 = arith.constant 0 : i32
      %gather3A_934 = arith.constant 0 : i32
      %gather3A_935 = tpu.memref_slice %arg9[%gather3A_931, %gather3A_932, %gather3A_933, %gather3A_934] : memref<4x2x32x128xf32, #tpu.memory_space<vmem>> -> memref<1x2x32x128xf32, #tpu.memory_space<vmem>>
      %gather3A_936 = tpu.memref_squeeze %gather3A_935 : memref<1x2x32x128xf32, #tpu.memory_space<vmem>> -> memref<2x32x128xf32, #tpu.memory_space<vmem>>
      %gather3A_937 = tpu.vector_load_idx %gather3A_936[%broadcast_in_dim3A_903, %add3A_901, %mul3A_909] : memref<2x32x128xf32, #tpu.memory_space<vmem>>[vector<16xi32>, vector<16xi32>, vector<16xi32>], vector<16xf32>,
      %gather3A_938 = arith.constant 2 : i32
      %gather3A_939 = arith.constant 0 : i32
      %gather3A_940 = arith.constant 0 : i32
      %gather3A_941 = arith.constant 0 : i32
      %gather3A_942 = tpu.memref_slice %arg10[%gather3A_938, %gather3A_939, %gather3A_940, %gather3A_941] : memref<4x2x32x128xf32, #tpu.memory_space<vmem>> -> memref<1x2x32x128xf32, #tpu.memory_space<vmem>>
      %gather3A_943 = tpu.memref_squeeze %gather3A_942 : memref<1x2x32x128xf32, #tpu.memory_space<vmem>> -> memref<2x32x128xf32, #tpu.memory_space<vmem>>
      %gather3A_944 = tpu.vector_load_idx %gather3A_943[%broadcast_in_dim3A_903, %add3A_901, %mul3A_915] : memref<2x32x128xf32, #tpu.memory_space<vmem>>[vector<16xi32>, vector<16xi32>, vector<16xi32>], vector<16xf32>,
      %mul3A_945 = arith.mulf %gather3A_937, %gather3A_944 : vector<16xf32>
      %add3A_946 = arith.addf %mul3A_930, %mul3A_945 : vector<16xf32>
      %eq3A_947 = arith.constant 4 : i32
      %eq3A_948 = vector.broadcast %eq3A_947 : i32 to vector<16xi32>
      %eq3A_949 = arith.cmpi eq, %iota3A, %eq3A_948 : vector<16xi32>
      %reduce_sum3A_950 = arith.constant true
      %reduce_sum3A_951 = vector.broadcast %reduce_sum3A_950 : i1 to vector<16xi1>
      %reduce_sum3A_952 = tpu.scan <sum>, %add3A_946 masked %reduce_sum3A_951 : vector<16xf32>, vector<16xi1> -> vector<16xf32>
      %reduce_sum3A_953 = vector.extract %reduce_sum3A_952[15] : f32 from vector<16xf32>
      %broadcast_in_dim3A_954 = vector.broadcast %reduce_sum3A_953 : f32 to vector<16xf32>
      %select_n3A_955 = arith.select %eq3A_949, %broadcast_in_dim3A_954, %select_n3A_809 : vector<16xi1>, vector<16xf32>
      %broadcast_in_dim3A_956 = arith.constant 1 : i32
      %broadcast_in_dim3A_957 = vector.broadcast %broadcast_in_dim3A_956 : i32 to vector<16xi32>
      %broadcast_in_dim3A_958 = arith.constant 1 : i32
      %broadcast_in_dim3A_959 = vector.broadcast %broadcast_in_dim3A_958 : i32 to vector<16xi32>
      %slice3A_960 = vector.extract_strided_slice %rem3A_893 {offsets = [1], sizes = [1], strides = [1]} : vector<16xi32> to vector<1xi32>
      %squeeze3A_961 = vector.extract %slice3A_960[0] : i32 from vector<1xi32>
      %mul3A_962 = vector.broadcast %squeeze3A_961 : i32 to vector<16xi32>
      %mul3A_963 = arith.muli %broadcast_in_dim3A_959, %mul3A_962 : vector<16xi32>
      %broadcast_in_dim3A_964 = arith.constant 1 : i32
      %broadcast_in_dim3A_965 = vector.broadcast %broadcast_in_dim3A_964 : i32 to vector<16xi32>
      %slice3A_966 = vector.extract_strided_slice %rem3A_898 {offsets = [1], sizes = [1], strides = [1]} : vector<16xi32> to vector<1xi32>
      %squeeze3A_967 = vector.extract %slice3A_966[0] : i32 from vector<1xi32>
      %mul3A_968 = vector.broadcast %squeeze3A_967 : i32 to vector<16xi32>
      %mul3A_969 = arith.muli %broadcast_in_dim3A_965, %mul3A_968 : vector<16xi32>
      %gather3A_970 = arith.constant 2 : i32
      %gather3A_971 = arith.constant 0 : i32
      %gather3A_972 = arith.constant 0 : i32
      %gather3A_973 = arith.constant 0 : i32
      %gather3A_974 = tpu.memref_slice %arg9[%gather3A_970, %gather3A_971, %gather3A_972, %gather3A_973] : memref<4x2x32x128xf32, #tpu.memory_space<vmem>> -> memref<1x2x32x128xf32, #tpu.memory_space<vmem>>
      %gather3A_975 = tpu.memref_squeeze %gather3A_974 : memref<1x2x32x128xf32, #tpu.memory_space<vmem>> -> memref<2x32x128xf32, #tpu.memory_space<vmem>>
      %gather3A_976 = tpu.vector_load_idx %gather3A_975[%broadcast_in_dim3A_957, %iota3A, %mul3A_963] : memref<2x32x128xf32, #tpu.memory_space<vmem>>[vector<16xi32>, vector<16xi32>, vector<16xi32>], vector<16xf32>,
      %gather3A_977 = arith.constant 2 : i32
      %gather3A_978 = arith.constant 0 : i32
      %gather3A_979 = arith.constant 0 : i32
      %gather3A_980 = arith.constant 0 : i32
      %gather3A_981 = tpu.memref_slice %arg10[%gather3A_977, %gather3A_978, %gather3A_979, %gather3A_980] : memref<4x2x32x128xf32, #tpu.memory_space<vmem>> -> memref<1x2x32x128xf32, #tpu.memory_space<vmem>>
      %gather3A_982 = tpu.memref_squeeze %gather3A_981 : memref<1x2x32x128xf32, #tpu.memory_space<vmem>> -> memref<2x32x128xf32, #tpu.memory_space<vmem>>
      %gather3A_983 = tpu.vector_load_idx %gather3A_982[%broadcast_in_dim3A_957, %iota3A, %mul3A_969] : memref<2x32x128xf32, #tpu.memory_space<vmem>>[vector<16xi32>, vector<16xi32>, vector<16xi32>], vector<16xf32>,
      %mul3A_984 = arith.mulf %gather3A_976, %gather3A_983 : vector<16xf32>
      %gather3A_985 = arith.constant 2 : i32
      %gather3A_986 = arith.constant 0 : i32
      %gather3A_987 = arith.constant 0 : i32
      %gather3A_988 = arith.constant 0 : i32
      %gather3A_989 = tpu.memref_slice %arg9[%gather3A_985, %gather3A_986, %gather3A_987, %gather3A_988] : memref<4x2x32x128xf32, #tpu.memory_space<vmem>> -> memref<1x2x32x128xf32, #tpu.memory_space<vmem>>
      %gather3A_990 = tpu.memref_squeeze %gather3A_989 : memref<1x2x32x128xf32, #tpu.memory_space<vmem>> -> memref<2x32x128xf32, #tpu.memory_space<vmem>>
      %gather3A_991 = tpu.vector_load_idx %gather3A_990[%broadcast_in_dim3A_957, %add3A_901, %mul3A_963] : memref<2x32x128xf32, #tpu.memory_space<vmem>>[vector<16xi32>, vector<16xi32>, vector<16xi32>], vector<16xf32>,
      %gather3A_992 = arith.constant 2 : i32
      %gather3A_993 = arith.constant 0 : i32
      %gather3A_994 = arith.constant 0 : i32
      %gather3A_995 = arith.constant 0 : i32
      %gather3A_996 = tpu.memref_slice %arg10[%gather3A_992, %gather3A_993, %gather3A_994, %gather3A_995] : memref<4x2x32x128xf32, #tpu.memory_space<vmem>> -> memref<1x2x32x128xf32, #tpu.memory_space<vmem>>
      %gather3A_997 = tpu.memref_squeeze %gather3A_996 : memref<1x2x32x128xf32, #tpu.memory_space<vmem>> -> memref<2x32x128xf32, #tpu.memory_space<vmem>>
      %gather3A_998 = tpu.vector_load_idx %gather3A_997[%broadcast_in_dim3A_957, %add3A_901, %mul3A_969] : memref<2x32x128xf32, #tpu.memory_space<vmem>>[vector<16xi32>, vector<16xi32>, vector<16xi32>], vector<16xf32>,
      %mul3A_999 = arith.mulf %gather3A_991, %gather3A_998 : vector<16xf32>
      %add3A_1000 = arith.addf %mul3A_984, %mul3A_999 : vector<16xf32>
      %eq3A_1001 = arith.constant 5 : i32
      %eq3A_1002 = vector.broadcast %eq3A_1001 : i32 to vector<16xi32>
      %eq3A_1003 = arith.cmpi eq, %iota3A, %eq3A_1002 : vector<16xi32>
      %reduce_sum3A_1004 = arith.constant true
      %reduce_sum3A_1005 = vector.broadcast %reduce_sum3A_1004 : i1 to vector<16xi1>
      %reduce_sum3A_1006 = tpu.scan <sum>, %add3A_1000 masked %reduce_sum3A_1005 : vector<16xf32>, vector<16xi1> -> vector<16xf32>
      %reduce_sum3A_1007 = vector.extract %reduce_sum3A_1006[15] : f32 from vector<16xf32>
      %broadcast_in_dim3A_1008 = vector.broadcast %reduce_sum3A_1007 : f32 to vector<16xf32>
      %select_n3A_1009 = arith.select %eq3A_1003, %broadcast_in_dim3A_1008, %select_n3A_955 : vector<16xi1>, vector<16xf32>
      %mul3A_1010 = arith.constant 8 : i32
      %mul3A_1011 = arith.muli %mul3A_1010, %scan3A_415 : i32
      %add3A_1012 = arith.constant 3 : i32
      %add3A_1013 = arith.addi %mul3A_1011, %add3A_1012 : i32
      %add3A_1014 = arith.constant 4 : i32
      %add3A_1015 = arith.addi %add3A_1013, %add3A_1014 : i32
      %sub3A_1016 = arith.constant 1 : i32
      %sub3A_1017 = arith.subi %add3A_1015, %sub3A_1016 : i32
      %lt3A_1018 = arith.constant 256 : i32
      %lt3A_1019 = arith.cmpi slt, %sub3A_1017, %lt3A_1018 : i32
      %convert_element_type3A_1020 = arith.extui %lt3A_1019 : i1 to i32
      %cond3A_1021 = arith.constant 0 : i32
      %cond3A_1022 = arith.cmpi ne, %convert_element_type3A_1020, %cond3A_1021 : i32
      scf.if %cond3A_1022 {
        %add3A_2013 = arith.constant 4 : i32
        %add3A_2014 = arith.addi %add3A_1013, %add3A_2013 : i32
        %sub3A_2015 = arith.constant 1 : i32
        %sub3A_2016 = arith.subi %add3A_2014, %sub3A_2015 : i32
        %mul3A_2017 = arith.constant 2 : i32
        %mul3A_2018 = arith.muli %sub3A_2016, %mul3A_2017 : i32
        %get3A_2019 = arith.index_cast %mul3A_2018 : i32 to index
        %get3A_2020 = tpu.vector_load %arg7[%get3A_2019] {strides = array<i32>} : memref<528xi32, #tpu.memory_space<vmem>>, vector<16xi32>,
        %jit3A_2021 = arith.constant 128 : i32
        %div3A_2022 = vector.broadcast %jit3A_2021 : i32 to vector<16xi32>
        %div3A_2023 = arith.divsi %get3A_2020, %div3A_2022 : vector<16xi32>
        %sign3A_2024 = arith.constant 0 : i32
        %sign3A_2025 = vector.broadcast %sign3A_2024 : i32 to vector<16xi32>
        %sign3A_2026 = arith.cmpi sgt, %get3A_2020, %sign3A_2025 : vector<16xi32>
        %sign3A_2027 = arith.extui %sign3A_2026 : vector<16xi1> to vector<16xi32>
        %sign3A_2028 = arith.constant 0 : i32
        %sign3A_2029 = vector.broadcast %sign3A_2028 : i32 to vector<16xi32>
        %sign3A_2030 = arith.cmpi slt, %get3A_2020, %sign3A_2029 : vector<16xi32>
        %sign3A_2031 = arith.extui %sign3A_2030 : vector<16xi1> to vector<16xi32>
        %sign3A_2032 = arith.subi %sign3A_2027, %sign3A_2031 : vector<16xi32>
        %sign3A_2033 = arith.constant 0 : i32
        %sign3A_2034 = arith.cmpi sgt, %jit3A_2021, %sign3A_2033 : i32
        %sign3A_2035 = arith.extui %sign3A_2034 : i1 to i32
        %sign3A_2036 = arith.constant 0 : i32
        %sign3A_2037 = arith.cmpi slt, %jit3A_2021, %sign3A_2036 : i32
        %sign3A_2038 = arith.extui %sign3A_2037 : i1 to i32
        %sign3A_2039 = arith.subi %sign3A_2035, %sign3A_2038 : i32
        %ne3A_2040 = vector.broadcast %sign3A_2039 : i32 to vector<16xi32>
        %ne3A_2041 = arith.cmpi ne, %sign3A_2032, %ne3A_2040 : vector<16xi32>
        %rem3A_2042 = vector.broadcast %jit3A_2021 : i32 to vector<16xi32>
        %rem3A_2043 = arith.remsi %get3A_2020, %rem3A_2042 : vector<16xi32>
        %ne3A_2044 = arith.constant 0 : i32
        %ne3A_2045 = vector.broadcast %ne3A_2044 : i32 to vector<16xi32>
        %ne3A_2046 = arith.cmpi ne, %rem3A_2043, %ne3A_2045 : vector<16xi32>
        %and3A_2047 = arith.andi %ne3A_2041, %ne3A_2046 : vector<16xi1>
        %sub3A_2048 = arith.constant 1 : i32
        %sub3A_2049 = vector.broadcast %sub3A_2048 : i32 to vector<16xi32>
        %sub3A_2050 = arith.subi %div3A_2023, %sub3A_2049 : vector<16xi32>
        %select_n3A_2051 = arith.select %and3A_2047, %sub3A_2050, %div3A_2023 : vector<16xi1>, vector<16xi32>
        %mul3A_2052 = arith.constant 128 : i32
        %mul3A_2053 = vector.broadcast %mul3A_2052 : i32 to vector<16xi32>
        %mul3A_2054 = arith.muli %select_n3A_2051, %mul3A_2053 : vector<16xi32>
        %get3A_2055 = arith.index_cast %mul3A_2018 : i32 to index
        %get3A_2056 = tpu.vector_load %arg8[%get3A_2055] {strides = array<i32>} : memref<528xi32, #tpu.memory_space<vmem>>, vector<16xi32>,
        %jit3A_2057 = arith.constant 128 : i32
        %div3A_2058 = vector.broadcast %jit3A_2057 : i32 to vector<16xi32>
        %div3A_2059 = arith.divsi %get3A_2056, %div3A_2058 : vector<16xi32>
        %sign3A_2060 = arith.constant 0 : i32
        %sign3A_2061 = vector.broadcast %sign3A_2060 : i32 to vector<16xi32>
        %sign3A_2062 = arith.cmpi sgt, %get3A_2056, %sign3A_2061 : vector<16xi32>
        %sign3A_2063 = arith.extui %sign3A_2062 : vector<16xi1> to vector<16xi32>
        %sign3A_2064 = arith.constant 0 : i32
        %sign3A_2065 = vector.broadcast %sign3A_2064 : i32 to vector<16xi32>
        %sign3A_2066 = arith.cmpi slt, %get3A_2056, %sign3A_2065 : vector<16xi32>
        %sign3A_2067 = arith.extui %sign3A_2066 : vector<16xi1> to vector<16xi32>
        %sign3A_2068 = arith.subi %sign3A_2063, %sign3A_2067 : vector<16xi32>
        %sign3A_2069 = arith.constant 0 : i32
        %sign3A_2070 = arith.cmpi sgt, %jit3A_2057, %sign3A_2069 : i32
        %sign3A_2071 = arith.extui %sign3A_2070 : i1 to i32
        %sign3A_2072 = arith.constant 0 : i32
        %sign3A_2073 = arith.cmpi slt, %jit3A_2057, %sign3A_2072 : i32
        %sign3A_2074 = arith.extui %sign3A_2073 : i1 to i32
        %sign3A_2075 = arith.subi %sign3A_2071, %sign3A_2074 : i32
        %ne3A_2076 = vector.broadcast %sign3A_2075 : i32 to vector<16xi32>
        %ne3A_2077 = arith.cmpi ne, %sign3A_2068, %ne3A_2076 : vector<16xi32>
        %rem3A_2078 = vector.broadcast %jit3A_2057 : i32 to vector<16xi32>
        %rem3A_2079 = arith.remsi %get3A_2056, %rem3A_2078 : vector<16xi32>
        %ne3A_2080 = arith.constant 0 : i32
        %ne3A_2081 = vector.broadcast %ne3A_2080 : i32 to vector<16xi32>
        %ne3A_2082 = arith.cmpi ne, %rem3A_2079, %ne3A_2081 : vector<16xi32>
        %and3A_2083 = arith.andi %ne3A_2077, %ne3A_2082 : vector<16xi1>
        %sub3A_2084 = arith.constant 1 : i32
        %sub3A_2085 = vector.broadcast %sub3A_2084 : i32 to vector<16xi32>
        %sub3A_2086 = arith.subi %div3A_2059, %sub3A_2085 : vector<16xi32>
        %select_n3A_2087 = arith.select %and3A_2083, %sub3A_2086, %div3A_2059 : vector<16xi1>, vector<16xi32>
        %mul3A_2088 = arith.constant 128 : i32
        %mul3A_2089 = vector.broadcast %mul3A_2088 : i32 to vector<16xi32>
        %mul3A_2090 = arith.muli %select_n3A_2087, %mul3A_2089 : vector<16xi32>
        %slice3A_2091 = vector.extract_strided_slice %mul3A_2054 {offsets = [0], sizes = [1], strides = [1]} : vector<16xi32> to vector<1xi32>
        %squeeze3A_2092 = vector.extract %slice3A_2091[0] : i32 from vector<1xi32>
        %multiple_of3A_2093 = tpu.assume_multiple %squeeze3A_2092, 128 : i32
        %slice3A_2094 = vector.extract_strided_slice %mul3A_2090 {offsets = [0], sizes = [1], strides = [1]} : vector<16xi32> to vector<1xi32>
        %squeeze3A_2095 = vector.extract %slice3A_2094[0] : i32 from vector<1xi32>
        %multiple_of3A_2096 = tpu.assume_multiple %squeeze3A_2095, 128 : i32
        %dma_start3A_2097 = arith.constant 2 : i32
        %dma_start3A_2098 = arith.constant 0 : i32
        %dma_start3A_2099 = arith.constant 0 : i32
        %dma_start3A_2100 = arith.constant 0 : i32
        %dma_start3A_2101 = tpu.memref_slice %arg9[%dma_start3A_2097, %dma_start3A_2098, %dma_start3A_2099, %dma_start3A_2100] : memref<4x2x32x128xf32, #tpu.memory_space<vmem>> -> memref<1x1x32x128xf32, #tpu.memory_space<vmem>>
        %dma_start3A_2102 = tpu.memref_squeeze %dma_start3A_2101 : memref<1x1x32x128xf32, #tpu.memory_space<vmem>> -> memref<32x128xf32, #tpu.memory_space<vmem>>
        %dma_start3A_2103 = arith.constant 0 : i32
        %dma_start3A_2104 = tpu.memref_slice %arg4[%dma_start3A_2103, %multiple_of3A_2093] : memref<32x1000000xf32, #tpu.memory_space<hbm>> -> memref<32x128xf32, #tpu.memory_space<hbm>>
        %dma_start3A_2105 = arith.constant 0 : i32
        %dma_start3A_2106 = arith.constant 0 : i32
        %dma_start3A_2107 = tpu.memref_slice %arg9[%dma_start3A_2097, %dma_start3A_2098, %dma_start3A_2105, %dma_start3A_2106] : memref<4x2x32x128xf32, #tpu.memory_space<vmem>> -> memref<1x1x32x128xf32, #tpu.memory_space<vmem>>
        %dma_start3A_2108 = tpu.memref_squeeze %dma_start3A_2107 : memref<1x1x32x128xf32, #tpu.memory_space<vmem>> -> memref<32x128xf32, #tpu.memory_space<vmem>>
        %dma_start3A_2109 = arith.constant 0 : i32
        %dma_start3A_2110 = tpu.memref_slice %arg4[%dma_start3A_2109, %multiple_of3A_2093] : memref<32x1000000xf32, #tpu.memory_space<hbm>> -> memref<32x128xf32, #tpu.memory_space<hbm>>
        tpu.enqueue_dma source(%dma_start3A_2110 : memref<32x128xf32, #tpu.memory_space<hbm>>) target(%dma_start3A_2108 : memref<32x128xf32, #tpu.memory_space<vmem>>) target_semaphore(%arg16 : memref<!tpu.dma_semaphore, #tpu.memory_space<semaphore_mem>>)
        %dma_start3A_2111 = arith.constant 2 : i32
        %dma_start3A_2112 = arith.constant 0 : i32
        %dma_start3A_2113 = arith.constant 0 : i32
        %dma_start3A_2114 = arith.constant 0 : i32
        %dma_start3A_2115 = tpu.memref_slice %arg10[%dma_start3A_2111, %dma_start3A_2112, %dma_start3A_2113, %dma_start3A_2114] : memref<4x2x32x128xf32, #tpu.memory_space<vmem>> -> memref<1x1x32x128xf32, #tpu.memory_space<vmem>>
        %dma_start3A_2116 = tpu.memref_squeeze %dma_start3A_2115 : memref<1x1x32x128xf32, #tpu.memory_space<vmem>> -> memref<32x128xf32, #tpu.memory_space<vmem>>
        %dma_start3A_2117 = arith.constant 0 : i32
        %dma_start3A_2118 = tpu.memref_slice %arg5[%dma_start3A_2117, %multiple_of3A_2096] : memref<32x1000000xf32, #tpu.memory_space<hbm>> -> memref<32x128xf32, #tpu.memory_space<hbm>>
        %dma_start3A_2119 = arith.constant 0 : i32
        %dma_start3A_2120 = arith.constant 0 : i32
        %dma_start3A_2121 = tpu.memref_slice %arg10[%dma_start3A_2111, %dma_start3A_2112, %dma_start3A_2119, %dma_start3A_2120] : memref<4x2x32x128xf32, #tpu.memory_space<vmem>> -> memref<1x1x32x128xf32, #tpu.memory_space<vmem>>
        %dma_start3A_2122 = tpu.memref_squeeze %dma_start3A_2121 : memref<1x1x32x128xf32, #tpu.memory_space<vmem>> -> memref<32x128xf32, #tpu.memory_space<vmem>>
        %dma_start3A_2123 = arith.constant 0 : i32
        %dma_start3A_2124 = tpu.memref_slice %arg5[%dma_start3A_2123, %multiple_of3A_2096] : memref<32x1000000xf32, #tpu.memory_space<hbm>> -> memref<32x128xf32, #tpu.memory_space<hbm>>
        tpu.enqueue_dma source(%dma_start3A_2124 : memref<32x128xf32, #tpu.memory_space<hbm>>) target(%dma_start3A_2122 : memref<32x128xf32, #tpu.memory_space<vmem>>) target_semaphore(%arg17 : memref<!tpu.dma_semaphore, #tpu.memory_space<semaphore_mem>>)
        %slice3A_2125 = vector.extract_strided_slice %mul3A_2054 {offsets = [1], sizes = [1], strides = [1]} : vector<16xi32> to vector<1xi32>
        %squeeze3A_2126 = vector.extract %slice3A_2125[0] : i32 from vector<1xi32>
        %multiple_of3A_2127 = tpu.assume_multiple %squeeze3A_2126, 128 : i32
        %slice3A_2128 = vector.extract_strided_slice %mul3A_2090 {offsets = [1], sizes = [1], strides = [1]} : vector<16xi32> to vector<1xi32>
        %squeeze3A_2129 = vector.extract %slice3A_2128[0] : i32 from vector<1xi32>
        %multiple_of3A_2130 = tpu.assume_multiple %squeeze3A_2129, 128 : i32
        %dma_start3A_2131 = arith.constant 2 : i32
        %dma_start3A_2132 = arith.constant 1 : i32
        %dma_start3A_2133 = arith.constant 0 : i32
        %dma_start3A_2134 = arith.constant 0 : i32
        %dma_start3A_2135 = tpu.memref_slice %arg9[%dma_start3A_2131, %dma_start3A_2132, %dma_start3A_2133, %dma_start3A_2134] : memref<4x2x32x128xf32, #tpu.memory_space<vmem>> -> memref<1x1x32x128xf32, #tpu.memory_space<vmem>>
        %dma_start3A_2136 = tpu.memref_squeeze %dma_start3A_2135 : memref<1x1x32x128xf32, #tpu.memory_space<vmem>> -> memref<32x128xf32, #tpu.memory_space<vmem>>
        %dma_start3A_2137 = arith.constant 0 : i32
        %dma_start3A_2138 = tpu.memref_slice %arg4[%dma_start3A_2137, %multiple_of3A_2127] : memref<32x1000000xf32, #tpu.memory_space<hbm>> -> memref<32x128xf32, #tpu.memory_space<hbm>>
        %dma_start3A_2139 = arith.constant 0 : i32
        %dma_start3A_2140 = arith.constant 0 : i32
        %dma_start3A_2141 = tpu.memref_slice %arg9[%dma_start3A_2131, %dma_start3A_2132, %dma_start3A_2139, %dma_start3A_2140] : memref<4x2x32x128xf32, #tpu.memory_space<vmem>> -> memref<1x1x32x128xf32, #tpu.memory_space<vmem>>
        %dma_start3A_2142 = tpu.memref_squeeze %dma_start3A_2141 : memref<1x1x32x128xf32, #tpu.memory_space<vmem>> -> memref<32x128xf32, #tpu.memory_space<vmem>>
        %dma_start3A_2143 = arith.constant 0 : i32
        %dma_start3A_2144 = tpu.memref_slice %arg4[%dma_start3A_2143, %multiple_of3A_2127] : memref<32x1000000xf32, #tpu.memory_space<hbm>> -> memref<32x128xf32, #tpu.memory_space<hbm>>
        tpu.enqueue_dma source(%dma_start3A_2144 : memref<32x128xf32, #tpu.memory_space<hbm>>) target(%dma_start3A_2142 : memref<32x128xf32, #tpu.memory_space<vmem>>) target_semaphore(%arg16 : memref<!tpu.dma_semaphore, #tpu.memory_space<semaphore_mem>>)
        %dma_start3A_2145 = arith.constant 2 : i32
        %dma_start3A_2146 = arith.constant 1 : i32
        %dma_start3A_2147 = arith.constant 0 : i32
        %dma_start3A_2148 = arith.constant 0 : i32
        %dma_start3A_2149 = tpu.memref_slice %arg10[%dma_start3A_2145, %dma_start3A_2146, %dma_start3A_2147, %dma_start3A_2148] : memref<4x2x32x128xf32, #tpu.memory_space<vmem>> -> memref<1x1x32x128xf32, #tpu.memory_space<vmem>>
        %dma_start3A_2150 = tpu.memref_squeeze %dma_start3A_2149 : memref<1x1x32x128xf32, #tpu.memory_space<vmem>> -> memref<32x128xf32, #tpu.memory_space<vmem>>
        %dma_start3A_2151 = arith.constant 0 : i32
        %dma_start3A_2152 = tpu.memref_slice %arg5[%dma_start3A_2151, %multiple_of3A_2130] : memref<32x1000000xf32, #tpu.memory_space<hbm>> -> memref<32x128xf32, #tpu.memory_space<hbm>>
        %dma_start3A_2153 = arith.constant 0 : i32
        %dma_start3A_2154 = arith.constant 0 : i32
        %dma_start3A_2155 = tpu.memref_slice %arg10[%dma_start3A_2145, %dma_start3A_2146, %dma_start3A_2153, %dma_start3A_2154] : memref<4x2x32x128xf32, #tpu.memory_space<vmem>> -> memref<1x1x32x128xf32, #tpu.memory_space<vmem>>
        %dma_start3A_2156 = tpu.memref_squeeze %dma_start3A_2155 : memref<1x1x32x128xf32, #tpu.memory_space<vmem>> -> memref<32x128xf32, #tpu.memory_space<vmem>>
        %dma_start3A_2157 = arith.constant 0 : i32
        %dma_start3A_2158 = tpu.memref_slice %arg5[%dma_start3A_2157, %multiple_of3A_2130] : memref<32x1000000xf32, #tpu.memory_space<hbm>> -> memref<32x128xf32, #tpu.memory_space<hbm>>
        tpu.enqueue_dma source(%dma_start3A_2158 : memref<32x128xf32, #tpu.memory_space<hbm>>) target(%dma_start3A_2156 : memref<32x128xf32, #tpu.memory_space<vmem>>) target_semaphore(%arg17 : memref<!tpu.dma_semaphore, #tpu.memory_space<semaphore_mem>>)
      } else {
      }
      %dma_wait3A_1023 = arith.constant 3 : i32
      %dma_wait3A_1024 = arith.constant 0 : i32
      %dma_wait3A_1025 = arith.constant 0 : i32
      %dma_wait3A_1026 = arith.constant 0 : i32
      %dma_wait3A_1027 = tpu.memref_slice %arg9[%dma_wait3A_1023, %dma_wait3A_1024, %dma_wait3A_1025, %dma_wait3A_1026] : memref<4x2x32x128xf32, #tpu.memory_space<vmem>> -> memref<1x1x32x128xf32, #tpu.memory_space<vmem>>
      %dma_wait3A_1028 = tpu.memref_squeeze %dma_wait3A_1027 : memref<1x1x32x128xf32, #tpu.memory_space<vmem>> -> memref<32x128xf32, #tpu.memory_space<vmem>>
      %dma_wait3A_1029 = arith.constant 0 : i32
      %dma_wait3A_1030 = arith.constant 0 : i32
      %dma_wait3A_1031 = tpu.memref_slice %arg4[%dma_wait3A_1029, %dma_wait3A_1030] : memref<32x1000000xf32, #tpu.memory_space<hbm>> -> memref<32x128xf32, #tpu.memory_space<hbm>>
      %dma_wait3A_1032 = arith.constant 0 : i32
      %dma_wait3A_1033 = arith.constant 0 : i32
      %dma_wait3A_1034 = tpu.memref_slice %arg9[%dma_wait3A_1023, %dma_wait3A_1024, %dma_wait3A_1032, %dma_wait3A_1033] : memref<4x2x32x128xf32, #tpu.memory_space<vmem>> -> memref<1x1x32x128xf32, #tpu.memory_space<vmem>>
      %dma_wait3A_1035 = tpu.memref_squeeze %dma_wait3A_1034 : memref<1x1x32x128xf32, #tpu.memory_space<vmem>> -> memref<32x128xf32, #tpu.memory_space<vmem>>
      %dma_wait3A_1036 = arith.constant 0 : i32
      %dma_wait3A_1037 = arith.constant 0 : i32
      %dma_wait3A_1038 = tpu.memref_slice %arg4[%dma_wait3A_1036, %dma_wait3A_1037] : memref<32x1000000xf32, #tpu.memory_space<hbm>> -> memref<32x128xf32, #tpu.memory_space<hbm>>
      tpu.wait_dma2 semaphore(%arg18 : memref<!tpu.dma_semaphore, #tpu.memory_space<semaphore_mem>>) src(%dma_wait3A_1038 : memref<32x128xf32, #tpu.memory_space<hbm>>) dst(%dma_wait3A_1035 : memref<32x128xf32, #tpu.memory_space<vmem>>)
      %dma_wait3A_1039 = arith.constant 3 : i32
      %dma_wait3A_1040 = arith.constant 0 : i32
      %dma_wait3A_1041 = arith.constant 0 : i32
      %dma_wait3A_1042 = arith.constant 0 : i32
      %dma_wait3A_1043 = tpu.memref_slice %arg10[%dma_wait3A_1039, %dma_wait3A_1040, %dma_wait3A_1041, %dma_wait3A_1042] : memref<4x2x32x128xf32, #tpu.memory_space<vmem>> -> memref<1x1x32x128xf32, #tpu.memory_space<vmem>>
      %dma_wait3A_1044 = tpu.memref_squeeze %dma_wait3A_1043 : memref<1x1x32x128xf32, #tpu.memory_space<vmem>> -> memref<32x128xf32, #tpu.memory_space<vmem>>
      %dma_wait3A_1045 = arith.constant 0 : i32
      %dma_wait3A_1046 = arith.constant 0 : i32
      %dma_wait3A_1047 = tpu.memref_slice %arg5[%dma_wait3A_1045, %dma_wait3A_1046] : memref<32x1000000xf32, #tpu.memory_space<hbm>> -> memref<32x128xf32, #tpu.memory_space<hbm>>
      %dma_wait3A_1048 = arith.constant 0 : i32
      %dma_wait3A_1049 = arith.constant 0 : i32
      %dma_wait3A_1050 = tpu.memref_slice %arg10[%dma_wait3A_1039, %dma_wait3A_1040, %dma_wait3A_1048, %dma_wait3A_1049] : memref<4x2x32x128xf32, #tpu.memory_space<vmem>> -> memref<1x1x32x128xf32, #tpu.memory_space<vmem>>
      %dma_wait3A_1051 = tpu.memref_squeeze %dma_wait3A_1050 : memref<1x1x32x128xf32, #tpu.memory_space<vmem>> -> memref<32x128xf32, #tpu.memory_space<vmem>>
      %dma_wait3A_1052 = arith.constant 0 : i32
      %dma_wait3A_1053 = arith.constant 0 : i32
      %dma_wait3A_1054 = tpu.memref_slice %arg5[%dma_wait3A_1052, %dma_wait3A_1053] : memref<32x1000000xf32, #tpu.memory_space<hbm>> -> memref<32x128xf32, #tpu.memory_space<hbm>>
      tpu.wait_dma2 semaphore(%arg19 : memref<!tpu.dma_semaphore, #tpu.memory_space<semaphore_mem>>) src(%dma_wait3A_1054 : memref<32x128xf32, #tpu.memory_space<hbm>>) dst(%dma_wait3A_1051 : memref<32x128xf32, #tpu.memory_space<vmem>>)
      %dma_wait3A_1055 = arith.constant 3 : i32
      %dma_wait3A_1056 = arith.constant 1 : i32
      %dma_wait3A_1057 = arith.constant 0 : i32
      %dma_wait3A_1058 = arith.constant 0 : i32
      %dma_wait3A_1059 = tpu.memref_slice %arg9[%dma_wait3A_1055, %dma_wait3A_1056, %dma_wait3A_1057, %dma_wait3A_1058] : memref<4x2x32x128xf32, #tpu.memory_space<vmem>> -> memref<1x1x32x128xf32, #tpu.memory_space<vmem>>
      %dma_wait3A_1060 = tpu.memref_squeeze %dma_wait3A_1059 : memref<1x1x32x128xf32, #tpu.memory_space<vmem>> -> memref<32x128xf32, #tpu.memory_space<vmem>>
      %dma_wait3A_1061 = arith.constant 0 : i32
      %dma_wait3A_1062 = arith.constant 0 : i32
      %dma_wait3A_1063 = tpu.memref_slice %arg4[%dma_wait3A_1061, %dma_wait3A_1062] : memref<32x1000000xf32, #tpu.memory_space<hbm>> -> memref<32x128xf32, #tpu.memory_space<hbm>>
      %dma_wait3A_1064 = arith.constant 0 : i32
      %dma_wait3A_1065 = arith.constant 0 : i32
      %dma_wait3A_1066 = tpu.memref_slice %arg9[%dma_wait3A_1055, %dma_wait3A_1056, %dma_wait3A_1064, %dma_wait3A_1065] : memref<4x2x32x128xf32, #tpu.memory_space<vmem>> -> memref<1x1x32x128xf32, #tpu.memory_space<vmem>>
      %dma_wait3A_1067 = tpu.memref_squeeze %dma_wait3A_1066 : memref<1x1x32x128xf32, #tpu.memory_space<vmem>> -> memref<32x128xf32, #tpu.memory_space<vmem>>
      %dma_wait3A_1068 = arith.constant 0 : i32
      %dma_wait3A_1069 = arith.constant 0 : i32
      %dma_wait3A_1070 = tpu.memref_slice %arg4[%dma_wait3A_1068, %dma_wait3A_1069] : memref<32x1000000xf32, #tpu.memory_space<hbm>> -> memref<32x128xf32, #tpu.memory_space<hbm>>
      tpu.wait_dma2 semaphore(%arg18 : memref<!tpu.dma_semaphore, #tpu.memory_space<semaphore_mem>>) src(%dma_wait3A_1070 : memref<32x128xf32, #tpu.memory_space<hbm>>) dst(%dma_wait3A_1067 : memref<32x128xf32, #tpu.memory_space<vmem>>)
      %dma_wait3A_1071 = arith.constant 3 : i32
      %dma_wait3A_1072 = arith.constant 1 : i32
      %dma_wait3A_1073 = arith.constant 0 : i32
      %dma_wait3A_1074 = arith.constant 0 : i32
      %dma_wait3A_1075 = tpu.memref_slice %arg10[%dma_wait3A_1071, %dma_wait3A_1072, %dma_wait3A_1073, %dma_wait3A_1074] : memref<4x2x32x128xf32, #tpu.memory_space<vmem>> -> memref<1x1x32x128xf32, #tpu.memory_space<vmem>>
      %dma_wait3A_1076 = tpu.memref_squeeze %dma_wait3A_1075 : memref<1x1x32x128xf32, #tpu.memory_space<vmem>> -> memref<32x128xf32, #tpu.memory_space<vmem>>
      %dma_wait3A_1077 = arith.constant 0 : i32
      %dma_wait3A_1078 = arith.constant 0 : i32
      %dma_wait3A_1079 = tpu.memref_slice %arg5[%dma_wait3A_1077, %dma_wait3A_1078] : memref<32x1000000xf32, #tpu.memory_space<hbm>> -> memref<32x128xf32, #tpu.memory_space<hbm>>
      %dma_wait3A_1080 = arith.constant 0 : i32
      %dma_wait3A_1081 = arith.constant 0 : i32
      %dma_wait3A_1082 = tpu.memref_slice %arg10[%dma_wait3A_1071, %dma_wait3A_1072, %dma_wait3A_1080, %dma_wait3A_1081] : memref<4x2x32x128xf32, #tpu.memory_space<vmem>> -> memref<1x1x32x128xf32, #tpu.memory_space<vmem>>
      %dma_wait3A_1083 = tpu.memref_squeeze %dma_wait3A_1082 : memref<1x1x32x128xf32, #tpu.memory_space<vmem>> -> memref<32x128xf32, #tpu.memory_space<vmem>>
      %dma_wait3A_1084 = arith.constant 0 : i32
      %dma_wait3A_1085 = arith.constant 0 : i32
      %dma_wait3A_1086 = tpu.memref_slice %arg5[%dma_wait3A_1084, %dma_wait3A_1085] : memref<32x1000000xf32, #tpu.memory_space<hbm>> -> memref<32x128xf32, #tpu.memory_space<hbm>>
      tpu.wait_dma2 semaphore(%arg19 : memref<!tpu.dma_semaphore, #tpu.memory_space<semaphore_mem>>) src(%dma_wait3A_1086 : memref<32x128xf32, #tpu.memory_space<hbm>>) dst(%dma_wait3A_1083 : memref<32x128xf32, #tpu.memory_space<vmem>>)
      %mul3A_1087 = arith.constant 2 : i32
      %mul3A_1088 = arith.muli %add3A_1013, %mul3A_1087 : i32
      %get3A_1089 = arith.index_cast %mul3A_1088 : i32 to index
      %get3A_1090 = tpu.vector_load %arg7[%get3A_1089] {strides = array<i32>} : memref<528xi32, #tpu.memory_space<vmem>>, vector<16xi32>,
      %rem3A_1091 = arith.constant 128 : i32
      %rem3A_1092 = vector.broadcast %rem3A_1091 : i32 to vector<16xi32>
      %rem3A_1093 = arith.remsi %get3A_1090, %rem3A_1092 : vector<16xi32>
      %get3A_1094 = arith.index_cast %mul3A_1088 : i32 to index
      %get3A_1095 = tpu.vector_load %arg8[%get3A_1094] {strides = array<i32>} : memref<528xi32, #tpu.memory_space<vmem>>, vector<16xi32>,
      %rem3A_1096 = arith.constant 128 : i32
      %rem3A_1097 = vector.broadcast %rem3A_1096 : i32 to vector<16xi32>
      %rem3A_1098 = arith.remsi %get3A_1095, %rem3A_1097 : vector<16xi32>
      %add3A_1099 = arith.constant 16 : i32
      %add3A_1100 = vector.broadcast %add3A_1099 : i32 to vector<16xi32>
      %add3A_1101 = arith.addi %iota3A, %add3A_1100 : vector<16xi32>
      %broadcast_in_dim3A_1102 = arith.constant 0 : i32
      %broadcast_in_dim3A_1103 = vector.broadcast %broadcast_in_dim3A_1102 : i32 to vector<16xi32>
      %broadcast_in_dim3A_1104 = arith.constant 1 : i32
      %broadcast_in_dim3A_1105 = vector.broadcast %broadcast_in_dim3A_1104 : i32 to vector<16xi32>
      %slice3A_1106 = vector.extract_strided_slice %rem3A_1093 {offsets = [0], sizes = [1], strides = [1]} : vector<16xi32> to vector<1xi32>
      %squeeze3A_1107 = vector.extract %slice3A_1106[0] : i32 from vector<1xi32>
      %mul3A_1108 = vector.broadcast %squeeze3A_1107 : i32 to vector<16xi32>
      %mul3A_1109 = arith.muli %broadcast_in_dim3A_1105, %mul3A_1108 : vector<16xi32>
      %broadcast_in_dim3A_1110 = arith.constant 1 : i32
      %broadcast_in_dim3A_1111 = vector.broadcast %broadcast_in_dim3A_1110 : i32 to vector<16xi32>
      %slice3A_1112 = vector.extract_strided_slice %rem3A_1098 {offsets = [0], sizes = [1], strides = [1]} : vector<16xi32> to vector<1xi32>
      %squeeze3A_1113 = vector.extract %slice3A_1112[0] : i32 from vector<1xi32>
      %mul3A_1114 = vector.broadcast %squeeze3A_1113 : i32 to vector<16xi32>
      %mul3A_1115 = arith.muli %broadcast_in_dim3A_1111, %mul3A_1114 : vector<16xi32>
      %gather3A_1116 = arith.constant 3 : i32
      %gather3A_1117 = arith.constant 0 : i32
      %gather3A_1118 = arith.constant 0 : i32
      %gather3A_1119 = arith.constant 0 : i32
      %gather3A_1120 = tpu.memref_slice %arg9[%gather3A_1116, %gather3A_1117, %gather3A_1118, %gather3A_1119] : memref<4x2x32x128xf32, #tpu.memory_space<vmem>> -> memref<1x2x32x128xf32, #tpu.memory_space<vmem>>
      %gather3A_1121 = tpu.memref_squeeze %gather3A_1120 : memref<1x2x32x128xf32, #tpu.memory_space<vmem>> -> memref<2x32x128xf32, #tpu.memory_space<vmem>>
      %gather3A_1122 = tpu.vector_load_idx %gather3A_1121[%broadcast_in_dim3A_1103, %iota3A, %mul3A_1109] : memref<2x32x128xf32, #tpu.memory_space<vmem>>[vector<16xi32>, vector<16xi32>, vector<16xi32>], vector<16xf32>,
      %gather3A_1123 = arith.constant 3 : i32
      %gather3A_1124 = arith.constant 0 : i32
      %gather3A_1125 = arith.constant 0 : i32
      %gather3A_1126 = arith.constant 0 : i32
      %gather3A_1127 = tpu.memref_slice %arg10[%gather3A_1123, %gather3A_1124, %gather3A_1125, %gather3A_1126] : memref<4x2x32x128xf32, #tpu.memory_space<vmem>> -> memref<1x2x32x128xf32, #tpu.memory_space<vmem>>
      %gather3A_1128 = tpu.memref_squeeze %gather3A_1127 : memref<1x2x32x128xf32, #tpu.memory_space<vmem>> -> memref<2x32x128xf32, #tpu.memory_space<vmem>>
      %gather3A_1129 = tpu.vector_load_idx %gather3A_1128[%broadcast_in_dim3A_1103, %iota3A, %mul3A_1115] : memref<2x32x128xf32, #tpu.memory_space<vmem>>[vector<16xi32>, vector<16xi32>, vector<16xi32>], vector<16xf32>,
      %mul3A_1130 = arith.mulf %gather3A_1122, %gather3A_1129 : vector<16xf32>
      %gather3A_1131 = arith.constant 3 : i32
      %gather3A_1132 = arith.constant 0 : i32
      %gather3A_1133 = arith.constant 0 : i32
      %gather3A_1134 = arith.constant 0 : i32
      %gather3A_1135 = tpu.memref_slice %arg9[%gather3A_1131, %gather3A_1132, %gather3A_1133, %gather3A_1134] : memref<4x2x32x128xf32, #tpu.memory_space<vmem>> -> memref<1x2x32x128xf32, #tpu.memory_space<vmem>>
      %gather3A_1136 = tpu.memref_squeeze %gather3A_1135 : memref<1x2x32x128xf32, #tpu.memory_space<vmem>> -> memref<2x32x128xf32, #tpu.memory_space<vmem>>
      %gather3A_1137 = tpu.vector_load_idx %gather3A_1136[%broadcast_in_dim3A_1103, %add3A_1101, %mul3A_1109] : memref<2x32x128xf32, #tpu.memory_space<vmem>>[vector<16xi32>, vector<16xi32>, vector<16xi32>], vector<16xf32>,
      %gather3A_1138 = arith.constant 3 : i32
      %gather3A_1139 = arith.constant 0 : i32
      %gather3A_1140 = arith.constant 0 : i32
      %gather3A_1141 = arith.constant 0 : i32
      %gather3A_1142 = tpu.memref_slice %arg10[%gather3A_1138, %gather3A_1139, %gather3A_1140, %gather3A_1141] : memref<4x2x32x128xf32, #tpu.memory_space<vmem>> -> memref<1x2x32x128xf32, #tpu.memory_space<vmem>>
      %gather3A_1143 = tpu.memref_squeeze %gather3A_1142 : memref<1x2x32x128xf32, #tpu.memory_space<vmem>> -> memref<2x32x128xf32, #tpu.memory_space<vmem>>
      %gather3A_1144 = tpu.vector_load_idx %gather3A_1143[%broadcast_in_dim3A_1103, %add3A_1101, %mul3A_1115] : memref<2x32x128xf32, #tpu.memory_space<vmem>>[vector<16xi32>, vector<16xi32>, vector<16xi32>], vector<16xf32>,
      %mul3A_1145 = arith.mulf %gather3A_1137, %gather3A_1144 : vector<16xf32>
      %add3A_1146 = arith.addf %mul3A_1130, %mul3A_1145 : vector<16xf32>
      %eq3A_1147 = arith.constant 6 : i32
      %eq3A_1148 = vector.broadcast %eq3A_1147 : i32 to vector<16xi32>
      %eq3A_1149 = arith.cmpi eq, %iota3A, %eq3A_1148 : vector<16xi32>
      %reduce_sum3A_1150 = arith.constant true
      %reduce_sum3A_1151 = vector.broadcast %reduce_sum3A_1150 : i1 to vector<16xi1>
      %reduce_sum3A_1152 = tpu.scan <sum>, %add3A_1146 masked %reduce_sum3A_1151 : vector<16xf32>, vector<16xi1> -> vector<16xf32>
      %reduce_sum3A_1153 = vector.extract %reduce_sum3A_1152[15] : f32 from vector<16xf32>
      %broadcast_in_dim3A_1154 = vector.broadcast %reduce_sum3A_1153 : f32 to vector<16xf32>
      %select_n3A_1155 = arith.select %eq3A_1149, %broadcast_in_dim3A_1154, %select_n3A_1009 : vector<16xi1>, vector<16xf32>
      %broadcast_in_dim3A_1156 = arith.constant 1 : i32
      %broadcast_in_dim3A_1157 = vector.broadcast %broadcast_in_dim3A_1156 : i32 to vector<16xi32>
      %broadcast_in_dim3A_1158 = arith.constant 1 : i32
      %broadcast_in_dim3A_1159 = vector.broadcast %broadcast_in_dim3A_1158 : i32 to vector<16xi32>
      %slice3A_1160 = vector.extract_strided_slice %rem3A_1093 {offsets = [1], sizes = [1], strides = [1]} : vector<16xi32> to vector<1xi32>
      %squeeze3A_1161 = vector.extract %slice3A_1160[0] : i32 from vector<1xi32>
      %mul3A_1162 = vector.broadcast %squeeze3A_1161 : i32 to vector<16xi32>
      %mul3A_1163 = arith.muli %broadcast_in_dim3A_1159, %mul3A_1162 : vector<16xi32>
      %broadcast_in_dim3A_1164 = arith.constant 1 : i32
      %broadcast_in_dim3A_1165 = vector.broadcast %broadcast_in_dim3A_1164 : i32 to vector<16xi32>
      %slice3A_1166 = vector.extract_strided_slice %rem3A_1098 {offsets = [1], sizes = [1], strides = [1]} : vector<16xi32> to vector<1xi32>
      %squeeze3A_1167 = vector.extract %slice3A_1166[0] : i32 from vector<1xi32>
      %mul3A_1168 = vector.broadcast %squeeze3A_1167 : i32 to vector<16xi32>
      %mul3A_1169 = arith.muli %broadcast_in_dim3A_1165, %mul3A_1168 : vector<16xi32>
      %gather3A_1170 = arith.constant 3 : i32
      %gather3A_1171 = arith.constant 0 : i32
      %gather3A_1172 = arith.constant 0 : i32
      %gather3A_1173 = arith.constant 0 : i32
      %gather3A_1174 = tpu.memref_slice %arg9[%gather3A_1170, %gather3A_1171, %gather3A_1172, %gather3A_1173] : memref<4x2x32x128xf32, #tpu.memory_space<vmem>> -> memref<1x2x32x128xf32, #tpu.memory_space<vmem>>
      %gather3A_1175 = tpu.memref_squeeze %gather3A_1174 : memref<1x2x32x128xf32, #tpu.memory_space<vmem>> -> memref<2x32x128xf32, #tpu.memory_space<vmem>>
      %gather3A_1176 = tpu.vector_load_idx %gather3A_1175[%broadcast_in_dim3A_1157, %iota3A, %mul3A_1163] : memref<2x32x128xf32, #tpu.memory_space<vmem>>[vector<16xi32>, vector<16xi32>, vector<16xi32>], vector<16xf32>,
      %gather3A_1177 = arith.constant 3 : i32
      %gather3A_1178 = arith.constant 0 : i32
      %gather3A_1179 = arith.constant 0 : i32
      %gather3A_1180 = arith.constant 0 : i32
      %gather3A_1181 = tpu.memref_slice %arg10[%gather3A_1177, %gather3A_1178, %gather3A_1179, %gather3A_1180] : memref<4x2x32x128xf32, #tpu.memory_space<vmem>> -> memref<1x2x32x128xf32, #tpu.memory_space<vmem>>
      %gather3A_1182 = tpu.memref_squeeze %gather3A_1181 : memref<1x2x32x128xf32, #tpu.memory_space<vmem>> -> memref<2x32x128xf32, #tpu.memory_space<vmem>>
      %gather3A_1183 = tpu.vector_load_idx %gather3A_1182[%broadcast_in_dim3A_1157, %iota3A, %mul3A_1169] : memref<2x32x128xf32, #tpu.memory_space<vmem>>[vector<16xi32>, vector<16xi32>, vector<16xi32>], vector<16xf32>,
      %mul3A_1184 = arith.mulf %gather3A_1176, %gather3A_1183 : vector<16xf32>
      %gather3A_1185 = arith.constant 3 : i32
      %gather3A_1186 = arith.constant 0 : i32
      %gather3A_1187 = arith.constant 0 : i32
      %gather3A_1188 = arith.constant 0 : i32
      %gather3A_1189 = tpu.memref_slice %arg9[%gather3A_1185, %gather3A_1186, %gather3A_1187, %gather3A_1188] : memref<4x2x32x128xf32, #tpu.memory_space<vmem>> -> memref<1x2x32x128xf32, #tpu.memory_space<vmem>>
      %gather3A_1190 = tpu.memref_squeeze %gather3A_1189 : memref<1x2x32x128xf32, #tpu.memory_space<vmem>> -> memref<2x32x128xf32, #tpu.memory_space<vmem>>
      %gather3A_1191 = tpu.vector_load_idx %gather3A_1190[%broadcast_in_dim3A_1157, %add3A_1101, %mul3A_1163] : memref<2x32x128xf32, #tpu.memory_space<vmem>>[vector<16xi32>, vector<16xi32>, vector<16xi32>], vector<16xf32>,
      %gather3A_1192 = arith.constant 3 : i32
      %gather3A_1193 = arith.constant 0 : i32
      %gather3A_1194 = arith.constant 0 : i32
      %gather3A_1195 = arith.constant 0 : i32
      %gather3A_1196 = tpu.memref_slice %arg10[%gather3A_1192, %gather3A_1193, %gather3A_1194, %gather3A_1195] : memref<4x2x32x128xf32, #tpu.memory_space<vmem>> -> memref<1x2x32x128xf32, #tpu.memory_space<vmem>>
      %gather3A_1197 = tpu.memref_squeeze %gather3A_1196 : memref<1x2x32x128xf32, #tpu.memory_space<vmem>> -> memref<2x32x128xf32, #tpu.memory_space<vmem>>
      %gather3A_1198 = tpu.vector_load_idx %gather3A_1197[%broadcast_in_dim3A_1157, %add3A_1101, %mul3A_1169] : memref<2x32x128xf32, #tpu.memory_space<vmem>>[vector<16xi32>, vector<16xi32>, vector<16xi32>], vector<16xf32>,
      %mul3A_1199 = arith.mulf %gather3A_1191, %gather3A_1198 : vector<16xf32>
      %add3A_1200 = arith.addf %mul3A_1184, %mul3A_1199 : vector<16xf32>
      %eq3A_1201 = arith.constant 7 : i32
      %eq3A_1202 = vector.broadcast %eq3A_1201 : i32 to vector<16xi32>
      %eq3A_1203 = arith.cmpi eq, %iota3A, %eq3A_1202 : vector<16xi32>
      %reduce_sum3A_1204 = arith.constant true
      %reduce_sum3A_1205 = vector.broadcast %reduce_sum3A_1204 : i1 to vector<16xi1>
      %reduce_sum3A_1206 = tpu.scan <sum>, %add3A_1200 masked %reduce_sum3A_1205 : vector<16xf32>, vector<16xi1> -> vector<16xf32>
      %reduce_sum3A_1207 = vector.extract %reduce_sum3A_1206[15] : f32 from vector<16xf32>
      %broadcast_in_dim3A_1208 = vector.broadcast %reduce_sum3A_1207 : f32 to vector<16xf32>
      %select_n3A_1209 = arith.select %eq3A_1203, %broadcast_in_dim3A_1208, %select_n3A_1155 : vector<16xi1>, vector<16xf32>
      %mul3A_1210 = arith.constant 8 : i32
      %mul3A_1211 = arith.muli %mul3A_1210, %scan3A_415 : i32
      %add3A_1212 = arith.constant 4 : i32
      %add3A_1213 = arith.addi %mul3A_1211, %add3A_1212 : i32
      %add3A_1214 = arith.constant 4 : i32
      %add3A_1215 = arith.addi %add3A_1213, %add3A_1214 : i32
      %sub3A_1216 = arith.constant 1 : i32
      %sub3A_1217 = arith.subi %add3A_1215, %sub3A_1216 : i32
      %lt3A_1218 = arith.constant 256 : i32
      %lt3A_1219 = arith.cmpi slt, %sub3A_1217, %lt3A_1218 : i32
      %convert_element_type3A_1220 = arith.extui %lt3A_1219 : i1 to i32
      %cond3A_1221 = arith.constant 0 : i32
      %cond3A_1222 = arith.cmpi ne, %convert_element_type3A_1220, %cond3A_1221 : i32
      scf.if %cond3A_1222 {
        %add3A_2013 = arith.constant 4 : i32
        %add3A_2014 = arith.addi %add3A_1213, %add3A_2013 : i32
        %sub3A_2015 = arith.constant 1 : i32
        %sub3A_2016 = arith.subi %add3A_2014, %sub3A_2015 : i32
        %mul3A_2017 = arith.constant 2 : i32
        %mul3A_2018 = arith.muli %sub3A_2016, %mul3A_2017 : i32
        %get3A_2019 = arith.index_cast %mul3A_2018 : i32 to index
        %get3A_2020 = tpu.vector_load %arg7[%get3A_2019] {strides = array<i32>} : memref<528xi32, #tpu.memory_space<vmem>>, vector<16xi32>,
        %jit3A_2021 = arith.constant 128 : i32
        %div3A_2022 = vector.broadcast %jit3A_2021 : i32 to vector<16xi32>
        %div3A_2023 = arith.divsi %get3A_2020, %div3A_2022 : vector<16xi32>
        %sign3A_2024 = arith.constant 0 : i32
        %sign3A_2025 = vector.broadcast %sign3A_2024 : i32 to vector<16xi32>
        %sign3A_2026 = arith.cmpi sgt, %get3A_2020, %sign3A_2025 : vector<16xi32>
        %sign3A_2027 = arith.extui %sign3A_2026 : vector<16xi1> to vector<16xi32>
        %sign3A_2028 = arith.constant 0 : i32
        %sign3A_2029 = vector.broadcast %sign3A_2028 : i32 to vector<16xi32>
        %sign3A_2030 = arith.cmpi slt, %get3A_2020, %sign3A_2029 : vector<16xi32>
        %sign3A_2031 = arith.extui %sign3A_2030 : vector<16xi1> to vector<16xi32>
        %sign3A_2032 = arith.subi %sign3A_2027, %sign3A_2031 : vector<16xi32>
        %sign3A_2033 = arith.constant 0 : i32
        %sign3A_2034 = arith.cmpi sgt, %jit3A_2021, %sign3A_2033 : i32
        %sign3A_2035 = arith.extui %sign3A_2034 : i1 to i32
        %sign3A_2036 = arith.constant 0 : i32
        %sign3A_2037 = arith.cmpi slt, %jit3A_2021, %sign3A_2036 : i32
        %sign3A_2038 = arith.extui %sign3A_2037 : i1 to i32
        %sign3A_2039 = arith.subi %sign3A_2035, %sign3A_2038 : i32
        %ne3A_2040 = vector.broadcast %sign3A_2039 : i32 to vector<16xi32>
        %ne3A_2041 = arith.cmpi ne, %sign3A_2032, %ne3A_2040 : vector<16xi32>
        %rem3A_2042 = vector.broadcast %jit3A_2021 : i32 to vector<16xi32>
        %rem3A_2043 = arith.remsi %get3A_2020, %rem3A_2042 : vector<16xi32>
        %ne3A_2044 = arith.constant 0 : i32
        %ne3A_2045 = vector.broadcast %ne3A_2044 : i32 to vector<16xi32>
        %ne3A_2046 = arith.cmpi ne, %rem3A_2043, %ne3A_2045 : vector<16xi32>
        %and3A_2047 = arith.andi %ne3A_2041, %ne3A_2046 : vector<16xi1>
        %sub3A_2048 = arith.constant 1 : i32
        %sub3A_2049 = vector.broadcast %sub3A_2048 : i32 to vector<16xi32>
        %sub3A_2050 = arith.subi %div3A_2023, %sub3A_2049 : vector<16xi32>
        %select_n3A_2051 = arith.select %and3A_2047, %sub3A_2050, %div3A_2023 : vector<16xi1>, vector<16xi32>
        %mul3A_2052 = arith.constant 128 : i32
        %mul3A_2053 = vector.broadcast %mul3A_2052 : i32 to vector<16xi32>
        %mul3A_2054 = arith.muli %select_n3A_2051, %mul3A_2053 : vector<16xi32>
        %get3A_2055 = arith.index_cast %mul3A_2018 : i32 to index
        %get3A_2056 = tpu.vector_load %arg8[%get3A_2055] {strides = array<i32>} : memref<528xi32, #tpu.memory_space<vmem>>, vector<16xi32>,
        %jit3A_2057 = arith.constant 128 : i32
        %div3A_2058 = vector.broadcast %jit3A_2057 : i32 to vector<16xi32>
        %div3A_2059 = arith.divsi %get3A_2056, %div3A_2058 : vector<16xi32>
        %sign3A_2060 = arith.constant 0 : i32
        %sign3A_2061 = vector.broadcast %sign3A_2060 : i32 to vector<16xi32>
        %sign3A_2062 = arith.cmpi sgt, %get3A_2056, %sign3A_2061 : vector<16xi32>
        %sign3A_2063 = arith.extui %sign3A_2062 : vector<16xi1> to vector<16xi32>
        %sign3A_2064 = arith.constant 0 : i32
        %sign3A_2065 = vector.broadcast %sign3A_2064 : i32 to vector<16xi32>
        %sign3A_2066 = arith.cmpi slt, %get3A_2056, %sign3A_2065 : vector<16xi32>
        %sign3A_2067 = arith.extui %sign3A_2066 : vector<16xi1> to vector<16xi32>
        %sign3A_2068 = arith.subi %sign3A_2063, %sign3A_2067 : vector<16xi32>
        %sign3A_2069 = arith.constant 0 : i32
        %sign3A_2070 = arith.cmpi sgt, %jit3A_2057, %sign3A_2069 : i32
        %sign3A_2071 = arith.extui %sign3A_2070 : i1 to i32
        %sign3A_2072 = arith.constant 0 : i32
        %sign3A_2073 = arith.cmpi slt, %jit3A_2057, %sign3A_2072 : i32
        %sign3A_2074 = arith.extui %sign3A_2073 : i1 to i32
        %sign3A_2075 = arith.subi %sign3A_2071, %sign3A_2074 : i32
        %ne3A_2076 = vector.broadcast %sign3A_2075 : i32 to vector<16xi32>
        %ne3A_2077 = arith.cmpi ne, %sign3A_2068, %ne3A_2076 : vector<16xi32>
        %rem3A_2078 = vector.broadcast %jit3A_2057 : i32 to vector<16xi32>
        %rem3A_2079 = arith.remsi %get3A_2056, %rem3A_2078 : vector<16xi32>
        %ne3A_2080 = arith.constant 0 : i32
        %ne3A_2081 = vector.broadcast %ne3A_2080 : i32 to vector<16xi32>
        %ne3A_2082 = arith.cmpi ne, %rem3A_2079, %ne3A_2081 : vector<16xi32>
        %and3A_2083 = arith.andi %ne3A_2077, %ne3A_2082 : vector<16xi1>
        %sub3A_2084 = arith.constant 1 : i32
        %sub3A_2085 = vector.broadcast %sub3A_2084 : i32 to vector<16xi32>
        %sub3A_2086 = arith.subi %div3A_2059, %sub3A_2085 : vector<16xi32>
        %select_n3A_2087 = arith.select %and3A_2083, %sub3A_2086, %div3A_2059 : vector<16xi1>, vector<16xi32>
        %mul3A_2088 = arith.constant 128 : i32
        %mul3A_2089 = vector.broadcast %mul3A_2088 : i32 to vector<16xi32>
        %mul3A_2090 = arith.muli %select_n3A_2087, %mul3A_2089 : vector<16xi32>
        %slice3A_2091 = vector.extract_strided_slice %mul3A_2054 {offsets = [0], sizes = [1], strides = [1]} : vector<16xi32> to vector<1xi32>
        %squeeze3A_2092 = vector.extract %slice3A_2091[0] : i32 from vector<1xi32>
        %multiple_of3A_2093 = tpu.assume_multiple %squeeze3A_2092, 128 : i32
        %slice3A_2094 = vector.extract_strided_slice %mul3A_2090 {offsets = [0], sizes = [1], strides = [1]} : vector<16xi32> to vector<1xi32>
        %squeeze3A_2095 = vector.extract %slice3A_2094[0] : i32 from vector<1xi32>
        %multiple_of3A_2096 = tpu.assume_multiple %squeeze3A_2095, 128 : i32
        %dma_start3A_2097 = arith.constant 3 : i32
        %dma_start3A_2098 = arith.constant 0 : i32
        %dma_start3A_2099 = arith.constant 0 : i32
        %dma_start3A_2100 = arith.constant 0 : i32
        %dma_start3A_2101 = tpu.memref_slice %arg9[%dma_start3A_2097, %dma_start3A_2098, %dma_start3A_2099, %dma_start3A_2100] : memref<4x2x32x128xf32, #tpu.memory_space<vmem>> -> memref<1x1x32x128xf32, #tpu.memory_space<vmem>>
        %dma_start3A_2102 = tpu.memref_squeeze %dma_start3A_2101 : memref<1x1x32x128xf32, #tpu.memory_space<vmem>> -> memref<32x128xf32, #tpu.memory_space<vmem>>
        %dma_start3A_2103 = arith.constant 0 : i32
        %dma_start3A_2104 = tpu.memref_slice %arg4[%dma_start3A_2103, %multiple_of3A_2093] : memref<32x1000000xf32, #tpu.memory_space<hbm>> -> memref<32x128xf32, #tpu.memory_space<hbm>>
        %dma_start3A_2105 = arith.constant 0 : i32
        %dma_start3A_2106 = arith.constant 0 : i32
        %dma_start3A_2107 = tpu.memref_slice %arg9[%dma_start3A_2097, %dma_start3A_2098, %dma_start3A_2105, %dma_start3A_2106] : memref<4x2x32x128xf32, #tpu.memory_space<vmem>> -> memref<1x1x32x128xf32, #tpu.memory_space<vmem>>
        %dma_start3A_2108 = tpu.memref_squeeze %dma_start3A_2107 : memref<1x1x32x128xf32, #tpu.memory_space<vmem>> -> memref<32x128xf32, #tpu.memory_space<vmem>>
        %dma_start3A_2109 = arith.constant 0 : i32
        %dma_start3A_2110 = tpu.memref_slice %arg4[%dma_start3A_2109, %multiple_of3A_2093] : memref<32x1000000xf32, #tpu.memory_space<hbm>> -> memref<32x128xf32, #tpu.memory_space<hbm>>
        tpu.enqueue_dma source(%dma_start3A_2110 : memref<32x128xf32, #tpu.memory_space<hbm>>) target(%dma_start3A_2108 : memref<32x128xf32, #tpu.memory_space<vmem>>) target_semaphore(%arg18 : memref<!tpu.dma_semaphore, #tpu.memory_space<semaphore_mem>>)
        %dma_start3A_2111 = arith.constant 3 : i32
        %dma_start3A_2112 = arith.constant 0 : i32
        %dma_start3A_2113 = arith.constant 0 : i32
        %dma_start3A_2114 = arith.constant 0 : i32
        %dma_start3A_2115 = tpu.memref_slice %arg10[%dma_start3A_2111, %dma_start3A_2112, %dma_start3A_2113, %dma_start3A_2114] : memref<4x2x32x128xf32, #tpu.memory_space<vmem>> -> memref<1x1x32x128xf32, #tpu.memory_space<vmem>>
        %dma_start3A_2116 = tpu.memref_squeeze %dma_start3A_2115 : memref<1x1x32x128xf32, #tpu.memory_space<vmem>> -> memref<32x128xf32, #tpu.memory_space<vmem>>
        %dma_start3A_2117 = arith.constant 0 : i32
        %dma_start3A_2118 = tpu.memref_slice %arg5[%dma_start3A_2117, %multiple_of3A_2096] : memref<32x1000000xf32, #tpu.memory_space<hbm>> -> memref<32x128xf32, #tpu.memory_space<hbm>>
        %dma_start3A_2119 = arith.constant 0 : i32
        %dma_start3A_2120 = arith.constant 0 : i32
        %dma_start3A_2121 = tpu.memref_slice %arg10[%dma_start3A_2111, %dma_start3A_2112, %dma_start3A_2119, %dma_start3A_2120] : memref<4x2x32x128xf32, #tpu.memory_space<vmem>> -> memref<1x1x32x128xf32, #tpu.memory_space<vmem>>
        %dma_start3A_2122 = tpu.memref_squeeze %dma_start3A_2121 : memref<1x1x32x128xf32, #tpu.memory_space<vmem>> -> memref<32x128xf32, #tpu.memory_space<vmem>>
        %dma_start3A_2123 = arith.constant 0 : i32
        %dma_start3A_2124 = tpu.memref_slice %arg5[%dma_start3A_2123, %multiple_of3A_2096] : memref<32x1000000xf32, #tpu.memory_space<hbm>> -> memref<32x128xf32, #tpu.memory_space<hbm>>
        tpu.enqueue_dma source(%dma_start3A_2124 : memref<32x128xf32, #tpu.memory_space<hbm>>) target(%dma_start3A_2122 : memref<32x128xf32, #tpu.memory_space<vmem>>) target_semaphore(%arg19 : memref<!tpu.dma_semaphore, #tpu.memory_space<semaphore_mem>>)
        %slice3A_2125 = vector.extract_strided_slice %mul3A_2054 {offsets = [1], sizes = [1], strides = [1]} : vector<16xi32> to vector<1xi32>
        %squeeze3A_2126 = vector.extract %slice3A_2125[0] : i32 from vector<1xi32>
        %multiple_of3A_2127 = tpu.assume_multiple %squeeze3A_2126, 128 : i32
        %slice3A_2128 = vector.extract_strided_slice %mul3A_2090 {offsets = [1], sizes = [1], strides = [1]} : vector<16xi32> to vector<1xi32>
        %squeeze3A_2129 = vector.extract %slice3A_2128[0] : i32 from vector<1xi32>
        %multiple_of3A_2130 = tpu.assume_multiple %squeeze3A_2129, 128 : i32
        %dma_start3A_2131 = arith.constant 3 : i32
        %dma_start3A_2132 = arith.constant 1 : i32
        %dma_start3A_2133 = arith.constant 0 : i32
        %dma_start3A_2134 = arith.constant 0 : i32
        %dma_start3A_2135 = tpu.memref_slice %arg9[%dma_start3A_2131, %dma_start3A_2132, %dma_start3A_2133, %dma_start3A_2134] : memref<4x2x32x128xf32, #tpu.memory_space<vmem>> -> memref<1x1x32x128xf32, #tpu.memory_space<vmem>>
        %dma_start3A_2136 = tpu.memref_squeeze %dma_start3A_2135 : memref<1x1x32x128xf32, #tpu.memory_space<vmem>> -> memref<32x128xf32, #tpu.memory_space<vmem>>
        %dma_start3A_2137 = arith.constant 0 : i32
        %dma_start3A_2138 = tpu.memref_slice %arg4[%dma_start3A_2137, %multiple_of3A_2127] : memref<32x1000000xf32, #tpu.memory_space<hbm>> -> memref<32x128xf32, #tpu.memory_space<hbm>>
        %dma_start3A_2139 = arith.constant 0 : i32
        %dma_start3A_2140 = arith.constant 0 : i32
        %dma_start3A_2141 = tpu.memref_slice %arg9[%dma_start3A_2131, %dma_start3A_2132, %dma_start3A_2139, %dma_start3A_2140] : memref<4x2x32x128xf32, #tpu.memory_space<vmem>> -> memref<1x1x32x128xf32, #tpu.memory_space<vmem>>
        %dma_start3A_2142 = tpu.memref_squeeze %dma_start3A_2141 : memref<1x1x32x128xf32, #tpu.memory_space<vmem>> -> memref<32x128xf32, #tpu.memory_space<vmem>>
        %dma_start3A_2143 = arith.constant 0 : i32
        %dma_start3A_2144 = tpu.memref_slice %arg4[%dma_start3A_2143, %multiple_of3A_2127] : memref<32x1000000xf32, #tpu.memory_space<hbm>> -> memref<32x128xf32, #tpu.memory_space<hbm>>
        tpu.enqueue_dma source(%dma_start3A_2144 : memref<32x128xf32, #tpu.memory_space<hbm>>) target(%dma_start3A_2142 : memref<32x128xf32, #tpu.memory_space<vmem>>) target_semaphore(%arg18 : memref<!tpu.dma_semaphore, #tpu.memory_space<semaphore_mem>>)
        %dma_start3A_2145 = arith.constant 3 : i32
        %dma_start3A_2146 = arith.constant 1 : i32
        %dma_start3A_2147 = arith.constant 0 : i32
        %dma_start3A_2148 = arith.constant 0 : i32
        %dma_start3A_2149 = tpu.memref_slice %arg10[%dma_start3A_2145, %dma_start3A_2146, %dma_start3A_2147, %dma_start3A_2148] : memref<4x2x32x128xf32, #tpu.memory_space<vmem>> -> memref<1x1x32x128xf32, #tpu.memory_space<vmem>>
        %dma_start3A_2150 = tpu.memref_squeeze %dma_start3A_2149 : memref<1x1x32x128xf32, #tpu.memory_space<vmem>> -> memref<32x128xf32, #tpu.memory_space<vmem>>
        %dma_start3A_2151 = arith.constant 0 : i32
        %dma_start3A_2152 = tpu.memref_slice %arg5[%dma_start3A_2151, %multiple_of3A_2130] : memref<32x1000000xf32, #tpu.memory_space<hbm>> -> memref<32x128xf32, #tpu.memory_space<hbm>>
        %dma_start3A_2153 = arith.constant 0 : i32
        %dma_start3A_2154 = arith.constant 0 : i32
        %dma_start3A_2155 = tpu.memref_slice %arg10[%dma_start3A_2145, %dma_start3A_2146, %dma_start3A_2153, %dma_start3A_2154] : memref<4x2x32x128xf32, #tpu.memory_space<vmem>> -> memref<1x1x32x128xf32, #tpu.memory_space<vmem>>
        %dma_start3A_2156 = tpu.memref_squeeze %dma_start3A_2155 : memref<1x1x32x128xf32, #tpu.memory_space<vmem>> -> memref<32x128xf32, #tpu.memory_space<vmem>>
        %dma_start3A_2157 = arith.constant 0 : i32
        %dma_start3A_2158 = tpu.memref_slice %arg5[%dma_start3A_2157, %multiple_of3A_2130] : memref<32x1000000xf32, #tpu.memory_space<hbm>> -> memref<32x128xf32, #tpu.memory_space<hbm>>
        tpu.enqueue_dma source(%dma_start3A_2158 : memref<32x128xf32, #tpu.memory_space<hbm>>) target(%dma_start3A_2156 : memref<32x128xf32, #tpu.memory_space<vmem>>) target_semaphore(%arg19 : memref<!tpu.dma_semaphore, #tpu.memory_space<semaphore_mem>>)
      } else {
      }
      %dma_wait3A_1223 = arith.constant 0 : i32
      %dma_wait3A_1224 = arith.constant 0 : i32
      %dma_wait3A_1225 = arith.constant 0 : i32
      %dma_wait3A_1226 = arith.constant 0 : i32
      %dma_wait3A_1227 = tpu.memref_slice %arg9[%dma_wait3A_1223, %dma_wait3A_1224, %dma_wait3A_1225, %dma_wait3A_1226] : memref<4x2x32x128xf32, #tpu.memory_space<vmem>> -> memref<1x1x32x128xf32, #tpu.memory_space<vmem>>
      %dma_wait3A_1228 = tpu.memref_squeeze %dma_wait3A_1227 : memref<1x1x32x128xf32, #tpu.memory_space<vmem>> -> memref<32x128xf32, #tpu.memory_space<vmem>>
      %dma_wait3A_1229 = arith.constant 0 : i32
      %dma_wait3A_1230 = arith.constant 0 : i32
      %dma_wait3A_1231 = tpu.memref_slice %arg4[%dma_wait3A_1229, %dma_wait3A_1230] : memref<32x1000000xf32, #tpu.memory_space<hbm>> -> memref<32x128xf32, #tpu.memory_space<hbm>>
      %dma_wait3A_1232 = arith.constant 0 : i32
      %dma_wait3A_1233 = arith.constant 0 : i32
      %dma_wait3A_1234 = tpu.memref_slice %arg9[%dma_wait3A_1223, %dma_wait3A_1224, %dma_wait3A_1232, %dma_wait3A_1233] : memref<4x2x32x128xf32, #tpu.memory_space<vmem>> -> memref<1x1x32x128xf32, #tpu.memory_space<vmem>>
      %dma_wait3A_1235 = tpu.memref_squeeze %dma_wait3A_1234 : memref<1x1x32x128xf32, #tpu.memory_space<vmem>> -> memref<32x128xf32, #tpu.memory_space<vmem>>
      %dma_wait3A_1236 = arith.constant 0 : i32
      %dma_wait3A_1237 = arith.constant 0 : i32
      %dma_wait3A_1238 = tpu.memref_slice %arg4[%dma_wait3A_1236, %dma_wait3A_1237] : memref<32x1000000xf32, #tpu.memory_space<hbm>> -> memref<32x128xf32, #tpu.memory_space<hbm>>
      tpu.wait_dma2 semaphore(%arg12 : memref<!tpu.dma_semaphore, #tpu.memory_space<semaphore_mem>>) src(%dma_wait3A_1238 : memref<32x128xf32, #tpu.memory_space<hbm>>) dst(%dma_wait3A_1235 : memref<32x128xf32, #tpu.memory_space<vmem>>)
      %dma_wait3A_1239 = arith.constant 0 : i32
      %dma_wait3A_1240 = arith.constant 0 : i32
      %dma_wait3A_1241 = arith.constant 0 : i32
      %dma_wait3A_1242 = arith.constant 0 : i32
      %dma_wait3A_1243 = tpu.memref_slice %arg10[%dma_wait3A_1239, %dma_wait3A_1240, %dma_wait3A_1241, %dma_wait3A_1242] : memref<4x2x32x128xf32, #tpu.memory_space<vmem>> -> memref<1x1x32x128xf32, #tpu.memory_space<vmem>>
      %dma_wait3A_1244 = tpu.memref_squeeze %dma_wait3A_1243 : memref<1x1x32x128xf32, #tpu.memory_space<vmem>> -> memref<32x128xf32, #tpu.memory_space<vmem>>
      %dma_wait3A_1245 = arith.constant 0 : i32
      %dma_wait3A_1246 = arith.constant 0 : i32
      %dma_wait3A_1247 = tpu.memref_slice %arg5[%dma_wait3A_1245, %dma_wait3A_1246] : memref<32x1000000xf32, #tpu.memory_space<hbm>> -> memref<32x128xf32, #tpu.memory_space<hbm>>
      %dma_wait3A_1248 = arith.constant 0 : i32
      %dma_wait3A_1249 = arith.constant 0 : i32
      %dma_wait3A_1250 = tpu.memref_slice %arg10[%dma_wait3A_1239, %dma_wait3A_1240, %dma_wait3A_1248, %dma_wait3A_1249] : memref<4x2x32x128xf32, #tpu.memory_space<vmem>> -> memref<1x1x32x128xf32, #tpu.memory_space<vmem>>
      %dma_wait3A_1251 = tpu.memref_squeeze %dma_wait3A_1250 : memref<1x1x32x128xf32, #tpu.memory_space<vmem>> -> memref<32x128xf32, #tpu.memory_space<vmem>>
      %dma_wait3A_1252 = arith.constant 0 : i32
      %dma_wait3A_1253 = arith.constant 0 : i32
      %dma_wait3A_1254 = tpu.memref_slice %arg5[%dma_wait3A_1252, %dma_wait3A_1253] : memref<32x1000000xf32, #tpu.memory_space<hbm>> -> memref<32x128xf32, #tpu.memory_space<hbm>>
      tpu.wait_dma2 semaphore(%arg13 : memref<!tpu.dma_semaphore, #tpu.memory_space<semaphore_mem>>) src(%dma_wait3A_1254 : memref<32x128xf32, #tpu.memory_space<hbm>>) dst(%dma_wait3A_1251 : memref<32x128xf32, #tpu.memory_space<vmem>>)
      %dma_wait3A_1255 = arith.constant 0 : i32
      %dma_wait3A_1256 = arith.constant 1 : i32
      %dma_wait3A_1257 = arith.constant 0 : i32
      %dma_wait3A_1258 = arith.constant 0 : i32
      %dma_wait3A_1259 = tpu.memref_slice %arg9[%dma_wait3A_1255, %dma_wait3A_1256, %dma_wait3A_1257, %dma_wait3A_1258] : memref<4x2x32x128xf32, #tpu.memory_space<vmem>> -> memref<1x1x32x128xf32, #tpu.memory_space<vmem>>
      %dma_wait3A_1260 = tpu.memref_squeeze %dma_wait3A_1259 : memref<1x1x32x128xf32, #tpu.memory_space<vmem>> -> memref<32x128xf32, #tpu.memory_space<vmem>>
      %dma_wait3A_1261 = arith.constant 0 : i32
      %dma_wait3A_1262 = arith.constant 0 : i32
      %dma_wait3A_1263 = tpu.memref_slice %arg4[%dma_wait3A_1261, %dma_wait3A_1262] : memref<32x1000000xf32, #tpu.memory_space<hbm>> -> memref<32x128xf32, #tpu.memory_space<hbm>>
      %dma_wait3A_1264 = arith.constant 0 : i32
      %dma_wait3A_1265 = arith.constant 0 : i32
      %dma_wait3A_1266 = tpu.memref_slice %arg9[%dma_wait3A_1255, %dma_wait3A_1256, %dma_wait3A_1264, %dma_wait3A_1265] : memref<4x2x32x128xf32, #tpu.memory_space<vmem>> -> memref<1x1x32x128xf32, #tpu.memory_space<vmem>>
      %dma_wait3A_1267 = tpu.memref_squeeze %dma_wait3A_1266 : memref<1x1x32x128xf32, #tpu.memory_space<vmem>> -> memref<32x128xf32, #tpu.memory_space<vmem>>
      %dma_wait3A_1268 = arith.constant 0 : i32
      %dma_wait3A_1269 = arith.constant 0 : i32
      %dma_wait3A_1270 = tpu.memref_slice %arg4[%dma_wait3A_1268, %dma_wait3A_1269] : memref<32x1000000xf32, #tpu.memory_space<hbm>> -> memref<32x128xf32, #tpu.memory_space<hbm>>
      tpu.wait_dma2 semaphore(%arg12 : memref<!tpu.dma_semaphore, #tpu.memory_space<semaphore_mem>>) src(%dma_wait3A_1270 : memref<32x128xf32, #tpu.memory_space<hbm>>) dst(%dma_wait3A_1267 : memref<32x128xf32, #tpu.memory_space<vmem>>)
      %dma_wait3A_1271 = arith.constant 0 : i32
      %dma_wait3A_1272 = arith.constant 1 : i32
      %dma_wait3A_1273 = arith.constant 0 : i32
      %dma_wait3A_1274 = arith.constant 0 : i32
      %dma_wait3A_1275 = tpu.memref_slice %arg10[%dma_wait3A_1271, %dma_wait3A_1272, %dma_wait3A_1273, %dma_wait3A_1274] : memref<4x2x32x128xf32, #tpu.memory_space<vmem>> -> memref<1x1x32x128xf32, #tpu.memory_space<vmem>>
      %dma_wait3A_1276 = tpu.memref_squeeze %dma_wait3A_1275 : memref<1x1x32x128xf32, #tpu.memory_space<vmem>> -> memref<32x128xf32, #tpu.memory_space<vmem>>
      %dma_wait3A_1277 = arith.constant 0 : i32
      %dma_wait3A_1278 = arith.constant 0 : i32
      %dma_wait3A_1279 = tpu.memref_slice %arg5[%dma_wait3A_1277, %dma_wait3A_1278] : memref<32x1000000xf32, #tpu.memory_space<hbm>> -> memref<32x128xf32, #tpu.memory_space<hbm>>
      %dma_wait3A_1280 = arith.constant 0 : i32
      %dma_wait3A_1281 = arith.constant 0 : i32
      %dma_wait3A_1282 = tpu.memref_slice %arg10[%dma_wait3A_1271, %dma_wait3A_1272, %dma_wait3A_1280, %dma_wait3A_1281] : memref<4x2x32x128xf32, #tpu.memory_space<vmem>> -> memref<1x1x32x128xf32, #tpu.memory_space<vmem>>
      %dma_wait3A_1283 = tpu.memref_squeeze %dma_wait3A_1282 : memref<1x1x32x128xf32, #tpu.memory_space<vmem>> -> memref<32x128xf32, #tpu.memory_space<vmem>>
      %dma_wait3A_1284 = arith.constant 0 : i32
      %dma_wait3A_1285 = arith.constant 0 : i32
      %dma_wait3A_1286 = tpu.memref_slice %arg5[%dma_wait3A_1284, %dma_wait3A_1285] : memref<32x1000000xf32, #tpu.memory_space<hbm>> -> memref<32x128xf32, #tpu.memory_space<hbm>>
      tpu.wait_dma2 semaphore(%arg13 : memref<!tpu.dma_semaphore, #tpu.memory_space<semaphore_mem>>) src(%dma_wait3A_1286 : memref<32x128xf32, #tpu.memory_space<hbm>>) dst(%dma_wait3A_1283 : memref<32x128xf32, #tpu.memory_space<vmem>>)
      %mul3A_1287 = arith.constant 2 : i32
      %mul3A_1288 = arith.muli %add3A_1213, %mul3A_1287 : i32
      %get3A_1289 = arith.index_cast %mul3A_1288 : i32 to index
      %get3A_1290 = tpu.vector_load %arg7[%get3A_1289] {strides = array<i32>} : memref<528xi32, #tpu.memory_space<vmem>>, vector<16xi32>,
      %rem3A_1291 = arith.constant 128 : i32
      %rem3A_1292 = vector.broadcast %rem3A_1291 : i32 to vector<16xi32>
      %rem3A_1293 = arith.remsi %get3A_1290, %rem3A_1292 : vector<16xi32>
      %get3A_1294 = arith.index_cast %mul3A_1288 : i32 to index
      %get3A_1295 = tpu.vector_load %arg8[%get3A_1294] {strides = array<i32>} : memref<528xi32, #tpu.memory_space<vmem>>, vector<16xi32>,
      %rem3A_1296 = arith.constant 128 : i32
      %rem3A_1297 = vector.broadcast %rem3A_1296 : i32 to vector<16xi32>
      %rem3A_1298 = arith.remsi %get3A_1295, %rem3A_1297 : vector<16xi32>
      %add3A_1299 = arith.constant 16 : i32
      %add3A_1300 = vector.broadcast %add3A_1299 : i32 to vector<16xi32>
      %add3A_1301 = arith.addi %iota3A, %add3A_1300 : vector<16xi32>
      %broadcast_in_dim3A_1302 = arith.constant 0 : i32
      %broadcast_in_dim3A_1303 = vector.broadcast %broadcast_in_dim3A_1302 : i32 to vector<16xi32>
      %broadcast_in_dim3A_1304 = arith.constant 1 : i32
      %broadcast_in_dim3A_1305 = vector.broadcast %broadcast_in_dim3A_1304 : i32 to vector<16xi32>
      %slice3A_1306 = vector.extract_strided_slice %rem3A_1293 {offsets = [0], sizes = [1], strides = [1]} : vector<16xi32> to vector<1xi32>
      %squeeze3A_1307 = vector.extract %slice3A_1306[0] : i32 from vector<1xi32>
      %mul3A_1308 = vector.broadcast %squeeze3A_1307 : i32 to vector<16xi32>
      %mul3A_1309 = arith.muli %broadcast_in_dim3A_1305, %mul3A_1308 : vector<16xi32>
      %broadcast_in_dim3A_1310 = arith.constant 1 : i32
      %broadcast_in_dim3A_1311 = vector.broadcast %broadcast_in_dim3A_1310 : i32 to vector<16xi32>
      %slice3A_1312 = vector.extract_strided_slice %rem3A_1298 {offsets = [0], sizes = [1], strides = [1]} : vector<16xi32> to vector<1xi32>
      %squeeze3A_1313 = vector.extract %slice3A_1312[0] : i32 from vector<1xi32>
      %mul3A_1314 = vector.broadcast %squeeze3A_1313 : i32 to vector<16xi32>
      %mul3A_1315 = arith.muli %broadcast_in_dim3A_1311, %mul3A_1314 : vector<16xi32>
      %gather3A_1316 = arith.constant 0 : i32
      %gather3A_1317 = arith.constant 0 : i32
      %gather3A_1318 = arith.constant 0 : i32
      %gather3A_1319 = arith.constant 0 : i32
      %gather3A_1320 = tpu.memref_slice %arg9[%gather3A_1316, %gather3A_1317, %gather3A_1318, %gather3A_1319] : memref<4x2x32x128xf32, #tpu.memory_space<vmem>> -> memref<1x2x32x128xf32, #tpu.memory_space<vmem>>
      %gather3A_1321 = tpu.memref_squeeze %gather3A_1320 : memref<1x2x32x128xf32, #tpu.memory_space<vmem>> -> memref<2x32x128xf32, #tpu.memory_space<vmem>>
      %gather3A_1322 = tpu.vector_load_idx %gather3A_1321[%broadcast_in_dim3A_1303, %iota3A, %mul3A_1309] : memref<2x32x128xf32, #tpu.memory_space<vmem>>[vector<16xi32>, vector<16xi32>, vector<16xi32>], vector<16xf32>,
      %gather3A_1323 = arith.constant 0 : i32
      %gather3A_1324 = arith.constant 0 : i32
      %gather3A_1325 = arith.constant 0 : i32
      %gather3A_1326 = arith.constant 0 : i32
      %gather3A_1327 = tpu.memref_slice %arg10[%gather3A_1323, %gather3A_1324, %gather3A_1325, %gather3A_1326] : memref<4x2x32x128xf32, #tpu.memory_space<vmem>> -> memref<1x2x32x128xf32, #tpu.memory_space<vmem>>
      %gather3A_1328 = tpu.memref_squeeze %gather3A_1327 : memref<1x2x32x128xf32, #tpu.memory_space<vmem>> -> memref<2x32x128xf32, #tpu.memory_space<vmem>>
      %gather3A_1329 = tpu.vector_load_idx %gather3A_1328[%broadcast_in_dim3A_1303, %iota3A, %mul3A_1315] : memref<2x32x128xf32, #tpu.memory_space<vmem>>[vector<16xi32>, vector<16xi32>, vector<16xi32>], vector<16xf32>,
      %mul3A_1330 = arith.mulf %gather3A_1322, %gather3A_1329 : vector<16xf32>
      %gather3A_1331 = arith.constant 0 : i32
      %gather3A_1332 = arith.constant 0 : i32
      %gather3A_1333 = arith.constant 0 : i32
      %gather3A_1334 = arith.constant 0 : i32
      %gather3A_1335 = tpu.memref_slice %arg9[%gather3A_1331, %gather3A_1332, %gather3A_1333, %gather3A_1334] : memref<4x2x32x128xf32, #tpu.memory_space<vmem>> -> memref<1x2x32x128xf32, #tpu.memory_space<vmem>>
      %gather3A_1336 = tpu.memref_squeeze %gather3A_1335 : memref<1x2x32x128xf32, #tpu.memory_space<vmem>> -> memref<2x32x128xf32, #tpu.memory_space<vmem>>
      %gather3A_1337 = tpu.vector_load_idx %gather3A_1336[%broadcast_in_dim3A_1303, %add3A_1301, %mul3A_1309] : memref<2x32x128xf32, #tpu.memory_space<vmem>>[vector<16xi32>, vector<16xi32>, vector<16xi32>], vector<16xf32>,
      %gather3A_1338 = arith.constant 0 : i32
      %gather3A_1339 = arith.constant 0 : i32
      %gather3A_1340 = arith.constant 0 : i32
      %gather3A_1341 = arith.constant 0 : i32
      %gather3A_1342 = tpu.memref_slice %arg10[%gather3A_1338, %gather3A_1339, %gather3A_1340, %gather3A_1341] : memref<4x2x32x128xf32, #tpu.memory_space<vmem>> -> memref<1x2x32x128xf32, #tpu.memory_space<vmem>>
      %gather3A_1343 = tpu.memref_squeeze %gather3A_1342 : memref<1x2x32x128xf32, #tpu.memory_space<vmem>> -> memref<2x32x128xf32, #tpu.memory_space<vmem>>
      %gather3A_1344 = tpu.vector_load_idx %gather3A_1343[%broadcast_in_dim3A_1303, %add3A_1301, %mul3A_1315] : memref<2x32x128xf32, #tpu.memory_space<vmem>>[vector<16xi32>, vector<16xi32>, vector<16xi32>], vector<16xf32>,
      %mul3A_1345 = arith.mulf %gather3A_1337, %gather3A_1344 : vector<16xf32>
      %add3A_1346 = arith.addf %mul3A_1330, %mul3A_1345 : vector<16xf32>
      %eq3A_1347 = arith.constant 8 : i32
      %eq3A_1348 = vector.broadcast %eq3A_1347 : i32 to vector<16xi32>
      %eq3A_1349 = arith.cmpi eq, %iota3A, %eq3A_1348 : vector<16xi32>
      %reduce_sum3A_1350 = arith.constant true
      %reduce_sum3A_1351 = vector.broadcast %reduce_sum3A_1350 : i1 to vector<16xi1>
      %reduce_sum3A_1352 = tpu.scan <sum>, %add3A_1346 masked %reduce_sum3A_1351 : vector<16xf32>, vector<16xi1> -> vector<16xf32>
      %reduce_sum3A_1353 = vector.extract %reduce_sum3A_1352[15] : f32 from vector<16xf32>
      %broadcast_in_dim3A_1354 = vector.broadcast %reduce_sum3A_1353 : f32 to vector<16xf32>
      %select_n3A_1355 = arith.select %eq3A_1349, %broadcast_in_dim3A_1354, %select_n3A_1209 : vector<16xi1>, vector<16xf32>
      %broadcast_in_dim3A_1356 = arith.constant 1 : i32
      %broadcast_in_dim3A_1357 = vector.broadcast %broadcast_in_dim3A_1356 : i32 to vector<16xi32>
      %broadcast_in_dim3A_1358 = arith.constant 1 : i32
      %broadcast_in_dim3A_1359 = vector.broadcast %broadcast_in_dim3A_1358 : i32 to vector<16xi32>
      %slice3A_1360 = vector.extract_strided_slice %rem3A_1293 {offsets = [1], sizes = [1], strides = [1]} : vector<16xi32> to vector<1xi32>
      %squeeze3A_1361 = vector.extract %slice3A_1360[0] : i32 from vector<1xi32>
      %mul3A_1362 = vector.broadcast %squeeze3A_1361 : i32 to vector<16xi32>
      %mul3A_1363 = arith.muli %broadcast_in_dim3A_1359, %mul3A_1362 : vector<16xi32>
      %broadcast_in_dim3A_1364 = arith.constant 1 : i32
      %broadcast_in_dim3A_1365 = vector.broadcast %broadcast_in_dim3A_1364 : i32 to vector<16xi32>
      %slice3A_1366 = vector.extract_strided_slice %rem3A_1298 {offsets = [1], sizes = [1], strides = [1]} : vector<16xi32> to vector<1xi32>
      %squeeze3A_1367 = vector.extract %slice3A_1366[0] : i32 from vector<1xi32>
      %mul3A_1368 = vector.broadcast %squeeze3A_1367 : i32 to vector<16xi32>
      %mul3A_1369 = arith.muli %broadcast_in_dim3A_1365, %mul3A_1368 : vector<16xi32>
      %gather3A_1370 = arith.constant 0 : i32
      %gather3A_1371 = arith.constant 0 : i32
      %gather3A_1372 = arith.constant 0 : i32
      %gather3A_1373 = arith.constant 0 : i32
      %gather3A_1374 = tpu.memref_slice %arg9[%gather3A_1370, %gather3A_1371, %gather3A_1372, %gather3A_1373] : memref<4x2x32x128xf32, #tpu.memory_space<vmem>> -> memref<1x2x32x128xf32, #tpu.memory_space<vmem>>
      %gather3A_1375 = tpu.memref_squeeze %gather3A_1374 : memref<1x2x32x128xf32, #tpu.memory_space<vmem>> -> memref<2x32x128xf32, #tpu.memory_space<vmem>>
      %gather3A_1376 = tpu.vector_load_idx %gather3A_1375[%broadcast_in_dim3A_1357, %iota3A, %mul3A_1363] : memref<2x32x128xf32, #tpu.memory_space<vmem>>[vector<16xi32>, vector<16xi32>, vector<16xi32>], vector<16xf32>,
      %gather3A_1377 = arith.constant 0 : i32
      %gather3A_1378 = arith.constant 0 : i32
      %gather3A_1379 = arith.constant 0 : i32
      %gather3A_1380 = arith.constant 0 : i32
      %gather3A_1381 = tpu.memref_slice %arg10[%gather3A_1377, %gather3A_1378, %gather3A_1379, %gather3A_1380] : memref<4x2x32x128xf32, #tpu.memory_space<vmem>> -> memref<1x2x32x128xf32, #tpu.memory_space<vmem>>
      %gather3A_1382 = tpu.memref_squeeze %gather3A_1381 : memref<1x2x32x128xf32, #tpu.memory_space<vmem>> -> memref<2x32x128xf32, #tpu.memory_space<vmem>>
      %gather3A_1383 = tpu.vector_load_idx %gather3A_1382[%broadcast_in_dim3A_1357, %iota3A, %mul3A_1369] : memref<2x32x128xf32, #tpu.memory_space<vmem>>[vector<16xi32>, vector<16xi32>, vector<16xi32>], vector<16xf32>,
      %mul3A_1384 = arith.mulf %gather3A_1376, %gather3A_1383 : vector<16xf32>
      %gather3A_1385 = arith.constant 0 : i32
      %gather3A_1386 = arith.constant 0 : i32
      %gather3A_1387 = arith.constant 0 : i32
      %gather3A_1388 = arith.constant 0 : i32
      %gather3A_1389 = tpu.memref_slice %arg9[%gather3A_1385, %gather3A_1386, %gather3A_1387, %gather3A_1388] : memref<4x2x32x128xf32, #tpu.memory_space<vmem>> -> memref<1x2x32x128xf32, #tpu.memory_space<vmem>>
      %gather3A_1390 = tpu.memref_squeeze %gather3A_1389 : memref<1x2x32x128xf32, #tpu.memory_space<vmem>> -> memref<2x32x128xf32, #tpu.memory_space<vmem>>
      %gather3A_1391 = tpu.vector_load_idx %gather3A_1390[%broadcast_in_dim3A_1357, %add3A_1301, %mul3A_1363] : memref<2x32x128xf32, #tpu.memory_space<vmem>>[vector<16xi32>, vector<16xi32>, vector<16xi32>], vector<16xf32>,
      %gather3A_1392 = arith.constant 0 : i32
      %gather3A_1393 = arith.constant 0 : i32
      %gather3A_1394 = arith.constant 0 : i32
      %gather3A_1395 = arith.constant 0 : i32
      %gather3A_1396 = tpu.memref_slice %arg10[%gather3A_1392, %gather3A_1393, %gather3A_1394, %gather3A_1395] : memref<4x2x32x128xf32, #tpu.memory_space<vmem>> -> memref<1x2x32x128xf32, #tpu.memory_space<vmem>>
      %gather3A_1397 = tpu.memref_squeeze %gather3A_1396 : memref<1x2x32x128xf32, #tpu.memory_space<vmem>> -> memref<2x32x128xf32, #tpu.memory_space<vmem>>
      %gather3A_1398 = tpu.vector_load_idx %gather3A_1397[%broadcast_in_dim3A_1357, %add3A_1301, %mul3A_1369] : memref<2x32x128xf32, #tpu.memory_space<vmem>>[vector<16xi32>, vector<16xi32>, vector<16xi32>], vector<16xf32>,
      %mul3A_1399 = arith.mulf %gather3A_1391, %gather3A_1398 : vector<16xf32>
      %add3A_1400 = arith.addf %mul3A_1384, %mul3A_1399 : vector<16xf32>
      %eq3A_1401 = arith.constant 9 : i32
      %eq3A_1402 = vector.broadcast %eq3A_1401 : i32 to vector<16xi32>
      %eq3A_1403 = arith.cmpi eq, %iota3A, %eq3A_1402 : vector<16xi32>
      %reduce_sum3A_1404 = arith.constant true
      %reduce_sum3A_1405 = vector.broadcast %reduce_sum3A_1404 : i1 to vector<16xi1>
      %reduce_sum3A_1406 = tpu.scan <sum>, %add3A_1400 masked %reduce_sum3A_1405 : vector<16xf32>, vector<16xi1> -> vector<16xf32>
      %reduce_sum3A_1407 = vector.extract %reduce_sum3A_1406[15] : f32 from vector<16xf32>
      %broadcast_in_dim3A_1408 = vector.broadcast %reduce_sum3A_1407 : f32 to vector<16xf32>
      %select_n3A_1409 = arith.select %eq3A_1403, %broadcast_in_dim3A_1408, %select_n3A_1355 : vector<16xi1>, vector<16xf32>
      %mul3A_1410 = arith.constant 8 : i32
      %mul3A_1411 = arith.muli %mul3A_1410, %scan3A_415 : i32
      %add3A_1412 = arith.constant 5 : i32
      %add3A_1413 = arith.addi %mul3A_1411, %add3A_1412 : i32
      %add3A_1414 = arith.constant 4 : i32
      %add3A_1415 = arith.addi %add3A_1413, %add3A_1414 : i32
      %sub3A_1416 = arith.constant 1 : i32
      %sub3A_1417 = arith.subi %add3A_1415, %sub3A_1416 : i32
      %lt3A_1418 = arith.constant 256 : i32
      %lt3A_1419 = arith.cmpi slt, %sub3A_1417, %lt3A_1418 : i32
      %convert_element_type3A_1420 = arith.extui %lt3A_1419 : i1 to i32
      %cond3A_1421 = arith.constant 0 : i32
      %cond3A_1422 = arith.cmpi ne, %convert_element_type3A_1420, %cond3A_1421 : i32
      scf.if %cond3A_1422 {
        %add3A_2013 = arith.constant 4 : i32
        %add3A_2014 = arith.addi %add3A_1413, %add3A_2013 : i32
        %sub3A_2015 = arith.constant 1 : i32
        %sub3A_2016 = arith.subi %add3A_2014, %sub3A_2015 : i32
        %mul3A_2017 = arith.constant 2 : i32
        %mul3A_2018 = arith.muli %sub3A_2016, %mul3A_2017 : i32
        %get3A_2019 = arith.index_cast %mul3A_2018 : i32 to index
        %get3A_2020 = tpu.vector_load %arg7[%get3A_2019] {strides = array<i32>} : memref<528xi32, #tpu.memory_space<vmem>>, vector<16xi32>,
        %jit3A_2021 = arith.constant 128 : i32
        %div3A_2022 = vector.broadcast %jit3A_2021 : i32 to vector<16xi32>
        %div3A_2023 = arith.divsi %get3A_2020, %div3A_2022 : vector<16xi32>
        %sign3A_2024 = arith.constant 0 : i32
        %sign3A_2025 = vector.broadcast %sign3A_2024 : i32 to vector<16xi32>
        %sign3A_2026 = arith.cmpi sgt, %get3A_2020, %sign3A_2025 : vector<16xi32>
        %sign3A_2027 = arith.extui %sign3A_2026 : vector<16xi1> to vector<16xi32>
        %sign3A_2028 = arith.constant 0 : i32
        %sign3A_2029 = vector.broadcast %sign3A_2028 : i32 to vector<16xi32>
        %sign3A_2030 = arith.cmpi slt, %get3A_2020, %sign3A_2029 : vector<16xi32>
        %sign3A_2031 = arith.extui %sign3A_2030 : vector<16xi1> to vector<16xi32>
        %sign3A_2032 = arith.subi %sign3A_2027, %sign3A_2031 : vector<16xi32>
        %sign3A_2033 = arith.constant 0 : i32
        %sign3A_2034 = arith.cmpi sgt, %jit3A_2021, %sign3A_2033 : i32
        %sign3A_2035 = arith.extui %sign3A_2034 : i1 to i32
        %sign3A_2036 = arith.constant 0 : i32
        %sign3A_2037 = arith.cmpi slt, %jit3A_2021, %sign3A_2036 : i32
        %sign3A_2038 = arith.extui %sign3A_2037 : i1 to i32
        %sign3A_2039 = arith.subi %sign3A_2035, %sign3A_2038 : i32
        %ne3A_2040 = vector.broadcast %sign3A_2039 : i32 to vector<16xi32>
        %ne3A_2041 = arith.cmpi ne, %sign3A_2032, %ne3A_2040 : vector<16xi32>
        %rem3A_2042 = vector.broadcast %jit3A_2021 : i32 to vector<16xi32>
        %rem3A_2043 = arith.remsi %get3A_2020, %rem3A_2042 : vector<16xi32>
        %ne3A_2044 = arith.constant 0 : i32
        %ne3A_2045 = vector.broadcast %ne3A_2044 : i32 to vector<16xi32>
        %ne3A_2046 = arith.cmpi ne, %rem3A_2043, %ne3A_2045 : vector<16xi32>
        %and3A_2047 = arith.andi %ne3A_2041, %ne3A_2046 : vector<16xi1>
        %sub3A_2048 = arith.constant 1 : i32
        %sub3A_2049 = vector.broadcast %sub3A_2048 : i32 to vector<16xi32>
        %sub3A_2050 = arith.subi %div3A_2023, %sub3A_2049 : vector<16xi32>
        %select_n3A_2051 = arith.select %and3A_2047, %sub3A_2050, %div3A_2023 : vector<16xi1>, vector<16xi32>
        %mul3A_2052 = arith.constant 128 : i32
        %mul3A_2053 = vector.broadcast %mul3A_2052 : i32 to vector<16xi32>
        %mul3A_2054 = arith.muli %select_n3A_2051, %mul3A_2053 : vector<16xi32>
        %get3A_2055 = arith.index_cast %mul3A_2018 : i32 to index
        %get3A_2056 = tpu.vector_load %arg8[%get3A_2055] {strides = array<i32>} : memref<528xi32, #tpu.memory_space<vmem>>, vector<16xi32>,
        %jit3A_2057 = arith.constant 128 : i32
        %div3A_2058 = vector.broadcast %jit3A_2057 : i32 to vector<16xi32>
        %div3A_2059 = arith.divsi %get3A_2056, %div3A_2058 : vector<16xi32>
        %sign3A_2060 = arith.constant 0 : i32
        %sign3A_2061 = vector.broadcast %sign3A_2060 : i32 to vector<16xi32>
        %sign3A_2062 = arith.cmpi sgt, %get3A_2056, %sign3A_2061 : vector<16xi32>
        %sign3A_2063 = arith.extui %sign3A_2062 : vector<16xi1> to vector<16xi32>
        %sign3A_2064 = arith.constant 0 : i32
        %sign3A_2065 = vector.broadcast %sign3A_2064 : i32 to vector<16xi32>
        %sign3A_2066 = arith.cmpi slt, %get3A_2056, %sign3A_2065 : vector<16xi32>
        %sign3A_2067 = arith.extui %sign3A_2066 : vector<16xi1> to vector<16xi32>
        %sign3A_2068 = arith.subi %sign3A_2063, %sign3A_2067 : vector<16xi32>
        %sign3A_2069 = arith.constant 0 : i32
        %sign3A_2070 = arith.cmpi sgt, %jit3A_2057, %sign3A_2069 : i32
        %sign3A_2071 = arith.extui %sign3A_2070 : i1 to i32
        %sign3A_2072 = arith.constant 0 : i32
        %sign3A_2073 = arith.cmpi slt, %jit3A_2057, %sign3A_2072 : i32
        %sign3A_2074 = arith.extui %sign3A_2073 : i1 to i32
        %sign3A_2075 = arith.subi %sign3A_2071, %sign3A_2074 : i32
        %ne3A_2076 = vector.broadcast %sign3A_2075 : i32 to vector<16xi32>
        %ne3A_2077 = arith.cmpi ne, %sign3A_2068, %ne3A_2076 : vector<16xi32>
        %rem3A_2078 = vector.broadcast %jit3A_2057 : i32 to vector<16xi32>
        %rem3A_2079 = arith.remsi %get3A_2056, %rem3A_2078 : vector<16xi32>
        %ne3A_2080 = arith.constant 0 : i32
        %ne3A_2081 = vector.broadcast %ne3A_2080 : i32 to vector<16xi32>
        %ne3A_2082 = arith.cmpi ne, %rem3A_2079, %ne3A_2081 : vector<16xi32>
        %and3A_2083 = arith.andi %ne3A_2077, %ne3A_2082 : vector<16xi1>
        %sub3A_2084 = arith.constant 1 : i32
        %sub3A_2085 = vector.broadcast %sub3A_2084 : i32 to vector<16xi32>
        %sub3A_2086 = arith.subi %div3A_2059, %sub3A_2085 : vector<16xi32>
        %select_n3A_2087 = arith.select %and3A_2083, %sub3A_2086, %div3A_2059 : vector<16xi1>, vector<16xi32>
        %mul3A_2088 = arith.constant 128 : i32
        %mul3A_2089 = vector.broadcast %mul3A_2088 : i32 to vector<16xi32>
        %mul3A_2090 = arith.muli %select_n3A_2087, %mul3A_2089 : vector<16xi32>
        %slice3A_2091 = vector.extract_strided_slice %mul3A_2054 {offsets = [0], sizes = [1], strides = [1]} : vector<16xi32> to vector<1xi32>
        %squeeze3A_2092 = vector.extract %slice3A_2091[0] : i32 from vector<1xi32>
        %multiple_of3A_2093 = tpu.assume_multiple %squeeze3A_2092, 128 : i32
        %slice3A_2094 = vector.extract_strided_slice %mul3A_2090 {offsets = [0], sizes = [1], strides = [1]} : vector<16xi32> to vector<1xi32>
        %squeeze3A_2095 = vector.extract %slice3A_2094[0] : i32 from vector<1xi32>
        %multiple_of3A_2096 = tpu.assume_multiple %squeeze3A_2095, 128 : i32
        %dma_start3A_2097 = arith.constant 0 : i32
        %dma_start3A_2098 = arith.constant 0 : i32
        %dma_start3A_2099 = arith.constant 0 : i32
        %dma_start3A_2100 = arith.constant 0 : i32
        %dma_start3A_2101 = tpu.memref_slice %arg9[%dma_start3A_2097, %dma_start3A_2098, %dma_start3A_2099, %dma_start3A_2100] : memref<4x2x32x128xf32, #tpu.memory_space<vmem>> -> memref<1x1x32x128xf32, #tpu.memory_space<vmem>>
        %dma_start3A_2102 = tpu.memref_squeeze %dma_start3A_2101 : memref<1x1x32x128xf32, #tpu.memory_space<vmem>> -> memref<32x128xf32, #tpu.memory_space<vmem>>
        %dma_start3A_2103 = arith.constant 0 : i32
        %dma_start3A_2104 = tpu.memref_slice %arg4[%dma_start3A_2103, %multiple_of3A_2093] : memref<32x1000000xf32, #tpu.memory_space<hbm>> -> memref<32x128xf32, #tpu.memory_space<hbm>>
        %dma_start3A_2105 = arith.constant 0 : i32
        %dma_start3A_2106 = arith.constant 0 : i32
        %dma_start3A_2107 = tpu.memref_slice %arg9[%dma_start3A_2097, %dma_start3A_2098, %dma_start3A_2105, %dma_start3A_2106] : memref<4x2x32x128xf32, #tpu.memory_space<vmem>> -> memref<1x1x32x128xf32, #tpu.memory_space<vmem>>
        %dma_start3A_2108 = tpu.memref_squeeze %dma_start3A_2107 : memref<1x1x32x128xf32, #tpu.memory_space<vmem>> -> memref<32x128xf32, #tpu.memory_space<vmem>>
        %dma_start3A_2109 = arith.constant 0 : i32
        %dma_start3A_2110 = tpu.memref_slice %arg4[%dma_start3A_2109, %multiple_of3A_2093] : memref<32x1000000xf32, #tpu.memory_space<hbm>> -> memref<32x128xf32, #tpu.memory_space<hbm>>
        tpu.enqueue_dma source(%dma_start3A_2110 : memref<32x128xf32, #tpu.memory_space<hbm>>) target(%dma_start3A_2108 : memref<32x128xf32, #tpu.memory_space<vmem>>) target_semaphore(%arg12 : memref<!tpu.dma_semaphore, #tpu.memory_space<semaphore_mem>>)
        %dma_start3A_2111 = arith.constant 0 : i32
        %dma_start3A_2112 = arith.constant 0 : i32
        %dma_start3A_2113 = arith.constant 0 : i32
        %dma_start3A_2114 = arith.constant 0 : i32
        %dma_start3A_2115 = tpu.memref_slice %arg10[%dma_start3A_2111, %dma_start3A_2112, %dma_start3A_2113, %dma_start3A_2114] : memref<4x2x32x128xf32, #tpu.memory_space<vmem>> -> memref<1x1x32x128xf32, #tpu.memory_space<vmem>>
        %dma_start3A_2116 = tpu.memref_squeeze %dma_start3A_2115 : memref<1x1x32x128xf32, #tpu.memory_space<vmem>> -> memref<32x128xf32, #tpu.memory_space<vmem>>
        %dma_start3A_2117 = arith.constant 0 : i32
        %dma_start3A_2118 = tpu.memref_slice %arg5[%dma_start3A_2117, %multiple_of3A_2096] : memref<32x1000000xf32, #tpu.memory_space<hbm>> -> memref<32x128xf32, #tpu.memory_space<hbm>>
        %dma_start3A_2119 = arith.constant 0 : i32
        %dma_start3A_2120 = arith.constant 0 : i32
        %dma_start3A_2121 = tpu.memref_slice %arg10[%dma_start3A_2111, %dma_start3A_2112, %dma_start3A_2119, %dma_start3A_2120] : memref<4x2x32x128xf32, #tpu.memory_space<vmem>> -> memref<1x1x32x128xf32, #tpu.memory_space<vmem>>
        %dma_start3A_2122 = tpu.memref_squeeze %dma_start3A_2121 : memref<1x1x32x128xf32, #tpu.memory_space<vmem>> -> memref<32x128xf32, #tpu.memory_space<vmem>>
        %dma_start3A_2123 = arith.constant 0 : i32
        %dma_start3A_2124 = tpu.memref_slice %arg5[%dma_start3A_2123, %multiple_of3A_2096] : memref<32x1000000xf32, #tpu.memory_space<hbm>> -> memref<32x128xf32, #tpu.memory_space<hbm>>
        tpu.enqueue_dma source(%dma_start3A_2124 : memref<32x128xf32, #tpu.memory_space<hbm>>) target(%dma_start3A_2122 : memref<32x128xf32, #tpu.memory_space<vmem>>) target_semaphore(%arg13 : memref<!tpu.dma_semaphore, #tpu.memory_space<semaphore_mem>>)
        %slice3A_2125 = vector.extract_strided_slice %mul3A_2054 {offsets = [1], sizes = [1], strides = [1]} : vector<16xi32> to vector<1xi32>
        %squeeze3A_2126 = vector.extract %slice3A_2125[0] : i32 from vector<1xi32>
        %multiple_of3A_2127 = tpu.assume_multiple %squeeze3A_2126, 128 : i32
        %slice3A_2128 = vector.extract_strided_slice %mul3A_2090 {offsets = [1], sizes = [1], strides = [1]} : vector<16xi32> to vector<1xi32>
        %squeeze3A_2129 = vector.extract %slice3A_2128[0] : i32 from vector<1xi32>
        %multiple_of3A_2130 = tpu.assume_multiple %squeeze3A_2129, 128 : i32
        %dma_start3A_2131 = arith.constant 0 : i32
        %dma_start3A_2132 = arith.constant 1 : i32
        %dma_start3A_2133 = arith.constant 0 : i32
        %dma_start3A_2134 = arith.constant 0 : i32
        %dma_start3A_2135 = tpu.memref_slice %arg9[%dma_start3A_2131, %dma_start3A_2132, %dma_start3A_2133, %dma_start3A_2134] : memref<4x2x32x128xf32, #tpu.memory_space<vmem>> -> memref<1x1x32x128xf32, #tpu.memory_space<vmem>>
        %dma_start3A_2136 = tpu.memref_squeeze %dma_start3A_2135 : memref<1x1x32x128xf32, #tpu.memory_space<vmem>> -> memref<32x128xf32, #tpu.memory_space<vmem>>
        %dma_start3A_2137 = arith.constant 0 : i32
        %dma_start3A_2138 = tpu.memref_slice %arg4[%dma_start3A_2137, %multiple_of3A_2127] : memref<32x1000000xf32, #tpu.memory_space<hbm>> -> memref<32x128xf32, #tpu.memory_space<hbm>>
        %dma_start3A_2139 = arith.constant 0 : i32
        %dma_start3A_2140 = arith.constant 0 : i32
        %dma_start3A_2141 = tpu.memref_slice %arg9[%dma_start3A_2131, %dma_start3A_2132, %dma_start3A_2139, %dma_start3A_2140] : memref<4x2x32x128xf32, #tpu.memory_space<vmem>> -> memref<1x1x32x128xf32, #tpu.memory_space<vmem>>
        %dma_start3A_2142 = tpu.memref_squeeze %dma_start3A_2141 : memref<1x1x32x128xf32, #tpu.memory_space<vmem>> -> memref<32x128xf32, #tpu.memory_space<vmem>>
        %dma_start3A_2143 = arith.constant 0 : i32
        %dma_start3A_2144 = tpu.memref_slice %arg4[%dma_start3A_2143, %multiple_of3A_2127] : memref<32x1000000xf32, #tpu.memory_space<hbm>> -> memref<32x128xf32, #tpu.memory_space<hbm>>
        tpu.enqueue_dma source(%dma_start3A_2144 : memref<32x128xf32, #tpu.memory_space<hbm>>) target(%dma_start3A_2142 : memref<32x128xf32, #tpu.memory_space<vmem>>) target_semaphore(%arg12 : memref<!tpu.dma_semaphore, #tpu.memory_space<semaphore_mem>>)
        %dma_start3A_2145 = arith.constant 0 : i32
        %dma_start3A_2146 = arith.constant 1 : i32
        %dma_start3A_2147 = arith.constant 0 : i32
        %dma_start3A_2148 = arith.constant 0 : i32
        %dma_start3A_2149 = tpu.memref_slice %arg10[%dma_start3A_2145, %dma_start3A_2146, %dma_start3A_2147, %dma_start3A_2148] : memref<4x2x32x128xf32, #tpu.memory_space<vmem>> -> memref<1x1x32x128xf32, #tpu.memory_space<vmem>>
        %dma_start3A_2150 = tpu.memref_squeeze %dma_start3A_2149 : memref<1x1x32x128xf32, #tpu.memory_space<vmem>> -> memref<32x128xf32, #tpu.memory_space<vmem>>
        %dma_start3A_2151 = arith.constant 0 : i32
        %dma_start3A_2152 = tpu.memref_slice %arg5[%dma_start3A_2151, %multiple_of3A_2130] : memref<32x1000000xf32, #tpu.memory_space<hbm>> -> memref<32x128xf32, #tpu.memory_space<hbm>>
        %dma_start3A_2153 = arith.constant 0 : i32
        %dma_start3A_2154 = arith.constant 0 : i32
        %dma_start3A_2155 = tpu.memref_slice %arg10[%dma_start3A_2145, %dma_start3A_2146, %dma_start3A_2153, %dma_start3A_2154] : memref<4x2x32x128xf32, #tpu.memory_space<vmem>> -> memref<1x1x32x128xf32, #tpu.memory_space<vmem>>
        %dma_start3A_2156 = tpu.memref_squeeze %dma_start3A_2155 : memref<1x1x32x128xf32, #tpu.memory_space<vmem>> -> memref<32x128xf32, #tpu.memory_space<vmem>>
        %dma_start3A_2157 = arith.constant 0 : i32
        %dma_start3A_2158 = tpu.memref_slice %arg5[%dma_start3A_2157, %multiple_of3A_2130] : memref<32x1000000xf32, #tpu.memory_space<hbm>> -> memref<32x128xf32, #tpu.memory_space<hbm>>
        tpu.enqueue_dma source(%dma_start3A_2158 : memref<32x128xf32, #tpu.memory_space<hbm>>) target(%dma_start3A_2156 : memref<32x128xf32, #tpu.memory_space<vmem>>) target_semaphore(%arg13 : memref<!tpu.dma_semaphore, #tpu.memory_space<semaphore_mem>>)
      } else {
      }
      %dma_wait3A_1423 = arith.constant 1 : i32
      %dma_wait3A_1424 = arith.constant 0 : i32
      %dma_wait3A_1425 = arith.constant 0 : i32
      %dma_wait3A_1426 = arith.constant 0 : i32
      %dma_wait3A_1427 = tpu.memref_slice %arg9[%dma_wait3A_1423, %dma_wait3A_1424, %dma_wait3A_1425, %dma_wait3A_1426] : memref<4x2x32x128xf32, #tpu.memory_space<vmem>> -> memref<1x1x32x128xf32, #tpu.memory_space<vmem>>
      %dma_wait3A_1428 = tpu.memref_squeeze %dma_wait3A_1427 : memref<1x1x32x128xf32, #tpu.memory_space<vmem>> -> memref<32x128xf32, #tpu.memory_space<vmem>>
      %dma_wait3A_1429 = arith.constant 0 : i32
      %dma_wait3A_1430 = arith.constant 0 : i32
      %dma_wait3A_1431 = tpu.memref_slice %arg4[%dma_wait3A_1429, %dma_wait3A_1430] : memref<32x1000000xf32, #tpu.memory_space<hbm>> -> memref<32x128xf32, #tpu.memory_space<hbm>>
      %dma_wait3A_1432 = arith.constant 0 : i32
      %dma_wait3A_1433 = arith.constant 0 : i32
      %dma_wait3A_1434 = tpu.memref_slice %arg9[%dma_wait3A_1423, %dma_wait3A_1424, %dma_wait3A_1432, %dma_wait3A_1433] : memref<4x2x32x128xf32, #tpu.memory_space<vmem>> -> memref<1x1x32x128xf32, #tpu.memory_space<vmem>>
      %dma_wait3A_1435 = tpu.memref_squeeze %dma_wait3A_1434 : memref<1x1x32x128xf32, #tpu.memory_space<vmem>> -> memref<32x128xf32, #tpu.memory_space<vmem>>
      %dma_wait3A_1436 = arith.constant 0 : i32
      %dma_wait3A_1437 = arith.constant 0 : i32
      %dma_wait3A_1438 = tpu.memref_slice %arg4[%dma_wait3A_1436, %dma_wait3A_1437] : memref<32x1000000xf32, #tpu.memory_space<hbm>> -> memref<32x128xf32, #tpu.memory_space<hbm>>
      tpu.wait_dma2 semaphore(%arg14 : memref<!tpu.dma_semaphore, #tpu.memory_space<semaphore_mem>>) src(%dma_wait3A_1438 : memref<32x128xf32, #tpu.memory_space<hbm>>) dst(%dma_wait3A_1435 : memref<32x128xf32, #tpu.memory_space<vmem>>)
      %dma_wait3A_1439 = arith.constant 1 : i32
      %dma_wait3A_1440 = arith.constant 0 : i32
      %dma_wait3A_1441 = arith.constant 0 : i32
      %dma_wait3A_1442 = arith.constant 0 : i32
      %dma_wait3A_1443 = tpu.memref_slice %arg10[%dma_wait3A_1439, %dma_wait3A_1440, %dma_wait3A_1441, %dma_wait3A_1442] : memref<4x2x32x128xf32, #tpu.memory_space<vmem>> -> memref<1x1x32x128xf32, #tpu.memory_space<vmem>>
      %dma_wait3A_1444 = tpu.memref_squeeze %dma_wait3A_1443 : memref<1x1x32x128xf32, #tpu.memory_space<vmem>> -> memref<32x128xf32, #tpu.memory_space<vmem>>
      %dma_wait3A_1445 = arith.constant 0 : i32
      %dma_wait3A_1446 = arith.constant 0 : i32
      %dma_wait3A_1447 = tpu.memref_slice %arg5[%dma_wait3A_1445, %dma_wait3A_1446] : memref<32x1000000xf32, #tpu.memory_space<hbm>> -> memref<32x128xf32, #tpu.memory_space<hbm>>
      %dma_wait3A_1448 = arith.constant 0 : i32
      %dma_wait3A_1449 = arith.constant 0 : i32
      %dma_wait3A_1450 = tpu.memref_slice %arg10[%dma_wait3A_1439, %dma_wait3A_1440, %dma_wait3A_1448, %dma_wait3A_1449] : memref<4x2x32x128xf32, #tpu.memory_space<vmem>> -> memref<1x1x32x128xf32, #tpu.memory_space<vmem>>
      %dma_wait3A_1451 = tpu.memref_squeeze %dma_wait3A_1450 : memref<1x1x32x128xf32, #tpu.memory_space<vmem>> -> memref<32x128xf32, #tpu.memory_space<vmem>>
      %dma_wait3A_1452 = arith.constant 0 : i32
      %dma_wait3A_1453 = arith.constant 0 : i32
      %dma_wait3A_1454 = tpu.memref_slice %arg5[%dma_wait3A_1452, %dma_wait3A_1453] : memref<32x1000000xf32, #tpu.memory_space<hbm>> -> memref<32x128xf32, #tpu.memory_space<hbm>>
      tpu.wait_dma2 semaphore(%arg15 : memref<!tpu.dma_semaphore, #tpu.memory_space<semaphore_mem>>) src(%dma_wait3A_1454 : memref<32x128xf32, #tpu.memory_space<hbm>>) dst(%dma_wait3A_1451 : memref<32x128xf32, #tpu.memory_space<vmem>>)
      %dma_wait3A_1455 = arith.constant 1 : i32
      %dma_wait3A_1456 = arith.constant 1 : i32
      %dma_wait3A_1457 = arith.constant 0 : i32
      %dma_wait3A_1458 = arith.constant 0 : i32
      %dma_wait3A_1459 = tpu.memref_slice %arg9[%dma_wait3A_1455, %dma_wait3A_1456, %dma_wait3A_1457, %dma_wait3A_1458] : memref<4x2x32x128xf32, #tpu.memory_space<vmem>> -> memref<1x1x32x128xf32, #tpu.memory_space<vmem>>
      %dma_wait3A_1460 = tpu.memref_squeeze %dma_wait3A_1459 : memref<1x1x32x128xf32, #tpu.memory_space<vmem>> -> memref<32x128xf32, #tpu.memory_space<vmem>>
      %dma_wait3A_1461 = arith.constant 0 : i32
      %dma_wait3A_1462 = arith.constant 0 : i32
      %dma_wait3A_1463 = tpu.memref_slice %arg4[%dma_wait3A_1461, %dma_wait3A_1462] : memref<32x1000000xf32, #tpu.memory_space<hbm>> -> memref<32x128xf32, #tpu.memory_space<hbm>>
      %dma_wait3A_1464 = arith.constant 0 : i32
      %dma_wait3A_1465 = arith.constant 0 : i32
      %dma_wait3A_1466 = tpu.memref_slice %arg9[%dma_wait3A_1455, %dma_wait3A_1456, %dma_wait3A_1464, %dma_wait3A_1465] : memref<4x2x32x128xf32, #tpu.memory_space<vmem>> -> memref<1x1x32x128xf32, #tpu.memory_space<vmem>>
      %dma_wait3A_1467 = tpu.memref_squeeze %dma_wait3A_1466 : memref<1x1x32x128xf32, #tpu.memory_space<vmem>> -> memref<32x128xf32, #tpu.memory_space<vmem>>
      %dma_wait3A_1468 = arith.constant 0 : i32
      %dma_wait3A_1469 = arith.constant 0 : i32
      %dma_wait3A_1470 = tpu.memref_slice %arg4[%dma_wait3A_1468, %dma_wait3A_1469] : memref<32x1000000xf32, #tpu.memory_space<hbm>> -> memref<32x128xf32, #tpu.memory_space<hbm>>
      tpu.wait_dma2 semaphore(%arg14 : memref<!tpu.dma_semaphore, #tpu.memory_space<semaphore_mem>>) src(%dma_wait3A_1470 : memref<32x128xf32, #tpu.memory_space<hbm>>) dst(%dma_wait3A_1467 : memref<32x128xf32, #tpu.memory_space<vmem>>)
      %dma_wait3A_1471 = arith.constant 1 : i32
      %dma_wait3A_1472 = arith.constant 1 : i32
      %dma_wait3A_1473 = arith.constant 0 : i32
      %dma_wait3A_1474 = arith.constant 0 : i32
      %dma_wait3A_1475 = tpu.memref_slice %arg10[%dma_wait3A_1471, %dma_wait3A_1472, %dma_wait3A_1473, %dma_wait3A_1474] : memref<4x2x32x128xf32, #tpu.memory_space<vmem>> -> memref<1x1x32x128xf32, #tpu.memory_space<vmem>>
      %dma_wait3A_1476 = tpu.memref_squeeze %dma_wait3A_1475 : memref<1x1x32x128xf32, #tpu.memory_space<vmem>> -> memref<32x128xf32, #tpu.memory_space<vmem>>
      %dma_wait3A_1477 = arith.constant 0 : i32
      %dma_wait3A_1478 = arith.constant 0 : i32
      %dma_wait3A_1479 = tpu.memref_slice %arg5[%dma_wait3A_1477, %dma_wait3A_1478] : memref<32x1000000xf32, #tpu.memory_space<hbm>> -> memref<32x128xf32, #tpu.memory_space<hbm>>
      %dma_wait3A_1480 = arith.constant 0 : i32
      %dma_wait3A_1481 = arith.constant 0 : i32
      %dma_wait3A_1482 = tpu.memref_slice %arg10[%dma_wait3A_1471, %dma_wait3A_1472, %dma_wait3A_1480, %dma_wait3A_1481] : memref<4x2x32x128xf32, #tpu.memory_space<vmem>> -> memref<1x1x32x128xf32, #tpu.memory_space<vmem>>
      %dma_wait3A_1483 = tpu.memref_squeeze %dma_wait3A_1482 : memref<1x1x32x128xf32, #tpu.memory_space<vmem>> -> memref<32x128xf32, #tpu.memory_space<vmem>>
      %dma_wait3A_1484 = arith.constant 0 : i32
      %dma_wait3A_1485 = arith.constant 0 : i32
      %dma_wait3A_1486 = tpu.memref_slice %arg5[%dma_wait3A_1484, %dma_wait3A_1485] : memref<32x1000000xf32, #tpu.memory_space<hbm>> -> memref<32x128xf32, #tpu.memory_space<hbm>>
      tpu.wait_dma2 semaphore(%arg15 : memref<!tpu.dma_semaphore, #tpu.memory_space<semaphore_mem>>) src(%dma_wait3A_1486 : memref<32x128xf32, #tpu.memory_space<hbm>>) dst(%dma_wait3A_1483 : memref<32x128xf32, #tpu.memory_space<vmem>>)
      %mul3A_1487 = arith.constant 2 : i32
      %mul3A_1488 = arith.muli %add3A_1413, %mul3A_1487 : i32
      %get3A_1489 = arith.index_cast %mul3A_1488 : i32 to index
      %get3A_1490 = tpu.vector_load %arg7[%get3A_1489] {strides = array<i32>} : memref<528xi32, #tpu.memory_space<vmem>>, vector<16xi32>,
      %rem3A_1491 = arith.constant 128 : i32
      %rem3A_1492 = vector.broadcast %rem3A_1491 : i32 to vector<16xi32>
      %rem3A_1493 = arith.remsi %get3A_1490, %rem3A_1492 : vector<16xi32>
      %get3A_1494 = arith.index_cast %mul3A_1488 : i32 to index
      %get3A_1495 = tpu.vector_load %arg8[%get3A_1494] {strides = array<i32>} : memref<528xi32, #tpu.memory_space<vmem>>, vector<16xi32>,
      %rem3A_1496 = arith.constant 128 : i32
      %rem3A_1497 = vector.broadcast %rem3A_1496 : i32 to vector<16xi32>
      %rem3A_1498 = arith.remsi %get3A_1495, %rem3A_1497 : vector<16xi32>
      %add3A_1499 = arith.constant 16 : i32
      %add3A_1500 = vector.broadcast %add3A_1499 : i32 to vector<16xi32>
      %add3A_1501 = arith.addi %iota3A, %add3A_1500 : vector<16xi32>
      %broadcast_in_dim3A_1502 = arith.constant 0 : i32
      %broadcast_in_dim3A_1503 = vector.broadcast %broadcast_in_dim3A_1502 : i32 to vector<16xi32>
      %broadcast_in_dim3A_1504 = arith.constant 1 : i32
      %broadcast_in_dim3A_1505 = vector.broadcast %broadcast_in_dim3A_1504 : i32 to vector<16xi32>
      %slice3A_1506 = vector.extract_strided_slice %rem3A_1493 {offsets = [0], sizes = [1], strides = [1]} : vector<16xi32> to vector<1xi32>
      %squeeze3A_1507 = vector.extract %slice3A_1506[0] : i32 from vector<1xi32>
      %mul3A_1508 = vector.broadcast %squeeze3A_1507 : i32 to vector<16xi32>
      %mul3A_1509 = arith.muli %broadcast_in_dim3A_1505, %mul3A_1508 : vector<16xi32>
      %broadcast_in_dim3A_1510 = arith.constant 1 : i32
      %broadcast_in_dim3A_1511 = vector.broadcast %broadcast_in_dim3A_1510 : i32 to vector<16xi32>
      %slice3A_1512 = vector.extract_strided_slice %rem3A_1498 {offsets = [0], sizes = [1], strides = [1]} : vector<16xi32> to vector<1xi32>
      %squeeze3A_1513 = vector.extract %slice3A_1512[0] : i32 from vector<1xi32>
      %mul3A_1514 = vector.broadcast %squeeze3A_1513 : i32 to vector<16xi32>
      %mul3A_1515 = arith.muli %broadcast_in_dim3A_1511, %mul3A_1514 : vector<16xi32>
      %gather3A_1516 = arith.constant 1 : i32
      %gather3A_1517 = arith.constant 0 : i32
      %gather3A_1518 = arith.constant 0 : i32
      %gather3A_1519 = arith.constant 0 : i32
      %gather3A_1520 = tpu.memref_slice %arg9[%gather3A_1516, %gather3A_1517, %gather3A_1518, %gather3A_1519] : memref<4x2x32x128xf32, #tpu.memory_space<vmem>> -> memref<1x2x32x128xf32, #tpu.memory_space<vmem>>
      %gather3A_1521 = tpu.memref_squeeze %gather3A_1520 : memref<1x2x32x128xf32, #tpu.memory_space<vmem>> -> memref<2x32x128xf32, #tpu.memory_space<vmem>>
      %gather3A_1522 = tpu.vector_load_idx %gather3A_1521[%broadcast_in_dim3A_1503, %iota3A, %mul3A_1509] : memref<2x32x128xf32, #tpu.memory_space<vmem>>[vector<16xi32>, vector<16xi32>, vector<16xi32>], vector<16xf32>,
      %gather3A_1523 = arith.constant 1 : i32
      %gather3A_1524 = arith.constant 0 : i32
      %gather3A_1525 = arith.constant 0 : i32
      %gather3A_1526 = arith.constant 0 : i32
      %gather3A_1527 = tpu.memref_slice %arg10[%gather3A_1523, %gather3A_1524, %gather3A_1525, %gather3A_1526] : memref<4x2x32x128xf32, #tpu.memory_space<vmem>> -> memref<1x2x32x128xf32, #tpu.memory_space<vmem>>
      %gather3A_1528 = tpu.memref_squeeze %gather3A_1527 : memref<1x2x32x128xf32, #tpu.memory_space<vmem>> -> memref<2x32x128xf32, #tpu.memory_space<vmem>>
      %gather3A_1529 = tpu.vector_load_idx %gather3A_1528[%broadcast_in_dim3A_1503, %iota3A, %mul3A_1515] : memref<2x32x128xf32, #tpu.memory_space<vmem>>[vector<16xi32>, vector<16xi32>, vector<16xi32>], vector<16xf32>,
      %mul3A_1530 = arith.mulf %gather3A_1522, %gather3A_1529 : vector<16xf32>
      %gather3A_1531 = arith.constant 1 : i32
      %gather3A_1532 = arith.constant 0 : i32
      %gather3A_1533 = arith.constant 0 : i32
      %gather3A_1534 = arith.constant 0 : i32
      %gather3A_1535 = tpu.memref_slice %arg9[%gather3A_1531, %gather3A_1532, %gather3A_1533, %gather3A_1534] : memref<4x2x32x128xf32, #tpu.memory_space<vmem>> -> memref<1x2x32x128xf32, #tpu.memory_space<vmem>>
      %gather3A_1536 = tpu.memref_squeeze %gather3A_1535 : memref<1x2x32x128xf32, #tpu.memory_space<vmem>> -> memref<2x32x128xf32, #tpu.memory_space<vmem>>
      %gather3A_1537 = tpu.vector_load_idx %gather3A_1536[%broadcast_in_dim3A_1503, %add3A_1501, %mul3A_1509] : memref<2x32x128xf32, #tpu.memory_space<vmem>>[vector<16xi32>, vector<16xi32>, vector<16xi32>], vector<16xf32>,
      %gather3A_1538 = arith.constant 1 : i32
      %gather3A_1539 = arith.constant 0 : i32
      %gather3A_1540 = arith.constant 0 : i32
      %gather3A_1541 = arith.constant 0 : i32
      %gather3A_1542 = tpu.memref_slice %arg10[%gather3A_1538, %gather3A_1539, %gather3A_1540, %gather3A_1541] : memref<4x2x32x128xf32, #tpu.memory_space<vmem>> -> memref<1x2x32x128xf32, #tpu.memory_space<vmem>>
      %gather3A_1543 = tpu.memref_squeeze %gather3A_1542 : memref<1x2x32x128xf32, #tpu.memory_space<vmem>> -> memref<2x32x128xf32, #tpu.memory_space<vmem>>
      %gather3A_1544 = tpu.vector_load_idx %gather3A_1543[%broadcast_in_dim3A_1503, %add3A_1501, %mul3A_1515] : memref<2x32x128xf32, #tpu.memory_space<vmem>>[vector<16xi32>, vector<16xi32>, vector<16xi32>], vector<16xf32>,
      %mul3A_1545 = arith.mulf %gather3A_1537, %gather3A_1544 : vector<16xf32>
      %add3A_1546 = arith.addf %mul3A_1530, %mul3A_1545 : vector<16xf32>
      %eq3A_1547 = arith.constant 10 : i32
      %eq3A_1548 = vector.broadcast %eq3A_1547 : i32 to vector<16xi32>
      %eq3A_1549 = arith.cmpi eq, %iota3A, %eq3A_1548 : vector<16xi32>
      %reduce_sum3A_1550 = arith.constant true
      %reduce_sum3A_1551 = vector.broadcast %reduce_sum3A_1550 : i1 to vector<16xi1>
      %reduce_sum3A_1552 = tpu.scan <sum>, %add3A_1546 masked %reduce_sum3A_1551 : vector<16xf32>, vector<16xi1> -> vector<16xf32>
      %reduce_sum3A_1553 = vector.extract %reduce_sum3A_1552[15] : f32 from vector<16xf32>
      %broadcast_in_dim3A_1554 = vector.broadcast %reduce_sum3A_1553 : f32 to vector<16xf32>
      %select_n3A_1555 = arith.select %eq3A_1549, %broadcast_in_dim3A_1554, %select_n3A_1409 : vector<16xi1>, vector<16xf32>
      %broadcast_in_dim3A_1556 = arith.constant 1 : i32
      %broadcast_in_dim3A_1557 = vector.broadcast %broadcast_in_dim3A_1556 : i32 to vector<16xi32>
      %broadcast_in_dim3A_1558 = arith.constant 1 : i32
      %broadcast_in_dim3A_1559 = vector.broadcast %broadcast_in_dim3A_1558 : i32 to vector<16xi32>
      %slice3A_1560 = vector.extract_strided_slice %rem3A_1493 {offsets = [1], sizes = [1], strides = [1]} : vector<16xi32> to vector<1xi32>
      %squeeze3A_1561 = vector.extract %slice3A_1560[0] : i32 from vector<1xi32>
      %mul3A_1562 = vector.broadcast %squeeze3A_1561 : i32 to vector<16xi32>
      %mul3A_1563 = arith.muli %broadcast_in_dim3A_1559, %mul3A_1562 : vector<16xi32>
      %broadcast_in_dim3A_1564 = arith.constant 1 : i32
      %broadcast_in_dim3A_1565 = vector.broadcast %broadcast_in_dim3A_1564 : i32 to vector<16xi32>
      %slice3A_1566 = vector.extract_strided_slice %rem3A_1498 {offsets = [1], sizes = [1], strides = [1]} : vector<16xi32> to vector<1xi32>
      %squeeze3A_1567 = vector.extract %slice3A_1566[0] : i32 from vector<1xi32>
      %mul3A_1568 = vector.broadcast %squeeze3A_1567 : i32 to vector<16xi32>
      %mul3A_1569 = arith.muli %broadcast_in_dim3A_1565, %mul3A_1568 : vector<16xi32>
      %gather3A_1570 = arith.constant 1 : i32
      %gather3A_1571 = arith.constant 0 : i32
      %gather3A_1572 = arith.constant 0 : i32
      %gather3A_1573 = arith.constant 0 : i32
      %gather3A_1574 = tpu.memref_slice %arg9[%gather3A_1570, %gather3A_1571, %gather3A_1572, %gather3A_1573] : memref<4x2x32x128xf32, #tpu.memory_space<vmem>> -> memref<1x2x32x128xf32, #tpu.memory_space<vmem>>
      %gather3A_1575 = tpu.memref_squeeze %gather3A_1574 : memref<1x2x32x128xf32, #tpu.memory_space<vmem>> -> memref<2x32x128xf32, #tpu.memory_space<vmem>>
      %gather3A_1576 = tpu.vector_load_idx %gather3A_1575[%broadcast_in_dim3A_1557, %iota3A, %mul3A_1563] : memref<2x32x128xf32, #tpu.memory_space<vmem>>[vector<16xi32>, vector<16xi32>, vector<16xi32>], vector<16xf32>,
      %gather3A_1577 = arith.constant 1 : i32
      %gather3A_1578 = arith.constant 0 : i32
      %gather3A_1579 = arith.constant 0 : i32
      %gather3A_1580 = arith.constant 0 : i32
      %gather3A_1581 = tpu.memref_slice %arg10[%gather3A_1577, %gather3A_1578, %gather3A_1579, %gather3A_1580] : memref<4x2x32x128xf32, #tpu.memory_space<vmem>> -> memref<1x2x32x128xf32, #tpu.memory_space<vmem>>
      %gather3A_1582 = tpu.memref_squeeze %gather3A_1581 : memref<1x2x32x128xf32, #tpu.memory_space<vmem>> -> memref<2x32x128xf32, #tpu.memory_space<vmem>>
      %gather3A_1583 = tpu.vector_load_idx %gather3A_1582[%broadcast_in_dim3A_1557, %iota3A, %mul3A_1569] : memref<2x32x128xf32, #tpu.memory_space<vmem>>[vector<16xi32>, vector<16xi32>, vector<16xi32>], vector<16xf32>,
      %mul3A_1584 = arith.mulf %gather3A_1576, %gather3A_1583 : vector<16xf32>
      %gather3A_1585 = arith.constant 1 : i32
      %gather3A_1586 = arith.constant 0 : i32
      %gather3A_1587 = arith.constant 0 : i32
      %gather3A_1588 = arith.constant 0 : i32
      %gather3A_1589 = tpu.memref_slice %arg9[%gather3A_1585, %gather3A_1586, %gather3A_1587, %gather3A_1588] : memref<4x2x32x128xf32, #tpu.memory_space<vmem>> -> memref<1x2x32x128xf32, #tpu.memory_space<vmem>>
      %gather3A_1590 = tpu.memref_squeeze %gather3A_1589 : memref<1x2x32x128xf32, #tpu.memory_space<vmem>> -> memref<2x32x128xf32, #tpu.memory_space<vmem>>
      %gather3A_1591 = tpu.vector_load_idx %gather3A_1590[%broadcast_in_dim3A_1557, %add3A_1501, %mul3A_1563] : memref<2x32x128xf32, #tpu.memory_space<vmem>>[vector<16xi32>, vector<16xi32>, vector<16xi32>], vector<16xf32>,
      %gather3A_1592 = arith.constant 1 : i32
      %gather3A_1593 = arith.constant 0 : i32
      %gather3A_1594 = arith.constant 0 : i32
      %gather3A_1595 = arith.constant 0 : i32
      %gather3A_1596 = tpu.memref_slice %arg10[%gather3A_1592, %gather3A_1593, %gather3A_1594, %gather3A_1595] : memref<4x2x32x128xf32, #tpu.memory_space<vmem>> -> memref<1x2x32x128xf32, #tpu.memory_space<vmem>>
      %gather3A_1597 = tpu.memref_squeeze %gather3A_1596 : memref<1x2x32x128xf32, #tpu.memory_space<vmem>> -> memref<2x32x128xf32, #tpu.memory_space<vmem>>
      %gather3A_1598 = tpu.vector_load_idx %gather3A_1597[%broadcast_in_dim3A_1557, %add3A_1501, %mul3A_1569] : memref<2x32x128xf32, #tpu.memory_space<vmem>>[vector<16xi32>, vector<16xi32>, vector<16xi32>], vector<16xf32>,
      %mul3A_1599 = arith.mulf %gather3A_1591, %gather3A_1598 : vector<16xf32>
      %add3A_1600 = arith.addf %mul3A_1584, %mul3A_1599 : vector<16xf32>
      %eq3A_1601 = arith.constant 11 : i32
      %eq3A_1602 = vector.broadcast %eq3A_1601 : i32 to vector<16xi32>
      %eq3A_1603 = arith.cmpi eq, %iota3A, %eq3A_1602 : vector<16xi32>
      %reduce_sum3A_1604 = arith.constant true
      %reduce_sum3A_1605 = vector.broadcast %reduce_sum3A_1604 : i1 to vector<16xi1>
      %reduce_sum3A_1606 = tpu.scan <sum>, %add3A_1600 masked %reduce_sum3A_1605 : vector<16xf32>, vector<16xi1> -> vector<16xf32>
      %reduce_sum3A_1607 = vector.extract %reduce_sum3A_1606[15] : f32 from vector<16xf32>
      %broadcast_in_dim3A_1608 = vector.broadcast %reduce_sum3A_1607 : f32 to vector<16xf32>
      %select_n3A_1609 = arith.select %eq3A_1603, %broadcast_in_dim3A_1608, %select_n3A_1555 : vector<16xi1>, vector<16xf32>
      %mul3A_1610 = arith.constant 8 : i32
      %mul3A_1611 = arith.muli %mul3A_1610, %scan3A_415 : i32
      %add3A_1612 = arith.constant 6 : i32
      %add3A_1613 = arith.addi %mul3A_1611, %add3A_1612 : i32
      %add3A_1614 = arith.constant 4 : i32
      %add3A_1615 = arith.addi %add3A_1613, %add3A_1614 : i32
      %sub3A_1616 = arith.constant 1 : i32
      %sub3A_1617 = arith.subi %add3A_1615, %sub3A_1616 : i32
      %lt3A_1618 = arith.constant 256 : i32
      %lt3A_1619 = arith.cmpi slt, %sub3A_1617, %lt3A_1618 : i32
      %convert_element_type3A_1620 = arith.extui %lt3A_1619 : i1 to i32
      %cond3A_1621 = arith.constant 0 : i32
      %cond3A_1622 = arith.cmpi ne, %convert_element_type3A_1620, %cond3A_1621 : i32
      scf.if %cond3A_1622 {
        %add3A_2013 = arith.constant 4 : i32
        %add3A_2014 = arith.addi %add3A_1613, %add3A_2013 : i32
        %sub3A_2015 = arith.constant 1 : i32
        %sub3A_2016 = arith.subi %add3A_2014, %sub3A_2015 : i32
        %mul3A_2017 = arith.constant 2 : i32
        %mul3A_2018 = arith.muli %sub3A_2016, %mul3A_2017 : i32
        %get3A_2019 = arith.index_cast %mul3A_2018 : i32 to index
        %get3A_2020 = tpu.vector_load %arg7[%get3A_2019] {strides = array<i32>} : memref<528xi32, #tpu.memory_space<vmem>>, vector<16xi32>,
        %jit3A_2021 = arith.constant 128 : i32
        %div3A_2022 = vector.broadcast %jit3A_2021 : i32 to vector<16xi32>
        %div3A_2023 = arith.divsi %get3A_2020, %div3A_2022 : vector<16xi32>
        %sign3A_2024 = arith.constant 0 : i32
        %sign3A_2025 = vector.broadcast %sign3A_2024 : i32 to vector<16xi32>
        %sign3A_2026 = arith.cmpi sgt, %get3A_2020, %sign3A_2025 : vector<16xi32>
        %sign3A_2027 = arith.extui %sign3A_2026 : vector<16xi1> to vector<16xi32>
        %sign3A_2028 = arith.constant 0 : i32
        %sign3A_2029 = vector.broadcast %sign3A_2028 : i32 to vector<16xi32>
        %sign3A_2030 = arith.cmpi slt, %get3A_2020, %sign3A_2029 : vector<16xi32>
        %sign3A_2031 = arith.extui %sign3A_2030 : vector<16xi1> to vector<16xi32>
        %sign3A_2032 = arith.subi %sign3A_2027, %sign3A_2031 : vector<16xi32>
        %sign3A_2033 = arith.constant 0 : i32
        %sign3A_2034 = arith.cmpi sgt, %jit3A_2021, %sign3A_2033 : i32
        %sign3A_2035 = arith.extui %sign3A_2034 : i1 to i32
        %sign3A_2036 = arith.constant 0 : i32
        %sign3A_2037 = arith.cmpi slt, %jit3A_2021, %sign3A_2036 : i32
        %sign3A_2038 = arith.extui %sign3A_2037 : i1 to i32
        %sign3A_2039 = arith.subi %sign3A_2035, %sign3A_2038 : i32
        %ne3A_2040 = vector.broadcast %sign3A_2039 : i32 to vector<16xi32>
        %ne3A_2041 = arith.cmpi ne, %sign3A_2032, %ne3A_2040 : vector<16xi32>
        %rem3A_2042 = vector.broadcast %jit3A_2021 : i32 to vector<16xi32>
        %rem3A_2043 = arith.remsi %get3A_2020, %rem3A_2042 : vector<16xi32>
        %ne3A_2044 = arith.constant 0 : i32
        %ne3A_2045 = vector.broadcast %ne3A_2044 : i32 to vector<16xi32>
        %ne3A_2046 = arith.cmpi ne, %rem3A_2043, %ne3A_2045 : vector<16xi32>
        %and3A_2047 = arith.andi %ne3A_2041, %ne3A_2046 : vector<16xi1>
        %sub3A_2048 = arith.constant 1 : i32
        %sub3A_2049 = vector.broadcast %sub3A_2048 : i32 to vector<16xi32>
        %sub3A_2050 = arith.subi %div3A_2023, %sub3A_2049 : vector<16xi32>
        %select_n3A_2051 = arith.select %and3A_2047, %sub3A_2050, %div3A_2023 : vector<16xi1>, vector<16xi32>
        %mul3A_2052 = arith.constant 128 : i32
        %mul3A_2053 = vector.broadcast %mul3A_2052 : i32 to vector<16xi32>
        %mul3A_2054 = arith.muli %select_n3A_2051, %mul3A_2053 : vector<16xi32>
        %get3A_2055 = arith.index_cast %mul3A_2018 : i32 to index
        %get3A_2056 = tpu.vector_load %arg8[%get3A_2055] {strides = array<i32>} : memref<528xi32, #tpu.memory_space<vmem>>, vector<16xi32>,
        %jit3A_2057 = arith.constant 128 : i32
        %div3A_2058 = vector.broadcast %jit3A_2057 : i32 to vector<16xi32>
        %div3A_2059 = arith.divsi %get3A_2056, %div3A_2058 : vector<16xi32>
        %sign3A_2060 = arith.constant 0 : i32
        %sign3A_2061 = vector.broadcast %sign3A_2060 : i32 to vector<16xi32>
        %sign3A_2062 = arith.cmpi sgt, %get3A_2056, %sign3A_2061 : vector<16xi32>
        %sign3A_2063 = arith.extui %sign3A_2062 : vector<16xi1> to vector<16xi32>
        %sign3A_2064 = arith.constant 0 : i32
        %sign3A_2065 = vector.broadcast %sign3A_2064 : i32 to vector<16xi32>
        %sign3A_2066 = arith.cmpi slt, %get3A_2056, %sign3A_2065 : vector<16xi32>
        %sign3A_2067 = arith.extui %sign3A_2066 : vector<16xi1> to vector<16xi32>
        %sign3A_2068 = arith.subi %sign3A_2063, %sign3A_2067 : vector<16xi32>
        %sign3A_2069 = arith.constant 0 : i32
        %sign3A_2070 = arith.cmpi sgt, %jit3A_2057, %sign3A_2069 : i32
        %sign3A_2071 = arith.extui %sign3A_2070 : i1 to i32
        %sign3A_2072 = arith.constant 0 : i32
        %sign3A_2073 = arith.cmpi slt, %jit3A_2057, %sign3A_2072 : i32
        %sign3A_2074 = arith.extui %sign3A_2073 : i1 to i32
        %sign3A_2075 = arith.subi %sign3A_2071, %sign3A_2074 : i32
        %ne3A_2076 = vector.broadcast %sign3A_2075 : i32 to vector<16xi32>
        %ne3A_2077 = arith.cmpi ne, %sign3A_2068, %ne3A_2076 : vector<16xi32>
        %rem3A_2078 = vector.broadcast %jit3A_2057 : i32 to vector<16xi32>
        %rem3A_2079 = arith.remsi %get3A_2056, %rem3A_2078 : vector<16xi32>
        %ne3A_2080 = arith.constant 0 : i32
        %ne3A_2081 = vector.broadcast %ne3A_2080 : i32 to vector<16xi32>
        %ne3A_2082 = arith.cmpi ne, %rem3A_2079, %ne3A_2081 : vector<16xi32>
        %and3A_2083 = arith.andi %ne3A_2077, %ne3A_2082 : vector<16xi1>
        %sub3A_2084 = arith.constant 1 : i32
        %sub3A_2085 = vector.broadcast %sub3A_2084 : i32 to vector<16xi32>
        %sub3A_2086 = arith.subi %div3A_2059, %sub3A_2085 : vector<16xi32>
        %select_n3A_2087 = arith.select %and3A_2083, %sub3A_2086, %div3A_2059 : vector<16xi1>, vector<16xi32>
        %mul3A_2088 = arith.constant 128 : i32
        %mul3A_2089 = vector.broadcast %mul3A_2088 : i32 to vector<16xi32>
        %mul3A_2090 = arith.muli %select_n3A_2087, %mul3A_2089 : vector<16xi32>
        %slice3A_2091 = vector.extract_strided_slice %mul3A_2054 {offsets = [0], sizes = [1], strides = [1]} : vector<16xi32> to vector<1xi32>
        %squeeze3A_2092 = vector.extract %slice3A_2091[0] : i32 from vector<1xi32>
        %multiple_of3A_2093 = tpu.assume_multiple %squeeze3A_2092, 128 : i32
        %slice3A_2094 = vector.extract_strided_slice %mul3A_2090 {offsets = [0], sizes = [1], strides = [1]} : vector<16xi32> to vector<1xi32>
        %squeeze3A_2095 = vector.extract %slice3A_2094[0] : i32 from vector<1xi32>
        %multiple_of3A_2096 = tpu.assume_multiple %squeeze3A_2095, 128 : i32
        %dma_start3A_2097 = arith.constant 1 : i32
        %dma_start3A_2098 = arith.constant 0 : i32
        %dma_start3A_2099 = arith.constant 0 : i32
        %dma_start3A_2100 = arith.constant 0 : i32
        %dma_start3A_2101 = tpu.memref_slice %arg9[%dma_start3A_2097, %dma_start3A_2098, %dma_start3A_2099, %dma_start3A_2100] : memref<4x2x32x128xf32, #tpu.memory_space<vmem>> -> memref<1x1x32x128xf32, #tpu.memory_space<vmem>>
        %dma_start3A_2102 = tpu.memref_squeeze %dma_start3A_2101 : memref<1x1x32x128xf32, #tpu.memory_space<vmem>> -> memref<32x128xf32, #tpu.memory_space<vmem>>
        %dma_start3A_2103 = arith.constant 0 : i32
        %dma_start3A_2104 = tpu.memref_slice %arg4[%dma_start3A_2103, %multiple_of3A_2093] : memref<32x1000000xf32, #tpu.memory_space<hbm>> -> memref<32x128xf32, #tpu.memory_space<hbm>>
        %dma_start3A_2105 = arith.constant 0 : i32
        %dma_start3A_2106 = arith.constant 0 : i32
        %dma_start3A_2107 = tpu.memref_slice %arg9[%dma_start3A_2097, %dma_start3A_2098, %dma_start3A_2105, %dma_start3A_2106] : memref<4x2x32x128xf32, #tpu.memory_space<vmem>> -> memref<1x1x32x128xf32, #tpu.memory_space<vmem>>
        %dma_start3A_2108 = tpu.memref_squeeze %dma_start3A_2107 : memref<1x1x32x128xf32, #tpu.memory_space<vmem>> -> memref<32x128xf32, #tpu.memory_space<vmem>>
        %dma_start3A_2109 = arith.constant 0 : i32
        %dma_start3A_2110 = tpu.memref_slice %arg4[%dma_start3A_2109, %multiple_of3A_2093] : memref<32x1000000xf32, #tpu.memory_space<hbm>> -> memref<32x128xf32, #tpu.memory_space<hbm>>
        tpu.enqueue_dma source(%dma_start3A_2110 : memref<32x128xf32, #tpu.memory_space<hbm>>) target(%dma_start3A_2108 : memref<32x128xf32, #tpu.memory_space<vmem>>) target_semaphore(%arg14 : memref<!tpu.dma_semaphore, #tpu.memory_space<semaphore_mem>>)
        %dma_start3A_2111 = arith.constant 1 : i32
        %dma_start3A_2112 = arith.constant 0 : i32
        %dma_start3A_2113 = arith.constant 0 : i32
        %dma_start3A_2114 = arith.constant 0 : i32
        %dma_start3A_2115 = tpu.memref_slice %arg10[%dma_start3A_2111, %dma_start3A_2112, %dma_start3A_2113, %dma_start3A_2114] : memref<4x2x32x128xf32, #tpu.memory_space<vmem>> -> memref<1x1x32x128xf32, #tpu.memory_space<vmem>>
        %dma_start3A_2116 = tpu.memref_squeeze %dma_start3A_2115 : memref<1x1x32x128xf32, #tpu.memory_space<vmem>> -> memref<32x128xf32, #tpu.memory_space<vmem>>
        %dma_start3A_2117 = arith.constant 0 : i32
        %dma_start3A_2118 = tpu.memref_slice %arg5[%dma_start3A_2117, %multiple_of3A_2096] : memref<32x1000000xf32, #tpu.memory_space<hbm>> -> memref<32x128xf32, #tpu.memory_space<hbm>>
        %dma_start3A_2119 = arith.constant 0 : i32
        %dma_start3A_2120 = arith.constant 0 : i32
        %dma_start3A_2121 = tpu.memref_slice %arg10[%dma_start3A_2111, %dma_start3A_2112, %dma_start3A_2119, %dma_start3A_2120] : memref<4x2x32x128xf32, #tpu.memory_space<vmem>> -> memref<1x1x32x128xf32, #tpu.memory_space<vmem>>
        %dma_start3A_2122 = tpu.memref_squeeze %dma_start3A_2121 : memref<1x1x32x128xf32, #tpu.memory_space<vmem>> -> memref<32x128xf32, #tpu.memory_space<vmem>>
        %dma_start3A_2123 = arith.constant 0 : i32
        %dma_start3A_2124 = tpu.memref_slice %arg5[%dma_start3A_2123, %multiple_of3A_2096] : memref<32x1000000xf32, #tpu.memory_space<hbm>> -> memref<32x128xf32, #tpu.memory_space<hbm>>
        tpu.enqueue_dma source(%dma_start3A_2124 : memref<32x128xf32, #tpu.memory_space<hbm>>) target(%dma_start3A_2122 : memref<32x128xf32, #tpu.memory_space<vmem>>) target_semaphore(%arg15 : memref<!tpu.dma_semaphore, #tpu.memory_space<semaphore_mem>>)
        %slice3A_2125 = vector.extract_strided_slice %mul3A_2054 {offsets = [1], sizes = [1], strides = [1]} : vector<16xi32> to vector<1xi32>
        %squeeze3A_2126 = vector.extract %slice3A_2125[0] : i32 from vector<1xi32>
        %multiple_of3A_2127 = tpu.assume_multiple %squeeze3A_2126, 128 : i32
        %slice3A_2128 = vector.extract_strided_slice %mul3A_2090 {offsets = [1], sizes = [1], strides = [1]} : vector<16xi32> to vector<1xi32>
        %squeeze3A_2129 = vector.extract %slice3A_2128[0] : i32 from vector<1xi32>
        %multiple_of3A_2130 = tpu.assume_multiple %squeeze3A_2129, 128 : i32
        %dma_start3A_2131 = arith.constant 1 : i32
        %dma_start3A_2132 = arith.constant 1 : i32
        %dma_start3A_2133 = arith.constant 0 : i32
        %dma_start3A_2134 = arith.constant 0 : i32
        %dma_start3A_2135 = tpu.memref_slice %arg9[%dma_start3A_2131, %dma_start3A_2132, %dma_start3A_2133, %dma_start3A_2134] : memref<4x2x32x128xf32, #tpu.memory_space<vmem>> -> memref<1x1x32x128xf32, #tpu.memory_space<vmem>>
        %dma_start3A_2136 = tpu.memref_squeeze %dma_start3A_2135 : memref<1x1x32x128xf32, #tpu.memory_space<vmem>> -> memref<32x128xf32, #tpu.memory_space<vmem>>
        %dma_start3A_2137 = arith.constant 0 : i32
        %dma_start3A_2138 = tpu.memref_slice %arg4[%dma_start3A_2137, %multiple_of3A_2127] : memref<32x1000000xf32, #tpu.memory_space<hbm>> -> memref<32x128xf32, #tpu.memory_space<hbm>>
        %dma_start3A_2139 = arith.constant 0 : i32
        %dma_start3A_2140 = arith.constant 0 : i32
        %dma_start3A_2141 = tpu.memref_slice %arg9[%dma_start3A_2131, %dma_start3A_2132, %dma_start3A_2139, %dma_start3A_2140] : memref<4x2x32x128xf32, #tpu.memory_space<vmem>> -> memref<1x1x32x128xf32, #tpu.memory_space<vmem>>
        %dma_start3A_2142 = tpu.memref_squeeze %dma_start3A_2141 : memref<1x1x32x128xf32, #tpu.memory_space<vmem>> -> memref<32x128xf32, #tpu.memory_space<vmem>>
        %dma_start3A_2143 = arith.constant 0 : i32
        %dma_start3A_2144 = tpu.memref_slice %arg4[%dma_start3A_2143, %multiple_of3A_2127] : memref<32x1000000xf32, #tpu.memory_space<hbm>> -> memref<32x128xf32, #tpu.memory_space<hbm>>
        tpu.enqueue_dma source(%dma_start3A_2144 : memref<32x128xf32, #tpu.memory_space<hbm>>) target(%dma_start3A_2142 : memref<32x128xf32, #tpu.memory_space<vmem>>) target_semaphore(%arg14 : memref<!tpu.dma_semaphore, #tpu.memory_space<semaphore_mem>>)
        %dma_start3A_2145 = arith.constant 1 : i32
        %dma_start3A_2146 = arith.constant 1 : i32
        %dma_start3A_2147 = arith.constant 0 : i32
        %dma_start3A_2148 = arith.constant 0 : i32
        %dma_start3A_2149 = tpu.memref_slice %arg10[%dma_start3A_2145, %dma_start3A_2146, %dma_start3A_2147, %dma_start3A_2148] : memref<4x2x32x128xf32, #tpu.memory_space<vmem>> -> memref<1x1x32x128xf32, #tpu.memory_space<vmem>>
        %dma_start3A_2150 = tpu.memref_squeeze %dma_start3A_2149 : memref<1x1x32x128xf32, #tpu.memory_space<vmem>> -> memref<32x128xf32, #tpu.memory_space<vmem>>
        %dma_start3A_2151 = arith.constant 0 : i32
        %dma_start3A_2152 = tpu.memref_slice %arg5[%dma_start3A_2151, %multiple_of3A_2130] : memref<32x1000000xf32, #tpu.memory_space<hbm>> -> memref<32x128xf32, #tpu.memory_space<hbm>>
        %dma_start3A_2153 = arith.constant 0 : i32
        %dma_start3A_2154 = arith.constant 0 : i32
        %dma_start3A_2155 = tpu.memref_slice %arg10[%dma_start3A_2145, %dma_start3A_2146, %dma_start3A_2153, %dma_start3A_2154] : memref<4x2x32x128xf32, #tpu.memory_space<vmem>> -> memref<1x1x32x128xf32, #tpu.memory_space<vmem>>
        %dma_start3A_2156 = tpu.memref_squeeze %dma_start3A_2155 : memref<1x1x32x128xf32, #tpu.memory_space<vmem>> -> memref<32x128xf32, #tpu.memory_space<vmem>>
        %dma_start3A_2157 = arith.constant 0 : i32
        %dma_start3A_2158 = tpu.memref_slice %arg5[%dma_start3A_2157, %multiple_of3A_2130] : memref<32x1000000xf32, #tpu.memory_space<hbm>> -> memref<32x128xf32, #tpu.memory_space<hbm>>
        tpu.enqueue_dma source(%dma_start3A_2158 : memref<32x128xf32, #tpu.memory_space<hbm>>) target(%dma_start3A_2156 : memref<32x128xf32, #tpu.memory_space<vmem>>) target_semaphore(%arg15 : memref<!tpu.dma_semaphore, #tpu.memory_space<semaphore_mem>>)
      } else {
      }
      %dma_wait3A_1623 = arith.constant 2 : i32
      %dma_wait3A_1624 = arith.constant 0 : i32
      %dma_wait3A_1625 = arith.constant 0 : i32
      %dma_wait3A_1626 = arith.constant 0 : i32
      %dma_wait3A_1627 = tpu.memref_slice %arg9[%dma_wait3A_1623, %dma_wait3A_1624, %dma_wait3A_1625, %dma_wait3A_1626] : memref<4x2x32x128xf32, #tpu.memory_space<vmem>> -> memref<1x1x32x128xf32, #tpu.memory_space<vmem>>
      %dma_wait3A_1628 = tpu.memref_squeeze %dma_wait3A_1627 : memref<1x1x32x128xf32, #tpu.memory_space<vmem>> -> memref<32x128xf32, #tpu.memory_space<vmem>>
      %dma_wait3A_1629 = arith.constant 0 : i32
      %dma_wait3A_1630 = arith.constant 0 : i32
      %dma_wait3A_1631 = tpu.memref_slice %arg4[%dma_wait3A_1629, %dma_wait3A_1630] : memref<32x1000000xf32, #tpu.memory_space<hbm>> -> memref<32x128xf32, #tpu.memory_space<hbm>>
      %dma_wait3A_1632 = arith.constant 0 : i32
      %dma_wait3A_1633 = arith.constant 0 : i32
      %dma_wait3A_1634 = tpu.memref_slice %arg9[%dma_wait3A_1623, %dma_wait3A_1624, %dma_wait3A_1632, %dma_wait3A_1633] : memref<4x2x32x128xf32, #tpu.memory_space<vmem>> -> memref<1x1x32x128xf32, #tpu.memory_space<vmem>>
      %dma_wait3A_1635 = tpu.memref_squeeze %dma_wait3A_1634 : memref<1x1x32x128xf32, #tpu.memory_space<vmem>> -> memref<32x128xf32, #tpu.memory_space<vmem>>
      %dma_wait3A_1636 = arith.constant 0 : i32
      %dma_wait3A_1637 = arith.constant 0 : i32
      %dma_wait3A_1638 = tpu.memref_slice %arg4[%dma_wait3A_1636, %dma_wait3A_1637] : memref<32x1000000xf32, #tpu.memory_space<hbm>> -> memref<32x128xf32, #tpu.memory_space<hbm>>
      tpu.wait_dma2 semaphore(%arg16 : memref<!tpu.dma_semaphore, #tpu.memory_space<semaphore_mem>>) src(%dma_wait3A_1638 : memref<32x128xf32, #tpu.memory_space<hbm>>) dst(%dma_wait3A_1635 : memref<32x128xf32, #tpu.memory_space<vmem>>)
      %dma_wait3A_1639 = arith.constant 2 : i32
      %dma_wait3A_1640 = arith.constant 0 : i32
      %dma_wait3A_1641 = arith.constant 0 : i32
      %dma_wait3A_1642 = arith.constant 0 : i32
      %dma_wait3A_1643 = tpu.memref_slice %arg10[%dma_wait3A_1639, %dma_wait3A_1640, %dma_wait3A_1641, %dma_wait3A_1642] : memref<4x2x32x128xf32, #tpu.memory_space<vmem>> -> memref<1x1x32x128xf32, #tpu.memory_space<vmem>>
      %dma_wait3A_1644 = tpu.memref_squeeze %dma_wait3A_1643 : memref<1x1x32x128xf32, #tpu.memory_space<vmem>> -> memref<32x128xf32, #tpu.memory_space<vmem>>
      %dma_wait3A_1645 = arith.constant 0 : i32
      %dma_wait3A_1646 = arith.constant 0 : i32
      %dma_wait3A_1647 = tpu.memref_slice %arg5[%dma_wait3A_1645, %dma_wait3A_1646] : memref<32x1000000xf32, #tpu.memory_space<hbm>> -> memref<32x128xf32, #tpu.memory_space<hbm>>
      %dma_wait3A_1648 = arith.constant 0 : i32
      %dma_wait3A_1649 = arith.constant 0 : i32
      %dma_wait3A_1650 = tpu.memref_slice %arg10[%dma_wait3A_1639, %dma_wait3A_1640, %dma_wait3A_1648, %dma_wait3A_1649] : memref<4x2x32x128xf32, #tpu.memory_space<vmem>> -> memref<1x1x32x128xf32, #tpu.memory_space<vmem>>
      %dma_wait3A_1651 = tpu.memref_squeeze %dma_wait3A_1650 : memref<1x1x32x128xf32, #tpu.memory_space<vmem>> -> memref<32x128xf32, #tpu.memory_space<vmem>>
      %dma_wait3A_1652 = arith.constant 0 : i32
      %dma_wait3A_1653 = arith.constant 0 : i32
      %dma_wait3A_1654 = tpu.memref_slice %arg5[%dma_wait3A_1652, %dma_wait3A_1653] : memref<32x1000000xf32, #tpu.memory_space<hbm>> -> memref<32x128xf32, #tpu.memory_space<hbm>>
      tpu.wait_dma2 semaphore(%arg17 : memref<!tpu.dma_semaphore, #tpu.memory_space<semaphore_mem>>) src(%dma_wait3A_1654 : memref<32x128xf32, #tpu.memory_space<hbm>>) dst(%dma_wait3A_1651 : memref<32x128xf32, #tpu.memory_space<vmem>>)
      %dma_wait3A_1655 = arith.constant 2 : i32
      %dma_wait3A_1656 = arith.constant 1 : i32
      %dma_wait3A_1657 = arith.constant 0 : i32
      %dma_wait3A_1658 = arith.constant 0 : i32
      %dma_wait3A_1659 = tpu.memref_slice %arg9[%dma_wait3A_1655, %dma_wait3A_1656, %dma_wait3A_1657, %dma_wait3A_1658] : memref<4x2x32x128xf32, #tpu.memory_space<vmem>> -> memref<1x1x32x128xf32, #tpu.memory_space<vmem>>
      %dma_wait3A_1660 = tpu.memref_squeeze %dma_wait3A_1659 : memref<1x1x32x128xf32, #tpu.memory_space<vmem>> -> memref<32x128xf32, #tpu.memory_space<vmem>>
      %dma_wait3A_1661 = arith.constant 0 : i32
      %dma_wait3A_1662 = arith.constant 0 : i32
      %dma_wait3A_1663 = tpu.memref_slice %arg4[%dma_wait3A_1661, %dma_wait3A_1662] : memref<32x1000000xf32, #tpu.memory_space<hbm>> -> memref<32x128xf32, #tpu.memory_space<hbm>>
      %dma_wait3A_1664 = arith.constant 0 : i32
      %dma_wait3A_1665 = arith.constant 0 : i32
      %dma_wait3A_1666 = tpu.memref_slice %arg9[%dma_wait3A_1655, %dma_wait3A_1656, %dma_wait3A_1664, %dma_wait3A_1665] : memref<4x2x32x128xf32, #tpu.memory_space<vmem>> -> memref<1x1x32x128xf32, #tpu.memory_space<vmem>>
      %dma_wait3A_1667 = tpu.memref_squeeze %dma_wait3A_1666 : memref<1x1x32x128xf32, #tpu.memory_space<vmem>> -> memref<32x128xf32, #tpu.memory_space<vmem>>
      %dma_wait3A_1668 = arith.constant 0 : i32
      %dma_wait3A_1669 = arith.constant 0 : i32
      %dma_wait3A_1670 = tpu.memref_slice %arg4[%dma_wait3A_1668, %dma_wait3A_1669] : memref<32x1000000xf32, #tpu.memory_space<hbm>> -> memref<32x128xf32, #tpu.memory_space<hbm>>
      tpu.wait_dma2 semaphore(%arg16 : memref<!tpu.dma_semaphore, #tpu.memory_space<semaphore_mem>>) src(%dma_wait3A_1670 : memref<32x128xf32, #tpu.memory_space<hbm>>) dst(%dma_wait3A_1667 : memref<32x128xf32, #tpu.memory_space<vmem>>)
      %dma_wait3A_1671 = arith.constant 2 : i32
      %dma_wait3A_1672 = arith.constant 1 : i32
      %dma_wait3A_1673 = arith.constant 0 : i32
      %dma_wait3A_1674 = arith.constant 0 : i32
      %dma_wait3A_1675 = tpu.memref_slice %arg10[%dma_wait3A_1671, %dma_wait3A_1672, %dma_wait3A_1673, %dma_wait3A_1674] : memref<4x2x32x128xf32, #tpu.memory_space<vmem>> -> memref<1x1x32x128xf32, #tpu.memory_space<vmem>>
      %dma_wait3A_1676 = tpu.memref_squeeze %dma_wait3A_1675 : memref<1x1x32x128xf32, #tpu.memory_space<vmem>> -> memref<32x128xf32, #tpu.memory_space<vmem>>
      %dma_wait3A_1677 = arith.constant 0 : i32
      %dma_wait3A_1678 = arith.constant 0 : i32
      %dma_wait3A_1679 = tpu.memref_slice %arg5[%dma_wait3A_1677, %dma_wait3A_1678] : memref<32x1000000xf32, #tpu.memory_space<hbm>> -> memref<32x128xf32, #tpu.memory_space<hbm>>
      %dma_wait3A_1680 = arith.constant 0 : i32
      %dma_wait3A_1681 = arith.constant 0 : i32
      %dma_wait3A_1682 = tpu.memref_slice %arg10[%dma_wait3A_1671, %dma_wait3A_1672, %dma_wait3A_1680, %dma_wait3A_1681] : memref<4x2x32x128xf32, #tpu.memory_space<vmem>> -> memref<1x1x32x128xf32, #tpu.memory_space<vmem>>
      %dma_wait3A_1683 = tpu.memref_squeeze %dma_wait3A_1682 : memref<1x1x32x128xf32, #tpu.memory_space<vmem>> -> memref<32x128xf32, #tpu.memory_space<vmem>>
      %dma_wait3A_1684 = arith.constant 0 : i32
      %dma_wait3A_1685 = arith.constant 0 : i32
      %dma_wait3A_1686 = tpu.memref_slice %arg5[%dma_wait3A_1684, %dma_wait3A_1685] : memref<32x1000000xf32, #tpu.memory_space<hbm>> -> memref<32x128xf32, #tpu.memory_space<hbm>>
      tpu.wait_dma2 semaphore(%arg17 : memref<!tpu.dma_semaphore, #tpu.memory_space<semaphore_mem>>) src(%dma_wait3A_1686 : memref<32x128xf32, #tpu.memory_space<hbm>>) dst(%dma_wait3A_1683 : memref<32x128xf32, #tpu.memory_space<vmem>>)
      %mul3A_1687 = arith.constant 2 : i32
      %mul3A_1688 = arith.muli %add3A_1613, %mul3A_1687 : i32
      %get3A_1689 = arith.index_cast %mul3A_1688 : i32 to index
      %get3A_1690 = tpu.vector_load %arg7[%get3A_1689] {strides = array<i32>} : memref<528xi32, #tpu.memory_space<vmem>>, vector<16xi32>,
      %rem3A_1691 = arith.constant 128 : i32
      %rem3A_1692 = vector.broadcast %rem3A_1691 : i32 to vector<16xi32>
      %rem3A_1693 = arith.remsi %get3A_1690, %rem3A_1692 : vector<16xi32>
      %get3A_1694 = arith.index_cast %mul3A_1688 : i32 to index
      %get3A_1695 = tpu.vector_load %arg8[%get3A_1694] {strides = array<i32>} : memref<528xi32, #tpu.memory_space<vmem>>, vector<16xi32>,
      %rem3A_1696 = arith.constant 128 : i32
      %rem3A_1697 = vector.broadcast %rem3A_1696 : i32 to vector<16xi32>
      %rem3A_1698 = arith.remsi %get3A_1695, %rem3A_1697 : vector<16xi32>
      %add3A_1699 = arith.constant 16 : i32
      %add3A_1700 = vector.broadcast %add3A_1699 : i32 to vector<16xi32>
      %add3A_1701 = arith.addi %iota3A, %add3A_1700 : vector<16xi32>
      %broadcast_in_dim3A_1702 = arith.constant 0 : i32
      %broadcast_in_dim3A_1703 = vector.broadcast %broadcast_in_dim3A_1702 : i32 to vector<16xi32>
      %broadcast_in_dim3A_1704 = arith.constant 1 : i32
      %broadcast_in_dim3A_1705 = vector.broadcast %broadcast_in_dim3A_1704 : i32 to vector<16xi32>
      %slice3A_1706 = vector.extract_strided_slice %rem3A_1693 {offsets = [0], sizes = [1], strides = [1]} : vector<16xi32> to vector<1xi32>
      %squeeze3A_1707 = vector.extract %slice3A_1706[0] : i32 from vector<1xi32>
      %mul3A_1708 = vector.broadcast %squeeze3A_1707 : i32 to vector<16xi32>
      %mul3A_1709 = arith.muli %broadcast_in_dim3A_1705, %mul3A_1708 : vector<16xi32>
      %broadcast_in_dim3A_1710 = arith.constant 1 : i32
      %broadcast_in_dim3A_1711 = vector.broadcast %broadcast_in_dim3A_1710 : i32 to vector<16xi32>
      %slice3A_1712 = vector.extract_strided_slice %rem3A_1698 {offsets = [0], sizes = [1], strides = [1]} : vector<16xi32> to vector<1xi32>
      %squeeze3A_1713 = vector.extract %slice3A_1712[0] : i32 from vector<1xi32>
      %mul3A_1714 = vector.broadcast %squeeze3A_1713 : i32 to vector<16xi32>
      %mul3A_1715 = arith.muli %broadcast_in_dim3A_1711, %mul3A_1714 : vector<16xi32>
      %gather3A_1716 = arith.constant 2 : i32
      %gather3A_1717 = arith.constant 0 : i32
      %gather3A_1718 = arith.constant 0 : i32
      %gather3A_1719 = arith.constant 0 : i32
      %gather3A_1720 = tpu.memref_slice %arg9[%gather3A_1716, %gather3A_1717, %gather3A_1718, %gather3A_1719] : memref<4x2x32x128xf32, #tpu.memory_space<vmem>> -> memref<1x2x32x128xf32, #tpu.memory_space<vmem>>
      %gather3A_1721 = tpu.memref_squeeze %gather3A_1720 : memref<1x2x32x128xf32, #tpu.memory_space<vmem>> -> memref<2x32x128xf32, #tpu.memory_space<vmem>>
      %gather3A_1722 = tpu.vector_load_idx %gather3A_1721[%broadcast_in_dim3A_1703, %iota3A, %mul3A_1709] : memref<2x32x128xf32, #tpu.memory_space<vmem>>[vector<16xi32>, vector<16xi32>, vector<16xi32>], vector<16xf32>,
      %gather3A_1723 = arith.constant 2 : i32
      %gather3A_1724 = arith.constant 0 : i32
      %gather3A_1725 = arith.constant 0 : i32
      %gather3A_1726 = arith.constant 0 : i32
      %gather3A_1727 = tpu.memref_slice %arg10[%gather3A_1723, %gather3A_1724, %gather3A_1725, %gather3A_1726] : memref<4x2x32x128xf32, #tpu.memory_space<vmem>> -> memref<1x2x32x128xf32, #tpu.memory_space<vmem>>
      %gather3A_1728 = tpu.memref_squeeze %gather3A_1727 : memref<1x2x32x128xf32, #tpu.memory_space<vmem>> -> memref<2x32x128xf32, #tpu.memory_space<vmem>>
      %gather3A_1729 = tpu.vector_load_idx %gather3A_1728[%broadcast_in_dim3A_1703, %iota3A, %mul3A_1715] : memref<2x32x128xf32, #tpu.memory_space<vmem>>[vector<16xi32>, vector<16xi32>, vector<16xi32>], vector<16xf32>,
      %mul3A_1730 = arith.mulf %gather3A_1722, %gather3A_1729 : vector<16xf32>
      %gather3A_1731 = arith.constant 2 : i32
      %gather3A_1732 = arith.constant 0 : i32
      %gather3A_1733 = arith.constant 0 : i32
      %gather3A_1734 = arith.constant 0 : i32
      %gather3A_1735 = tpu.memref_slice %arg9[%gather3A_1731, %gather3A_1732, %gather3A_1733, %gather3A_1734] : memref<4x2x32x128xf32, #tpu.memory_space<vmem>> -> memref<1x2x32x128xf32, #tpu.memory_space<vmem>>
      %gather3A_1736 = tpu.memref_squeeze %gather3A_1735 : memref<1x2x32x128xf32, #tpu.memory_space<vmem>> -> memref<2x32x128xf32, #tpu.memory_space<vmem>>
      %gather3A_1737 = tpu.vector_load_idx %gather3A_1736[%broadcast_in_dim3A_1703, %add3A_1701, %mul3A_1709] : memref<2x32x128xf32, #tpu.memory_space<vmem>>[vector<16xi32>, vector<16xi32>, vector<16xi32>], vector<16xf32>,
      %gather3A_1738 = arith.constant 2 : i32
      %gather3A_1739 = arith.constant 0 : i32
      %gather3A_1740 = arith.constant 0 : i32
      %gather3A_1741 = arith.constant 0 : i32
      %gather3A_1742 = tpu.memref_slice %arg10[%gather3A_1738, %gather3A_1739, %gather3A_1740, %gather3A_1741] : memref<4x2x32x128xf32, #tpu.memory_space<vmem>> -> memref<1x2x32x128xf32, #tpu.memory_space<vmem>>
      %gather3A_1743 = tpu.memref_squeeze %gather3A_1742 : memref<1x2x32x128xf32, #tpu.memory_space<vmem>> -> memref<2x32x128xf32, #tpu.memory_space<vmem>>
      %gather3A_1744 = tpu.vector_load_idx %gather3A_1743[%broadcast_in_dim3A_1703, %add3A_1701, %mul3A_1715] : memref<2x32x128xf32, #tpu.memory_space<vmem>>[vector<16xi32>, vector<16xi32>, vector<16xi32>], vector<16xf32>,
      %mul3A_1745 = arith.mulf %gather3A_1737, %gather3A_1744 : vector<16xf32>
      %add3A_1746 = arith.addf %mul3A_1730, %mul3A_1745 : vector<16xf32>
      %eq3A_1747 = arith.constant 12 : i32
      %eq3A_1748 = vector.broadcast %eq3A_1747 : i32 to vector<16xi32>
      %eq3A_1749 = arith.cmpi eq, %iota3A, %eq3A_1748 : vector<16xi32>
      %reduce_sum3A_1750 = arith.constant true
      %reduce_sum3A_1751 = vector.broadcast %reduce_sum3A_1750 : i1 to vector<16xi1>
      %reduce_sum3A_1752 = tpu.scan <sum>, %add3A_1746 masked %reduce_sum3A_1751 : vector<16xf32>, vector<16xi1> -> vector<16xf32>
      %reduce_sum3A_1753 = vector.extract %reduce_sum3A_1752[15] : f32 from vector<16xf32>
      %broadcast_in_dim3A_1754 = vector.broadcast %reduce_sum3A_1753 : f32 to vector<16xf32>
      %select_n3A_1755 = arith.select %eq3A_1749, %broadcast_in_dim3A_1754, %select_n3A_1609 : vector<16xi1>, vector<16xf32>
      %broadcast_in_dim3A_1756 = arith.constant 1 : i32
      %broadcast_in_dim3A_1757 = vector.broadcast %broadcast_in_dim3A_1756 : i32 to vector<16xi32>
      %broadcast_in_dim3A_1758 = arith.constant 1 : i32
      %broadcast_in_dim3A_1759 = vector.broadcast %broadcast_in_dim3A_1758 : i32 to vector<16xi32>
      %slice3A_1760 = vector.extract_strided_slice %rem3A_1693 {offsets = [1], sizes = [1], strides = [1]} : vector<16xi32> to vector<1xi32>
      %squeeze3A_1761 = vector.extract %slice3A_1760[0] : i32 from vector<1xi32>
      %mul3A_1762 = vector.broadcast %squeeze3A_1761 : i32 to vector<16xi32>
      %mul3A_1763 = arith.muli %broadcast_in_dim3A_1759, %mul3A_1762 : vector<16xi32>
      %broadcast_in_dim3A_1764 = arith.constant 1 : i32
      %broadcast_in_dim3A_1765 = vector.broadcast %broadcast_in_dim3A_1764 : i32 to vector<16xi32>
      %slice3A_1766 = vector.extract_strided_slice %rem3A_1698 {offsets = [1], sizes = [1], strides = [1]} : vector<16xi32> to vector<1xi32>
      %squeeze3A_1767 = vector.extract %slice3A_1766[0] : i32 from vector<1xi32>
      %mul3A_1768 = vector.broadcast %squeeze3A_1767 : i32 to vector<16xi32>
      %mul3A_1769 = arith.muli %broadcast_in_dim3A_1765, %mul3A_1768 : vector<16xi32>
      %gather3A_1770 = arith.constant 2 : i32
      %gather3A_1771 = arith.constant 0 : i32
      %gather3A_1772 = arith.constant 0 : i32
      %gather3A_1773 = arith.constant 0 : i32
      %gather3A_1774 = tpu.memref_slice %arg9[%gather3A_1770, %gather3A_1771, %gather3A_1772, %gather3A_1773] : memref<4x2x32x128xf32, #tpu.memory_space<vmem>> -> memref<1x2x32x128xf32, #tpu.memory_space<vmem>>
      %gather3A_1775 = tpu.memref_squeeze %gather3A_1774 : memref<1x2x32x128xf32, #tpu.memory_space<vmem>> -> memref<2x32x128xf32, #tpu.memory_space<vmem>>
      %gather3A_1776 = tpu.vector_load_idx %gather3A_1775[%broadcast_in_dim3A_1757, %iota3A, %mul3A_1763] : memref<2x32x128xf32, #tpu.memory_space<vmem>>[vector<16xi32>, vector<16xi32>, vector<16xi32>], vector<16xf32>,
      %gather3A_1777 = arith.constant 2 : i32
      %gather3A_1778 = arith.constant 0 : i32
      %gather3A_1779 = arith.constant 0 : i32
      %gather3A_1780 = arith.constant 0 : i32
      %gather3A_1781 = tpu.memref_slice %arg10[%gather3A_1777, %gather3A_1778, %gather3A_1779, %gather3A_1780] : memref<4x2x32x128xf32, #tpu.memory_space<vmem>> -> memref<1x2x32x128xf32, #tpu.memory_space<vmem>>
      %gather3A_1782 = tpu.memref_squeeze %gather3A_1781 : memref<1x2x32x128xf32, #tpu.memory_space<vmem>> -> memref<2x32x128xf32, #tpu.memory_space<vmem>>
      %gather3A_1783 = tpu.vector_load_idx %gather3A_1782[%broadcast_in_dim3A_1757, %iota3A, %mul3A_1769] : memref<2x32x128xf32, #tpu.memory_space<vmem>>[vector<16xi32>, vector<16xi32>, vector<16xi32>], vector<16xf32>,
      %mul3A_1784 = arith.mulf %gather3A_1776, %gather3A_1783 : vector<16xf32>
      %gather3A_1785 = arith.constant 2 : i32
      %gather3A_1786 = arith.constant 0 : i32
      %gather3A_1787 = arith.constant 0 : i32
      %gather3A_1788 = arith.constant 0 : i32
      %gather3A_1789 = tpu.memref_slice %arg9[%gather3A_1785, %gather3A_1786, %gather3A_1787, %gather3A_1788] : memref<4x2x32x128xf32, #tpu.memory_space<vmem>> -> memref<1x2x32x128xf32, #tpu.memory_space<vmem>>
      %gather3A_1790 = tpu.memref_squeeze %gather3A_1789 : memref<1x2x32x128xf32, #tpu.memory_space<vmem>> -> memref<2x32x128xf32, #tpu.memory_space<vmem>>
      %gather3A_1791 = tpu.vector_load_idx %gather3A_1790[%broadcast_in_dim3A_1757, %add3A_1701, %mul3A_1763] : memref<2x32x128xf32, #tpu.memory_space<vmem>>[vector<16xi32>, vector<16xi32>, vector<16xi32>], vector<16xf32>,
      %gather3A_1792 = arith.constant 2 : i32
      %gather3A_1793 = arith.constant 0 : i32
      %gather3A_1794 = arith.constant 0 : i32
      %gather3A_1795 = arith.constant 0 : i32
      %gather3A_1796 = tpu.memref_slice %arg10[%gather3A_1792, %gather3A_1793, %gather3A_1794, %gather3A_1795] : memref<4x2x32x128xf32, #tpu.memory_space<vmem>> -> memref<1x2x32x128xf32, #tpu.memory_space<vmem>>
      %gather3A_1797 = tpu.memref_squeeze %gather3A_1796 : memref<1x2x32x128xf32, #tpu.memory_space<vmem>> -> memref<2x32x128xf32, #tpu.memory_space<vmem>>
      %gather3A_1798 = tpu.vector_load_idx %gather3A_1797[%broadcast_in_dim3A_1757, %add3A_1701, %mul3A_1769] : memref<2x32x128xf32, #tpu.memory_space<vmem>>[vector<16xi32>, vector<16xi32>, vector<16xi32>], vector<16xf32>,
      %mul3A_1799 = arith.mulf %gather3A_1791, %gather3A_1798 : vector<16xf32>
      %add3A_1800 = arith.addf %mul3A_1784, %mul3A_1799 : vector<16xf32>
      %eq3A_1801 = arith.constant 13 : i32
      %eq3A_1802 = vector.broadcast %eq3A_1801 : i32 to vector<16xi32>
      %eq3A_1803 = arith.cmpi eq, %iota3A, %eq3A_1802 : vector<16xi32>
      %reduce_sum3A_1804 = arith.constant true
      %reduce_sum3A_1805 = vector.broadcast %reduce_sum3A_1804 : i1 to vector<16xi1>
      %reduce_sum3A_1806 = tpu.scan <sum>, %add3A_1800 masked %reduce_sum3A_1805 : vector<16xf32>, vector<16xi1> -> vector<16xf32>
      %reduce_sum3A_1807 = vector.extract %reduce_sum3A_1806[15] : f32 from vector<16xf32>
      %broadcast_in_dim3A_1808 = vector.broadcast %reduce_sum3A_1807 : f32 to vector<16xf32>
      %select_n3A_1809 = arith.select %eq3A_1803, %broadcast_in_dim3A_1808, %select_n3A_1755 : vector<16xi1>, vector<16xf32>
      %mul3A_1810 = arith.constant 8 : i32
      %mul3A_1811 = arith.muli %mul3A_1810, %scan3A_415 : i32
      %add3A_1812 = arith.constant 7 : i32
      %add3A_1813 = arith.addi %mul3A_1811, %add3A_1812 : i32
      %add3A_1814 = arith.constant 4 : i32
      %add3A_1815 = arith.addi %add3A_1813, %add3A_1814 : i32
      %sub3A_1816 = arith.constant 1 : i32
      %sub3A_1817 = arith.subi %add3A_1815, %sub3A_1816 : i32
      %lt3A_1818 = arith.constant 256 : i32
      %lt3A_1819 = arith.cmpi slt, %sub3A_1817, %lt3A_1818 : i32
      %convert_element_type3A_1820 = arith.extui %lt3A_1819 : i1 to i32
      %cond3A_1821 = arith.constant 0 : i32
      %cond3A_1822 = arith.cmpi ne, %convert_element_type3A_1820, %cond3A_1821 : i32
      scf.if %cond3A_1822 {
        %add3A_2013 = arith.constant 4 : i32
        %add3A_2014 = arith.addi %add3A_1813, %add3A_2013 : i32
        %sub3A_2015 = arith.constant 1 : i32
        %sub3A_2016 = arith.subi %add3A_2014, %sub3A_2015 : i32
        %mul3A_2017 = arith.constant 2 : i32
        %mul3A_2018 = arith.muli %sub3A_2016, %mul3A_2017 : i32
        %get3A_2019 = arith.index_cast %mul3A_2018 : i32 to index
        %get3A_2020 = tpu.vector_load %arg7[%get3A_2019] {strides = array<i32>} : memref<528xi32, #tpu.memory_space<vmem>>, vector<16xi32>,
        %jit3A_2021 = arith.constant 128 : i32
        %div3A_2022 = vector.broadcast %jit3A_2021 : i32 to vector<16xi32>
        %div3A_2023 = arith.divsi %get3A_2020, %div3A_2022 : vector<16xi32>
        %sign3A_2024 = arith.constant 0 : i32
        %sign3A_2025 = vector.broadcast %sign3A_2024 : i32 to vector<16xi32>
        %sign3A_2026 = arith.cmpi sgt, %get3A_2020, %sign3A_2025 : vector<16xi32>
        %sign3A_2027 = arith.extui %sign3A_2026 : vector<16xi1> to vector<16xi32>
        %sign3A_2028 = arith.constant 0 : i32
        %sign3A_2029 = vector.broadcast %sign3A_2028 : i32 to vector<16xi32>
        %sign3A_2030 = arith.cmpi slt, %get3A_2020, %sign3A_2029 : vector<16xi32>
        %sign3A_2031 = arith.extui %sign3A_2030 : vector<16xi1> to vector<16xi32>
        %sign3A_2032 = arith.subi %sign3A_2027, %sign3A_2031 : vector<16xi32>
        %sign3A_2033 = arith.constant 0 : i32
        %sign3A_2034 = arith.cmpi sgt, %jit3A_2021, %sign3A_2033 : i32
        %sign3A_2035 = arith.extui %sign3A_2034 : i1 to i32
        %sign3A_2036 = arith.constant 0 : i32
        %sign3A_2037 = arith.cmpi slt, %jit3A_2021, %sign3A_2036 : i32
        %sign3A_2038 = arith.extui %sign3A_2037 : i1 to i32
        %sign3A_2039 = arith.subi %sign3A_2035, %sign3A_2038 : i32
        %ne3A_2040 = vector.broadcast %sign3A_2039 : i32 to vector<16xi32>
        %ne3A_2041 = arith.cmpi ne, %sign3A_2032, %ne3A_2040 : vector<16xi32>
        %rem3A_2042 = vector.broadcast %jit3A_2021 : i32 to vector<16xi32>
        %rem3A_2043 = arith.remsi %get3A_2020, %rem3A_2042 : vector<16xi32>
        %ne3A_2044 = arith.constant 0 : i32
        %ne3A_2045 = vector.broadcast %ne3A_2044 : i32 to vector<16xi32>
        %ne3A_2046 = arith.cmpi ne, %rem3A_2043, %ne3A_2045 : vector<16xi32>
        %and3A_2047 = arith.andi %ne3A_2041, %ne3A_2046 : vector<16xi1>
        %sub3A_2048 = arith.constant 1 : i32
        %sub3A_2049 = vector.broadcast %sub3A_2048 : i32 to vector<16xi32>
        %sub3A_2050 = arith.subi %div3A_2023, %sub3A_2049 : vector<16xi32>
        %select_n3A_2051 = arith.select %and3A_2047, %sub3A_2050, %div3A_2023 : vector<16xi1>, vector<16xi32>
        %mul3A_2052 = arith.constant 128 : i32
        %mul3A_2053 = vector.broadcast %mul3A_2052 : i32 to vector<16xi32>
        %mul3A_2054 = arith.muli %select_n3A_2051, %mul3A_2053 : vector<16xi32>
        %get3A_2055 = arith.index_cast %mul3A_2018 : i32 to index
        %get3A_2056 = tpu.vector_load %arg8[%get3A_2055] {strides = array<i32>} : memref<528xi32, #tpu.memory_space<vmem>>, vector<16xi32>,
        %jit3A_2057 = arith.constant 128 : i32
        %div3A_2058 = vector.broadcast %jit3A_2057 : i32 to vector<16xi32>
        %div3A_2059 = arith.divsi %get3A_2056, %div3A_2058 : vector<16xi32>
        %sign3A_2060 = arith.constant 0 : i32
        %sign3A_2061 = vector.broadcast %sign3A_2060 : i32 to vector<16xi32>
        %sign3A_2062 = arith.cmpi sgt, %get3A_2056, %sign3A_2061 : vector<16xi32>
        %sign3A_2063 = arith.extui %sign3A_2062 : vector<16xi1> to vector<16xi32>
        %sign3A_2064 = arith.constant 0 : i32
        %sign3A_2065 = vector.broadcast %sign3A_2064 : i32 to vector<16xi32>
        %sign3A_2066 = arith.cmpi slt, %get3A_2056, %sign3A_2065 : vector<16xi32>
        %sign3A_2067 = arith.extui %sign3A_2066 : vector<16xi1> to vector<16xi32>
        %sign3A_2068 = arith.subi %sign3A_2063, %sign3A_2067 : vector<16xi32>
        %sign3A_2069 = arith.constant 0 : i32
        %sign3A_2070 = arith.cmpi sgt, %jit3A_2057, %sign3A_2069 : i32
        %sign3A_2071 = arith.extui %sign3A_2070 : i1 to i32
        %sign3A_2072 = arith.constant 0 : i32
        %sign3A_2073 = arith.cmpi slt, %jit3A_2057, %sign3A_2072 : i32
        %sign3A_2074 = arith.extui %sign3A_2073 : i1 to i32
        %sign3A_2075 = arith.subi %sign3A_2071, %sign3A_2074 : i32
        %ne3A_2076 = vector.broadcast %sign3A_2075 : i32 to vector<16xi32>
        %ne3A_2077 = arith.cmpi ne, %sign3A_2068, %ne3A_2076 : vector<16xi32>
        %rem3A_2078 = vector.broadcast %jit3A_2057 : i32 to vector<16xi32>
        %rem3A_2079 = arith.remsi %get3A_2056, %rem3A_2078 : vector<16xi32>
        %ne3A_2080 = arith.constant 0 : i32
        %ne3A_2081 = vector.broadcast %ne3A_2080 : i32 to vector<16xi32>
        %ne3A_2082 = arith.cmpi ne, %rem3A_2079, %ne3A_2081 : vector<16xi32>
        %and3A_2083 = arith.andi %ne3A_2077, %ne3A_2082 : vector<16xi1>
        %sub3A_2084 = arith.constant 1 : i32
        %sub3A_2085 = vector.broadcast %sub3A_2084 : i32 to vector<16xi32>
        %sub3A_2086 = arith.subi %div3A_2059, %sub3A_2085 : vector<16xi32>
        %select_n3A_2087 = arith.select %and3A_2083, %sub3A_2086, %div3A_2059 : vector<16xi1>, vector<16xi32>
        %mul3A_2088 = arith.constant 128 : i32
        %mul3A_2089 = vector.broadcast %mul3A_2088 : i32 to vector<16xi32>
        %mul3A_2090 = arith.muli %select_n3A_2087, %mul3A_2089 : vector<16xi32>
        %slice3A_2091 = vector.extract_strided_slice %mul3A_2054 {offsets = [0], sizes = [1], strides = [1]} : vector<16xi32> to vector<1xi32>
        %squeeze3A_2092 = vector.extract %slice3A_2091[0] : i32 from vector<1xi32>
        %multiple_of3A_2093 = tpu.assume_multiple %squeeze3A_2092, 128 : i32
        %slice3A_2094 = vector.extract_strided_slice %mul3A_2090 {offsets = [0], sizes = [1], strides = [1]} : vector<16xi32> to vector<1xi32>
        %squeeze3A_2095 = vector.extract %slice3A_2094[0] : i32 from vector<1xi32>
        %multiple_of3A_2096 = tpu.assume_multiple %squeeze3A_2095, 128 : i32
        %dma_start3A_2097 = arith.constant 2 : i32
        %dma_start3A_2098 = arith.constant 0 : i32
        %dma_start3A_2099 = arith.constant 0 : i32
        %dma_start3A_2100 = arith.constant 0 : i32
        %dma_start3A_2101 = tpu.memref_slice %arg9[%dma_start3A_2097, %dma_start3A_2098, %dma_start3A_2099, %dma_start3A_2100] : memref<4x2x32x128xf32, #tpu.memory_space<vmem>> -> memref<1x1x32x128xf32, #tpu.memory_space<vmem>>
        %dma_start3A_2102 = tpu.memref_squeeze %dma_start3A_2101 : memref<1x1x32x128xf32, #tpu.memory_space<vmem>> -> memref<32x128xf32, #tpu.memory_space<vmem>>
        %dma_start3A_2103 = arith.constant 0 : i32
        %dma_start3A_2104 = tpu.memref_slice %arg4[%dma_start3A_2103, %multiple_of3A_2093] : memref<32x1000000xf32, #tpu.memory_space<hbm>> -> memref<32x128xf32, #tpu.memory_space<hbm>>
        %dma_start3A_2105 = arith.constant 0 : i32
        %dma_start3A_2106 = arith.constant 0 : i32
        %dma_start3A_2107 = tpu.memref_slice %arg9[%dma_start3A_2097, %dma_start3A_2098, %dma_start3A_2105, %dma_start3A_2106] : memref<4x2x32x128xf32, #tpu.memory_space<vmem>> -> memref<1x1x32x128xf32, #tpu.memory_space<vmem>>
        %dma_start3A_2108 = tpu.memref_squeeze %dma_start3A_2107 : memref<1x1x32x128xf32, #tpu.memory_space<vmem>> -> memref<32x128xf32, #tpu.memory_space<vmem>>
        %dma_start3A_2109 = arith.constant 0 : i32
        %dma_start3A_2110 = tpu.memref_slice %arg4[%dma_start3A_2109, %multiple_of3A_2093] : memref<32x1000000xf32, #tpu.memory_space<hbm>> -> memref<32x128xf32, #tpu.memory_space<hbm>>
        tpu.enqueue_dma source(%dma_start3A_2110 : memref<32x128xf32, #tpu.memory_space<hbm>>) target(%dma_start3A_2108 : memref<32x128xf32, #tpu.memory_space<vmem>>) target_semaphore(%arg16 : memref<!tpu.dma_semaphore, #tpu.memory_space<semaphore_mem>>)
        %dma_start3A_2111 = arith.constant 2 : i32
        %dma_start3A_2112 = arith.constant 0 : i32
        %dma_start3A_2113 = arith.constant 0 : i32
        %dma_start3A_2114 = arith.constant 0 : i32
        %dma_start3A_2115 = tpu.memref_slice %arg10[%dma_start3A_2111, %dma_start3A_2112, %dma_start3A_2113, %dma_start3A_2114] : memref<4x2x32x128xf32, #tpu.memory_space<vmem>> -> memref<1x1x32x128xf32, #tpu.memory_space<vmem>>
        %dma_start3A_2116 = tpu.memref_squeeze %dma_start3A_2115 : memref<1x1x32x128xf32, #tpu.memory_space<vmem>> -> memref<32x128xf32, #tpu.memory_space<vmem>>
        %dma_start3A_2117 = arith.constant 0 : i32
        %dma_start3A_2118 = tpu.memref_slice %arg5[%dma_start3A_2117, %multiple_of3A_2096] : memref<32x1000000xf32, #tpu.memory_space<hbm>> -> memref<32x128xf32, #tpu.memory_space<hbm>>
        %dma_start3A_2119 = arith.constant 0 : i32
        %dma_start3A_2120 = arith.constant 0 : i32
        %dma_start3A_2121 = tpu.memref_slice %arg10[%dma_start3A_2111, %dma_start3A_2112, %dma_start3A_2119, %dma_start3A_2120] : memref<4x2x32x128xf32, #tpu.memory_space<vmem>> -> memref<1x1x32x128xf32, #tpu.memory_space<vmem>>
        %dma_start3A_2122 = tpu.memref_squeeze %dma_start3A_2121 : memref<1x1x32x128xf32, #tpu.memory_space<vmem>> -> memref<32x128xf32, #tpu.memory_space<vmem>>
        %dma_start3A_2123 = arith.constant 0 : i32
        %dma_start3A_2124 = tpu.memref_slice %arg5[%dma_start3A_2123, %multiple_of3A_2096] : memref<32x1000000xf32, #tpu.memory_space<hbm>> -> memref<32x128xf32, #tpu.memory_space<hbm>>
        tpu.enqueue_dma source(%dma_start3A_2124 : memref<32x128xf32, #tpu.memory_space<hbm>>) target(%dma_start3A_2122 : memref<32x128xf32, #tpu.memory_space<vmem>>) target_semaphore(%arg17 : memref<!tpu.dma_semaphore, #tpu.memory_space<semaphore_mem>>)
        %slice3A_2125 = vector.extract_strided_slice %mul3A_2054 {offsets = [1], sizes = [1], strides = [1]} : vector<16xi32> to vector<1xi32>
        %squeeze3A_2126 = vector.extract %slice3A_2125[0] : i32 from vector<1xi32>
        %multiple_of3A_2127 = tpu.assume_multiple %squeeze3A_2126, 128 : i32
        %slice3A_2128 = vector.extract_strided_slice %mul3A_2090 {offsets = [1], sizes = [1], strides = [1]} : vector<16xi32> to vector<1xi32>
        %squeeze3A_2129 = vector.extract %slice3A_2128[0] : i32 from vector<1xi32>
        %multiple_of3A_2130 = tpu.assume_multiple %squeeze3A_2129, 128 : i32
        %dma_start3A_2131 = arith.constant 2 : i32
        %dma_start3A_2132 = arith.constant 1 : i32
        %dma_start3A_2133 = arith.constant 0 : i32
        %dma_start3A_2134 = arith.constant 0 : i32
        %dma_start3A_2135 = tpu.memref_slice %arg9[%dma_start3A_2131, %dma_start3A_2132, %dma_start3A_2133, %dma_start3A_2134] : memref<4x2x32x128xf32, #tpu.memory_space<vmem>> -> memref<1x1x32x128xf32, #tpu.memory_space<vmem>>
        %dma_start3A_2136 = tpu.memref_squeeze %dma_start3A_2135 : memref<1x1x32x128xf32, #tpu.memory_space<vmem>> -> memref<32x128xf32, #tpu.memory_space<vmem>>
        %dma_start3A_2137 = arith.constant 0 : i32
        %dma_start3A_2138 = tpu.memref_slice %arg4[%dma_start3A_2137, %multiple_of3A_2127] : memref<32x1000000xf32, #tpu.memory_space<hbm>> -> memref<32x128xf32, #tpu.memory_space<hbm>>
        %dma_start3A_2139 = arith.constant 0 : i32
        %dma_start3A_2140 = arith.constant 0 : i32
        %dma_start3A_2141 = tpu.memref_slice %arg9[%dma_start3A_2131, %dma_start3A_2132, %dma_start3A_2139, %dma_start3A_2140] : memref<4x2x32x128xf32, #tpu.memory_space<vmem>> -> memref<1x1x32x128xf32, #tpu.memory_space<vmem>>
        %dma_start3A_2142 = tpu.memref_squeeze %dma_start3A_2141 : memref<1x1x32x128xf32, #tpu.memory_space<vmem>> -> memref<32x128xf32, #tpu.memory_space<vmem>>
        %dma_start3A_2143 = arith.constant 0 : i32
        %dma_start3A_2144 = tpu.memref_slice %arg4[%dma_start3A_2143, %multiple_of3A_2127] : memref<32x1000000xf32, #tpu.memory_space<hbm>> -> memref<32x128xf32, #tpu.memory_space<hbm>>
        tpu.enqueue_dma source(%dma_start3A_2144 : memref<32x128xf32, #tpu.memory_space<hbm>>) target(%dma_start3A_2142 : memref<32x128xf32, #tpu.memory_space<vmem>>) target_semaphore(%arg16 : memref<!tpu.dma_semaphore, #tpu.memory_space<semaphore_mem>>)
        %dma_start3A_2145 = arith.constant 2 : i32
        %dma_start3A_2146 = arith.constant 1 : i32
        %dma_start3A_2147 = arith.constant 0 : i32
        %dma_start3A_2148 = arith.constant 0 : i32
        %dma_start3A_2149 = tpu.memref_slice %arg10[%dma_start3A_2145, %dma_start3A_2146, %dma_start3A_2147, %dma_start3A_2148] : memref<4x2x32x128xf32, #tpu.memory_space<vmem>> -> memref<1x1x32x128xf32, #tpu.memory_space<vmem>>
        %dma_start3A_2150 = tpu.memref_squeeze %dma_start3A_2149 : memref<1x1x32x128xf32, #tpu.memory_space<vmem>> -> memref<32x128xf32, #tpu.memory_space<vmem>>
        %dma_start3A_2151 = arith.constant 0 : i32
        %dma_start3A_2152 = tpu.memref_slice %arg5[%dma_start3A_2151, %multiple_of3A_2130] : memref<32x1000000xf32, #tpu.memory_space<hbm>> -> memref<32x128xf32, #tpu.memory_space<hbm>>
        %dma_start3A_2153 = arith.constant 0 : i32
        %dma_start3A_2154 = arith.constant 0 : i32
        %dma_start3A_2155 = tpu.memref_slice %arg10[%dma_start3A_2145, %dma_start3A_2146, %dma_start3A_2153, %dma_start3A_2154] : memref<4x2x32x128xf32, #tpu.memory_space<vmem>> -> memref<1x1x32x128xf32, #tpu.memory_space<vmem>>
        %dma_start3A_2156 = tpu.memref_squeeze %dma_start3A_2155 : memref<1x1x32x128xf32, #tpu.memory_space<vmem>> -> memref<32x128xf32, #tpu.memory_space<vmem>>
        %dma_start3A_2157 = arith.constant 0 : i32
        %dma_start3A_2158 = tpu.memref_slice %arg5[%dma_start3A_2157, %multiple_of3A_2130] : memref<32x1000000xf32, #tpu.memory_space<hbm>> -> memref<32x128xf32, #tpu.memory_space<hbm>>
        tpu.enqueue_dma source(%dma_start3A_2158 : memref<32x128xf32, #tpu.memory_space<hbm>>) target(%dma_start3A_2156 : memref<32x128xf32, #tpu.memory_space<vmem>>) target_semaphore(%arg17 : memref<!tpu.dma_semaphore, #tpu.memory_space<semaphore_mem>>)
      } else {
      }
      %dma_wait3A_1823 = arith.constant 3 : i32
      %dma_wait3A_1824 = arith.constant 0 : i32
      %dma_wait3A_1825 = arith.constant 0 : i32
      %dma_wait3A_1826 = arith.constant 0 : i32
      %dma_wait3A_1827 = tpu.memref_slice %arg9[%dma_wait3A_1823, %dma_wait3A_1824, %dma_wait3A_1825, %dma_wait3A_1826] : memref<4x2x32x128xf32, #tpu.memory_space<vmem>> -> memref<1x1x32x128xf32, #tpu.memory_space<vmem>>
      %dma_wait3A_1828 = tpu.memref_squeeze %dma_wait3A_1827 : memref<1x1x32x128xf32, #tpu.memory_space<vmem>> -> memref<32x128xf32, #tpu.memory_space<vmem>>
      %dma_wait3A_1829 = arith.constant 0 : i32
      %dma_wait3A_1830 = arith.constant 0 : i32
      %dma_wait3A_1831 = tpu.memref_slice %arg4[%dma_wait3A_1829, %dma_wait3A_1830] : memref<32x1000000xf32, #tpu.memory_space<hbm>> -> memref<32x128xf32, #tpu.memory_space<hbm>>
      %dma_wait3A_1832 = arith.constant 0 : i32
      %dma_wait3A_1833 = arith.constant 0 : i32
      %dma_wait3A_1834 = tpu.memref_slice %arg9[%dma_wait3A_1823, %dma_wait3A_1824, %dma_wait3A_1832, %dma_wait3A_1833] : memref<4x2x32x128xf32, #tpu.memory_space<vmem>> -> memref<1x1x32x128xf32, #tpu.memory_space<vmem>>
      %dma_wait3A_1835 = tpu.memref_squeeze %dma_wait3A_1834 : memref<1x1x32x128xf32, #tpu.memory_space<vmem>> -> memref<32x128xf32, #tpu.memory_space<vmem>>
      %dma_wait3A_1836 = arith.constant 0 : i32
      %dma_wait3A_1837 = arith.constant 0 : i32
      %dma_wait3A_1838 = tpu.memref_slice %arg4[%dma_wait3A_1836, %dma_wait3A_1837] : memref<32x1000000xf32, #tpu.memory_space<hbm>> -> memref<32x128xf32, #tpu.memory_space<hbm>>
      tpu.wait_dma2 semaphore(%arg18 : memref<!tpu.dma_semaphore, #tpu.memory_space<semaphore_mem>>) src(%dma_wait3A_1838 : memref<32x128xf32, #tpu.memory_space<hbm>>) dst(%dma_wait3A_1835 : memref<32x128xf32, #tpu.memory_space<vmem>>)
      %dma_wait3A_1839 = arith.constant 3 : i32
      %dma_wait3A_1840 = arith.constant 0 : i32
      %dma_wait3A_1841 = arith.constant 0 : i32
      %dma_wait3A_1842 = arith.constant 0 : i32
      %dma_wait3A_1843 = tpu.memref_slice %arg10[%dma_wait3A_1839, %dma_wait3A_1840, %dma_wait3A_1841, %dma_wait3A_1842] : memref<4x2x32x128xf32, #tpu.memory_space<vmem>> -> memref<1x1x32x128xf32, #tpu.memory_space<vmem>>
      %dma_wait3A_1844 = tpu.memref_squeeze %dma_wait3A_1843 : memref<1x1x32x128xf32, #tpu.memory_space<vmem>> -> memref<32x128xf32, #tpu.memory_space<vmem>>
      %dma_wait3A_1845 = arith.constant 0 : i32
      %dma_wait3A_1846 = arith.constant 0 : i32
      %dma_wait3A_1847 = tpu.memref_slice %arg5[%dma_wait3A_1845, %dma_wait3A_1846] : memref<32x1000000xf32, #tpu.memory_space<hbm>> -> memref<32x128xf32, #tpu.memory_space<hbm>>
      %dma_wait3A_1848 = arith.constant 0 : i32
      %dma_wait3A_1849 = arith.constant 0 : i32
      %dma_wait3A_1850 = tpu.memref_slice %arg10[%dma_wait3A_1839, %dma_wait3A_1840, %dma_wait3A_1848, %dma_wait3A_1849] : memref<4x2x32x128xf32, #tpu.memory_space<vmem>> -> memref<1x1x32x128xf32, #tpu.memory_space<vmem>>
      %dma_wait3A_1851 = tpu.memref_squeeze %dma_wait3A_1850 : memref<1x1x32x128xf32, #tpu.memory_space<vmem>> -> memref<32x128xf32, #tpu.memory_space<vmem>>
      %dma_wait3A_1852 = arith.constant 0 : i32
      %dma_wait3A_1853 = arith.constant 0 : i32
      %dma_wait3A_1854 = tpu.memref_slice %arg5[%dma_wait3A_1852, %dma_wait3A_1853] : memref<32x1000000xf32, #tpu.memory_space<hbm>> -> memref<32x128xf32, #tpu.memory_space<hbm>>
      tpu.wait_dma2 semaphore(%arg19 : memref<!tpu.dma_semaphore, #tpu.memory_space<semaphore_mem>>) src(%dma_wait3A_1854 : memref<32x128xf32, #tpu.memory_space<hbm>>) dst(%dma_wait3A_1851 : memref<32x128xf32, #tpu.memory_space<vmem>>)
      %dma_wait3A_1855 = arith.constant 3 : i32
      %dma_wait3A_1856 = arith.constant 1 : i32
      %dma_wait3A_1857 = arith.constant 0 : i32
      %dma_wait3A_1858 = arith.constant 0 : i32
      %dma_wait3A_1859 = tpu.memref_slice %arg9[%dma_wait3A_1855, %dma_wait3A_1856, %dma_wait3A_1857, %dma_wait3A_1858] : memref<4x2x32x128xf32, #tpu.memory_space<vmem>> -> memref<1x1x32x128xf32, #tpu.memory_space<vmem>>
      %dma_wait3A_1860 = tpu.memref_squeeze %dma_wait3A_1859 : memref<1x1x32x128xf32, #tpu.memory_space<vmem>> -> memref<32x128xf32, #tpu.memory_space<vmem>>
      %dma_wait3A_1861 = arith.constant 0 : i32
      %dma_wait3A_1862 = arith.constant 0 : i32
      %dma_wait3A_1863 = tpu.memref_slice %arg4[%dma_wait3A_1861, %dma_wait3A_1862] : memref<32x1000000xf32, #tpu.memory_space<hbm>> -> memref<32x128xf32, #tpu.memory_space<hbm>>
      %dma_wait3A_1864 = arith.constant 0 : i32
      %dma_wait3A_1865 = arith.constant 0 : i32
      %dma_wait3A_1866 = tpu.memref_slice %arg9[%dma_wait3A_1855, %dma_wait3A_1856, %dma_wait3A_1864, %dma_wait3A_1865] : memref<4x2x32x128xf32, #tpu.memory_space<vmem>> -> memref<1x1x32x128xf32, #tpu.memory_space<vmem>>
      %dma_wait3A_1867 = tpu.memref_squeeze %dma_wait3A_1866 : memref<1x1x32x128xf32, #tpu.memory_space<vmem>> -> memref<32x128xf32, #tpu.memory_space<vmem>>
      %dma_wait3A_1868 = arith.constant 0 : i32
      %dma_wait3A_1869 = arith.constant 0 : i32
      %dma_wait3A_1870 = tpu.memref_slice %arg4[%dma_wait3A_1868, %dma_wait3A_1869] : memref<32x1000000xf32, #tpu.memory_space<hbm>> -> memref<32x128xf32, #tpu.memory_space<hbm>>
      tpu.wait_dma2 semaphore(%arg18 : memref<!tpu.dma_semaphore, #tpu.memory_space<semaphore_mem>>) src(%dma_wait3A_1870 : memref<32x128xf32, #tpu.memory_space<hbm>>) dst(%dma_wait3A_1867 : memref<32x128xf32, #tpu.memory_space<vmem>>)
      %dma_wait3A_1871 = arith.constant 3 : i32
      %dma_wait3A_1872 = arith.constant 1 : i32
      %dma_wait3A_1873 = arith.constant 0 : i32
      %dma_wait3A_1874 = arith.constant 0 : i32
      %dma_wait3A_1875 = tpu.memref_slice %arg10[%dma_wait3A_1871, %dma_wait3A_1872, %dma_wait3A_1873, %dma_wait3A_1874] : memref<4x2x32x128xf32, #tpu.memory_space<vmem>> -> memref<1x1x32x128xf32, #tpu.memory_space<vmem>>
      %dma_wait3A_1876 = tpu.memref_squeeze %dma_wait3A_1875 : memref<1x1x32x128xf32, #tpu.memory_space<vmem>> -> memref<32x128xf32, #tpu.memory_space<vmem>>
      %dma_wait3A_1877 = arith.constant 0 : i32
      %dma_wait3A_1878 = arith.constant 0 : i32
      %dma_wait3A_1879 = tpu.memref_slice %arg5[%dma_wait3A_1877, %dma_wait3A_1878] : memref<32x1000000xf32, #tpu.memory_space<hbm>> -> memref<32x128xf32, #tpu.memory_space<hbm>>
      %dma_wait3A_1880 = arith.constant 0 : i32
      %dma_wait3A_1881 = arith.constant 0 : i32
      %dma_wait3A_1882 = tpu.memref_slice %arg10[%dma_wait3A_1871, %dma_wait3A_1872, %dma_wait3A_1880, %dma_wait3A_1881] : memref<4x2x32x128xf32, #tpu.memory_space<vmem>> -> memref<1x1x32x128xf32, #tpu.memory_space<vmem>>
      %dma_wait3A_1883 = tpu.memref_squeeze %dma_wait3A_1882 : memref<1x1x32x128xf32, #tpu.memory_space<vmem>> -> memref<32x128xf32, #tpu.memory_space<vmem>>
      %dma_wait3A_1884 = arith.constant 0 : i32
      %dma_wait3A_1885 = arith.constant 0 : i32
      %dma_wait3A_1886 = tpu.memref_slice %arg5[%dma_wait3A_1884, %dma_wait3A_1885] : memref<32x1000000xf32, #tpu.memory_space<hbm>> -> memref<32x128xf32, #tpu.memory_space<hbm>>
      tpu.wait_dma2 semaphore(%arg19 : memref<!tpu.dma_semaphore, #tpu.memory_space<semaphore_mem>>) src(%dma_wait3A_1886 : memref<32x128xf32, #tpu.memory_space<hbm>>) dst(%dma_wait3A_1883 : memref<32x128xf32, #tpu.memory_space<vmem>>)
      %mul3A_1887 = arith.constant 2 : i32
      %mul3A_1888 = arith.muli %add3A_1813, %mul3A_1887 : i32
      %get3A_1889 = arith.index_cast %mul3A_1888 : i32 to index
      %get3A_1890 = tpu.vector_load %arg7[%get3A_1889] {strides = array<i32>} : memref<528xi32, #tpu.memory_space<vmem>>, vector<16xi32>,
      %rem3A_1891 = arith.constant 128 : i32
      %rem3A_1892 = vector.broadcast %rem3A_1891 : i32 to vector<16xi32>
      %rem3A_1893 = arith.remsi %get3A_1890, %rem3A_1892 : vector<16xi32>
      %get3A_1894 = arith.index_cast %mul3A_1888 : i32 to index
      %get3A_1895 = tpu.vector_load %arg8[%get3A_1894] {strides = array<i32>} : memref<528xi32, #tpu.memory_space<vmem>>, vector<16xi32>,
      %rem3A_1896 = arith.constant 128 : i32
      %rem3A_1897 = vector.broadcast %rem3A_1896 : i32 to vector<16xi32>
      %rem3A_1898 = arith.remsi %get3A_1895, %rem3A_1897 : vector<16xi32>
      %add3A_1899 = arith.constant 16 : i32
      %add3A_1900 = vector.broadcast %add3A_1899 : i32 to vector<16xi32>
      %add3A_1901 = arith.addi %iota3A, %add3A_1900 : vector<16xi32>
      %broadcast_in_dim3A_1902 = arith.constant 0 : i32
      %broadcast_in_dim3A_1903 = vector.broadcast %broadcast_in_dim3A_1902 : i32 to vector<16xi32>
      %broadcast_in_dim3A_1904 = arith.constant 1 : i32
      %broadcast_in_dim3A_1905 = vector.broadcast %broadcast_in_dim3A_1904 : i32 to vector<16xi32>
      %slice3A_1906 = vector.extract_strided_slice %rem3A_1893 {offsets = [0], sizes = [1], strides = [1]} : vector<16xi32> to vector<1xi32>
      %squeeze3A_1907 = vector.extract %slice3A_1906[0] : i32 from vector<1xi32>
      %mul3A_1908 = vector.broadcast %squeeze3A_1907 : i32 to vector<16xi32>
      %mul3A_1909 = arith.muli %broadcast_in_dim3A_1905, %mul3A_1908 : vector<16xi32>
      %broadcast_in_dim3A_1910 = arith.constant 1 : i32
      %broadcast_in_dim3A_1911 = vector.broadcast %broadcast_in_dim3A_1910 : i32 to vector<16xi32>
      %slice3A_1912 = vector.extract_strided_slice %rem3A_1898 {offsets = [0], sizes = [1], strides = [1]} : vector<16xi32> to vector<1xi32>
      %squeeze3A_1913 = vector.extract %slice3A_1912[0] : i32 from vector<1xi32>
      %mul3A_1914 = vector.broadcast %squeeze3A_1913 : i32 to vector<16xi32>
      %mul3A_1915 = arith.muli %broadcast_in_dim3A_1911, %mul3A_1914 : vector<16xi32>
      %gather3A_1916 = arith.constant 3 : i32
      %gather3A_1917 = arith.constant 0 : i32
      %gather3A_1918 = arith.constant 0 : i32
      %gather3A_1919 = arith.constant 0 : i32
      %gather3A_1920 = tpu.memref_slice %arg9[%gather3A_1916, %gather3A_1917, %gather3A_1918, %gather3A_1919] : memref<4x2x32x128xf32, #tpu.memory_space<vmem>> -> memref<1x2x32x128xf32, #tpu.memory_space<vmem>>
      %gather3A_1921 = tpu.memref_squeeze %gather3A_1920 : memref<1x2x32x128xf32, #tpu.memory_space<vmem>> -> memref<2x32x128xf32, #tpu.memory_space<vmem>>
      %gather3A_1922 = tpu.vector_load_idx %gather3A_1921[%broadcast_in_dim3A_1903, %iota3A, %mul3A_1909] : memref<2x32x128xf32, #tpu.memory_space<vmem>>[vector<16xi32>, vector<16xi32>, vector<16xi32>], vector<16xf32>,
      %gather3A_1923 = arith.constant 3 : i32
      %gather3A_1924 = arith.constant 0 : i32
      %gather3A_1925 = arith.constant 0 : i32
      %gather3A_1926 = arith.constant 0 : i32
      %gather3A_1927 = tpu.memref_slice %arg10[%gather3A_1923, %gather3A_1924, %gather3A_1925, %gather3A_1926] : memref<4x2x32x128xf32, #tpu.memory_space<vmem>> -> memref<1x2x32x128xf32, #tpu.memory_space<vmem>>
      %gather3A_1928 = tpu.memref_squeeze %gather3A_1927 : memref<1x2x32x128xf32, #tpu.memory_space<vmem>> -> memref<2x32x128xf32, #tpu.memory_space<vmem>>
      %gather3A_1929 = tpu.vector_load_idx %gather3A_1928[%broadcast_in_dim3A_1903, %iota3A, %mul3A_1915] : memref<2x32x128xf32, #tpu.memory_space<vmem>>[vector<16xi32>, vector<16xi32>, vector<16xi32>], vector<16xf32>,
      %mul3A_1930 = arith.mulf %gather3A_1922, %gather3A_1929 : vector<16xf32>
      %gather3A_1931 = arith.constant 3 : i32
      %gather3A_1932 = arith.constant 0 : i32
      %gather3A_1933 = arith.constant 0 : i32
      %gather3A_1934 = arith.constant 0 : i32
      %gather3A_1935 = tpu.memref_slice %arg9[%gather3A_1931, %gather3A_1932, %gather3A_1933, %gather3A_1934] : memref<4x2x32x128xf32, #tpu.memory_space<vmem>> -> memref<1x2x32x128xf32, #tpu.memory_space<vmem>>
      %gather3A_1936 = tpu.memref_squeeze %gather3A_1935 : memref<1x2x32x128xf32, #tpu.memory_space<vmem>> -> memref<2x32x128xf32, #tpu.memory_space<vmem>>
      %gather3A_1937 = tpu.vector_load_idx %gather3A_1936[%broadcast_in_dim3A_1903, %add3A_1901, %mul3A_1909] : memref<2x32x128xf32, #tpu.memory_space<vmem>>[vector<16xi32>, vector<16xi32>, vector<16xi32>], vector<16xf32>,
      %gather3A_1938 = arith.constant 3 : i32
      %gather3A_1939 = arith.constant 0 : i32
      %gather3A_1940 = arith.constant 0 : i32
      %gather3A_1941 = arith.constant 0 : i32
      %gather3A_1942 = tpu.memref_slice %arg10[%gather3A_1938, %gather3A_1939, %gather3A_1940, %gather3A_1941] : memref<4x2x32x128xf32, #tpu.memory_space<vmem>> -> memref<1x2x32x128xf32, #tpu.memory_space<vmem>>
      %gather3A_1943 = tpu.memref_squeeze %gather3A_1942 : memref<1x2x32x128xf32, #tpu.memory_space<vmem>> -> memref<2x32x128xf32, #tpu.memory_space<vmem>>
      %gather3A_1944 = tpu.vector_load_idx %gather3A_1943[%broadcast_in_dim3A_1903, %add3A_1901, %mul3A_1915] : memref<2x32x128xf32, #tpu.memory_space<vmem>>[vector<16xi32>, vector<16xi32>, vector<16xi32>], vector<16xf32>,
      %mul3A_1945 = arith.mulf %gather3A_1937, %gather3A_1944 : vector<16xf32>
      %add3A_1946 = arith.addf %mul3A_1930, %mul3A_1945 : vector<16xf32>
      %eq3A_1947 = arith.constant 14 : i32
      %eq3A_1948 = vector.broadcast %eq3A_1947 : i32 to vector<16xi32>
      %eq3A_1949 = arith.cmpi eq, %iota3A, %eq3A_1948 : vector<16xi32>
      %reduce_sum3A_1950 = arith.constant true
      %reduce_sum3A_1951 = vector.broadcast %reduce_sum3A_1950 : i1 to vector<16xi1>
      %reduce_sum3A_1952 = tpu.scan <sum>, %add3A_1946 masked %reduce_sum3A_1951 : vector<16xf32>, vector<16xi1> -> vector<16xf32>
      %reduce_sum3A_1953 = vector.extract %reduce_sum3A_1952[15] : f32 from vector<16xf32>
      %broadcast_in_dim3A_1954 = vector.broadcast %reduce_sum3A_1953 : f32 to vector<16xf32>
      %select_n3A_1955 = arith.select %eq3A_1949, %broadcast_in_dim3A_1954, %select_n3A_1809 : vector<16xi1>, vector<16xf32>
      %broadcast_in_dim3A_1956 = arith.constant 1 : i32
      %broadcast_in_dim3A_1957 = vector.broadcast %broadcast_in_dim3A_1956 : i32 to vector<16xi32>
      %broadcast_in_dim3A_1958 = arith.constant 1 : i32
      %broadcast_in_dim3A_1959 = vector.broadcast %broadcast_in_dim3A_1958 : i32 to vector<16xi32>
      %slice3A_1960 = vector.extract_strided_slice %rem3A_1893 {offsets = [1], sizes = [1], strides = [1]} : vector<16xi32> to vector<1xi32>
      %squeeze3A_1961 = vector.extract %slice3A_1960[0] : i32 from vector<1xi32>
      %mul3A_1962 = vector.broadcast %squeeze3A_1961 : i32 to vector<16xi32>
      %mul3A_1963 = arith.muli %broadcast_in_dim3A_1959, %mul3A_1962 : vector<16xi32>
      %broadcast_in_dim3A_1964 = arith.constant 1 : i32
      %broadcast_in_dim3A_1965 = vector.broadcast %broadcast_in_dim3A_1964 : i32 to vector<16xi32>
      %slice3A_1966 = vector.extract_strided_slice %rem3A_1898 {offsets = [1], sizes = [1], strides = [1]} : vector<16xi32> to vector<1xi32>
      %squeeze3A_1967 = vector.extract %slice3A_1966[0] : i32 from vector<1xi32>
      %mul3A_1968 = vector.broadcast %squeeze3A_1967 : i32 to vector<16xi32>
      %mul3A_1969 = arith.muli %broadcast_in_dim3A_1965, %mul3A_1968 : vector<16xi32>
      %gather3A_1970 = arith.constant 3 : i32
      %gather3A_1971 = arith.constant 0 : i32
      %gather3A_1972 = arith.constant 0 : i32
      %gather3A_1973 = arith.constant 0 : i32
      %gather3A_1974 = tpu.memref_slice %arg9[%gather3A_1970, %gather3A_1971, %gather3A_1972, %gather3A_1973] : memref<4x2x32x128xf32, #tpu.memory_space<vmem>> -> memref<1x2x32x128xf32, #tpu.memory_space<vmem>>
      %gather3A_1975 = tpu.memref_squeeze %gather3A_1974 : memref<1x2x32x128xf32, #tpu.memory_space<vmem>> -> memref<2x32x128xf32, #tpu.memory_space<vmem>>
      %gather3A_1976 = tpu.vector_load_idx %gather3A_1975[%broadcast_in_dim3A_1957, %iota3A, %mul3A_1963] : memref<2x32x128xf32, #tpu.memory_space<vmem>>[vector<16xi32>, vector<16xi32>, vector<16xi32>], vector<16xf32>,
      %gather3A_1977 = arith.constant 3 : i32
      %gather3A_1978 = arith.constant 0 : i32
      %gather3A_1979 = arith.constant 0 : i32
      %gather3A_1980 = arith.constant 0 : i32
      %gather3A_1981 = tpu.memref_slice %arg10[%gather3A_1977, %gather3A_1978, %gather3A_1979, %gather3A_1980] : memref<4x2x32x128xf32, #tpu.memory_space<vmem>> -> memref<1x2x32x128xf32, #tpu.memory_space<vmem>>
      %gather3A_1982 = tpu.memref_squeeze %gather3A_1981 : memref<1x2x32x128xf32, #tpu.memory_space<vmem>> -> memref<2x32x128xf32, #tpu.memory_space<vmem>>
      %gather3A_1983 = tpu.vector_load_idx %gather3A_1982[%broadcast_in_dim3A_1957, %iota3A, %mul3A_1969] : memref<2x32x128xf32, #tpu.memory_space<vmem>>[vector<16xi32>, vector<16xi32>, vector<16xi32>], vector<16xf32>,
      %mul3A_1984 = arith.mulf %gather3A_1976, %gather3A_1983 : vector<16xf32>
      %gather3A_1985 = arith.constant 3 : i32
      %gather3A_1986 = arith.constant 0 : i32
      %gather3A_1987 = arith.constant 0 : i32
      %gather3A_1988 = arith.constant 0 : i32
      %gather3A_1989 = tpu.memref_slice %arg9[%gather3A_1985, %gather3A_1986, %gather3A_1987, %gather3A_1988] : memref<4x2x32x128xf32, #tpu.memory_space<vmem>> -> memref<1x2x32x128xf32, #tpu.memory_space<vmem>>
      %gather3A_1990 = tpu.memref_squeeze %gather3A_1989 : memref<1x2x32x128xf32, #tpu.memory_space<vmem>> -> memref<2x32x128xf32, #tpu.memory_space<vmem>>
      %gather3A_1991 = tpu.vector_load_idx %gather3A_1990[%broadcast_in_dim3A_1957, %add3A_1901, %mul3A_1963] : memref<2x32x128xf32, #tpu.memory_space<vmem>>[vector<16xi32>, vector<16xi32>, vector<16xi32>], vector<16xf32>,
      %gather3A_1992 = arith.constant 3 : i32
      %gather3A_1993 = arith.constant 0 : i32
      %gather3A_1994 = arith.constant 0 : i32
      %gather3A_1995 = arith.constant 0 : i32
      %gather3A_1996 = tpu.memref_slice %arg10[%gather3A_1992, %gather3A_1993, %gather3A_1994, %gather3A_1995] : memref<4x2x32x128xf32, #tpu.memory_space<vmem>> -> memref<1x2x32x128xf32, #tpu.memory_space<vmem>>
      %gather3A_1997 = tpu.memref_squeeze %gather3A_1996 : memref<1x2x32x128xf32, #tpu.memory_space<vmem>> -> memref<2x32x128xf32, #tpu.memory_space<vmem>>
      %gather3A_1998 = tpu.vector_load_idx %gather3A_1997[%broadcast_in_dim3A_1957, %add3A_1901, %mul3A_1969] : memref<2x32x128xf32, #tpu.memory_space<vmem>>[vector<16xi32>, vector<16xi32>, vector<16xi32>], vector<16xf32>,
      %mul3A_1999 = arith.mulf %gather3A_1991, %gather3A_1998 : vector<16xf32>
      %add3A_2000 = arith.addf %mul3A_1984, %mul3A_1999 : vector<16xf32>
      %eq3A_2001 = arith.constant 15 : i32
      %eq3A_2002 = vector.broadcast %eq3A_2001 : i32 to vector<16xi32>
      %eq3A_2003 = arith.cmpi eq, %iota3A, %eq3A_2002 : vector<16xi32>
      %reduce_sum3A_2004 = arith.constant true
      %reduce_sum3A_2005 = vector.broadcast %reduce_sum3A_2004 : i1 to vector<16xi1>
      %reduce_sum3A_2006 = tpu.scan <sum>, %add3A_2000 masked %reduce_sum3A_2005 : vector<16xf32>, vector<16xi1> -> vector<16xf32>
      %reduce_sum3A_2007 = vector.extract %reduce_sum3A_2006[15] : f32 from vector<16xf32>
      %broadcast_in_dim3A_2008 = vector.broadcast %reduce_sum3A_2007 : f32 to vector<16xf32>
      %select_n3A_2009 = arith.select %eq3A_2003, %broadcast_in_dim3A_2008, %select_n3A_1955 : vector<16xi1>, vector<16xf32>
      %mul3A_2010 = arith.constant 16 : i32
      %mul3A_2011 = arith.muli %scan3A_415, %mul3A_2010 : i32
      %swap3A = arith.index_cast %mul3A_2011 : i32 to index
      %swap3A_2012 = tpu.vector_load %arg11[%swap3A] {strides = array<i32>} : memref<512xf32, #tpu.memory_space<vmem>>, vector<16xf32>,
      tpu.vector_store %arg11[%swap3A], %select_n3A_2009 {strides = array<i32>} : memref<512xf32, #tpu.memory_space<vmem>>, vector<16xf32>,
    }
    %scan3A_414 = arith.constant 32 : i32
    "tpu.region"() ({
      %run_scoped3A = tpu.sem_alloc : memref<!tpu.dma_semaphore, #tpu.memory_space<semaphore_mem>>
      %dma_start3A_415 = tpu.memref_slice %arg6[%mul3A_2] : memref<16384xf32, #tpu.memory_space<hbm>> -> memref<512xf32, #tpu.memory_space<hbm>>
      %dma_start3A_416 = tpu.memref_slice %arg6[%mul3A_2] : memref<16384xf32, #tpu.memory_space<hbm>> -> memref<512xf32, #tpu.memory_space<hbm>>
      tpu.enqueue_dma source(%arg11 : memref<512xf32, #tpu.memory_space<vmem>>) target(%dma_start3A_416 : memref<512xf32, #tpu.memory_space<hbm>>) target_semaphore(%run_scoped3A : memref<!tpu.dma_semaphore, #tpu.memory_space<semaphore_mem>>)
      %dma_wait3A = tpu.memref_slice %arg6[%mul3A_2] : memref<16384xf32, #tpu.memory_space<hbm>> -> memref<512xf32, #tpu.memory_space<hbm>>
      %dma_wait3A_417 = tpu.memref_slice %arg6[%mul3A_2] : memref<16384xf32, #tpu.memory_space<hbm>> -> memref<512xf32, #tpu.memory_space<hbm>>
      tpu.wait_dma2 semaphore(%run_scoped3A : memref<!tpu.dma_semaphore, #tpu.memory_space<semaphore_mem>>) src(%arg11 : memref<512xf32, #tpu.memory_space<vmem>>) dst(%dma_wait3A_417 : memref<512xf32, #tpu.memory_space<hbm>>)
      tpu.yield
    }) : () -> ()
    return
  }
}

</mosaic_0001>

<sc_bundles>
// kernel: kernel.3.cloned.1.call-start
scs
__scs_entry_jumppad:
0x0: {  	(pc) =	sbr.rel $0x88, $3  }
0x1: {  	(tag) =	ssettag $0x0;
	lr =	simm.s32 $0x1  }
0x2: {  	[smem:$0x3F9D] =	sst lr;
	_ =	strace $0xD0000000  }
0x3: {  	_ = 	snop  }
0x4: {  	_ = 	snop  }
0x5: {  	_ = 	snop  }
0x6: {  	_ = 	snop  }
0x7: {  	_ = 	snop  }
__scs_overlays_trampoline_lowered:
0x8: {  	[smem:$0x3FAC] =	sst s0  }
0x9: {  	[smem:$0x3FAD] =	sst s1  }
0xa: {  	[smem:$0x3FAE] =	sst s2  }
0xb: {  	[smem:$0x3FAF] =	sst s3  }
0xc: {  	[smem:$0x3FB0] =	sst s4  }
0xd: {  	[smem:$0x3FB1] =	sst s5  }
0xe: {  	[smem:$0x3FB2] =	sst s6  }
0xf: {  	[smem:$0x3FB3] =	sst s7  }
0x10: {  	[smem:$0x3FB4] =	sst s8  }
0x11: {  	[smem:$0x3FB5] =	sst s9;
	s0 =	simm.s32 @!p0 $0x0  }
0x12: {  	s1 =	sld [smem:$0x3F9B];
	s0 =	simm.s32 @p0 $0x1  }
0x13: {  	[smem:$0x3FB6] =	sst s0;
	s0 =	simm.s32 @!p1 $0x0  }
0x14: {  	s2 =	sld [smem:$0x3F9A];
	s0 =	simm.s32 @p1 $0x1  }
0x15: {  	[smem:$0x3FB7] =	sst s0;
	s0 =	simm.s32 @!p2 $0x0  }
0x16: {  	s3 =	sld [smem:$0x3FDB];
	s0 =	simm.s32 @p2 $0x1  }
0x17: {  	s4 =	simm.s32 $0x1BF5;
	[smem:$0x3FB9] =	sst s0  }
0x18: {  	s0 =	sld [smem:$0x3F9C];
	_ =	swait.ge [sflag:s4], $0x0  }
0x19: {  	s7 =	sld [smem:$0x3F9D]  }
0x1a: {  	s8 =	sadd.s32 $0xFFFFE003, lr  }
0x1b: {  	s9 =	sadd.s32 $0xFFFFFEF7, lr;
	s5 =	simm.s32 $0xFFFFFFFF;
	p2 =	slt.u32 s8, $0xFFFFF086  }
0x1c: {  	p1 =	slt.u32 s9, $0xF7A;
	s5 =	simm.s32 @!p2 $0x0  }
0x1d: {  	s5 =	simm.s32 @p1 $0x1;
	p0 =	seq.s32 s7, s2  }
0x1e: {  	s7 =	smul.u32 @!p0 $0xF7A, s2;
	p2 =	seq.s32 @!p0 s5, $0x0  }
0x1f: {  	s9 =	smul.u32 $0xF7A, s1;
	s8 =	simm.s32 @!p0 $0x1BF5;
	p2 =	por !p2, p0  }
0x20: {  	[sflag:s8] =	ssyncset.s32 @!p0 $0xFFFFF086;
	s6 =	sadd.s32 @!p0 s3, s7;
	s7 =	simm.s32 @!p0 $0x108  }
0x21: {  	s3 =	sadd.s32 s3, s9;
	s6 =	sadd.s32 @!p0 $0x88, s6;
	s7 =	simm.s32 @p2 $0x1082  }
0x22: {  	[simem:s7], [sflag:s8] =	dma.local @!p0 [hbm:s6], $0xF7A  }
0x23: {  	s9 =	sor.u32 $0xD0000000, s2;
	s6 =	simm.s32 $0x108;
	_ =	swait.ge @!p0 [sflag:s8], $0x0  }
0x24: {  	s3 =	sadd.s32 $0x88, s3;
	s6 =	simm.s32 @!p1 $0x1082;
	[sflag:s4] =	ssyncset.s32 $0xFFFFF086  }
0x25: {  	[simem:s6], [sflag:s4] =	dma.local [hbm:s3], $0xF7A  }
0x26: {  	[smem:$0x3F9D] =	sst s1;
	(tag) =	ssettag s2;
	_ =	strace s9  }
0x27: {  	s1 =	sld [smem:$0x3FAD]  }
0x28: {  	s2 =	sld [smem:$0x3FAE]  }
0x29: {  	s4 =	sld [smem:$0x3FB0]  }
0x2a: {  	p0 =	seq.s32 s5, $0x0;
	s5 =	sld [smem:$0x3FB1]  }
0x2b: {  	s6 =	sld [smem:$0x3FB2]  }
0x2c: {  	s7 =	sld [smem:$0x3FB3]  }
0x2d: {  	s3 =	simm.s32 $0x108;
	s8 =	sld [smem:$0x3FB4]  }
0x2e: {  	s3 =	simm.s32 @!p0 $0x1082;
	s9 =	sld [smem:$0x3FB5]  }
0x2f: {  	lr =	sadd.s32 s0, s3;
	s0 =	sld [smem:$0x3FAC]  }
0x30: {  	s3 =	sld [smem:$0x3FAF]  }
0x31: {  	[smem:$0x3FB8] =	sst s10  }
0x32: {  	s10 =	sld [smem:$0x3FB6];
	_ =	sdelay $0x3  }
0x33: {  	p0 =	seq.s32 s10, $0x1;
	s10 =	sld [smem:$0x3FB8];
	_ =	sdelay $0x3  }
0x34: {  	[smem:$0x3FB8] =	sst s10  }
0x35: {  	s10 =	sld [smem:$0x3FB7];
	_ =	sdelay $0x3  }
0x36: {  	p1 =	seq.s32 s10, $0x1;
	s10 =	sld [smem:$0x3FB8];
	_ =	sdelay $0x3  }
0x37: {  	[smem:$0x3FB8] =	sst s10  }
0x38: {  	s10 =	sld [smem:$0x3FB9]  }
0x39: {  	_ = 	snop;
	(pc) =	sbr.ind lr, $3  }
0x3a: {  	_ = 	snop  }
0x3b: {  	_ = 	snop  }
0x3c: {  	p2 =	seq.s32 s10, $0x1;
	s10 =	sld [smem:$0x3FB8]  }
0x3d: {  	_ =	shalt  }
0x3e: {  	_ =	shalt  }
0x3f: {  	_ =	shalt  }
0x40: {  	_ =	shalt  }
0x41: {  	_ =	shalt  }
0x42: {  	_ =	shalt  }
0x43: {  	_ =	shalt  }
0x44: {  	_ =	shalt  }
0x45: {  	_ =	shalt  }
0x46: {  	_ =	shalt  }
0x47: {  	_ =	shalt  }
0x48: {  	_ =	shalt  }
0x49: {  	_ =	shalt  }
0x4a: {  	_ =	shalt  }
0x4b: {  	_ =	shalt  }
0x4c: {  	_ =	shalt  }
0x4d: {  	_ =	shalt  }
0x4e: {  	_ =	shalt  }
0x4f: {  	_ =	shalt  }
0x50: {  	_ =	shalt  }
0x51: {  	_ =	shalt  }
0x52: {  	_ =	shalt  }
0x53: {  	_ =	shalt  }
0x54: {  	_ =	shalt  }
0x55: {  	_ =	shalt  }
0x56: {  	_ =	shalt  }
0x57: {  	_ =	shalt  }
0x58: {  	_ =	shalt  }
0x59: {  	_ =	shalt  }
0x5a: {  	_ =	shalt  }
0x5b: {  	_ =	shalt  }
0x5c: {  	_ =	shalt  }
0x5d: {  	_ =	shalt  }
0x5e: {  	_ =	shalt  }
0x5f: {  	_ =	shalt  }
0x60: {  	_ =	shalt  }
0x61: {  	_ =	shalt  }
0x62: {  	_ =	shalt  }
0x63: {  	_ =	shalt  }
0x64: {  	_ =	shalt  }
0x65: {  	_ =	shalt  }
0x66: {  	_ =	shalt  }
0x67: {  	_ =	shalt  }
0x68: {  	_ =	shalt  }
0x69: {  	_ =	shalt  }
0x6a: {  	_ =	shalt  }
0x6b: {  	_ =	shalt  }
0x6c: {  	_ =	shalt  }
0x6d: {  	_ =	shalt  }
0x6e: {  	_ =	shalt  }
0x6f: {  	_ =	shalt  }
0x70: {  	_ =	shalt  }
0x71: {  	_ =	shalt  }
0x72: {  	_ =	shalt  }
0x73: {  	_ =	shalt  }
0x74: {  	_ =	shalt  }
0x75: {  	_ =	shalt  }
0x76: {  	_ =	shalt  }
0x77: {  	_ =	shalt  }
0x78: {  	_ =	shalt  }
0x79: {  	_ =	shalt  }
0x7a: {  	_ =	shalt  }
0x7b: {  	_ =	shalt  }
0x7c: {  	_ =	shalt  }
0x7d: {  	_ =	shalt  }
0x7e: {  	_ =	shalt  }
0x7f: {  	_ =	shalt  }
0x80: {  	_ =	shalt  }
0x81: {  	_ =	shalt  }
0x82: {  	_ =	shalt  }
0x83: {  	_ =	shalt  }
0x84: {  	_ =	shalt  }
0x85: {  	_ =	shalt  }
0x86: {  	_ =	shalt  }
0x87: {  	_ =	shalt  }
.Lfunc_end0:
.L_simem_size_0:
called_computation_lowered:
.L_overlay_start_0:
0x88: {  	s2 =	sld [smem:$0x3FD9]  }
0x89: {  	s3 =	sld [smem:$0x3FFE];
	_ =	sdelay $0x1  }
0x8a: {  	s1 =	srdreg.scid  }
0x8b: {  	s0 =	sand.u32 $0x1, s1  }
0x8c: {  	s18 =	sshll.u32 s0, $0xA;
	s2 =	sadd.s32 s3, s2  }
0x8d: {  	s2 =	sadd.s32 s2, s18  }
0x8e: {  	[smem:$0x3FC4] =	sst s2  }
0x8f: {  	_ = 	snop  }
0x90: {  	s2 =	sld [smem:$0x3FC9]  }
0x91: {  	s19 =	sld [smem:$0x3FC8]  }
0x92: {  	s4 =	sld [smem:$0x3FC7]  }
0x93: {  	s5 =	sld [smem:$0x3FC6]  }
0x94: {  	s6 =	sld [smem:$0x3FD0];
	(tm) =	ssettm $0x1  }
0x95: {  	s7 =	sld [smem:$0x3FFB];
	_ =	sdelay $0x3  }
0x96: {  	_ =	strace s7  }
0x97: {  	s7 =	sld [smem:$0x3FFC];
	_ =	sdelay $0x3  }
0x98: {  	_ =	strace s7  }
0x99: {  	s7 =	sld [smem:$0x3FFD];
	_ =	sdelay $0x3  }
0x9a: {  	_ =	strace s7  }
0x9b: {  	_ =	strace $0x8FFFFFFF  }
0x9c: {  	s20 =	sld [smem:$0x3FDB];
	_ =	sdelay $0x1  }
0x9d: {  	s8 =	simm.s32 $_scs_section_size  }
0x9e: {  	s9 =	simm.s32 $_size__tile_overlayer_lowered;
	s10 =	simm.s32 $_tile_overlayer_lowered  }
0x9f: {  	s23 =	simm.s32 $0x1BFF;
	s22 =	sshll.u32 s10, $0x1;
	s7 =	sadd.s32 s8, s20  }
0xa0: {  	s11 =	simm.s32 $0x0;
	s21 =	sshll.u32 s9, $0x1;
	s9 =	sadd.s32 s22, s7  }
0xa1: {  	[timem:s11], [sflag:s23] =	dma.local [hbm:s9], s21  }
0xa2: {  	_ =	swait.ge [sflag:s23], s21  }
0xa3: {  	s8 =	ssub.s32 $0x0, s21;
	[sflag:s23] =	ssyncset.done $0x0  }
0xa4: {  	[sflag:s23] =	ssyncadd.s32 s8;
	_ =	sdelay $0x1  }
0xa5: {  	s24 =	simm.s32 $0x1B8B  }
0xa6: {  	_ =	swait.ge [sflag:s24], $0x1  }
0xa7: {  	[sflag:s24] =	ssyncset.done $0x0  }
0xa8: {  	s25 =	simm.s32 $0x1B8E;
	[sflag:s24] =	ssyncadd.s32 $0xFFFFFFFF  }
0xa9: {  	s26 =	simm.s32 $execute0_lowered;
	[smem:$0x3FD2] =	sst s25  }
0xaa: {  	s8 =	sshll.u32 s26, $0x1;
	_ =	strace $0x80000046;
	[dreg:$0x1] =	wrdreg $0xFFFFFFFF  }
0xab: {  	s28 =	simm.s32 $_size_execute0_lowered;
	s7 =	sadd.s32 s7, s8;
	[dreg:$0x0] =	wrdreg $0x0  }
0xac: {  	s8 =	sshll.u32 s28, $0x1;
	[dreg:$0x2] =	wrdreg s7  }
0xad: {  	[dreg:$0x3] =	wrdreg s8  }
0xae: {  	[dreg:$0x4] =	wrdreg $0xC0  }
0xaf: {  	_ =	task [dreg:s11], $0x5FFFF  }
0xb0: {  	[dreg:$0x1] =	wrdreg $0xFFFFFFFF  }
0xb1: {  	[dreg:$0x0] =	wrdreg $0x60  }
0xb2: {  	[dreg:$0x2] =	wrdreg s2  }
0xb3: {  	[dreg:$0x3] =	wrdreg s19  }
0xb4: {  	[dreg:$0x4] =	wrdreg s4  }
0xb5: {  	[dreg:$0x5] =	wrdreg s5  }
0xb6: {  	[dreg:$0x6] =	wrdreg s6  }
0xb7: {  	[dreg:$0x7] =	wrdreg $0x9  }
0xb8: {  	_ =	task.clear_ibuf [dreg:s11], $0x8FFFF;
	_ =	strace $0x90000046  }
0xb9: {  	s29 =	simm.s32 $0x9;
	_ =	strace $0x80000048  }
0xba: {  	_ =	swait.ge [sflag:s29], $0x1  }
0xbb: {  	[sflag:s29] =	ssyncadd.s32 $0xFFFFFFFF  }
0xbc: {  	_ =	strace $0x90000048  }
0xbd: {  	_ =	sfence  }
0xbe: {  	s30 =	sld [smem:$0x0];
	_ =	sdelay $0x2  }
0xbf: {  	s31 =	sshll.u32 s1, $0xD;
	s1 =	sshrl.u32 s1, $0x2  }
0xc0: {  	s3 =	sand.u32 $0x4000, s31;
	s1 =	sadd.s32 s1, s30  }
0xc1: {  	s0 =	sor.u32 s3, s0;
	s1 =	sshll.u32 s1, $0x11  }
0xc2: {  	s0 =	sor.u32 s1, s0  }
0xc3: {  	s0 =	sadd.s32 $0x8F2B, s0  }
0xc4: {  	[sflag:s0] =	ssyncadd.remote.s32 $0x1  }
0xc5: {  	_ =	sfence.sel $0xFFFF  }
0xc6: {  	[dreg:$0x0] =	wrdreg $0xFFFFFFFF;
	(pc) =	sbr.abs _section_cstart, $3  }
0xc7: {  	[dreg:$0x1] =	wrdreg $0xFFFFFFFF  }
0xc8: {  	_ =	task.clear_ibuf [dreg:s11], $0x2FFFF;
	_ =	strace $0x9FFFFFFF  }
0xc9: {  	(tm) =	ssettm $0x7FFFFFFF  }
tec
execute0_lowered:
.L_overlay_start_1:
0x0: {  	(tag) =	ssettag $0x1  }
0x1: {  	s0 =	rddreg [dreg:$0x0]  }
0x2: {  	s3 =	rddreg [dreg:$0x1]  }
0x3: {  	s1 =	rddreg [dreg:$0x2]  }
0x4: {  	s2 =	rddreg [dreg:$0x3]  }
0x5: {  	s4 =	rddreg [dreg:$0x4];
	s5 =	srdreg.scid;
	s9 =	simm.s32 $0x0  }
0x6: {  	s7 =	stileid.u32;
	s11 =	simm.s32 $0x400;
	s12 =	simm.s32 $0x7A1400  }
0x7: {  	s13 =	simm.s32 $0x500;
	s14 =	simm.s32 $0x8500;
	s16 =	simm.s32 $0x1500  }
0x8: {  	s19 =	simm.s32 $0x9500;
	s17 =	simm.s32 $0x2500;
	s18 =	simm.s32 $0xA500  }
0x9: {  	s20 =	simm.s32 $0x3500;
	s21 =	simm.s32 $0x4500;
	s22 =	simm.s32 $0xC500  }
0xa: {  	s28 =	simm.s32 $0x7500;
	s29 =	simm.s32 $0xF500;
	s30 =	simm.s32 $0x1  }
0xb: {  	s31 =	simm.s32 $0x2;
	s10 =	simm.s32 $0x5;
	s15 =	simm.s32 $0x0  }
0xc: {  	s23 =	simm.s32 $0xD500;
	s5 =	sand.u32 $0x1, s5;
	s7 =	sshll.u32 s7, $0x7  }
0xd: {  	v0 =	vlaneseq.u32;
	v1 =	vimm.s32 $0x0;
	vm0 =	vmmov $0x1;
	[smem:$0x7FF] =	sst s9;
	s6 =	ssub.s32 $0x2, s5;
	s5 =	sshll.u32 s5, $0x6  }
0xe: {  	vm1 =	vmmov $0x3;
	vm2 =	vmmov $0x7;
	vm3 =	vmmov $0xf;
	_ =	strace $0x80000047;
	s8 =	sshrl.u32 s6, $0x1;
	s5 =	sor.u32 s5, s7  }
0xf: {  	vm4 =	vmmov $0x1f;
	vm5 =	vmmov $0x3f;
	vm6 =	vmmov $0x7f;
	s7 =	simm.s32 $0x8;
	s6 =	ssub.s32 s6, s8;
	s0 =	sadd.s32 s0, s5  }
0x10: {  	vm7 =	vmmov $0xff;
	vm10 =	vmmov $0x7ff;
	v5 =	vimm.s32 $0x0;
	s24 =	sadd.s32 s3, s5;
	s25 =	sadd.s32 s4, s5;
	[dreg:$0x6] =	wrdreg s0  }
0x11: {  	vm8 =	vmmov $0x1ff;
	vm11 =	vcmask $0x2B28;
	v5 =	vsel vm10, $0xFFFFFFFF, v5;
	s8 =	simm.s32 $0x9;
	s3 =	simm.s32 $0x4;
	[dreg:$0x7] =	wrdreg s24  }
0x12: {  	vm14 =	vmmov $0x7fff;
	v0 =	vmul.u32 $0x80, v0;
	[tilespmem:$0x1FFE0] =	vst v5;
	v5 =	vimm.s32 $0x0;
	s5 =	simm.s32 $0x6;
	[dreg:$0x8] =	wrdreg s25;
	s26 =	smax.u32 s6, $0x1  }
0x13: {  	vm13 =	vmmov $0x1fff;
	vm12 =	vcmask $0x3B38;
	v5 =	vsel vm14, $0xFFFFFFFF, v5;
	s25 =	simm.s32 $0x6500;
	s0 =	simm.s32 $0x3;
	s6 =	simm.s32 $0x7  }
0x14: {  	v2 =	vor.u32 $0x800, v0;
	v3 =	vor.u32 $0x1000, v0;
	v4 =	vor.u32 $0x1800, v0;
	[tilespmem:$0x1FFF0] =	vst v5;
	s24 =	simm.s32 $0x5500;
	[dreg:$0x9] =	wrdreg s26;
	s26 =	simm.s32 $0xE500  }
.LBB2_1:
0x15: {  	[dreg:$0xa] =	wrdreg s15  }
0x16: {  	s4 =	rddreg [dreg:$0x6]  }
0x17: {  	[tilespmem:s9], [sflag:$0x9] =	stream.linear.gather [hbm4b:s4+s9], $0x200, $0x38;
	[tilespmem:$0x10700] =	vst v63  }
0x18: {  	_ =	swait.ge [sflag:s8], $0x200  }
0x19: {  	[sflag:s8] =	ssyncset.done $0x0  }
0x1a: {  	s15 =	simm.s32 $0x280;
	s4 =	rddreg [dreg:$0x7];
	[sflag:s8] =	ssyncadd.s32 $0xFFFFFE00  }
0x1b: {  	[tilespmem:s15], [sflag:$0x9] =	stream.linear.gather [hbm4b:s4+s9], $0x200, $0x38;
	[tilespmem:$0x10700] =	vst v63  }
0x1c: {  	_ =	swait.ge [sflag:s8], $0x200  }
0x1d: {  	[sflag:s8] =	ssyncset.done $0x0  }
0x1e: {  	[sflag:s8] =	ssyncadd.s32 $0xFFFFFE00  }
0x1f: {  	v5 =	vld [tilespmem:$0x0]  }
0x20: {  	v6 =	vld [tilespmem:$0x280];
	_ =	sdelay $0x3  }
0x21: {  	v7 =	vshra.s32 v5, $0x1F;
	v8 =	vand.u32 $0x7F, v5  }
0x22: {  	vm15 =	vlt.s32 v5, $0x1;
	v59 =	vshra.s32 v6, $0x1F;
	v7 =	vshrl.u32 v7, $0x19  }
0x23: {  	vm9 =	vne.s32 v8, $0x0;
	v8 =	vshrl.u32 v59, $0x19;
	v7 =	vadd.s32 v7, v5  }
0x24: {  	v5 =	vand.u32 $0x7F, v6;
	vm9 =	vmand vm15, vm9;
	v7 =	vshrl.u32 v7, $0x7  }
0x25: {  	vm15 =	vne.s32 v5, $0x0;
	v5 =	vsel vm9, $0xFFFFFFFF, v1;
	vm9 =	vlt.s32 v6, $0x1  }
0x26: {  	v6 =	vadd.s32 v8, v6;
	v5 =	vadd.s32 v5, v7;
	vm9 =	vmand vm9, vm15  }
0x27: {  	v6 =	vshrl.u32 v6, $0x7;
	v5 =	vshll.u32 v5, $0x7;
	v7 =	vsel vm9, $0xFFFFFFFF, v1  }
0x28: {  	v6 =	vadd.s32 v7, v6;
	v5 =	vadd.s32 s1, v5  }
0x29: {  	v6 =	vshll.u32 v6, $0x7;
	(v2sf) =	vpush v5, $0x0  }
0x2a: {  	v6 =	vadd.s32 s2, v6  }
0x2b: {  	(v2sf) =	vpush v6, $0x0;
	_ =	sdelay $0x1  }
0x2c: {  	(v2sf) =	vpush v5, $0x1;
	_ =	sdelay $0x1  }
0x2d: {  	(v2sf) =	vpush v6, $0x1;
	_ =	sdelay $0x8  }
0x2e: {  	s15 =	spop (v2sf)  }
0x2f: {  	[tilespmem:s13], [sflag:$0x1] =	stream.strided.gather [hbm4b:s15+s11], $0x1000, s12, s11, $0x38;
	[tilespmem:$0x10700] =	vst v63  }
0x30: {  	s8 =	spop (v2sf)  }
0x31: {  	[tilespmem:s14], [sflag:$0x2] =	stream.strided.gather [hbm4b:s8+s11], $0x1000, s12, s11, $0x38;
	[tilespmem:$0x10700] =	vst v63  }
0x32: {  	s9 =	spop (v2sf)  }
0x33: {  	[tilespmem:s16], [sflag:$0x1] =	stream.strided.gather [hbm4b:s9+s11], $0x1000, s12, s11, $0x38;
	[tilespmem:$0x10700] =	vst v63  }
0x34: {  	s15 =	spop (v2sf)  }
0x35: {  	[tilespmem:s19], [sflag:$0x2] =	stream.strided.gather [hbm4b:s15+s11], $0x1000, s12, s11, $0x38;
	[tilespmem:$0x10700] =	vst v63  }
0x36: {  	v5 =	vld [tilespmem:$0x2]  }
0x37: {  	v6 =	vld [tilespmem:$0x282];
	_ =	sdelay $0x3  }
0x38: {  	v7 =	vshra.s32 v5, $0x1F;
	v60 =	vand.u32 $0x7F, v5  }
0x39: {  	vm9 =	vlt.s32 v5, $0x1;
	v61 =	vshra.s32 v6, $0x1F;
	v7 =	vshrl.u32 v7, $0x19  }
0x3a: {  	vm15 =	vne.s32 v60, $0x0;
	v8 =	vshrl.u32 v61, $0x19;
	v7 =	vadd.s32 v7, v5  }
0x3b: {  	v5 =	vand.u32 $0x7F, v6;
	vm9 =	vmand vm9, vm15;
	v7 =	vshrl.u32 v7, $0x7  }
0x3c: {  	vm15 =	vne.s32 v5, $0x0;
	v5 =	vsel vm9, $0xFFFFFFFF, v1;
	vm9 =	vlt.s32 v6, $0x1  }
0x3d: {  	v6 =	vadd.s32 v8, v6;
	v5 =	vadd.s32 v5, v7;
	vm9 =	vmand vm9, vm15  }
0x3e: {  	v6 =	vshrl.u32 v6, $0x7;
	v5 =	vshll.u32 v5, $0x7;
	v7 =	vsel vm9, $0xFFFFFFFF, v1  }
0x3f: {  	v6 =	vadd.s32 v7, v6;
	v5 =	vadd.s32 s1, v5  }
0x40: {  	v6 =	vshll.u32 v6, $0x7;
	(v2sf) =	vpush v5, $0x0  }
0x41: {  	v6 =	vadd.s32 s2, v6  }
0x42: {  	(v2sf) =	vpush v6, $0x0;
	_ =	sdelay $0x1  }
0x43: {  	(v2sf) =	vpush v5, $0x1;
	_ =	sdelay $0x1  }
0x44: {  	(v2sf) =	vpush v6, $0x1;
	_ =	sdelay $0x8  }
0x45: {  	s8 =	spop (v2sf)  }
0x46: {  	[tilespmem:s17], [sflag:$0x3] =	stream.strided.gather [hbm4b:s8+s11], $0x1000, s12, s11, $0x38;
	[tilespmem:$0x10700] =	vst v63  }
0x47: {  	s9 =	spop (v2sf)  }
0x48: {  	[tilespmem:s18], [sflag:$0x4] =	stream.strided.gather [hbm4b:s9+s11], $0x1000, s12, s11, $0x38;
	[tilespmem:$0x10700] =	vst v63  }
0x49: {  	s15 =	spop (v2sf)  }
0x4a: {  	[tilespmem:s20], [sflag:$0x3] =	stream.strided.gather [hbm4b:s15+s11], $0x1000, s12, s11, $0x38;
	[tilespmem:$0x10700] =	vst v63  }
0x4b: {  	s9 =	simm.s32 $0xB500;
	s8 =	spop (v2sf)  }
0x4c: {  	[tilespmem:s9], [sflag:$0x4] =	stream.strided.gather [hbm4b:s8+s11], $0x1000, s12, s11, $0x38;
	[tilespmem:$0x10700] =	vst v63  }
0x4d: {  	v5 =	vld [tilespmem:$0x4]  }
0x4e: {  	v6 =	vld [tilespmem:$0x284];
	_ =	sdelay $0x3  }
0x4f: {  	v7 =	vshra.s32 v5, $0x1F;
	v62 =	vand.u32 $0x7F, v5  }
0x50: {  	vm9 =	vlt.s32 v5, $0x1;
	v63 =	vshra.s32 v6, $0x1F;
	v7 =	vshrl.u32 v7, $0x19  }
0x51: {  	vm15 =	vne.s32 v62, $0x0;
	v8 =	vshrl.u32 v63, $0x19;
	v7 =	vadd.s32 v7, v5  }
0x52: {  	v5 =	vand.u32 $0x7F, v6;
	vm9 =	vmand vm9, vm15;
	v7 =	vshrl.u32 v7, $0x7  }
0x53: {  	vm15 =	vne.s32 v5, $0x0;
	v5 =	vsel vm9, $0xFFFFFFFF, v1;
	vm9 =	vlt.s32 v6, $0x1  }
0x54: {  	v6 =	vadd.s32 v8, v6;
	v5 =	vadd.s32 v5, v7;
	vm9 =	vmand vm9, vm15  }
0x55: {  	v6 =	vshrl.u32 v6, $0x7;
	v5 =	vshll.u32 v5, $0x7;
	v7 =	vsel vm9, $0xFFFFFFFF, v1  }
0x56: {  	v6 =	vadd.s32 v7, v6;
	v5 =	vadd.s32 s1, v5  }
0x57: {  	v6 =	vshll.u32 v6, $0x7;
	(v2sf) =	vpush v5, $0x0  }
0x58: {  	v6 =	vadd.s32 s2, v6  }
0x59: {  	(v2sf) =	vpush v6, $0x0;
	_ =	sdelay $0x1  }
0x5a: {  	(v2sf) =	vpush v5, $0x1;
	_ =	sdelay $0x1  }
0x5b: {  	(v2sf) =	vpush v6, $0x1;
	_ =	sdelay $0x8  }
0x5c: {  	s15 =	spop (v2sf)  }
0x5d: {  	[tilespmem:s21], [sflag:$0x5] =	stream.strided.gather [hbm4b:s15+s11], $0x1000, s12, s11, $0x38;
	[tilespmem:$0x10700] =	vst v63  }
0x5e: {  	s8 =	spop (v2sf)  }
0x5f: {  	[tilespmem:s22], [sflag:$0x6] =	stream.strided.gather [hbm4b:s8+s11], $0x1000, s12, s11, $0x38;
	[tilespmem:$0x10700] =	vst v63  }
0x60: {  	s9 =	spop (v2sf)  }
0x61: {  	[tilespmem:s24], [sflag:$0x5] =	stream.strided.gather [hbm4b:s9+s11], $0x1000, s12, s11, $0x38;
	[tilespmem:$0x10700] =	vst v63  }
0x62: {  	s4 =	simm.s32 $0x0;
	s15 =	spop (v2sf)  }
0x63: {  	[tilespmem:s23], [sflag:$0x6] =	stream.strided.gather [hbm4b:s15+s11], $0x1000, s12, s11, $0x38;
	[tilespmem:$0x10700] =	vst v63  }
.LBB2_2:
0x64: {  	s9 =	sshra.s32 s4, $0x2  }
0x65: {  	v5 =	vld [tilespmem:s9+$0x6]  }
0x66: {  	v6 =	vld [tilespmem:s9+$0x286];
	_ =	sdelay $0x3  }
0x67: {  	v7 =	vshra.s32 v5, $0x1F;
	v8 =	vand.u32 $0x7F, v5  }
0x68: {  	vm9 =	vlt.s32 v5, $0x1;
	v61 =	vshra.s32 v6, $0x1F;
	v9 =	vand.u32 $0x7F, v6  }
0x69: {  	v7 =	vshrl.u32 v7, $0x19;
	vm15 =	vne.s32 v8, $0x0;
	v8 =	vshrl.u32 v61, $0x19  }
0x6a: {  	v7 =	vadd.s32 v7, v5;
	vm9 =	vmand vm9, vm15;
	vm15 =	vne.s32 v9, $0x0  }
0x6b: {  	v5 =	vshrl.u32 v7, $0x7;
	v7 =	vsel vm9, $0xFFFFFFFF, v1;
	vm9 =	vlt.s32 v6, $0x1  }
0x6c: {  	v6 =	vadd.s32 v8, v6;
	v5 =	vadd.s32 v7, v5;
	vm9 =	vmand vm9, vm15  }
0x6d: {  	v6 =	vshrl.u32 v6, $0x7;
	v5 =	vshll.u32 v5, $0x7;
	v7 =	vsel vm9, $0xFFFFFFFF, v1  }
0x6e: {  	v6 =	vadd.s32 v7, v6;
	v5 =	vadd.s32 s1, v5  }
0x6f: {  	v6 =	vshll.u32 v6, $0x7;
	(v2sf) =	vpush v5, $0x0  }
0x70: {  	v6 =	vadd.s32 s2, v6  }
0x71: {  	(v2sf) =	vpush v6, $0x0;
	_ =	sdelay $0x1  }
0x72: {  	(v2sf) =	vpush v5, $0x1;
	_ =	sdelay $0x1  }
0x73: {  	(v2sf) =	vpush v6, $0x1;
	_ =	sdelay $0x8  }
0x74: {  	s8 =	spop (v2sf)  }
0x75: {  	[tilespmem:s25], [sflag:$0x7] =	stream.strided.gather [hbm4b:s8+s11], $0x1000, s12, s11, $0x38;
	[tilespmem:$0x10700] =	vst v63  }
0x76: {  	s15 =	spop (v2sf)  }
0x77: {  	[tilespmem:s26], [sflag:$0x8] =	stream.strided.gather [hbm4b:s15+s11], $0x1000, s12, s11, $0x38;
	[tilespmem:$0x10700] =	vst v63  }
0x78: {  	s15 =	spop (v2sf)  }
0x79: {  	[tilespmem:s28], [sflag:$0x7] =	stream.strided.gather [hbm4b:s15+s11], $0x1000, s12, s11, $0x38;
	[tilespmem:$0x10700] =	vst v63  }
0x7a: {  	s15 =	spop (v2sf)  }
0x7b: {  	[tilespmem:s29], [sflag:$0x8] =	stream.strided.gather [hbm4b:s15+s11], $0x1000, s12, s11, $0x38;
	[tilespmem:$0x10700] =	vst v63  }
0x7c: {  	_ =	swait.ge [sflag:s30], $0x1000  }
0x7d: {  	[sflag:s30] =	ssyncset.done $0x0  }
0x7e: {  	[sflag:s30] =	ssyncadd.s32 $0xFFFFF000  }
0x7f: {  	_ =	swait.ge [sflag:s31], $0x1000  }
0x80: {  	[sflag:s31] =	ssyncset.done $0x0  }
0x81: {  	[sflag:s31] =	ssyncadd.s32 $0xFFFFF000  }
0x82: {  	_ =	swait.ge [sflag:s30], $0x1000  }
0x83: {  	[sflag:s30] =	ssyncset.done $0x0  }
0x84: {  	[sflag:s30] =	ssyncadd.s32 $0xFFFFF000  }
0x85: {  	_ =	swait.ge [sflag:s31], $0x1000  }
0x86: {  	[sflag:s31] =	ssyncset.done $0x0  }
0x87: {  	[sflag:s31] =	ssyncadd.s32 $0xFFFFF000  }
0x88: {  	v5 =	vld [tilespmem:s9+$0x0]  }
0x89: {  	v6 =	vld [tilespmem:s9+$0x280]  }
0x8a: {  	v63 =	vld [tilespmem:s9+$0x8];
	_ =	sdelay $0x2  }
0x8b: {  	v12 =	vld [tilespmem:s9+$0x288];
	v7 =	vshra.s32 v5, $0x1F  }
0x8c: {  	v62 =	vshra.s32 v6, $0x1F;
	v7 =	vshrl.u32 v7, $0x19  }
0x8d: {  	v15 =	vshra.s32 v63, $0x1F;
	v8 =	vshrl.u32 v62, $0x19;
	v7 =	vadd.s32 v7, v5  }
0x8e: {  	v16 =	vand.u32 $0x7F, v63;
	v8 =	vadd.s32 v8, v6;
	v7 =	vand.u32 $0xFFFFFF80, v7  }
0x8f: {  	vm9 =	vlt.s32 v63, $0x1;
	v5 =	vsub.s32 v5, v7;
	v7 =	vand.u32 $0xFFFFFF80, v8  }
0x90: {  	v22 =	vshra.s32 v12, $0x1F;
	v6 =	vsub.s32 v6, v7;
	v7 =	vbroadcast v5, $0x0  }
0x91: {  	v17 =	vand.u32 $0x7F, v12;
	v15 =	vshrl.u32 v15, $0x19;
	vm15 =	vne.s32 v16, $0x0  }
0x92: {  	v16 =	vshrl.u32 v22, $0x19;
	v5 =	vbroadcast v5, $0x1;
	v10 =	vadd.s32 v0, v7  }
0x93: {  	v15 =	vadd.s32 v15, v63;
	vm9 =	vmand vm9, vm15;
	v7 =	vadd.s32 v2, v7  }
0x94: {  	vm15 =	vne.s32 v17, $0x0;
	v19 =	vbroadcast v6, $0x0;
	v13 =	vadd.s32 v3, v5  }
0x95: {  	v20 =	vshrl.u32 v15, $0x7;
	v21 =	vsel vm9, $0xFFFFFFFF, v1;
	v5 =	vadd.s32 v4, v5  }
0x96: {  	vm9 =	vlt.s32 v12, $0x1;
	v6 =	vbroadcast v6, $0x1;
	v11 =	vadd.s32 v0, v19  }
0x97: {  	v12 =	vadd.s32 v16, v12;
	v8 =	vadd.s32 v21, v20;
	v9 =	vadd.s32 v2, v19;
	v10 =	vld.idx.msk [tilespmem:v10+s13+$0x0], $0xffff  }
0x98: {  	vm9 =	vmand vm9, vm15;
	v12 =	vshrl.u32 v12, $0x7;
	v14 =	vadd.s32 v3, v6;
	v7 =	vld.idx.msk [tilespmem:v7+s13+$0x0], $0xffff  }
0x99: {  	v8 =	vshll.u32 v8, $0x7;
	v23 =	vsel vm9, $0xFFFFFFFF, v1;
	v6 =	vadd.s32 v4, v6;
	v13 =	vld.idx.msk [tilespmem:v13+s13+$0x0], $0xffff  }
0x9a: {  	v12 =	vadd.s32 v23, v12;
	v8 =	vadd.s32 s1, v8;
	v5 =	vld.idx.msk [tilespmem:v5+s13+$0x0], $0xffff  }
0x9b: {  	v12 =	vshll.u32 v12, $0x7;
	(v2sf) =	vpush v8, $0x0;
	v11 =	vld.idx.msk [tilespmem:v11+s14+$0x0], $0xffff  }
0x9c: {  	v12 =	vadd.s32 s2, v12;
	v9 =	vld.idx.msk [tilespmem:v9+s14+$0x0], $0xffff  }
0x9d: {  	(v2sf) =	vpush v12, $0x0;
	v14 =	vld.idx.msk [tilespmem:v14+s14+$0x0], $0xffff  }
0x9e: {  	v6 =	vld.idx.msk [tilespmem:v6+s14+$0x0], $0xffff  }
0x9f: {  	(v2sf) =	vpush v8, $0x1;
	_ =	sdelay $0x1  }
0xa0: {  	(v2sf) =	vpush v12, $0x1  }
0xa1: {  	v24 =	vmul.f32 v11, v10;
	v7 =	vmul.f32 v9, v7  }
0xa2: {  	v25 =	vmul.f32 v14, v13;
	v5 =	vmul.f32 v6, v5  }
0xa3: {  	v6 =	vadd.f32 v7, v24  }
0xa4: {  	v5 =	vadd.f32 v5, v25  }
0xa5: {  	(xrf2) =	vadd.scan.msk.f32 $0xffff, v6  }
0xa6: {  	(xrf2) =	vadd.scan.msk.f32 $0xffff, v5;
	_ =	sdelay $0x2  }
0xa7: {  	s15 =	spop (v2sf)  }
0xa8: {  	[tilespmem:s13], [sflag:$0x1] =	stream.strided.gather [hbm4b:s15+s11], $0x1000, s12, s11, $0x38;
	[tilespmem:$0x10700] =	vst v63  }
0xa9: {  	s15 =	spop (v2sf)  }
0xaa: {  	[tilespmem:s14], [sflag:$0x2] =	stream.strided.gather [hbm4b:s15+s11], $0x1000, s12, s11, $0x38;
	[tilespmem:$0x10700] =	vst v63  }
0xab: {  	s15 =	spop (v2sf)  }
0xac: {  	[tilespmem:s16], [sflag:$0x1] =	stream.strided.gather [hbm4b:s15+s11], $0x1000, s12, s11, $0x38;
	[tilespmem:$0x10700] =	vst v63  }
0xad: {  	s16 =	spop (v2sf);
	v5, _, _ =	vpop (xrf2)  }
0xae: {  	[tilespmem:s19], [sflag:$0x2] =	stream.strided.gather [hbm4b:s16+s11], $0x1000, s12, s11, $0x38;
	v6, _, _ =	vpop (xrf2);
	[tilespmem:$0x10700] =	vst v63  }
0xaf: {  	_ =	swait.ge [sflag:s0], $0x1000  }
0xb0: {  	[sflag:s0] =	ssyncset.done $0x0  }
0xb1: {  	[sflag:s0] =	ssyncadd.s32 $0xFFFFF000  }
0xb2: {  	_ =	swait.ge [sflag:s3], $0x1000  }
0xb3: {  	[sflag:s3] =	ssyncset.done $0x0  }
0xb4: {  	[sflag:s3] =	ssyncadd.s32 $0xFFFFF000  }
0xb5: {  	_ =	swait.ge [sflag:s0], $0x1000  }
0xb6: {  	[sflag:s0] =	ssyncset.done $0x0  }
0xb7: {  	[sflag:s0] =	ssyncadd.s32 $0xFFFFF000  }
0xb8: {  	_ =	swait.ge [sflag:s3], $0x1000  }
0xb9: {  	[sflag:s3] =	ssyncset.done $0x0  }
0xba: {  	[sflag:s3] =	ssyncadd.s32 $0xFFFFF000  }
0xbb: {  	v7 =	vld [tilespmem:s9+$0x2]  }
0xbc: {  	v26 =	vld [tilespmem:s9+$0x282]  }
0xbd: {  	v30 =	vld [tilespmem:s9+$0xA];
	_ =	sdelay $0x2  }
0xbe: {  	v35 =	vld [tilespmem:s9+$0x28A];
	v27 =	vshra.s32 v7, $0x1F  }
0xbf: {  	v28 =	vshra.s32 v26, $0x1F;
	v9 =	vshrl.u32 v27, $0x19  }
0xc0: {  	v38 =	vshra.s32 v30, $0x1F;
	v10 =	vshrl.u32 v28, $0x19;
	v9 =	vadd.s32 v9, v7  }
0xc1: {  	v18 =	vand.u32 $0x7F, v30;
	v10 =	vadd.s32 v10, v26;
	v9 =	vand.u32 $0xFFFFFF80, v9  }
0xc2: {  	vm9 =	vlt.s32 v30, $0x1;
	v29 =	vand.u32 $0xFFFFFF80, v10;
	v7 =	vsub.s32 v7, v9  }
0xc3: {  	v41 =	vshra.s32 v35, $0x1F;
	v8 =	vsub.s32 v26, v29;
	v31 =	vbroadcast v7, $0x0  }
0xc4: {  	v19 =	vand.u32 $0x7F, v35;
	v17 =	vshrl.u32 v38, $0x19;
	v32 =	vbroadcast v8, $0x0  }
0xc5: {  	vm15 =	vne.s32 v18, $0x0;
	v18 =	vshrl.u32 v41, $0x19;
	v33 =	vadd.s32 v0, v31  }
0xc6: {  	v17 =	vadd.s32 v17, v30;
	vm9 =	vmand vm9, vm15;
	v34 =	vadd.s32 v0, v32  }
0xc7: {  	vm15 =	vne.s32 v19, $0x0;
	v7 =	vbroadcast v7, $0x1;
	v9 =	vadd.s32 v2, v31  }
0xc8: {  	v14 =	vadd.s32 v18, v35;
	v8 =	vbroadcast v8, $0x1;
	v11 =	vadd.s32 v2, v32  }
0xc9: {  	v39 =	vshrl.u32 v17, $0x7;
	v40 =	vsel vm9, $0xFFFFFFFF, v1;
	v36 =	vadd.s32 v3, v7  }
0xca: {  	vm9 =	vlt.s32 v35, $0x1;
	v14 =	vshrl.u32 v14, $0x7;
	v37 =	vadd.s32 v3, v8;
	v12 =	vld.idx.msk [tilespmem:v33+s17+$0x0], $0xffff  }
0xcb: {  	v10 =	vadd.s32 v40, v39;
	vm9 =	vmand vm9, vm15;
	v7 =	vadd.s32 v4, v7;
	v13 =	vld.idx.msk [tilespmem:v34+s18+$0x0], $0xffff  }
0xcc: {  	v10 =	vshll.u32 v10, $0x7;
	v42 =	vsel vm9, $0xFFFFFFFF, v1;
	v8 =	vadd.s32 v4, v8;
	v9 =	vld.idx.msk [tilespmem:v9+s17+$0x0], $0xffff  }
0xcd: {  	v14 =	vadd.s32 v42, v14;
	v10 =	vadd.s32 s1, v10;
	v11 =	vld.idx.msk [tilespmem:v11+s18+$0x0], $0xffff  }
0xce: {  	v14 =	vshll.u32 v14, $0x7;
	(v2sf) =	vpush v10, $0x0;
	v15 =	vld.idx.msk [tilespmem:v36+s17+$0x0], $0xffff  }
0xcf: {  	v14 =	vadd.s32 s2, v14;
	v16 =	vld.idx.msk [tilespmem:v37+s18+$0x0], $0xffff  }
0xd0: {  	(v2sf) =	vpush v14, $0x0;
	v7 =	vld.idx.msk [tilespmem:v7+s17+$0x0], $0xffff  }
0xd1: {  	v8 =	vld.idx.msk [tilespmem:v8+s18+$0x0], $0xffff  }
0xd2: {  	(v2sf) =	vpush v10, $0x1;
	_ =	sdelay $0x1  }
0xd3: {  	(v2sf) =	vpush v14, $0x1  }
0xd4: {  	v43 =	vmul.f32 v13, v12;
	v9 =	vmul.f32 v11, v9  }
0xd5: {  	v44 =	vmul.f32 v16, v15;
	v7 =	vmul.f32 v8, v7  }
0xd6: {  	v45 =	vadd.f32 v9, v43  }
0xd7: {  	v7 =	vadd.f32 v7, v44  }
0xd8: {  	(xrf2) =	vadd.scan.msk.f32 $0xffff, v45  }
0xd9: {  	(xrf2) =	vadd.scan.msk.f32 $0xffff, v7;
	_ =	sdelay $0x2  }
0xda: {  	s15 =	spop (v2sf)  }
0xdb: {  	[tilespmem:s17], [sflag:$0x3] =	stream.strided.gather [hbm4b:s15+s11], $0x1000, s12, s11, $0x38;
	[tilespmem:$0x10700] =	vst v63  }
0xdc: {  	s16 =	spop (v2sf)  }
0xdd: {  	[tilespmem:s18], [sflag:$0x4] =	stream.strided.gather [hbm4b:s16+s11], $0x1000, s12, s11, $0x38;
	[tilespmem:$0x10700] =	vst v63  }
0xde: {  	s19 =	spop (v2sf)  }
0xdf: {  	[tilespmem:s20], [sflag:$0x3] =	stream.strided.gather [hbm4b:s19+s11], $0x1000, s12, s11, $0x38;
	[tilespmem:$0x10700] =	vst v63  }
0xe0: {  	s15 =	simm.s32 $0xB500;
	s20 =	spop (v2sf);
	v8, _, _ =	vpop (xrf2)  }
0xe1: {  	[tilespmem:s15], [sflag:$0x4] =	stream.strided.gather [hbm4b:s20+s11], $0x1000, s12, s11, $0x38;
	v7, _, _ =	vpop (xrf2);
	[tilespmem:$0x10700] =	vst v63  }
0xe2: {  	_ =	swait.ge [sflag:s10], $0x1000  }
0xe3: {  	[sflag:s10] =	ssyncset.done $0x0  }
0xe4: {  	[sflag:s10] =	ssyncadd.s32 $0xFFFFF000  }
0xe5: {  	_ =	swait.ge [sflag:s5], $0x1000  }
0xe6: {  	[sflag:s5] =	ssyncset.done $0x0  }
0xe7: {  	[sflag:s5] =	ssyncadd.s32 $0xFFFFF000  }
0xe8: {  	_ =	swait.ge [sflag:s10], $0x1000  }
0xe9: {  	[sflag:s10] =	ssyncset.done $0x0  }
0xea: {  	[sflag:s10] =	ssyncadd.s32 $0xFFFFF000  }
0xeb: {  	_ =	swait.ge [sflag:s5], $0x1000  }
0xec: {  	[sflag:s5] =	ssyncset.done $0x0  }
0xed: {  	[sflag:s5] =	ssyncadd.s32 $0xFFFFF000  }
0xee: {  	v46 =	vld [tilespmem:s9+$0x4]  }
0xef: {  	v47 =	vld [tilespmem:s9+$0x284]  }
0xf0: {  	v51 =	vld [tilespmem:s9+$0xC];
	_ =	sdelay $0x2  }
0xf1: {  	v56 =	vld [tilespmem:s9+$0x28C];
	v48 =	vshra.s32 v46, $0x1F  }
0xf2: {  	v49 =	vshra.s32 v47, $0x1F;
	v11 =	vshrl.u32 v48, $0x19  }
0xf3: {  	v59 =	vshra.s32 v51, $0x1F;
	v12 =	vshrl.u32 v49, $0x19;
	v11 =	vadd.s32 v11, v46  }
0xf4: {  	v20 =	vand.u32 $0x7F, v51;
	v12 =	vadd.s32 v12, v47;
	v11 =	vand.u32 $0xFFFFFF80, v11  }
0xf5: {  	vm9 =	vlt.s32 v51, $0x1;
	v50 =	vand.u32 $0xFFFFFF80, v12;
	v9 =	vsub.s32 v46, v11  }
0xf6: {  	v62 =	vshra.s32 v56, $0x1F;
	v10 =	vsub.s32 v47, v50;
	v52 =	vbroadcast v9, $0x0  }
0xf7: {  	v21 =	vand.u32 $0x7F, v56;
	v19 =	vshrl.u32 v59, $0x19;
	v53 =	vbroadcast v10, $0x0  }
0xf8: {  	vm15 =	vne.s32 v20, $0x0;
	v20 =	vshrl.u32 v62, $0x19;
	v54 =	vadd.s32 v0, v52  }
0xf9: {  	v19 =	vadd.s32 v19, v51;
	vm9 =	vmand vm9, vm15;
	v55 =	vadd.s32 v0, v53  }
0xfa: {  	vm15 =	vne.s32 v21, $0x0;
	v9 =	vbroadcast v9, $0x1;
	v11 =	vadd.s32 v2, v52  }
0xfb: {  	v16 =	vadd.s32 v20, v56;
	v10 =	vbroadcast v10, $0x1;
	v13 =	vadd.s32 v2, v53  }
0xfc: {  	v60 =	vshrl.u32 v19, $0x7;
	v61 =	vsel vm9, $0xFFFFFFFF, v1;
	v57 =	vadd.s32 v3, v9  }
0xfd: {  	vm9 =	vlt.s32 v56, $0x1;
	v16 =	vshrl.u32 v16, $0x7;
	v58 =	vadd.s32 v3, v10;
	v14 =	vld.idx.msk [tilespmem:v54+s21+$0x0], $0xffff  }
0xfe: {  	v12 =	vadd.s32 v61, v60;
	vm9 =	vmand vm9, vm15;
	v9 =	vadd.s32 v4, v9;
	v15 =	vld.idx.msk [tilespmem:v55+s22+$0x0], $0xffff  }
0xff: {  	v12 =	vshll.u32 v12, $0x7;
	v63 =	vsel vm9, $0xFFFFFFFF, v1;
	v10 =	vadd.s32 v4, v10;
	v11 =	vld.idx.msk [tilespmem:v11+s21+$0x0], $0xffff  }
0x100: {  	v16 =	vadd.s32 v63, v16;
	v12 =	vadd.s32 s1, v12;
	v13 =	vld.idx.msk [tilespmem:v13+s22+$0x0], $0xffff  }
0x101: {  	v16 =	vshll.u32 v16, $0x7;
	(v2sf) =	vpush v12, $0x0;
	v17 =	vld.idx.msk [tilespmem:v57+s21+$0x0], $0xffff  }
0x102: {  	v16 =	vadd.s32 s2, v16;
	v18 =	vld.idx.msk [tilespmem:v58+s22+$0x0], $0xffff  }
0x103: {  	(v2sf) =	vpush v16, $0x0;
	v9 =	vld.idx.msk [tilespmem:v9+s21+$0x0], $0xffff  }
0x104: {  	v10 =	vld.idx.msk [tilespmem:v10+s22+$0x0], $0xffff  }
0x105: {  	(v2sf) =	vpush v12, $0x1;
	_ =	sdelay $0x1  }
0x106: {  	(v2sf) =	vpush v16, $0x1  }
0x107: {  	v16 =	vmul.f32 v15, v14;
	v11 =	vmul.f32 v13, v11  }
0x108: {  	v18 =	vmul.f32 v18, v17;
	v9 =	vmul.f32 v10, v9  }
0x109: {  	v19 =	vadd.f32 v11, v16  }
0x10a: {  	v9 =	vadd.f32 v9, v18  }
0x10b: {  	(xrf2) =	vadd.scan.msk.f32 $0xffff, v19  }
0x10c: {  	(xrf2) =	vadd.scan.msk.f32 $0xffff, v9;
	_ =	sdelay $0x2  }
0x10d: {  	s15 =	spop (v2sf)  }
0x10e: {  	[tilespmem:s21], [sflag:$0x5] =	stream.strided.gather [hbm4b:s15+s11], $0x1000, s12, s11, $0x38;
	[tilespmem:$0x10700] =	vst v63  }
0x10f: {  	s16 =	spop (v2sf)  }
0x110: {  	[tilespmem:s22], [sflag:$0x6] =	stream.strided.gather [hbm4b:s16+s11], $0x1000, s12, s11, $0x38;
	[tilespmem:$0x10700] =	vst v63  }
0x111: {  	s19 =	spop (v2sf)  }
0x112: {  	[tilespmem:s24], [sflag:$0x5] =	stream.strided.gather [hbm4b:s19+s11], $0x1000, s12, s11, $0x38;
	[tilespmem:$0x10700] =	vst v63  }
0x113: {  	s20 =	spop (v2sf);
	v9, _, _ =	vpop (xrf2)  }
0x114: {  	[tilespmem:s23], [sflag:$0x6] =	stream.strided.gather [hbm4b:s20+s11], $0x1000, s12, s11, $0x38;
	v10, _, _ =	vpop (xrf2);
	[tilespmem:$0x10700] =	vst v63  }
0x115: {  	_ =	swait.ge [sflag:s6], $0x1000  }
0x116: {  	[sflag:s6] =	ssyncset.done $0x0  }
0x117: {  	[sflag:s6] =	ssyncadd.s32 $0xFFFFF000  }
0x118: {  	_ =	swait.ge [sflag:s7], $0x1000  }
0x119: {  	[sflag:s7] =	ssyncset.done $0x0  }
0x11a: {  	[sflag:s7] =	ssyncadd.s32 $0xFFFFF000  }
0x11b: {  	_ =	swait.ge [sflag:s6], $0x1000  }
0x11c: {  	[sflag:s6] =	ssyncset.done $0x0  }
0x11d: {  	[sflag:s6] =	ssyncadd.s32 $0xFFFFF000  }
0x11e: {  	_ =	swait.ge [sflag:s7], $0x1000  }
0x11f: {  	[sflag:s7] =	ssyncset.done $0x0  }
0x120: {  	[sflag:s7] =	ssyncadd.s32 $0xFFFFF000  }
0x121: {  	v20 =	vld [tilespmem:s9+$0x6]  }
0x122: {  	v21 =	vld [tilespmem:s9+$0x286]  }
0x123: {  	v25 =	vld [tilespmem:s9+$0xE];
	_ =	sdelay $0x1  }
0x124: {  	v30 =	vld [tilespmem:s9+$0x28E]  }
0x125: {  	v22 =	vshra.s32 v20, $0x1F  }
0x126: {  	v23 =	vshra.s32 v21, $0x1F;
	v13 =	vshrl.u32 v22, $0x19  }
0x127: {  	v33 =	vshra.s32 v25, $0x1F;
	v14 =	vshrl.u32 v23, $0x19;
	v13 =	vadd.s32 v13, v20  }
0x128: {  	vm9 =	vlt.s32 v25, $0x1;
	v14 =	vadd.s32 v14, v21;
	v13 =	vand.u32 $0xFFFFFF80, v13  }
0x129: {  	v36 =	vshra.s32 v30, $0x1F;
	v24 =	vand.u32 $0xFFFFFF80, v14;
	v11 =	vsub.s32 v20, v13  }
0x12a: {  	v22 =	vand.u32 $0x7F, v25;
	v12 =	vsub.s32 v21, v24;
	v26 =	vbroadcast v11, $0x0  }
0x12b: {  	v23 =	vand.u32 $0x7F, v30;
	vm15 =	vne.s32 v22, $0x0;
	v27 =	vbroadcast v12, $0x0  }
0x12c: {  	v22 =	vshrl.u32 v36, $0x19;
	vm9 =	vmand vm9, vm15;
	v28 =	vadd.s32 v0, v26  }
0x12d: {  	vm15 =	vne.s32 v23, $0x0;
	v18 =	vadd.s32 v22, v30;
	v29 =	vadd.s32 v0, v27  }
0x12e: {  	v21 =	vshrl.u32 v33, $0x19;
	v11 =	vbroadcast v11, $0x1;
	v13 =	vadd.s32 v2, v26  }
0x12f: {  	v35 =	vsel vm9, $0xFFFFFFFF, v1;
	v12 =	vbroadcast v12, $0x1;
	v15 =	vadd.s32 v2, v27  }
0x130: {  	vm9 =	vlt.s32 v30, $0x1;
	v21 =	vadd.s32 v21, v25;
	v31 =	vadd.s32 v3, v11  }
0x131: {  	v18 =	vshrl.u32 v18, $0x7;
	v34 =	vshrl.u32 v21, $0x7;
	v32 =	vadd.s32 v3, v12;
	v16 =	vld.idx.msk [tilespmem:v28+s25+$0x0], $0xffff  }
0x132: {  	vm9 =	vmand vm9, vm15;
	v11 =	vadd.s32 v4, v11;
	v14 =	vadd.s32 v35, v34;
	v17 =	vld.idx.msk [tilespmem:v29+s26+$0x0], $0xffff  }
0x133: {  	v37 =	vsel vm9, $0xFFFFFFFF, v1;
	v12 =	vadd.s32 v4, v12;
	v14 =	vshll.u32 v14, $0x7;
	v13 =	vld.idx.msk [tilespmem:v13+s25+$0x0], $0xffff  }
0x134: {  	v18 =	vadd.s32 v37, v18;
	v14 =	vadd.s32 s1, v14;
	v15 =	vld.idx.msk [tilespmem:v15+s26+$0x0], $0xffff  }
0x135: {  	v18 =	vshll.u32 v18, $0x7;
	(v2sf) =	vpush v14, $0x0;
	v19 =	vld.idx.msk [tilespmem:v31+s25+$0x0], $0xffff  }
0x136: {  	v18 =	vadd.s32 s2, v18;
	v20 =	vld.idx.msk [tilespmem:v32+s26+$0x0], $0xffff  }
0x137: {  	(v2sf) =	vpush v18, $0x0;
	v11 =	vld.idx.msk [tilespmem:v11+s25+$0x0], $0xffff  }
0x138: {  	v12 =	vld.idx.msk [tilespmem:v12+s26+$0x0], $0xffff  }
0x139: {  	(v2sf) =	vpush v14, $0x1;
	_ =	sdelay $0x1  }
0x13a: {  	(v2sf) =	vpush v18, $0x1  }
0x13b: {  	v38 =	vmul.f32 v17, v16;
	v13 =	vmul.f32 v15, v13  }
0x13c: {  	v39 =	vmul.f32 v20, v19;
	v11 =	vmul.f32 v12, v11  }
0x13d: {  	v40 =	vadd.f32 v13, v38  }
0x13e: {  	v11 =	vadd.f32 v11, v39  }
0x13f: {  	(xrf2) =	vadd.scan.msk.f32 $0xffff, v40  }
0x140: {  	(xrf2) =	vadd.scan.msk.f32 $0xffff, v11;
	_ =	sdelay $0x2  }
0x141: {  	s15 =	spop (v2sf)  }
0x142: {  	[tilespmem:s25], [sflag:$0x7] =	stream.strided.gather [hbm4b:s15+s11], $0x1000, s12, s11, $0x38;
	[tilespmem:$0x10700] =	vst v63  }
0x143: {  	s16 =	spop (v2sf)  }
0x144: {  	[tilespmem:s26], [sflag:$0x8] =	stream.strided.gather [hbm4b:s16+s11], $0x1000, s12, s11, $0x38;
	[tilespmem:$0x10700] =	vst v63  }
0x145: {  	s19 =	spop (v2sf)  }
0x146: {  	[tilespmem:s28], [sflag:$0x7] =	stream.strided.gather [hbm4b:s19+s11], $0x1000, s12, s11, $0x38;
	[tilespmem:$0x10700] =	vst v63  }
0x147: {  	s20 =	spop (v2sf);
	v11, _, _ =	vpop (xrf2)  }
0x148: {  	v12, _, _ =	vpop (xrf2);
	[tilespmem:s29], [sflag:$0x8] =	stream.strided.gather [hbm4b:s20+s11], $0x1000, s12, s11, $0x38;
	[tilespmem:$0x10700] =	vst v63  }
0x149: {  	_ =	swait.ge [sflag:s30], $0x1000  }
0x14a: {  	[sflag:s30] =	ssyncset.done $0x0  }
0x14b: {  	[sflag:s30] =	ssyncadd.s32 $0xFFFFF000  }
0x14c: {  	_ =	swait.ge [sflag:s31], $0x1000  }
0x14d: {  	[sflag:s31] =	ssyncset.done $0x0  }
0x14e: {  	[sflag:s31] =	ssyncadd.s32 $0xFFFFF000  }
0x14f: {  	_ =	swait.ge [sflag:s30], $0x1000  }
0x150: {  	[sflag:s30] =	ssyncset.done $0x0  }
0x151: {  	[sflag:s30] =	ssyncadd.s32 $0xFFFFF000  }
0x152: {  	_ =	swait.ge [sflag:s31], $0x1000  }
0x153: {  	[sflag:s31] =	ssyncset.done $0x0  }
0x154: {  	[sflag:s31] =	ssyncadd.s32 $0xFFFFF000  }
0x155: {  	v41 =	vld [tilespmem:s9+$0x8]  }
0x156: {  	v42 =	vld [tilespmem:s9+$0x288];
	_ =	sdelay $0x2  }
0x157: {  	p0 =	seq.s32 s4, $0x7C0  }
0x158: {  	s16 =	sshra.s32 @!p0 s4, $0x2;
	v43 =	vshra.s32 v41, $0x1F  }
0x159: {  	v22 =	vld @!p0 [tilespmem:s16+$0x290];
	v44 =	vshra.s32 v42, $0x1F;
	v15 =	vshrl.u32 v43, $0x19  }
0x15a: {  	v16 =	vshrl.u32 v44, $0x19;
	v15 =	vadd.s32 v15, v41  }
0x15b: {  	v16 =	vadd.s32 v16, v42;
	v15 =	vand.u32 $0xFFFFFF80, v15  }
0x15c: {  	v16 =	vand.u32 $0xFFFFFF80, v16;
	v13 =	vsub.s32 v41, v15;
	v15 =	vld @!p0 [tilespmem:s16+$0x10]  }
0x15d: {  	v14 =	vsub.s32 v42, v16;
	v45 =	vbroadcast v13, $0x0  }
0x15e: {  	v25 =	vand.u32 @!p0 $0x7F, v22;
	v46 =	vbroadcast v14, $0x0  }
0x15f: {  	v13 =	vbroadcast v13, $0x1;
	v14 =	vbroadcast v14, $0x1;
	v47 =	vadd.s32 v0, v45  }
0x160: {  	v48 =	vadd.s32 v0, v46;
	v16 =	vadd.s32 v2, v45;
	v17 =	vadd.s32 v2, v46  }
0x161: {  	v49 =	vadd.s32 v3, v13;
	v23 =	vshra.s32 @!p0 v15, $0x1F;
	v24 =	vand.u32 @!p0 $0x7F, v15  }
0x162: {  	vm9 =	vlt.s32 @!p0 v15, $0x1;
	v23 =	vshrl.u32 @!p0 v23, $0x19;
	vm15 =	vne.s32 @!p0 v24, $0x0  }
0x163: {  	v23 =	vadd.s32 @!p0 v23, v15;
	vm9 =	vmand @!p0 vm9, vm15;
	v15 =	vimm.s32 @!p0 $0x0  }
0x164: {  	v50 =	vadd.s32 v3, v14;
	v23 =	vshrl.u32 @!p0 v23, $0x7;
	v24 =	vsel @!p0 vm9, $0xFFFFFFFF, v15  }
0x165: {  	v13 =	vadd.s32 v4, v13;
	v23 =	vadd.s32 @!p0 v24, v23;
	v24 =	vshra.s32 @!p0 v22, $0x1F  }
0x166: {  	vm15 =	vne.s32 @!p0 v25, $0x0;
	v18 =	vld.idx.msk [tilespmem:v47+s13+$0x0], $0xffff;
	vm9 =	vlt.s32 @!p0 v22, $0x1;
	v24 =	vshrl.u32 @!p0 v24, $0x19  }
0x167: {  	v14 =	vadd.s32 v4, v14;
	v19 =	vld.idx.msk [tilespmem:v48+s14+$0x0], $0xffff;
	vm9 =	vmand @!p0 vm9, vm15;
	v22 =	vadd.s32 @!p0 v24, v22  }
0x168: {  	v16 =	vld.idx.msk [tilespmem:v16+s13+$0x0], $0xffff;
	v23 =	vshll.u32 @!p0 v23, $0x7;
	v24 =	vsel @!p0 vm9, $0xFFFFFFFF, v15;
	v22 =	vshrl.u32 @!p0 v22, $0x7  }
0x169: {  	v17 =	vld.idx.msk [tilespmem:v17+s14+$0x0], $0xffff;
	v23 =	vadd.s32 @!p0 s1, v23;
	v22 =	vadd.s32 @!p0 v24, v22  }
0x16a: {  	v20 =	vld.idx.msk [tilespmem:v49+s13+$0x0], $0xffff;
	(v2sf) =	vpush @!p0 v23, $0x0;
	v22 =	vshll.u32 @!p0 v22, $0x7  }
0x16b: {  	v21 =	vld.idx.msk [tilespmem:v50+s14+$0x0], $0xffff;
	v22 =	vadd.s32 @!p0 s2, v22  }
0x16c: {  	v13 =	vld.idx.msk [tilespmem:v13+s13+$0x0], $0xffff;
	(v2sf) =	vpush @!p0 v22, $0x0  }
0x16d: {  	v14 =	vld.idx.msk [tilespmem:v14+s14+$0x0], $0xffff  }
0x16e: {  	(v2sf) =	vpush @!p0 v23, $0x1;
	_ =	sdelay $0x1  }
0x16f: {  	(v2sf) =	vpush @!p0 v22, $0x1  }
0x170: {  	v18 =	vmul.f32 v19, v18;
	v16 =	vmul.f32 v17, v16  }
0x171: {  	v51 =	vmul.f32 v21, v20;
	v13 =	vmul.f32 v14, v13  }
0x172: {  	v52 =	vadd.f32 v16, v18  }
0x173: {  	v13 =	vadd.f32 v13, v51  }
0x174: {  	(xrf2) =	vadd.scan.msk.f32 $0xffff, v52  }
0x175: {  	(xrf2) =	vadd.scan.msk.f32 $0xffff, v13;
	_ =	sdelay $0x1  }
0x176: {  	s8 =	simm.s32 @!p0 $0x400  }
0x177: {  	s15 =	simm.s32 @!p0 $0x7A1400;
	s20 =	simm.s32 @!p0 $0x500;
	s19 =	spop @!p0 (v2sf)  }
0x178: {  	[tilespmem:s20], [sflag:$0x1] =	stream.strided.gather @!p0 [hbm4b:s19+s8], $0x1000, s15, s8, $0x38;
	[tilespmem:$0x10700] =	vst v63  }
0x179: {  	s20 =	simm.s32 @!p0 $0x8500;
	s19 =	spop @!p0 (v2sf)  }
0x17a: {  	[tilespmem:s20], [sflag:$0x2] =	stream.strided.gather @!p0 [hbm4b:s19+s8], $0x1000, s15, s8, $0x38;
	[tilespmem:$0x10700] =	vst v63  }
0x17b: {  	s19 =	spop @!p0 (v2sf);
	s20 =	simm.s32 @!p0 $0x1500  }
0x17c: {  	[tilespmem:s20], [sflag:$0x1] =	stream.strided.gather @!p0 [hbm4b:s19+s8], $0x1000, s15, s8, $0x38;
	[tilespmem:$0x10700] =	vst v63  }
0x17d: {  	v13, _, _ =	vpop (xrf2);
	s19 =	spop @!p0 (v2sf);
	s20 =	simm.s32 @!p0 $0x9500  }
0x17e: {  	v14, _, _ =	vpop (xrf2);
	[tilespmem:s20], [sflag:$0x2] =	stream.strided.gather @!p0 [hbm4b:s19+s8], $0x1000, s15, s8, $0x38;
	[tilespmem:$0x10700] =	vst v63  }
0x17f: {  	_ =	swait.ge [sflag:s0], $0x1000  }
0x180: {  	[sflag:s0] =	ssyncset.done $0x0  }
0x181: {  	[sflag:s0] =	ssyncadd.s32 $0xFFFFF000  }
0x182: {  	_ =	swait.ge [sflag:s3], $0x1000  }
0x183: {  	[sflag:s3] =	ssyncset.done $0x0  }
0x184: {  	[sflag:s3] =	ssyncadd.s32 $0xFFFFF000  }
0x185: {  	_ =	swait.ge [sflag:s0], $0x1000  }
0x186: {  	[sflag:s0] =	ssyncset.done $0x0  }
0x187: {  	[sflag:s0] =	ssyncadd.s32 $0xFFFFF000  }
0x188: {  	_ =	swait.ge [sflag:s3], $0x1000  }
0x189: {  	[sflag:s3] =	ssyncset.done $0x0  }
0x18a: {  	[sflag:s3] =	ssyncadd.s32 $0xFFFFF000  }
0x18b: {  	v53 =	vld [tilespmem:s9+$0xA]  }
0x18c: {  	v54 =	vld [tilespmem:s9+$0x28A];
	_ =	sdelay $0x4  }
0x18d: {  	v55 =	vshra.s32 v53, $0x1F;
	v56 =	vshra.s32 v54, $0x1F  }
0x18e: {  	v23 =	vld @!p0 [tilespmem:s16+$0x292];
	v18 =	vshrl.u32 v55, $0x19;
	v19 =	vshrl.u32 v56, $0x19  }
0x18f: {  	v18 =	vadd.s32 v18, v53;
	v19 =	vadd.s32 v19, v54  }
0x190: {  	v18 =	vand.u32 $0xFFFFFF80, v18;
	v57 =	vand.u32 $0xFFFFFF80, v19  }
0x191: {  	v19 =	vld @!p0 [tilespmem:s16+$0x12];
	v16 =	vsub.s32 v53, v18;
	v17 =	vsub.s32 v54, v57  }
0x192: {  	v58 =	vbroadcast v16, $0x0;
	v59 =	vbroadcast v17, $0x0  }
0x193: {  	v28 =	vand.u32 @!p0 $0x7F, v23;
	v16 =	vbroadcast v16, $0x1;
	v17 =	vbroadcast v17, $0x1  }
0x194: {  	v60 =	vadd.s32 v0, v58;
	v61 =	vadd.s32 v0, v59;
	v18 =	vadd.s32 v2, v58  }
0x195: {  	v20 =	vadd.s32 v2, v59;
	v62 =	vadd.s32 v3, v16;
	v63 =	vadd.s32 v3, v17  }
0x196: {  	v16 =	vadd.s32 v4, v16;
	v17 =	vadd.s32 v4, v17;
	v26 =	vshra.s32 @!p0 v19, $0x1F  }
0x197: {  	v27 =	vand.u32 @!p0 $0x7F, v19;
	vm9 =	vlt.s32 @!p0 v19, $0x1;
	v26 =	vshrl.u32 @!p0 v26, $0x19  }
0x198: {  	vm15 =	vne.s32 @!p0 v27, $0x0;
	v27 =	vshra.s32 @!p0 v23, $0x1F;
	v26 =	vadd.s32 @!p0 v26, v19  }
0x199: {  	vm9 =	vmand @!p0 vm9, vm15;
	v27 =	vshrl.u32 @!p0 v27, $0x19;
	vm15 =	vne.s32 @!p0 v28, $0x0  }
0x19a: {  	v19 =	vshrl.u32 @!p0 v26, $0x7;
	v26 =	vsel @!p0 vm9, $0xFFFFFFFF, v15;
	vm9 =	vlt.s32 @!p0 v23, $0x1;
	v21 =	vld.idx.msk [tilespmem:v60+s17+$0x0], $0xffff  }
0x19b: {  	v23 =	vadd.s32 @!p0 v27, v23;
	v22 =	vld.idx.msk [tilespmem:v61+s18+$0x0], $0xffff;
	v19 =	vadd.s32 @!p0 v26, v19;
	vm9 =	vmand @!p0 vm9, vm15  }
0x19c: {  	v18 =	vld.idx.msk [tilespmem:v18+s17+$0x0], $0xffff;
	v23 =	vshrl.u32 @!p0 v23, $0x7;
	v19 =	vshll.u32 @!p0 v19, $0x7;
	v26 =	vsel @!p0 vm9, $0xFFFFFFFF, v15  }
0x19d: {  	v20 =	vld.idx.msk [tilespmem:v20+s18+$0x0], $0xffff;
	v23 =	vadd.s32 @!p0 v26, v23;
	v19 =	vadd.s32 @!p0 s1, v19  }
0x19e: {  	v24 =	vld.idx.msk [tilespmem:v62+s17+$0x0], $0xffff;
	v23 =	vshll.u32 @!p0 v23, $0x7;
	(v2sf) =	vpush @!p0 v19, $0x0  }
0x19f: {  	v25 =	vld.idx.msk [tilespmem:v63+s18+$0x0], $0xffff;
	v23 =	vadd.s32 @!p0 s2, v23  }
0x1a0: {  	v16 =	vld.idx.msk [tilespmem:v16+s17+$0x0], $0xffff;
	(v2sf) =	vpush @!p0 v23, $0x0  }
0x1a1: {  	v17 =	vld.idx.msk [tilespmem:v17+s18+$0x0], $0xffff  }
0x1a2: {  	(v2sf) =	vpush @!p0 v19, $0x1;
	_ =	sdelay $0x1  }
0x1a3: {  	(v2sf) =	vpush @!p0 v23, $0x1  }
0x1a4: {  	v31 =	vmul.f32 v22, v21;
	v18 =	vmul.f32 v20, v18  }
0x1a5: {  	v32 =	vmul.f32 v25, v24;
	v16 =	vmul.f32 v17, v16  }
0x1a6: {  	v33 =	vadd.f32 v18, v31  }
0x1a7: {  	v16 =	vadd.f32 v16, v32  }
0x1a8: {  	(xrf2) =	vadd.scan.msk.f32 $0xffff, v33  }
0x1a9: {  	(xrf2) =	vadd.scan.msk.f32 $0xffff, v16;
	_ =	sdelay $0x2  }
0x1aa: {  	s20 =	simm.s32 @!p0 $0x2500;
	s19 =	spop @!p0 (v2sf)  }
0x1ab: {  	[tilespmem:s20], [sflag:$0x3] =	stream.strided.gather @!p0 [hbm4b:s19+s8], $0x1000, s15, s8, $0x38;
	[tilespmem:$0x10700] =	vst v63  }
0x1ac: {  	s20 =	simm.s32 @!p0 $0xA500;
	s19 =	spop @!p0 (v2sf)  }
0x1ad: {  	[tilespmem:s20], [sflag:$0x4] =	stream.strided.gather @!p0 [hbm4b:s19+s8], $0x1000, s15, s8, $0x38;
	[tilespmem:$0x10700] =	vst v63  }
0x1ae: {  	s19 =	spop @!p0 (v2sf);
	s20 =	simm.s32 @!p0 $0x3500  }
0x1af: {  	[tilespmem:s20], [sflag:$0x3] =	stream.strided.gather @!p0 [hbm4b:s19+s8], $0x1000, s15, s8, $0x38;
	[tilespmem:$0x10700] =	vst v63  }
0x1b0: {  	v34, _, _ =	vpop (xrf2);
	s19 =	spop @!p0 (v2sf);
	s20 =	simm.s32 @!p0 $0xB500  }
0x1b1: {  	v35, _, _ =	vpop (xrf2);
	[tilespmem:s20], [sflag:$0x4] =	stream.strided.gather @!p0 [hbm4b:s19+s8], $0x1000, s15, s8, $0x38;
	[tilespmem:$0x10700] =	vst v63  }
0x1b2: {  	_ =	swait.ge [sflag:s10], $0x1000  }
0x1b3: {  	[sflag:s10] =	ssyncset.done $0x0  }
0x1b4: {  	[sflag:s10] =	ssyncadd.s32 $0xFFFFF000  }
0x1b5: {  	_ =	swait.ge [sflag:s5], $0x1000  }
0x1b6: {  	[sflag:s5] =	ssyncset.done $0x0  }
0x1b7: {  	[sflag:s5] =	ssyncadd.s32 $0xFFFFF000  }
0x1b8: {  	_ =	swait.ge [sflag:s10], $0x1000  }
0x1b9: {  	[sflag:s10] =	ssyncset.done $0x0  }
0x1ba: {  	[sflag:s10] =	ssyncadd.s32 $0xFFFFF000  }
0x1bb: {  	_ =	swait.ge [sflag:s5], $0x1000  }
0x1bc: {  	[sflag:s5] =	ssyncset.done $0x0  }
0x1bd: {  	[sflag:s5] =	ssyncadd.s32 $0xFFFFF000  }
0x1be: {  	v36 =	vld [tilespmem:s9+$0xC]  }
0x1bf: {  	v37 =	vld [tilespmem:s9+$0x28C]  }
0x1c0: {  	vm14 =	vmmov vm12;
	vm12 =	vmmov vm8;
	v22 =	vld @!p0 [tilespmem:s16+$0x14]  }
0x1c1: {  	vm10 =	vmmov vm7;
	vm8 =	vmmov vm6;
	vm7 =	vmmov vm5  }
0x1c2: {  	vm6 =	vmmov vm4;
	vm5 =	vmmov vm3;
	vm4 =	vmmov vm2;
	v23 =	vld @!p0 [tilespmem:s16+$0x294]  }
0x1c3: {  	vm3 =	vmmov vm1;
	vm2 =	vmmov vm0;
	v38 =	vshra.s32 v36, $0x1F  }
0x1c4: {  	vm1 =	vmmov vm11;
	v39 =	vshra.s32 v37, $0x1F;
	v20 =	vshrl.u32 v38, $0x19  }
0x1c5: {  	vm9 =	vlt.s32 @!p0 v22, $0x1;
	v21 =	vshrl.u32 v39, $0x19;
	v20 =	vadd.s32 v20, v36  }
0x1c6: {  	v24 =	vand.u32 @!p0 $0x7F, v22;
	v21 =	vadd.s32 v21, v37;
	v20 =	vand.u32 $0xFFFFFF80, v20  }
0x1c7: {  	v25 =	vand.u32 @!p0 $0x7F, v23;
	v21 =	vand.u32 $0xFFFFFF80, v21;
	v18 =	vsub.s32 v36, v20  }
0x1c8: {  	vm11 =	vlt.s32 @!p0 v23, $0x1;
	v19 =	vsub.s32 v37, v21;
	v20 =	vbroadcast v18, $0x0  }
0x1c9: {  	v27 =	vshra.s32 @!p0 v22, $0x1F;
	vm15 =	vne.s32 @!p0 v24, $0x0;
	v21 =	vbroadcast v19, $0x0  }
0x1ca: {  	vm0 =	vne.s32 @!p0 v25, $0x0;
	v27 =	vshrl.u32 @!p0 v27, $0x19;
	v40 =	vadd.s32 v0, v20  }
0x1cb: {  	vm9 =	vmand @!p0 vm9, vm15;
	vm11 =	vmand @!p0 vm11, vm0;
	v43 =	vadd.s32 v0, v21  }
0x1cc: {  	v22 =	vadd.s32 @!p0 v27, v22;
	v18 =	vbroadcast v18, $0x1;
	v20 =	vadd.s32 v2, v20  }
0x1cd: {  	v27 =	vshra.s32 @!p0 v23, $0x1F;
	v19 =	vbroadcast v19, $0x1;
	v21 =	vadd.s32 v2, v21  }
0x1ce: {  	v25 =	vsel @!p0 vm9, $0xFFFFFFFF, v15;
	v15 =	vsel @!p0 vm11, $0xFFFFFFFF, v15;
	v44 =	vadd.s32 v3, v18  }
0x1cf: {  	v22 =	vshrl.u32 @!p0 v22, $0x7;
	v27 =	vshrl.u32 @!p0 v27, $0x19;
	v29 =	vadd.s32 v3, v19;
	v24 =	vld.idx.msk [tilespmem:v40+s21+$0x0], $0xffff  }
0x1d0: {  	v22 =	vadd.s32 @!p0 v25, v22;
	v23 =	vadd.s32 @!p0 v27, v23;
	v18 =	vadd.s32 v4, v18;
	v45 =	vld.idx.msk [tilespmem:v43+s22+$0x0], $0xffff  }
0x1d1: {  	v22 =	vshll.u32 @!p0 v22, $0x7;
	v23 =	vshrl.u32 @!p0 v23, $0x7;
	v19 =	vadd.s32 v4, v19;
	v20 =	vld.idx.msk [tilespmem:v20+s21+$0x0], $0xffff  }
0x1d2: {  	v15 =	vadd.s32 @!p0 v15, v23;
	v22 =	vadd.s32 @!p0 s1, v22;
	v21 =	vld.idx.msk [tilespmem:v21+s22+$0x0], $0xffff  }
0x1d3: {  	v15 =	vshll.u32 @!p0 v15, $0x7;
	(v2sf) =	vpush @!p0 v22, $0x0;
	v46 =	vld.idx.msk [tilespmem:v44+s21+$0x0], $0xffff  }
0x1d4: {  	v15 =	vadd.s32 @!p0 s2, v15;
	v47 =	vld.idx.msk [tilespmem:v29+s22+$0x0], $0xffff  }
0x1d5: {  	(v2sf) =	vpush @!p0 v15, $0x0;
	v18 =	vld.idx.msk [tilespmem:v18+s21+$0x0], $0xffff  }
0x1d6: {  	v19 =	vld.idx.msk [tilespmem:v19+s22+$0x0], $0xffff  }
0x1d7: {  	(v2sf) =	vpush @!p0 v22, $0x1;
	_ =	sdelay $0x1  }
0x1d8: {  	(v2sf) =	vpush @!p0 v15, $0x1  }
0x1d9: {  	v48 =	vmul.f32 v45, v24;
	v20 =	vmul.f32 v21, v20  }
0x1da: {  	v49 =	vmul.f32 v47, v46;
	v18 =	vmul.f32 v19, v18  }
0x1db: {  	v15 =	vadd.f32 v20, v48  }
0x1dc: {  	v18 =	vadd.f32 v18, v49  }
0x1dd: {  	(xrf2) =	vadd.scan.msk.f32 $0xffff, v15  }
0x1de: {  	(xrf2) =	vadd.scan.msk.f32 $0xffff, v18;
	_ =	sdelay $0x2  }
0x1df: {  	s19 =	simm.s32 @!p0 $0x4500;
	s16 =	spop @!p0 (v2sf)  }
0x1e0: {  	[tilespmem:s19], [sflag:$0x5] =	stream.strided.gather @!p0 [hbm4b:s16+s8], $0x1000, s15, s8, $0x38;
	[tilespmem:$0x10700] =	vst v63  }
0x1e1: {  	s19 =	simm.s32 @!p0 $0xC500;
	s16 =	spop @!p0 (v2sf)  }
0x1e2: {  	[tilespmem:s19], [sflag:$0x6] =	stream.strided.gather @!p0 [hbm4b:s16+s8], $0x1000, s15, s8, $0x38;
	[tilespmem:$0x10700] =	vst v63  }
0x1e3: {  	s16 =	spop @!p0 (v2sf);
	s19 =	simm.s32 @!p0 $0x5500  }
0x1e4: {  	[tilespmem:s19], [sflag:$0x5] =	stream.strided.gather @!p0 [hbm4b:s16+s8], $0x1000, s15, s8, $0x38;
	[tilespmem:$0x10700] =	vst v63  }
0x1e5: {  	s16 =	spop @!p0 (v2sf);
	s19 =	simm.s32 @!p0 $0xD500;
	v15, _, _ =	vpop (xrf2)  }
0x1e6: {  	v41 =	vld [tilespmem:$0x1FFF0];
	[tilespmem:s19], [sflag:$0x6] =	stream.strided.gather @!p0 [hbm4b:s16+s8], $0x1000, s15, s8, $0x38;
	v18, _, _ =	vpop (xrf2)  }
0x1e7: {  	v42 =	vld [tilespmem:$0x1FFE0];
	_ =	swait.ge [sflag:s6], $0x1000  }
0x1e8: {  	[sflag:s6] =	ssyncset.done $0x0  }
0x1e9: {  	[sflag:s6] =	ssyncadd.s32 $0xFFFFF000  }
0x1ea: {  	_ =	swait.ge [sflag:s7], $0x1000  }
0x1eb: {  	[sflag:s7] =	ssyncset.done $0x0  }
0x1ec: {  	[sflag:s7] =	ssyncadd.s32 $0xFFFFF000  }
0x1ed: {  	_ =	swait.ge [sflag:s6], $0x1000  }
0x1ee: {  	[sflag:s6] =	ssyncset.done $0x0  }
0x1ef: {  	[sflag:s6] =	ssyncadd.s32 $0xFFFFF000  }
0x1f0: {  	_ =	swait.ge [sflag:s7], $0x1000  }
0x1f1: {  	[sflag:s7] =	ssyncset.done $0x0  }
0x1f2: {  	[sflag:s7] =	ssyncadd.s32 $0xFFFFF000  }
0x1f3: {  	v50 =	vld [tilespmem:s9+$0xE]  }
0x1f4: {  	v51 =	vld [tilespmem:s9+$0x28E];
	_ =	sdelay $0x3  }
0x1f5: {  	v52 =	vshra.s32 v50, $0x1F  }
0x1f6: {  	v53 =	vshra.s32 v51, $0x1F;
	v21 =	vshrl.u32 v52, $0x19  }
0x1f7: {  	v22 =	vshrl.u32 v53, $0x19;
	v21 =	vadd.s32 v21, v50  }
0x1f8: {  	v22 =	vadd.s32 v22, v51;
	v21 =	vand.u32 $0xFFFFFF80, v21  }
0x1f9: {  	v54 =	vand.u32 $0xFFFFFF80, v22;
	v19 =	vsub.s32 v50, v21  }
0x1fa: {  	v20 =	vsub.s32 v51, v54;
	v55 =	vbroadcast v19, $0x0  }
0x1fb: {  	v56 =	vbroadcast v20, $0x0  }
0x1fc: {  	v57 =	vadd.s32 v0, v55  }
0x1fd: {  	v58 =	vadd.s32 v0, v56  }
0x1fe: {  	v19 =	vbroadcast v19, $0x1;
	v21 =	vadd.s32 v2, v55  }
0x1ff: {  	v20 =	vbroadcast v20, $0x1;
	v22 =	vadd.s32 v2, v56  }
0x200: {  	v59 =	vadd.s32 v3, v19  }
0x201: {  	v60 =	vadd.s32 v3, v20;
	v23 =	vld.idx.msk [tilespmem:v57+s25+$0x0], $0xffff  }
0x202: {  	v19 =	vadd.s32 v4, v19;
	v24 =	vld.idx.msk [tilespmem:v58+s26+$0x0], $0xffff  }
0x203: {  	v20 =	vadd.s32 v4, v20;
	v21 =	vld.idx.msk [tilespmem:v21+s25+$0x0], $0xffff  }
0x204: {  	v22 =	vld.idx.msk [tilespmem:v22+s26+$0x0], $0xffff  }
0x205: {  	v25 =	vld.idx.msk [tilespmem:v59+s25+$0x0], $0xffff  }
0x206: {  	v26 =	vld.idx.msk [tilespmem:v60+s26+$0x0], $0xffff  }
0x207: {  	v19 =	vld.idx.msk [tilespmem:v19+s25+$0x0], $0xffff  }
0x208: {  	v20 =	vld.idx.msk [tilespmem:v20+s26+$0x0], $0xffff  }
0x209: {  	v5 =	vbroadcast v5, $0xF  }
0x20a: {  	v6 =	vbroadcast v6, $0xF;
	v8 =	vbroadcast v8, $0xF  }
0x20b: {  	v23 =	vmul.f32 v24, v23;
	v21 =	vmul.f32 v22, v21  }
0x20c: {  	v62 =	vbroadcast v9, $0xF;
	vm0 =	vmmov vm2;
	vm11 =	vmmov vm1  }
0x20d: {  	v61 =	vmul.f32 v26, v25;
	v19 =	vmul.f32 v20, v19;
	v21 =	vadd.f32 v21, v23  }
0x20e: {  	vm1 =	vmmov vm3;
	v5 =	vsel vm0, v5, v6;
	v6 =	vbroadcast v7, $0xF  }
0x20f: {  	vm2 =	vmmov vm4;
	v5 =	vsel vm1, v5, v8;
	v7 =	vadd.f32 v19, v61;
	(xrf2) =	vadd.scan.msk.f32 $0xffff, v21  }
0x210: {  	vm3 =	vmmov vm5;
	v5 =	vsel vm2, v5, v6;
	v6 =	vbroadcast v10, $0xF  }
0x211: {  	vm4 =	vmmov vm6;
	v5 =	vsel vm3, v5, v62;
	(xrf2) =	vadd.scan.msk.f32 $0xffff, v7;
	v7 =	vbroadcast v11, $0xF  }
0x212: {  	vm5 =	vmmov vm7;
	v5 =	vsel vm4, v5, v6;
	v6 =	vbroadcast v12, $0xF  }
0x213: {  	vm6 =	vmmov vm8;
	v5 =	vsel vm5, v5, v7;
	v7 =	vbroadcast v13, $0xF  }
0x214: {  	vm7 =	vmmov vm10;
	v5 =	vsel vm6, v5, v6;
	v6 =	vbroadcast v14, $0xF  }
0x215: {  	vm8 =	vmmov vm12;
	v5 =	vsel vm7, v5, v7;
	v7 =	vbroadcast v34, $0xF  }
0x216: {  	v5 =	vsel vm8, v5, v6;
	v6 =	vbroadcast v35, $0xF  }
0x217: {  	vm10 =	vnez.u8 v42;
	v5 =	vsel vm11, v7, v5  }
0x218: {  	s4 =	sadd.s32 $0x40, s4;
	v7 =	vbroadcast v15, $0xF;
	v5 =	vsel vm10, v5, v6;
	v6 =	vbroadcast v18, $0xF  }
0x219: {  	vm9 =	vcmask $0x3330;
	p0 =	sne.s32 s4, $0x800;
	v63, _, _ =	vpop (xrf2)  }
.Ltmp0:
0x21a: {  	v5 =	vsel vm9, v7, v5;
	v7 =	vbroadcast v63, $0xF;
	(pc) =	sbr.rel @p0 .LBB2_2-.Ltmp0, $4  }
0x21b: {  	vm12 =	vmmov vm14;
	v5 =	vsel vm13, v5, v6  }
0x21c: {  	vm14 =	vnez.u8 v41;
	v6, _, _ =	vpop (xrf2);
	v5 =	vsel vm12, v7, v5  }
0x21d: {  	v5 =	vsel vm14, v5, v6  }
0x21e: {  	s20 =	simm.s32 $0x3500;
	s19 =	simm.s32 $0x9500;
	s16 =	simm.s32 $0x1500;
	[tilespmem:s9+$0x10500] =	vst v5  }
0x21f: {  	s9 =	simm.s32 $0x0;
	s4 =	rddreg [dreg:$0x8];
	s8 =	simm.s32 $0x10500  }
0x220: {  	[hbm4b:s4+s9] =	stream.linear.scatter [tilespmem:s8], [sflag:$0x9], $0x200, $0x38;
	[tilespmem:$0x10700] =	vst v63  }
0x221: {  	s8 =	simm.s32 $0x9  }
0x222: {  	_ =	swait.ge [sflag:s8], $0x200  }
0x223: {  	s15 =	rddreg [dreg:$0xa]  }
0x224: {  	s4 =	rddreg [dreg:$0x9];
	s15 =	sadd.s32 $0x1, s15  }
0x225: {  	p0 =	sne.s32 s15, s4  }
.Ltmp1:
0x226: {  	_ = 	snop;
	(pc) =	sbr.rel @p0 .LBB2_1-.Ltmp1, $3  }
0x227: {  	_ =	sdelay $0x1  }
0x228: {  	[sflag:s8] =	ssyncset.done $0x0  }
0x229: {  	[sflag:s8] =	ssyncadd.s32 $0xFFFFFE00  }
0x22a: {  	_ =	sfence.sel $0x180000  }
0x22b: {  	[bflag:$0x0] =	sbarrier.arrive $0xFFFF  }
0x22c: {  	_ =	strace $0x90000047  }
0x22d: {  	s0 =	stileid.u32;
	[bflag:$0x2] =	sbarrier.arrive $0xFFFF  }
0x22e: {  	p0 =	sne.s32 s0, $0x0;
	s0 =	rddreg [dreg:$0x5]  }
0x22f: {  	s0 =	sadd.s32 @!p0 $0x100000, s0  }
0x230: {  	[sflag:s0] =	ssyncadd.tile.s32 @!p0 $0x1;
	_ =	shalt  }
.Lfunc_end2:
_tile_overlayer_lowered:
.L_overlay_start_2:
0x231: {  	(tag) =	ssettag $0x2  }
0x232: {  	s0 =	rddreg [dreg:$0x0];
	s2 =	stileid.u32  }
0x233: {  	s1 =	rddreg [dreg:$0x1];
	p0 =	sne.s32 s2, $0x0  }
0x234: {  	s3 =	rddreg [dreg:$0x2];
	[bflag:$0x3] =	sbarrier.arrive $0xFFFF;
	s2 =	simm.s32 @!p0 $0x1C09  }
0x235: {  	[timem:s3], [sflag:s2] =	dma.local @!p0 [hbm:s0], s1  }
0x236: {  	s0 =	simm.s32 @!p0 $0x9  }
0x237: {  	_ =	swait.ge @!p0 [sflag:s0], s1  }
0x238: {  	s1 =	ssub.s32 @!p0 $0x0, s1;
	[sflag:s0] =	ssyncset.done @!p0 $0x0  }
0x239: {  	[sflag:s0] =	ssyncadd.s32 @!p0 s1  }
0x23a: {  	[bflag:$0x3] =	sbarrier.arrive $0xFFFF  }
0x23b: {  	_ =	shalt  }

</sc_bundles>
